<compile_context>
chip_gen: v7x
topology: tpu7x:2x2x1
jax: 0.10.2.dev20260603
libtpu: 0.0.44.dev20260713+nightly
codegen_flags: <defaults>
</compile_context>

<pallas_src>
import functools

import jax
import jax.numpy as jnp
from jax import lax
from jax.experimental import pallas as pl
from jax.experimental.pallas import tpu as pltpu
from jax.experimental.pallas import tpu_sc as plsc

N = 10000
E = 320000
D = 128
H1 = 512
H2 = 128
OUT = 40

NC = 2
NS = 16
NW = NC * NS
EPW = E // NW
K = 100
NB = EPW // K
ACC_N = 10240
CH = 25
NCH = NB // CH
KD = 125

_mesh = plsc.VectorSubcoreMesh(core_axis_name="c", subcore_axis_name="s")


def _zero_rows(ref, nrows, width):
    z16 = jnp.zeros((16,), jnp.float32)
    cpr = width // 16

    def body(i, _):
        r = i // cpr
        c = (i % cpr) * 16
        ref[r, pl.ds(c, 16)] = z16
        return 0

    lax.fori_loop(0, nrows * cpr, body, 0)


def _wid():
    return lax.axis_index("s") * NC + lax.axis_index("c")


@functools.partial(
    pl.kernel,
    mesh=_mesh,
    out_type=jax.ShapeDtypeStruct((NC, ACC_N), jnp.float32),
    scratch_types=[
        pltpu.VMEM((EPW // KD, KD), jnp.int32),
        pltpu.VMEM((KD,), jnp.float32),
        pltpu.VMEM((ACC_N // NS,), jnp.float32),
        pltpu.VMEM_SHARED((ACC_N,), jnp.float32),
    ],
)
def _sc_degree(dst_hbm, out_hbm, dst_v, ones_v, zb_v, acc):
    c = lax.axis_index("c")
    s = lax.axis_index("s")
    wid = _wid()

    pltpu.sync_copy(dst_hbm.at[wid], dst_v)

    o16 = jnp.ones((16,), jnp.float32)
    z16 = jnp.zeros((16,), jnp.float32)
    for i in range(KD // 16):
        ones_v[pl.ds(i * 16, 16)] = o16
    if KD % 16:
        ones_v[pl.ds(KD - 16, 16)] = o16

    def zb(i, _):
        zb_v[pl.ds(i * 16, 16)] = z16
        return 0

    lax.fori_loop(0, (ACC_N // NS) // 16, zb, 0)
    base = s * (ACC_N // NS)
    pltpu.sync_copy(zb_v, acc.at[pl.ds(base, ACC_N // NS)])
    plsc.subcore_barrier()

    def body(j, _):
        pltpu.sync_copy(ones_v, acc.at[dst_v.at[j]], add=True)
        return 0

    lax.fori_loop(0, EPW // KD, body, 0)

    plsc.subcore_barrier()
    pltpu.sync_copy(
        acc.at[pl.ds(base, ACC_N // NS)],
        out_hbm.at[c, pl.ds(base, ACC_N // NS)],
    )


@functools.partial(
    pl.kernel,
    mesh=_mesh,
    out_type=jax.ShapeDtypeStruct((NC, ACC_N, D), jnp.float32),
    scratch_types=[
        pltpu.VMEM((CH, K), jnp.int32),
        pltpu.VMEM((CH, K), jnp.int32),
        pltpu.VMEM((K, D), jnp.float32),
        pltpu.VMEM((K, D), jnp.float32),
        pltpu.VMEM((K, D), jnp.float32),
        pltpu.VMEM_SHARED((ACC_N, D), jnp.float32),
        pltpu.SemaphoreType.DMA,
        pltpu.SemaphoreType.DMA,
        pltpu.SemaphoreType.DMA,
        pltpu.SemaphoreType.DMA,
        pltpu.SemaphoreType.DMA,
        pltpu.SemaphoreType.DMA,
    ],
)
def _sc_scatter(u_hbm, src_hbm, dst_hbm, out_hbm, src_v, dst_v, b0, b1, b2,
                acc, g0, g1, g2, s0, s1, s2):
    c = lax.axis_index("c")
    s = lax.axis_index("s")
    wid = _wid()
    bufs = [b0, b1, b2]
    gs = [g0, g1, g2]
    ss = [s0, s1, s2]

    _zero_rows(b0, K, D)
    base = s * (ACC_N // NS)
    for i in range(6):
        pltpu.sync_copy(b0, acc.at[pl.ds(base + i * K, K)])
    pltpu.sync_copy(b0.at[pl.ds(0, 40)], acc.at[pl.ds(base + 6 * K, 40)])
    plsc.subcore_barrier()

    def chunk(ch, _):
        pltpu.async_copy(src_hbm.at[wid, ch], src_v, g0)
        pltpu.async_copy(dst_hbm.at[wid, ch], dst_v, g1)
        pltpu.make_async_copy(src_hbm.at[wid, ch], src_v, g0).wait()
        pltpu.make_async_copy(dst_hbm.at[wid, ch], dst_v, g1).wait()
        src = src_v
        dst = dst_v
        pltpu.async_copy(u_hbm.at[src.at[0]], bufs[0], gs[0])
        pltpu.async_copy(u_hbm.at[src.at[1]], bufs[1], gs[1])
        for j in range(CH):
            b = j % 3
            if j >= 1:
                pltpu.make_async_copy(
                    bufs[(j - 1) % 3], acc.at[dst.at[j - 1]], ss[(j - 1) % 3]
                ).wait()
            if j + 2 < CH:
                bb = (j + 2) % 3
                pltpu.async_copy(u_hbm.at[src.at[j + 2]], bufs[bb], gs[bb])
            pltpu.make_async_copy(u_hbm.at[src.at[j]], bufs[b], gs[b]).wait()
            pltpu.async_copy(bufs[b], acc.at[dst.at[j]], ss[b], add=True)
        pltpu.make_async_copy(
            bufs[(CH - 1) % 3], acc.at[dst.at[CH - 1]], ss[(CH - 1) % 3]
        ).wait()
        return 0

    lax.fori_loop(0, NCH, chunk, 0)

    plsc.subcore_barrier()
    pltpu.sync_copy(
        acc.at[pl.ds(base, ACC_N // NS)],
        out_hbm.at[c, pl.ds(base, ACC_N // NS)],
    )


_BN = 2000
_NBLK = N // _BN


def _tc1_body(degp_ref, x_ref, dinv_ref, u1_ref):
    deg = degp_ref[:, 0] + degp_ref[:, 1] + 1.0
    dinv = lax.rsqrt(deg)
    dinv_ref[...] = jnp.broadcast_to(dinv[:, None], (_BN, 8))
    u1_ref[...] = x_ref[...] * dinv[:, None]


def _tc1(degp, x):
    return pl.pallas_call(
        _tc1_body,
        grid=(_NBLK,),
        in_specs=[
            pl.BlockSpec((_BN, NC), lambda i: (i, 0)),
            pl.BlockSpec((_BN, D), lambda i: (i, 0)),
        ],
        out_specs=[
            pl.BlockSpec((_BN, 8), lambda i: (i, 0)),
            pl.BlockSpec((_BN, D), lambda i: (i, 0)),
        ],
        out_shape=[
            jax.ShapeDtypeStruct((N, 8), jnp.float32),
            jax.ShapeDtypeStruct((N, D), jnp.float32),
        ],
    )(degp, x)


def _tc2_body(p_ref, x_ref, dinv_ref, W1_ref, b1_ref, W2_ref, a_ref, t2_ref, u2_ref):
    dinv = dinv_ref[:, 0:1]
    ssum = p_ref[0] + p_ref[1]
    a1 = dinv * ssum + (dinv * dinv) * x_ref[...]
    f1 = jnp.dot(a1, W1_ref[...], preferred_element_type=jnp.float32) + b1_ref[...]
    al = a_ref[0, 0]
    f1 = jnp.where(f1 >= 0, f1, al * f1)
    t2 = jnp.dot(f1, W2_ref[...], preferred_element_type=jnp.float32)
    t2_ref[...] = t2
    u2_ref[...] = t2 * dinv


def _tc2(p, x, dinv, W1, b1, W2, a):
    return pl.pallas_call(
        _tc2_body,
        grid=(_NBLK,),
        in_specs=[
            pl.BlockSpec((NC, _BN, D), lambda i: (0, i, 0)),
            pl.BlockSpec((_BN, D), lambda i: (i, 0)),
            pl.BlockSpec((_BN, 8), lambda i: (i, 0)),
            pl.BlockSpec((D, H1), lambda i: (0, 0)),
            pl.BlockSpec((1, H1), lambda i: (0, 0)),
            pl.BlockSpec((H1, H2), lambda i: (0, 0)),
            pl.BlockSpec((1, 1), lambda i: (0, 0)),
        ],
        out_specs=[
            pl.BlockSpec((_BN, H2), lambda i: (i, 0)),
            pl.BlockSpec((_BN, H2), lambda i: (i, 0)),
        ],
        out_shape=[
            jax.ShapeDtypeStruct((N, H2), jnp.float32),
            jax.ShapeDtypeStruct((N, H2), jnp.float32),
        ],
    )(p, x, dinv, W1, b1, W2, a)


def _tc3_body(p_ref, t2_ref, dinv_ref, b2_ref, fw_ref, fb_ref, a_ref, out_ref):
    dinv = dinv_ref[:, 0:1]
    ssum = p_ref[0] + p_ref[1]
    a2 = dinv * ssum + (dinv * dinv) * t2_ref[...] + b2_ref[...]
    al = a_ref[0, 0]
    f2 = jnp.where(a2 >= 0, a2, al * a2)
    out_ref[...] = jnp.dot(f2, fw_ref[...], preferred_element_type=jnp.float32) + fb_ref[...]


def _tc3(p, t2, dinv, b2, fw, fb, a):
    return pl.pallas_call(
        _tc3_body,
        grid=(_NBLK,),
        in_specs=[
            pl.BlockSpec((NC, _BN, D), lambda i: (0, i, 0)),
            pl.BlockSpec((_BN, H2), lambda i: (i, 0)),
            pl.BlockSpec((_BN, 8), lambda i: (i, 0)),
            pl.BlockSpec((1, H2), lambda i: (0, 0)),
            pl.BlockSpec((H2, 128), lambda i: (0, 0)),
            pl.BlockSpec((1, 128), lambda i: (0, 0)),
            pl.BlockSpec((1, 1), lambda i: (0, 0)),
        ],
        out_specs=pl.BlockSpec((_BN, 128), lambda i: (i, 0)),
        out_shape=jax.ShapeDtypeStruct((N, 128), jnp.float32),
    )(p, t2, dinv, b2, fw, fb, a)


def kernel(x, edge_index, W1, b1, W2, b2, prelu_a, fc_W, fc_b):
    dst_r = edge_index[1].reshape(NW, EPW // KD, KD)
    src_c = edge_index[0].reshape(NW, NCH, CH, K)
    dst_c = edge_index[1].reshape(NW, NCH, CH, K)
    a = jnp.reshape(prelu_a, (1, 1)).astype(jnp.float32)
    b1r = b1.reshape(1, H1)
    b2r = b2.reshape(1, H2)
    fw_pad = jnp.zeros((H2, 128), jnp.float32).at[:, :OUT].set(fc_W)
    fb_pad = jnp.zeros((1, 128), jnp.float32).at[:, :OUT].set(fc_b)

    degp = _sc_degree(dst_r)
    dinv, u1 = _tc1(jnp.transpose(degp), x)
    p1 = _sc_scatter(u1, src_c, dst_c)
    t2, u2 = _tc2(p1, x, dinv, W1, b1r, W2, a)
    p2 = _sc_scatter(u2, src_c, dst_c)
    logits_pad = _tc3(p2, t2, dinv, b2r, fw_pad, fb_pad, a)
    return logits_pad[:, :OUT]

# --- scband reference (transcript-rebuilt; emitter-appended) ---
"""Pipeline reference for scband-gcnclassifier-17532056502862 (READ-ONLY COPY).

The authoritative reference and input builder live on the scoring server;
editing this copy changes nothing except your own understanding.
"""

import jax, jax.numpy as jnp
import numpy as np

N = 10000
E = 320000
D = 128
H1 = 512
H2 = 128
OUT = 40


def setup_inputs(seed: int = 0) -> dict:
    key = jax.random.key(seed)
    ks = jax.random.split(key, 10)
    x = jax.random.normal(ks[0], (N, D), dtype=jnp.float32)
    edge_index = jax.random.randint(ks[1], (2, E), 0, N, dtype=jnp.int32)
    W1 = jax.random.normal(ks[2], (D, H1), dtype=jnp.float32) * (1.0 / np.sqrt(D))
    b1 = jnp.zeros((H1,), dtype=jnp.float32)
    W2 = jax.random.normal(ks[3], (H1, H2), dtype=jnp.float32) * (1.0 / np.sqrt(H1))
    b2 = jnp.zeros((H2,), dtype=jnp.float32)
    prelu_a = jnp.array(0.25, dtype=jnp.float32)
    fc_W = jax.random.normal(ks[4], (H2, OUT), dtype=jnp.float32) * (1.0 / np.sqrt(H2))
    fc_b = jnp.zeros((OUT,), dtype=jnp.float32)
    return {"x": x, "edge_index": edge_index, "W1": W1, "b1": b1, "W2": W2, "b2": b2, "prelu_a": prelu_a, "fc_W": fc_W, "fc_b": fc_b}


def _gcn_conv(x, edge_index, W, b, num_nodes):
    # PyG GCNConv: x' = D^{-1/2} (A + I) D^{-1/2} X W + b
    src = edge_index[0]
    dst = edge_index[1]
    loop = jnp.arange(num_nodes, dtype=edge_index.dtype)
    src = jnp.concatenate([src, loop])
    dst = jnp.concatenate([dst, loop])
    h = x @ W
    deg = jnp.zeros((num_nodes,), dtype=h.dtype).at[dst].add(1.0)
    deg_inv_sqrt = jnp.where(deg > 0, 1.0 / jnp.sqrt(deg), 0.0)
    norm = deg_inv_sqrt[src] * deg_inv_sqrt[dst]
    msg = h[src] * norm[:, None]
    out = jnp.zeros((num_nodes, h.shape[1]), dtype=h.dtype).at[dst].add(msg)
    return out + b


def _prelu(x, a):
    return jnp.where(x >= 0, x, a * x)


def reference(x, edge_index, W1, b1, W2, b2, prelu_a, fc_W, fc_b):
    num_nodes = x.shape[0]
    # dropout treated as identity (eval mode / deterministic reference)
    feat1 = _prelu(_gcn_conv(x, edge_index, W1, b1, num_nodes), prelu_a)
    feat2 = _prelu(_gcn_conv(feat1, edge_index, W2, b2, num_nodes), prelu_a)
    logits = feat2 @ fc_W + fc_b
    return logits

if __name__ == "__main__":
    import jax
    _d = setup_inputs()
    print(jax.jit(kernel)(*tuple(_d.values())))

</pallas_src>

<mosaic_0001>
#map = affine_map<(d0, d1) -> (0, 0, 0)>
#map1 = affine_map<(d0, d1) -> (0, 0)>
module attributes {stable_mosaic.version = 14 : i64} {
  func.func @_sc_degree(%arg0: i32, %arg1: i32, %arg2: memref<32x80x125xi32, #tpu.memory_space<hbm>>, %arg3: memref<2x10240xf32, #tpu.memory_space<hbm>>, %arg4: memref<80x125xi32, #tpu.memory_space<vmem>>, %arg5: memref<125xf32, #tpu.memory_space<vmem>>, %arg6: memref<640xf32, #tpu.memory_space<vmem>>, %arg7: memref<10240xf32, #tpu.memory_space<vmem_shared>>) attributes {dimension_semantics = [#tpu.dimension_semantics<core_parallel>, #tpu.dimension_semantics<subcore_parallel>], iteration_bounds = array<i64: 2, 16>, scalar_prefetch = 0 : i64, scratch_operands = 4 : i64, tpu.core_type = #tpu.core_type<sc_vector_subcore>, window_params = [{transform_indices = #map}, {transform_indices = #map1}]} {
    %mul3A = arith.constant 2 : i32
    %mul3A_0 = arith.muli %arg1, %mul3A : i32
    %add3A = arith.addi %mul3A_0, %arg0 : i32
    "tpu.region"() ({
      %run_scoped3A = tpu.sem_alloc : memref<!tpu.dma_semaphore, #tpu.memory_space<semaphore_mem>>
      %dma_start3A = arith.constant 0 : i32
      %dma_start3A_51 = arith.constant 0 : i32
      %dma_start3A_52 = tpu.memref_slice %arg2[%add3A, %dma_start3A, %dma_start3A_51] : memref<32x80x125xi32, #tpu.memory_space<hbm>> -> memref<1x80x125xi32, #tpu.memory_space<hbm>>
      %dma_start3A_53 = tpu.memref_squeeze %dma_start3A_52 : memref<1x80x125xi32, #tpu.memory_space<hbm>> -> memref<80x125xi32, #tpu.memory_space<hbm>>
      %dma_start3A_54 = arith.constant 0 : i32
      %dma_start3A_55 = arith.constant 0 : i32
      %dma_start3A_56 = tpu.memref_slice %arg2[%add3A, %dma_start3A_54, %dma_start3A_55] : memref<32x80x125xi32, #tpu.memory_space<hbm>> -> memref<1x80x125xi32, #tpu.memory_space<hbm>>
      %dma_start3A_57 = tpu.memref_squeeze %dma_start3A_56 : memref<1x80x125xi32, #tpu.memory_space<hbm>> -> memref<80x125xi32, #tpu.memory_space<hbm>>
      tpu.enqueue_dma source(%dma_start3A_57 : memref<80x125xi32, #tpu.memory_space<hbm>>) target(%arg4 : memref<80x125xi32, #tpu.memory_space<vmem>>) target_semaphore(%run_scoped3A : memref<!tpu.dma_semaphore, #tpu.memory_space<semaphore_mem>>)
      %dma_wait3A = arith.constant 0 : i32
      %dma_wait3A_58 = arith.constant 0 : i32
      %dma_wait3A_59 = tpu.memref_slice %arg2[%add3A, %dma_wait3A, %dma_wait3A_58] : memref<32x80x125xi32, #tpu.memory_space<hbm>> -> memref<1x80x125xi32, #tpu.memory_space<hbm>>
      %dma_wait3A_60 = tpu.memref_squeeze %dma_wait3A_59 : memref<1x80x125xi32, #tpu.memory_space<hbm>> -> memref<80x125xi32, #tpu.memory_space<hbm>>
      %dma_wait3A_61 = arith.constant 0 : i32
      %dma_wait3A_62 = arith.constant 0 : i32
      %dma_wait3A_63 = tpu.memref_slice %arg2[%add3A, %dma_wait3A_61, %dma_wait3A_62] : memref<32x80x125xi32, #tpu.memory_space<hbm>> -> memref<1x80x125xi32, #tpu.memory_space<hbm>>
      %dma_wait3A_64 = tpu.memref_squeeze %dma_wait3A_63 : memref<1x80x125xi32, #tpu.memory_space<hbm>> -> memref<80x125xi32, #tpu.memory_space<hbm>>
      tpu.wait_dma2 semaphore(%run_scoped3A : memref<!tpu.dma_semaphore, #tpu.memory_space<semaphore_mem>>) src(%dma_wait3A_64 : memref<80x125xi32, #tpu.memory_space<hbm>>) dst(%arg4 : memref<80x125xi32, #tpu.memory_space<vmem>>)
      tpu.yield
    }) : () -> ()
    %broadcast_in_dim3A = arith.constant 1.000000e+00 : f32
    %broadcast_in_dim3A_1 = vector.broadcast %broadcast_in_dim3A : f32 to vector<16xf32>
    %broadcast_in_dim3A_2 = arith.constant 0.000000e+00 : f32
    %broadcast_in_dim3A_3 = vector.broadcast %broadcast_in_dim3A_2 : f32 to vector<16xf32>
    %swap3A = arith.constant 0 : index
    %swap3A_4 = tpu.vector_load %arg5[%swap3A] {strides = array<i32>} : memref<125xf32, #tpu.memory_space<vmem>>, vector<16xf32>,
    %swap3A_5 = vector.shape_cast %swap3A_4 : vector<16xf32> to vector<16xf32>
    %swap3A_6 = vector.shape_cast %broadcast_in_dim3A_1 : vector<16xf32> to vector<16xf32>
    tpu.vector_store %arg5[%swap3A], %swap3A_6 {strides = array<i32>} : memref<125xf32, #tpu.memory_space<vmem>>, vector<16xf32>,
    %swap3A_7 = arith.constant 16 : index
    %swap3A_8 = tpu.vector_load %arg5[%swap3A_7] {strides = array<i32>} : memref<125xf32, #tpu.memory_space<vmem>>, vector<16xf32>,
    %swap3A_9 = vector.shape_cast %swap3A_8 : vector<16xf32> to vector<16xf32>
    %swap3A_10 = vector.shape_cast %broadcast_in_dim3A_1 : vector<16xf32> to vector<16xf32>
    tpu.vector_store %arg5[%swap3A_7], %swap3A_10 {strides = array<i32>} : memref<125xf32, #tpu.memory_space<vmem>>, vector<16xf32>,
    %swap3A_11 = arith.constant 32 : index
    %swap3A_12 = tpu.vector_load %arg5[%swap3A_11] {strides = array<i32>} : memref<125xf32, #tpu.memory_space<vmem>>, vector<16xf32>,
    %swap3A_13 = vector.shape_cast %swap3A_12 : vector<16xf32> to vector<16xf32>
    %swap3A_14 = vector.shape_cast %broadcast_in_dim3A_1 : vector<16xf32> to vector<16xf32>
    tpu.vector_store %arg5[%swap3A_11], %swap3A_14 {strides = array<i32>} : memref<125xf32, #tpu.memory_space<vmem>>, vector<16xf32>,
    %swap3A_15 = arith.constant 48 : index
    %swap3A_16 = tpu.vector_load %arg5[%swap3A_15] {strides = array<i32>} : memref<125xf32, #tpu.memory_space<vmem>>, vector<16xf32>,
    %swap3A_17 = vector.shape_cast %swap3A_16 : vector<16xf32> to vector<16xf32>
    %swap3A_18 = vector.shape_cast %broadcast_in_dim3A_1 : vector<16xf32> to vector<16xf32>
    tpu.vector_store %arg5[%swap3A_15], %swap3A_18 {strides = array<i32>} : memref<125xf32, #tpu.memory_space<vmem>>, vector<16xf32>,
    %swap3A_19 = arith.constant 64 : index
    %swap3A_20 = tpu.vector_load %arg5[%swap3A_19] {strides = array<i32>} : memref<125xf32, #tpu.memory_space<vmem>>, vector<16xf32>,
    %swap3A_21 = vector.shape_cast %swap3A_20 : vector<16xf32> to vector<16xf32>
    %swap3A_22 = vector.shape_cast %broadcast_in_dim3A_1 : vector<16xf32> to vector<16xf32>
    tpu.vector_store %arg5[%swap3A_19], %swap3A_22 {strides = array<i32>} : memref<125xf32, #tpu.memory_space<vmem>>, vector<16xf32>,
    %swap3A_23 = arith.constant 80 : index
    %swap3A_24 = tpu.vector_load %arg5[%swap3A_23] {strides = array<i32>} : memref<125xf32, #tpu.memory_space<vmem>>, vector<16xf32>,
    %swap3A_25 = vector.shape_cast %swap3A_24 : vector<16xf32> to vector<16xf32>
    %swap3A_26 = vector.shape_cast %broadcast_in_dim3A_1 : vector<16xf32> to vector<16xf32>
    tpu.vector_store %arg5[%swap3A_23], %swap3A_26 {strides = array<i32>} : memref<125xf32, #tpu.memory_space<vmem>>, vector<16xf32>,
    %swap3A_27 = arith.constant 96 : index
    %swap3A_28 = tpu.vector_load %arg5[%swap3A_27] {strides = array<i32>} : memref<125xf32, #tpu.memory_space<vmem>>, vector<16xf32>,
    %swap3A_29 = vector.shape_cast %swap3A_28 : vector<16xf32> to vector<16xf32>
    %swap3A_30 = vector.shape_cast %broadcast_in_dim3A_1 : vector<16xf32> to vector<16xf32>
    tpu.vector_store %arg5[%swap3A_27], %swap3A_30 {strides = array<i32>} : memref<125xf32, #tpu.memory_space<vmem>>, vector<16xf32>,
    %swap3A_31 = arith.constant 109 : index
    %swap3A_32 = tpu.vector_load %arg5[%swap3A_31] {strides = array<i32>} : memref<125xf32, #tpu.memory_space<vmem>>, vector<16xf32>,
    %swap3A_33 = vector.shape_cast %swap3A_32 : vector<16xf32> to vector<16xf32>
    %swap3A_34 = vector.shape_cast %broadcast_in_dim3A_1 : vector<16xf32> to vector<16xf32>
    tpu.vector_store %arg5[%swap3A_31], %swap3A_34 {strides = array<i32>} : memref<125xf32, #tpu.memory_space<vmem>>, vector<16xf32>,
    %scan3A = arith.constant 0 : i32
    %scan3A_35 = arith.constant 0 : i32
    %scan3A_36 = arith.constant 40 : i32
    %scan3A_37 = arith.addi %scan3A_35, %scan3A_36 : i32
    %scan3A_38 = arith.constant 1 : i32
    %scan3A_39 = scf.for %scan3A_51 = %scan3A_35 to %scan3A_37 step %scan3A_38 iter_args(%scan3A_52 = %scan3A) -> (i32)  : i32 {
      %mul3A_53 = arith.constant 16 : i32
      %mul3A_54 = arith.muli %scan3A_51, %mul3A_53 : i32
      %swap3A_55 = arith.index_cast %mul3A_54 : i32 to index
      %swap3A_56 = tpu.vector_load %arg6[%swap3A_55] {strides = array<i32>} : memref<640xf32, #tpu.memory_space<vmem>>, vector<16xf32>,
      %swap3A_57 = vector.shape_cast %swap3A_56 : vector<16xf32> to vector<16xf32>
      %swap3A_58 = vector.shape_cast %broadcast_in_dim3A_3 : vector<16xf32> to vector<16xf32>
      tpu.vector_store %arg6[%swap3A_55], %swap3A_58 {strides = array<i32>} : memref<640xf32, #tpu.memory_space<vmem>>, vector<16xf32>,
      %scan3A_59 = arith.constant 0 : i32
      scf.yield %scan3A_59 : i32
    }
    %scan3A_40 = arith.constant 40 : i32
    %mul3A_41 = arith.constant 640 : i32
    %mul3A_42 = arith.muli %arg1, %mul3A_41 : i32
    "tpu.region"() ({
      %run_scoped3A = tpu.sem_alloc : memref<!tpu.dma_semaphore, #tpu.memory_space<semaphore_mem>>
      %dma_start3A = tpu.memref_slice %arg7[%mul3A_42] : memref<10240xf32, #tpu.memory_space<vmem_shared>> -> memref<640xf32, #tpu.memory_space<vmem_shared>>
      %dma_start3A_51 = tpu.memref_slice %arg7[%mul3A_42] : memref<10240xf32, #tpu.memory_space<vmem_shared>> -> memref<640xf32, #tpu.memory_space<vmem_shared>>
      tpu.enqueue_dma source(%arg6 : memref<640xf32, #tpu.memory_space<vmem>>) target(%dma_start3A_51 : memref<640xf32, #tpu.memory_space<vmem_shared>>) target_semaphore(%run_scoped3A : memref<!tpu.dma_semaphore, #tpu.memory_space<semaphore_mem>>)
      %dma_wait3A = tpu.memref_slice %arg7[%mul3A_42] : memref<10240xf32, #tpu.memory_space<vmem_shared>> -> memref<640xf32, #tpu.memory_space<vmem_shared>>
      %dma_wait3A_52 = tpu.memref_slice %arg7[%mul3A_42] : memref<10240xf32, #tpu.memory_space<vmem_shared>> -> memref<640xf32, #tpu.memory_space<vmem_shared>>
      tpu.wait_dma2 semaphore(%run_scoped3A : memref<!tpu.dma_semaphore, #tpu.memory_space<semaphore_mem>>) src(%arg6 : memref<640xf32, #tpu.memory_space<vmem>>) dst(%dma_wait3A_52 : memref<640xf32, #tpu.memory_space<vmem_shared>>)
      tpu.yield
    }) : () -> ()
    %barrier3A = arith.constant 0 : index
    tpu.barrier barrier_id(%barrier3A)
    %scan3A_43 = arith.constant 0 : i32
    %scan3A_44 = arith.constant 0 : i32
    %scan3A_45 = arith.constant 80 : i32
    %scan3A_46 = arith.addi %scan3A_44, %scan3A_45 : i32
    %scan3A_47 = arith.constant 1 : i32
    %scan3A_48 = scf.for %scan3A_51 = %scan3A_44 to %scan3A_46 step %scan3A_47 iter_args(%scan3A_52 = %scan3A_43) -> (i32)  : i32 {
      "tpu.region"() ({
        %run_scoped3A = tpu.sem_alloc : memref<!tpu.dma_semaphore, #tpu.memory_space<semaphore_mem>>
        %dma_start3A = arith.constant 0 : i32
        %dma_start3A_54 = tpu.memref_slice %arg4[%scan3A_51, %dma_start3A] : memref<80x125xi32, #tpu.memory_space<vmem>> -> memref<1x125xi32, #tpu.memory_space<vmem>>
        %dma_start3A_55 = tpu.memref_squeeze %dma_start3A_54 : memref<1x125xi32, #tpu.memory_space<vmem>> -> memref<125xi32, #tpu.memory_space<vmem>>
        %dma_start3A_56 = arith.constant 0 : i32
        %dma_start3A_57 = tpu.memref_slice %arg7[%dma_start3A_56] : memref<10240xf32, #tpu.memory_space<vmem_shared>> -> memref<10240xf32, #tpu.memory_space<vmem_shared>>
        tpu.enqueue_indirect_dma source(%arg5 : memref<125xf32, #tpu.memory_space<vmem>>) target(%dma_start3A_57 : memref<10240xf32, #tpu.memory_space<vmem_shared>>) offsets(%dma_start3A_55 : memref<125xi32, #tpu.memory_space<vmem>>) semaphore(%run_scoped3A : memref<!tpu.dma_semaphore, #tpu.memory_space<semaphore_mem>>) {add = true}
        %dma_wait3A = arith.constant 0 : i32
        %dma_wait3A_58 = tpu.memref_slice %arg4[%scan3A_51, %dma_wait3A] : memref<80x125xi32, #tpu.memory_space<vmem>> -> memref<1x125xi32, #tpu.memory_space<vmem>>
        %dma_wait3A_59 = tpu.memref_squeeze %dma_wait3A_58 : memref<1x125xi32, #tpu.memory_space<vmem>> -> memref<125xi32, #tpu.memory_space<vmem>>
        %dma_wait3A_60 = arith.constant 0 : i32
        %dma_wait3A_61 = tpu.memref_slice %arg7[%dma_wait3A_60] : memref<10240xf32, #tpu.memory_space<vmem_shared>> -> memref<10240xf32, #tpu.memory_space<vmem_shared>>
        tpu.wait_indirect_dma semaphore(%run_scoped3A : memref<!tpu.dma_semaphore, #tpu.memory_space<semaphore_mem>>) src(%arg5 : memref<125xf32, #tpu.memory_space<vmem>>) dst(%dma_wait3A_61 : memref<10240xf32, #tpu.memory_space<vmem_shared>>)
        tpu.yield
      }) : () -> ()
      %scan3A_53 = arith.constant 0 : i32
      scf.yield %scan3A_53 : i32
    }
    %scan3A_49 = arith.constant 80 : i32
    %barrier3A_50 = arith.constant 0 : index
    tpu.barrier barrier_id(%barrier3A_50)
    "tpu.region"() ({
      %run_scoped3A = tpu.sem_alloc : memref<!tpu.dma_semaphore, #tpu.memory_space<semaphore_mem>>
      %dma_start3A = tpu.memref_slice %arg3[%arg0, %mul3A_42] : memref<2x10240xf32, #tpu.memory_space<hbm>> -> memref<1x640xf32, #tpu.memory_space<hbm>>
      %dma_start3A_51 = tpu.memref_squeeze %dma_start3A : memref<1x640xf32, #tpu.memory_space<hbm>> -> memref<640xf32, #tpu.memory_space<hbm>>
      %dma_start3A_52 = tpu.memref_slice %arg7[%mul3A_42] : memref<10240xf32, #tpu.memory_space<vmem_shared>> -> memref<640xf32, #tpu.memory_space<vmem_shared>>
      tpu.enqueue_dma source(%dma_start3A_52 : memref<640xf32, #tpu.memory_space<vmem_shared>>) target(%dma_start3A_51 : memref<640xf32, #tpu.memory_space<hbm>>) target_semaphore(%run_scoped3A : memref<!tpu.dma_semaphore, #tpu.memory_space<semaphore_mem>>)
      %dma_wait3A = tpu.memref_slice %arg3[%arg0, %mul3A_42] : memref<2x10240xf32, #tpu.memory_space<hbm>> -> memref<1x640xf32, #tpu.memory_space<hbm>>
      %dma_wait3A_53 = tpu.memref_squeeze %dma_wait3A : memref<1x640xf32, #tpu.memory_space<hbm>> -> memref<640xf32, #tpu.memory_space<hbm>>
      %dma_wait3A_54 = tpu.memref_slice %arg7[%mul3A_42] : memref<10240xf32, #tpu.memory_space<vmem_shared>> -> memref<640xf32, #tpu.memory_space<vmem_shared>>
      tpu.wait_dma2 semaphore(%run_scoped3A : memref<!tpu.dma_semaphore, #tpu.memory_space<semaphore_mem>>) src(%dma_wait3A_54 : memref<640xf32, #tpu.memory_space<vmem_shared>>) dst(%dma_wait3A_53 : memref<640xf32, #tpu.memory_space<hbm>>)
      tpu.yield
    }) : () -> ()
    return
  }
}

#map = affine_map<(d0, d1) -> (0, 0)>
#map1 = affine_map<(d0, d1) -> (0, 0, 0, 0)>
#map2 = affine_map<(d0, d1) -> (0, 0, 0)>
module attributes {stable_mosaic.version = 14 : i64} {
  func.func @_sc_scatter(%arg0: i32, %arg1: i32, %arg2: memref<10000x128xf32, #tpu.memory_space<hbm>>, %arg3: memref<32x4x25x100xi32, #tpu.memory_space<hbm>>, %arg4: memref<32x4x25x100xi32, #tpu.memory_space<hbm>>, %arg5: memref<2x10240x128xf32, #tpu.memory_space<hbm>>, %arg6: memref<25x100xi32, #tpu.memory_space<vmem>>, %arg7: memref<25x100xi32, #tpu.memory_space<vmem>>, %arg8: memref<100x128xf32, #tpu.memory_space<vmem>>, %arg9: memref<100x128xf32, #tpu.memory_space<vmem>>, %arg10: memref<100x128xf32, #tpu.memory_space<vmem>>, %arg11: memref<10240x128xf32, #tpu.memory_space<vmem_shared>>, %arg12: memref<!tpu.dma_semaphore, #tpu.memory_space<semaphore_mem>>, %arg13: memref<!tpu.dma_semaphore, #tpu.memory_space<semaphore_mem>>, %arg14: memref<!tpu.dma_semaphore, #tpu.memory_space<semaphore_mem>>, %arg15: memref<!tpu.dma_semaphore, #tpu.memory_space<semaphore_mem>>, %arg16: memref<!tpu.dma_semaphore, #tpu.memory_space<semaphore_mem>>, %arg17: memref<!tpu.dma_semaphore, #tpu.memory_space<semaphore_mem>>) attributes {dimension_semantics = [#tpu.dimension_semantics<core_parallel>, #tpu.dimension_semantics<subcore_parallel>], iteration_bounds = array<i64: 2, 16>, scalar_prefetch = 0 : i64, scratch_operands = 12 : i64, tpu.core_type = #tpu.core_type<sc_vector_subcore>, window_params = [{transform_indices = #map}, {transform_indices = #map1}, {transform_indices = #map1}, {transform_indices = #map2}]} {
    %mul3A = arith.constant 2 : i32
    %mul3A_0 = arith.muli %arg1, %mul3A : i32
    %add3A = arith.addi %mul3A_0, %arg0 : i32
    %broadcast_in_dim3A = arith.constant 0.000000e+00 : f32
    %broadcast_in_dim3A_1 = vector.broadcast %broadcast_in_dim3A : f32 to vector<16xf32>
    %scan3A = arith.constant 0 : i32
    %scan3A_2 = arith.constant 0 : i32
    %scan3A_3 = arith.constant 800 : i32
    %scan3A_4 = arith.addi %scan3A_2, %scan3A_3 : i32
    %scan3A_5 = arith.constant 1 : i32
    %scan3A_6 = scf.for %scan3A_32 = %scan3A_2 to %scan3A_4 step %scan3A_5 iter_args(%scan3A_33 = %scan3A) -> (i32)  : i32 {
      %jit3A = arith.constant 8 : i32
      %div3A = arith.divsi %scan3A_32, %jit3A : i32
      %sign3A = arith.constant 0 : i32
      %sign3A_34 = arith.cmpi sgt, %scan3A_32, %sign3A : i32
      %sign3A_35 = arith.extui %sign3A_34 : i1 to i32
      %sign3A_36 = arith.constant 0 : i32
      %sign3A_37 = arith.cmpi slt, %scan3A_32, %sign3A_36 : i32
      %sign3A_38 = arith.extui %sign3A_37 : i1 to i32
      %sign3A_39 = arith.subi %sign3A_35, %sign3A_38 : i32
      %sign3A_40 = arith.constant 0 : i32
      %sign3A_41 = arith.cmpi sgt, %jit3A, %sign3A_40 : i32
      %sign3A_42 = arith.extui %sign3A_41 : i1 to i32
      %sign3A_43 = arith.constant 0 : i32
      %sign3A_44 = arith.cmpi slt, %jit3A, %sign3A_43 : i32
      %sign3A_45 = arith.extui %sign3A_44 : i1 to i32
      %sign3A_46 = arith.subi %sign3A_42, %sign3A_45 : i32
      %ne3A = arith.cmpi ne, %sign3A_39, %sign3A_46 : i32
      %rem3A = arith.remsi %scan3A_32, %jit3A : i32
      %ne3A_47 = arith.constant 0 : i32
      %ne3A_48 = arith.cmpi ne, %rem3A, %ne3A_47 : i32
      %and3A = arith.andi %ne3A, %ne3A_48 : i1
      %sub3A = arith.constant 1 : i32
      %sub3A_49 = arith.subi %div3A, %sub3A : i32
      %select_n3A = arith.select %and3A, %sub3A_49, %div3A : i32
      %jit3A_50 = arith.constant 8 : i32
      %eq3A = arith.constant 0 : i32
      %eq3A_51 = arith.cmpi eq, %jit3A_50, %eq3A : i32
      %jit3A_52 = arith.constant 1 : i32
      %select_n3A_53 = arith.select %eq3A_51, %jit3A_52, %jit3A_50 : i32
      %rem3A_54 = arith.remsi %scan3A_32, %select_n3A_53 : i32
      %ne3A_55 = arith.constant 0 : i32
      %ne3A_56 = arith.cmpi ne, %rem3A_54, %ne3A_55 : i32
      %lt3A = arith.constant 0 : i32
      %lt3A_57 = arith.cmpi slt, %rem3A_54, %lt3A : i32
      %lt3A_58 = arith.constant 0 : i32
      %lt3A_59 = arith.cmpi slt, %select_n3A_53, %lt3A_58 : i32
      %ne3A_60 = arith.xori %lt3A_57, %lt3A_59 : i1
      %and3A_61 = arith.andi %ne3A_60, %ne3A_56 : i1
      %add3A_62 = arith.addi %rem3A_54, %select_n3A_53 : i32
      %select_n3A_63 = arith.select %and3A_61, %add3A_62, %rem3A_54 : i32
      %mul3A_64 = arith.constant 16 : i32
      %mul3A_65 = arith.muli %select_n3A_63, %mul3A_64 : i32
      %swap3A = arith.index_cast %select_n3A : i32 to index
      %swap3A_66 = arith.index_cast %mul3A_65 : i32 to index
      %swap3A_67 = tpu.vector_load %arg8[%swap3A, %swap3A_66] {strides = array<i32>} : memref<100x128xf32, #tpu.memory_space<vmem>>, vector<1x16xf32>,
      %swap3A_68 = vector.shape_cast %swap3A_67 : vector<1x16xf32> to vector<16xf32>
      %swap3A_69 = vector.shape_cast %broadcast_in_dim3A_1 : vector<16xf32> to vector<1x16xf32>
      tpu.vector_store %arg8[%swap3A, %swap3A_66], %swap3A_69 {strides = array<i32>} : memref<100x128xf32, #tpu.memory_space<vmem>>, vector<1x16xf32>,
      %scan3A_70 = arith.constant 0 : i32
      scf.yield %scan3A_70 : i32
    }
    %scan3A_7 = arith.constant 800 : i32
    %mul3A_8 = arith.constant 640 : i32
    %mul3A_9 = arith.muli %arg1, %mul3A_8 : i32
    %add3A_10 = arith.constant 0 : i32
    %add3A_11 = arith.addi %mul3A_9, %add3A_10 : i32
    "tpu.region"() ({
      %run_scoped3A = tpu.sem_alloc : memref<!tpu.dma_semaphore, #tpu.memory_space<semaphore_mem>>
      %dma_start3A = arith.constant 0 : i32
      %dma_start3A_32 = tpu.memref_slice %arg11[%add3A_11, %dma_start3A] : memref<10240x128xf32, #tpu.memory_space<vmem_shared>> -> memref<100x128xf32, #tpu.memory_space<vmem_shared>>
      %dma_start3A_33 = arith.constant 0 : i32
      %dma_start3A_34 = tpu.memref_slice %arg11[%add3A_11, %dma_start3A_33] : memref<10240x128xf32, #tpu.memory_space<vmem_shared>> -> memref<100x128xf32, #tpu.memory_space<vmem_shared>>
      tpu.enqueue_dma source(%arg8 : memref<100x128xf32, #tpu.memory_space<vmem>>) target(%dma_start3A_34 : memref<100x128xf32, #tpu.memory_space<vmem_shared>>) target_semaphore(%run_scoped3A : memref<!tpu.dma_semaphore, #tpu.memory_space<semaphore_mem>>)
      %dma_wait3A = arith.constant 0 : i32
      %dma_wait3A_35 = tpu.memref_slice %arg11[%add3A_11, %dma_wait3A] : memref<10240x128xf32, #tpu.memory_space<vmem_shared>> -> memref<100x128xf32, #tpu.memory_space<vmem_shared>>
      %dma_wait3A_36 = arith.constant 0 : i32
      %dma_wait3A_37 = tpu.memref_slice %arg11[%add3A_11, %dma_wait3A_36] : memref<10240x128xf32, #tpu.memory_space<vmem_shared>> -> memref<100x128xf32, #tpu.memory_space<vmem_shared>>
      tpu.wait_dma2 semaphore(%run_scoped3A : memref<!tpu.dma_semaphore, #tpu.memory_space<semaphore_mem>>) src(%arg8 : memref<100x128xf32, #tpu.memory_space<vmem>>) dst(%dma_wait3A_37 : memref<100x128xf32, #tpu.memory_space<vmem_shared>>)
      tpu.yield
    }) : () -> ()
    %add3A_12 = arith.constant 100 : i32
    %add3A_13 = arith.addi %mul3A_9, %add3A_12 : i32
    "tpu.region"() ({
      %run_scoped3A = tpu.sem_alloc : memref<!tpu.dma_semaphore, #tpu.memory_space<semaphore_mem>>
      %dma_start3A = arith.constant 0 : i32
      %dma_start3A_32 = tpu.memref_slice %arg11[%add3A_13, %dma_start3A] : memref<10240x128xf32, #tpu.memory_space<vmem_shared>> -> memref<100x128xf32, #tpu.memory_space<vmem_shared>>
      %dma_start3A_33 = arith.constant 0 : i32
      %dma_start3A_34 = tpu.memref_slice %arg11[%add3A_13, %dma_start3A_33] : memref<10240x128xf32, #tpu.memory_space<vmem_shared>> -> memref<100x128xf32, #tpu.memory_space<vmem_shared>>
      tpu.enqueue_dma source(%arg8 : memref<100x128xf32, #tpu.memory_space<vmem>>) target(%dma_start3A_34 : memref<100x128xf32, #tpu.memory_space<vmem_shared>>) target_semaphore(%run_scoped3A : memref<!tpu.dma_semaphore, #tpu.memory_space<semaphore_mem>>)
      %dma_wait3A = arith.constant 0 : i32
      %dma_wait3A_35 = tpu.memref_slice %arg11[%add3A_13, %dma_wait3A] : memref<10240x128xf32, #tpu.memory_space<vmem_shared>> -> memref<100x128xf32, #tpu.memory_space<vmem_shared>>
      %dma_wait3A_36 = arith.constant 0 : i32
      %dma_wait3A_37 = tpu.memref_slice %arg11[%add3A_13, %dma_wait3A_36] : memref<10240x128xf32, #tpu.memory_space<vmem_shared>> -> memref<100x128xf32, #tpu.memory_space<vmem_shared>>
      tpu.wait_dma2 semaphore(%run_scoped3A : memref<!tpu.dma_semaphore, #tpu.memory_space<semaphore_mem>>) src(%arg8 : memref<100x128xf32, #tpu.memory_space<vmem>>) dst(%dma_wait3A_37 : memref<100x128xf32, #tpu.memory_space<vmem_shared>>)
      tpu.yield
    }) : () -> ()
    %add3A_14 = arith.constant 200 : i32
    %add3A_15 = arith.addi %mul3A_9, %add3A_14 : i32
    "tpu.region"() ({
      %run_scoped3A = tpu.sem_alloc : memref<!tpu.dma_semaphore, #tpu.memory_space<semaphore_mem>>
      %dma_start3A = arith.constant 0 : i32
      %dma_start3A_32 = tpu.memref_slice %arg11[%add3A_15, %dma_start3A] : memref<10240x128xf32, #tpu.memory_space<vmem_shared>> -> memref<100x128xf32, #tpu.memory_space<vmem_shared>>
      %dma_start3A_33 = arith.constant 0 : i32
      %dma_start3A_34 = tpu.memref_slice %arg11[%add3A_15, %dma_start3A_33] : memref<10240x128xf32, #tpu.memory_space<vmem_shared>> -> memref<100x128xf32, #tpu.memory_space<vmem_shared>>
      tpu.enqueue_dma source(%arg8 : memref<100x128xf32, #tpu.memory_space<vmem>>) target(%dma_start3A_34 : memref<100x128xf32, #tpu.memory_space<vmem_shared>>) target_semaphore(%run_scoped3A : memref<!tpu.dma_semaphore, #tpu.memory_space<semaphore_mem>>)
      %dma_wait3A = arith.constant 0 : i32
      %dma_wait3A_35 = tpu.memref_slice %arg11[%add3A_15, %dma_wait3A] : memref<10240x128xf32, #tpu.memory_space<vmem_shared>> -> memref<100x128xf32, #tpu.memory_space<vmem_shared>>
      %dma_wait3A_36 = arith.constant 0 : i32
      %dma_wait3A_37 = tpu.memref_slice %arg11[%add3A_15, %dma_wait3A_36] : memref<10240x128xf32, #tpu.memory_space<vmem_shared>> -> memref<100x128xf32, #tpu.memory_space<vmem_shared>>
      tpu.wait_dma2 semaphore(%run_scoped3A : memref<!tpu.dma_semaphore, #tpu.memory_space<semaphore_mem>>) src(%arg8 : memref<100x128xf32, #tpu.memory_space<vmem>>) dst(%dma_wait3A_37 : memref<100x128xf32, #tpu.memory_space<vmem_shared>>)
      tpu.yield
    }) : () -> ()
    %add3A_16 = arith.constant 300 : i32
    %add3A_17 = arith.addi %mul3A_9, %add3A_16 : i32
    "tpu.region"() ({
      %run_scoped3A = tpu.sem_alloc : memref<!tpu.dma_semaphore, #tpu.memory_space<semaphore_mem>>
      %dma_start3A = arith.constant 0 : i32
      %dma_start3A_32 = tpu.memref_slice %arg11[%add3A_17, %dma_start3A] : memref<10240x128xf32, #tpu.memory_space<vmem_shared>> -> memref<100x128xf32, #tpu.memory_space<vmem_shared>>
      %dma_start3A_33 = arith.constant 0 : i32
      %dma_start3A_34 = tpu.memref_slice %arg11[%add3A_17, %dma_start3A_33] : memref<10240x128xf32, #tpu.memory_space<vmem_shared>> -> memref<100x128xf32, #tpu.memory_space<vmem_shared>>
      tpu.enqueue_dma source(%arg8 : memref<100x128xf32, #tpu.memory_space<vmem>>) target(%dma_start3A_34 : memref<100x128xf32, #tpu.memory_space<vmem_shared>>) target_semaphore(%run_scoped3A : memref<!tpu.dma_semaphore, #tpu.memory_space<semaphore_mem>>)
      %dma_wait3A = arith.constant 0 : i32
      %dma_wait3A_35 = tpu.memref_slice %arg11[%add3A_17, %dma_wait3A] : memref<10240x128xf32, #tpu.memory_space<vmem_shared>> -> memref<100x128xf32, #tpu.memory_space<vmem_shared>>
      %dma_wait3A_36 = arith.constant 0 : i32
      %dma_wait3A_37 = tpu.memref_slice %arg11[%add3A_17, %dma_wait3A_36] : memref<10240x128xf32, #tpu.memory_space<vmem_shared>> -> memref<100x128xf32, #tpu.memory_space<vmem_shared>>
      tpu.wait_dma2 semaphore(%run_scoped3A : memref<!tpu.dma_semaphore, #tpu.memory_space<semaphore_mem>>) src(%arg8 : memref<100x128xf32, #tpu.memory_space<vmem>>) dst(%dma_wait3A_37 : memref<100x128xf32, #tpu.memory_space<vmem_shared>>)
      tpu.yield
    }) : () -> ()
    %add3A_18 = arith.constant 400 : i32
    %add3A_19 = arith.addi %mul3A_9, %add3A_18 : i32
    "tpu.region"() ({
      %run_scoped3A = tpu.sem_alloc : memref<!tpu.dma_semaphore, #tpu.memory_space<semaphore_mem>>
      %dma_start3A = arith.constant 0 : i32
      %dma_start3A_32 = tpu.memref_slice %arg11[%add3A_19, %dma_start3A] : memref<10240x128xf32, #tpu.memory_space<vmem_shared>> -> memref<100x128xf32, #tpu.memory_space<vmem_shared>>
      %dma_start3A_33 = arith.constant 0 : i32
      %dma_start3A_34 = tpu.memref_slice %arg11[%add3A_19, %dma_start3A_33] : memref<10240x128xf32, #tpu.memory_space<vmem_shared>> -> memref<100x128xf32, #tpu.memory_space<vmem_shared>>
      tpu.enqueue_dma source(%arg8 : memref<100x128xf32, #tpu.memory_space<vmem>>) target(%dma_start3A_34 : memref<100x128xf32, #tpu.memory_space<vmem_shared>>) target_semaphore(%run_scoped3A : memref<!tpu.dma_semaphore, #tpu.memory_space<semaphore_mem>>)
      %dma_wait3A = arith.constant 0 : i32
      %dma_wait3A_35 = tpu.memref_slice %arg11[%add3A_19, %dma_wait3A] : memref<10240x128xf32, #tpu.memory_space<vmem_shared>> -> memref<100x128xf32, #tpu.memory_space<vmem_shared>>
      %dma_wait3A_36 = arith.constant 0 : i32
      %dma_wait3A_37 = tpu.memref_slice %arg11[%add3A_19, %dma_wait3A_36] : memref<10240x128xf32, #tpu.memory_space<vmem_shared>> -> memref<100x128xf32, #tpu.memory_space<vmem_shared>>
      tpu.wait_dma2 semaphore(%run_scoped3A : memref<!tpu.dma_semaphore, #tpu.memory_space<semaphore_mem>>) src(%arg8 : memref<100x128xf32, #tpu.memory_space<vmem>>) dst(%dma_wait3A_37 : memref<100x128xf32, #tpu.memory_space<vmem_shared>>)
      tpu.yield
    }) : () -> ()
    %add3A_20 = arith.constant 500 : i32
    %add3A_21 = arith.addi %mul3A_9, %add3A_20 : i32
    "tpu.region"() ({
      %run_scoped3A = tpu.sem_alloc : memref<!tpu.dma_semaphore, #tpu.memory_space<semaphore_mem>>
      %dma_start3A = arith.constant 0 : i32
      %dma_start3A_32 = tpu.memref_slice %arg11[%add3A_21, %dma_start3A] : memref<10240x128xf32, #tpu.memory_space<vmem_shared>> -> memref<100x128xf32, #tpu.memory_space<vmem_shared>>
      %dma_start3A_33 = arith.constant 0 : i32
      %dma_start3A_34 = tpu.memref_slice %arg11[%add3A_21, %dma_start3A_33] : memref<10240x128xf32, #tpu.memory_space<vmem_shared>> -> memref<100x128xf32, #tpu.memory_space<vmem_shared>>
      tpu.enqueue_dma source(%arg8 : memref<100x128xf32, #tpu.memory_space<vmem>>) target(%dma_start3A_34 : memref<100x128xf32, #tpu.memory_space<vmem_shared>>) target_semaphore(%run_scoped3A : memref<!tpu.dma_semaphore, #tpu.memory_space<semaphore_mem>>)
      %dma_wait3A = arith.constant 0 : i32
      %dma_wait3A_35 = tpu.memref_slice %arg11[%add3A_21, %dma_wait3A] : memref<10240x128xf32, #tpu.memory_space<vmem_shared>> -> memref<100x128xf32, #tpu.memory_space<vmem_shared>>
      %dma_wait3A_36 = arith.constant 0 : i32
      %dma_wait3A_37 = tpu.memref_slice %arg11[%add3A_21, %dma_wait3A_36] : memref<10240x128xf32, #tpu.memory_space<vmem_shared>> -> memref<100x128xf32, #tpu.memory_space<vmem_shared>>
      tpu.wait_dma2 semaphore(%run_scoped3A : memref<!tpu.dma_semaphore, #tpu.memory_space<semaphore_mem>>) src(%arg8 : memref<100x128xf32, #tpu.memory_space<vmem>>) dst(%dma_wait3A_37 : memref<100x128xf32, #tpu.memory_space<vmem_shared>>)
      tpu.yield
    }) : () -> ()
    %add3A_22 = arith.constant 600 : i32
    %add3A_23 = arith.addi %mul3A_9, %add3A_22 : i32
    "tpu.region"() ({
      %run_scoped3A = tpu.sem_alloc : memref<!tpu.dma_semaphore, #tpu.memory_space<semaphore_mem>>
      %dma_start3A = arith.constant 0 : i32
      %dma_start3A_32 = arith.constant 0 : i32
      %dma_start3A_33 = tpu.memref_slice %arg8[%dma_start3A, %dma_start3A_32] : memref<100x128xf32, #tpu.memory_space<vmem>> -> memref<40x128xf32, #tpu.memory_space<vmem>>
      %dma_start3A_34 = arith.constant 0 : i32
      %dma_start3A_35 = tpu.memref_slice %arg11[%add3A_23, %dma_start3A_34] : memref<10240x128xf32, #tpu.memory_space<vmem_shared>> -> memref<40x128xf32, #tpu.memory_space<vmem_shared>>
      %dma_start3A_36 = arith.constant 0 : i32
      %dma_start3A_37 = tpu.memref_slice %arg11[%add3A_23, %dma_start3A_36] : memref<10240x128xf32, #tpu.memory_space<vmem_shared>> -> memref<40x128xf32, #tpu.memory_space<vmem_shared>>
      %dma_start3A_38 = arith.constant 0 : i32
      %dma_start3A_39 = arith.constant 0 : i32
      %dma_start3A_40 = tpu.memref_slice %arg8[%dma_start3A_38, %dma_start3A_39] : memref<100x128xf32, #tpu.memory_space<vmem>> -> memref<40x128xf32, #tpu.memory_space<vmem>>
      tpu.enqueue_dma source(%dma_start3A_40 : memref<40x128xf32, #tpu.memory_space<vmem>>) target(%dma_start3A_37 : memref<40x128xf32, #tpu.memory_space<vmem_shared>>) target_semaphore(%run_scoped3A : memref<!tpu.dma_semaphore, #tpu.memory_space<semaphore_mem>>)
      %dma_wait3A = arith.constant 0 : i32
      %dma_wait3A_41 = arith.constant 0 : i32
      %dma_wait3A_42 = tpu.memref_slice %arg8[%dma_wait3A, %dma_wait3A_41] : memref<100x128xf32, #tpu.memory_space<vmem>> -> memref<40x128xf32, #tpu.memory_space<vmem>>
      %dma_wait3A_43 = arith.constant 0 : i32
      %dma_wait3A_44 = tpu.memref_slice %arg11[%add3A_23, %dma_wait3A_43] : memref<10240x128xf32, #tpu.memory_space<vmem_shared>> -> memref<40x128xf32, #tpu.memory_space<vmem_shared>>
      %dma_wait3A_45 = arith.constant 0 : i32
      %dma_wait3A_46 = tpu.memref_slice %arg11[%add3A_23, %dma_wait3A_45] : memref<10240x128xf32, #tpu.memory_space<vmem_shared>> -> memref<40x128xf32, #tpu.memory_space<vmem_shared>>
      %dma_wait3A_47 = arith.constant 0 : i32
      %dma_wait3A_48 = arith.constant 0 : i32
      %dma_wait3A_49 = tpu.memref_slice %arg8[%dma_wait3A_47, %dma_wait3A_48] : memref<100x128xf32, #tpu.memory_space<vmem>> -> memref<40x128xf32, #tpu.memory_space<vmem>>
      tpu.wait_dma2 semaphore(%run_scoped3A : memref<!tpu.dma_semaphore, #tpu.memory_space<semaphore_mem>>) src(%dma_wait3A_49 : memref<40x128xf32, #tpu.memory_space<vmem>>) dst(%dma_wait3A_46 : memref<40x128xf32, #tpu.memory_space<vmem_shared>>)
      tpu.yield
    }) : () -> ()
    %barrier3A = arith.constant 0 : index
    tpu.barrier barrier_id(%barrier3A)
    %scan3A_24 = arith.constant 0 : i32
    %scan3A_25 = arith.constant 0 : i32
    %scan3A_26 = arith.constant 4 : i32
    %scan3A_27 = arith.addi %scan3A_25, %scan3A_26 : i32
    %scan3A_28 = arith.constant 1 : i32
    %scan3A_29 = scf.for %scan3A_32 = %scan3A_25 to %scan3A_27 step %scan3A_28 iter_args(%scan3A_33 = %scan3A_24) -> (i32)  : i32 {
      %dma_start3A = arith.constant 0 : i32
      %dma_start3A_34 = arith.constant 0 : i32
      %dma_start3A_35 = tpu.memref_slice %arg3[%add3A, %scan3A_32, %dma_start3A, %dma_start3A_34] : memref<32x4x25x100xi32, #tpu.memory_space<hbm>> -> memref<1x1x25x100xi32, #tpu.memory_space<hbm>>
      %dma_start3A_36 = tpu.memref_squeeze %dma_start3A_35 : memref<1x1x25x100xi32, #tpu.memory_space<hbm>> -> memref<25x100xi32, #tpu.memory_space<hbm>>
      %dma_start3A_37 = arith.constant 0 : i32
      %dma_start3A_38 = arith.constant 0 : i32
      %dma_start3A_39 = tpu.memref_slice %arg3[%add3A, %scan3A_32, %dma_start3A_37, %dma_start3A_38] : memref<32x4x25x100xi32, #tpu.memory_space<hbm>> -> memref<1x1x25x100xi32, #tpu.memory_space<hbm>>
      %dma_start3A_40 = tpu.memref_squeeze %dma_start3A_39 : memref<1x1x25x100xi32, #tpu.memory_space<hbm>> -> memref<25x100xi32, #tpu.memory_space<hbm>>
      tpu.enqueue_dma source(%dma_start3A_40 : memref<25x100xi32, #tpu.memory_space<hbm>>) target(%arg6 : memref<25x100xi32, #tpu.memory_space<vmem>>) target_semaphore(%arg12 : memref<!tpu.dma_semaphore, #tpu.memory_space<semaphore_mem>>)
      %dma_start3A_41 = arith.constant 0 : i32
      %dma_start3A_42 = arith.constant 0 : i32
      %dma_start3A_43 = tpu.memref_slice %arg4[%add3A, %scan3A_32, %dma_start3A_41, %dma_start3A_42] : memref<32x4x25x100xi32, #tpu.memory_space<hbm>> -> memref<1x1x25x100xi32, #tpu.memory_space<hbm>>
      %dma_start3A_44 = tpu.memref_squeeze %dma_start3A_43 : memref<1x1x25x100xi32, #tpu.memory_space<hbm>> -> memref<25x100xi32, #tpu.memory_space<hbm>>
      %dma_start3A_45 = arith.constant 0 : i32
      %dma_start3A_46 = arith.constant 0 : i32
      %dma_start3A_47 = tpu.memref_slice %arg4[%add3A, %scan3A_32, %dma_start3A_45, %dma_start3A_46] : memref<32x4x25x100xi32, #tpu.memory_space<hbm>> -> memref<1x1x25x100xi32, #tpu.memory_space<hbm>>
      %dma_start3A_48 = tpu.memref_squeeze %dma_start3A_47 : memref<1x1x25x100xi32, #tpu.memory_space<hbm>> -> memref<25x100xi32, #tpu.memory_space<hbm>>
      tpu.enqueue_dma source(%dma_start3A_48 : memref<25x100xi32, #tpu.memory_space<hbm>>) target(%arg7 : memref<25x100xi32, #tpu.memory_space<vmem>>) target_semaphore(%arg13 : memref<!tpu.dma_semaphore, #tpu.memory_space<semaphore_mem>>)
      %dma_wait3A = arith.constant 0 : i32
      %dma_wait3A_49 = arith.constant 0 : i32
      %dma_wait3A_50 = tpu.memref_slice %arg3[%add3A, %scan3A_32, %dma_wait3A, %dma_wait3A_49] : memref<32x4x25x100xi32, #tpu.memory_space<hbm>> -> memref<1x1x25x100xi32, #tpu.memory_space<hbm>>
      %dma_wait3A_51 = tpu.memref_squeeze %dma_wait3A_50 : memref<1x1x25x100xi32, #tpu.memory_space<hbm>> -> memref<25x100xi32, #tpu.memory_space<hbm>>
      %dma_wait3A_52 = arith.constant 0 : i32
      %dma_wait3A_53 = arith.constant 0 : i32
      %dma_wait3A_54 = tpu.memref_slice %arg3[%add3A, %scan3A_32, %dma_wait3A_52, %dma_wait3A_53] : memref<32x4x25x100xi32, #tpu.memory_space<hbm>> -> memref<1x1x25x100xi32, #tpu.memory_space<hbm>>
      %dma_wait3A_55 = tpu.memref_squeeze %dma_wait3A_54 : memref<1x1x25x100xi32, #tpu.memory_space<hbm>> -> memref<25x100xi32, #tpu.memory_space<hbm>>
      tpu.wait_dma2 semaphore(%arg12 : memref<!tpu.dma_semaphore, #tpu.memory_space<semaphore_mem>>) src(%dma_wait3A_55 : memref<25x100xi32, #tpu.memory_space<hbm>>) dst(%arg6 : memref<25x100xi32, #tpu.memory_space<vmem>>)
      %dma_wait3A_56 = arith.constant 0 : i32
      %dma_wait3A_57 = arith.constant 0 : i32
      %dma_wait3A_58 = tpu.memref_slice %arg4[%add3A, %scan3A_32, %dma_wait3A_56, %dma_wait3A_57] : memref<32x4x25x100xi32, #tpu.memory_space<hbm>> -> memref<1x1x25x100xi32, #tpu.memory_space<hbm>>
      %dma_wait3A_59 = tpu.memref_squeeze %dma_wait3A_58 : memref<1x1x25x100xi32, #tpu.memory_space<hbm>> -> memref<25x100xi32, #tpu.memory_space<hbm>>
      %dma_wait3A_60 = arith.constant 0 : i32
      %dma_wait3A_61 = arith.constant 0 : i32
      %dma_wait3A_62 = tpu.memref_slice %arg4[%add3A, %scan3A_32, %dma_wait3A_60, %dma_wait3A_61] : memref<32x4x25x100xi32, #tpu.memory_space<hbm>> -> memref<1x1x25x100xi32, #tpu.memory_space<hbm>>
      %dma_wait3A_63 = tpu.memref_squeeze %dma_wait3A_62 : memref<1x1x25x100xi32, #tpu.memory_space<hbm>> -> memref<25x100xi32, #tpu.memory_space<hbm>>
      tpu.wait_dma2 semaphore(%arg13 : memref<!tpu.dma_semaphore, #tpu.memory_space<semaphore_mem>>) src(%dma_wait3A_63 : memref<25x100xi32, #tpu.memory_space<hbm>>) dst(%arg7 : memref<25x100xi32, #tpu.memory_space<vmem>>)
      %dma_start3A_64 = arith.constant 0 : i32
      %dma_start3A_65 = arith.constant 0 : i32
      %dma_start3A_66 = tpu.memref_slice %arg6[%dma_start3A_64, %dma_start3A_65] : memref<25x100xi32, #tpu.memory_space<vmem>> -> memref<1x100xi32, #tpu.memory_space<vmem>>
      %dma_start3A_67 = tpu.memref_squeeze %dma_start3A_66 : memref<1x100xi32, #tpu.memory_space<vmem>> -> memref<100xi32, #tpu.memory_space<vmem>>
      %dma_start3A_68 = arith.constant 0 : i32
      %dma_start3A_69 = arith.constant 0 : i32
      %dma_start3A_70 = tpu.memref_slice %arg2[%dma_start3A_68, %dma_start3A_69] : memref<10000x128xf32, #tpu.memory_space<hbm>> -> memref<10000x128xf32, #tpu.memory_space<hbm>>
      tpu.enqueue_indirect_dma source(%dma_start3A_70 : memref<10000x128xf32, #tpu.memory_space<hbm>>) target(%arg8 : memref<100x128xf32, #tpu.memory_space<vmem>>) offsets(%dma_start3A_67 : memref<100xi32, #tpu.memory_space<vmem>>) semaphore(%arg12 : memref<!tpu.dma_semaphore, #tpu.memory_space<semaphore_mem>>)
      %dma_start3A_71 = arith.constant 1 : i32
      %dma_start3A_72 = arith.constant 0 : i32
      %dma_start3A_73 = tpu.memref_slice %arg6[%dma_start3A_71, %dma_start3A_72] : memref<25x100xi32, #tpu.memory_space<vmem>> -> memref<1x100xi32, #tpu.memory_space<vmem>>
      %dma_start3A_74 = tpu.memref_squeeze %dma_start3A_73 : memref<1x100xi32, #tpu.memory_space<vmem>> -> memref<100xi32, #tpu.memory_space<vmem>>
      %dma_start3A_75 = arith.constant 0 : i32
      %dma_start3A_76 = arith.constant 0 : i32
      %dma_start3A_77 = tpu.memref_slice %arg2[%dma_start3A_75, %dma_start3A_76] : memref<10000x128xf32, #tpu.memory_space<hbm>> -> memref<10000x128xf32, #tpu.memory_space<hbm>>
      tpu.enqueue_indirect_dma source(%dma_start3A_77 : memref<10000x128xf32, #tpu.memory_space<hbm>>) target(%arg9 : memref<100x128xf32, #tpu.memory_space<vmem>>) offsets(%dma_start3A_74 : memref<100xi32, #tpu.memory_space<vmem>>) semaphore(%arg13 : memref<!tpu.dma_semaphore, #tpu.memory_space<semaphore_mem>>)
      %dma_start3A_78 = arith.constant 2 : i32
      %dma_start3A_79 = arith.constant 0 : i32
      %dma_start3A_80 = tpu.memref_slice %arg6[%dma_start3A_78, %dma_start3A_79] : memref<25x100xi32, #tpu.memory_space<vmem>> -> memref<1x100xi32, #tpu.memory_space<vmem>>
      %dma_start3A_81 = tpu.memref_squeeze %dma_start3A_80 : memref<1x100xi32, #tpu.memory_space<vmem>> -> memref<100xi32, #tpu.memory_space<vmem>>
      %dma_start3A_82 = arith.constant 0 : i32
      %dma_start3A_83 = arith.constant 0 : i32
      %dma_start3A_84 = tpu.memref_slice %arg2[%dma_start3A_82, %dma_start3A_83] : memref<10000x128xf32, #tpu.memory_space<hbm>> -> memref<10000x128xf32, #tpu.memory_space<hbm>>
      tpu.enqueue_indirect_dma source(%dma_start3A_84 : memref<10000x128xf32, #tpu.memory_space<hbm>>) target(%arg10 : memref<100x128xf32, #tpu.memory_space<vmem>>) offsets(%dma_start3A_81 : memref<100xi32, #tpu.memory_space<vmem>>) semaphore(%arg14 : memref<!tpu.dma_semaphore, #tpu.memory_space<semaphore_mem>>)
      %dma_wait3A_85 = arith.constant 0 : i32
      %dma_wait3A_86 = arith.constant 0 : i32
      %dma_wait3A_87 = tpu.memref_slice %arg6[%dma_wait3A_85, %dma_wait3A_86] : memref<25x100xi32, #tpu.memory_space<vmem>> -> memref<1x100xi32, #tpu.memory_space<vmem>>
      %dma_wait3A_88 = tpu.memref_squeeze %dma_wait3A_87 : memref<1x100xi32, #tpu.memory_space<vmem>> -> memref<100xi32, #tpu.memory_space<vmem>>
      %dma_wait3A_89 = arith.constant 0 : i32
      %dma_wait3A_90 = arith.constant 0 : i32
      %dma_wait3A_91 = tpu.memref_slice %arg2[%dma_wait3A_89, %dma_wait3A_90] : memref<10000x128xf32, #tpu.memory_space<hbm>> -> memref<10000x128xf32, #tpu.memory_space<hbm>>
      tpu.wait_indirect_dma semaphore(%arg12 : memref<!tpu.dma_semaphore, #tpu.memory_space<semaphore_mem>>) src(%dma_wait3A_91 : memref<10000x128xf32, #tpu.memory_space<hbm>>) dst(%arg8 : memref<100x128xf32, #tpu.memory_space<vmem>>)
      %dma_start3A_92 = arith.constant 0 : i32
      %dma_start3A_93 = arith.constant 0 : i32
      %dma_start3A_94 = tpu.memref_slice %arg7[%dma_start3A_92, %dma_start3A_93] : memref<25x100xi32, #tpu.memory_space<vmem>> -> memref<1x100xi32, #tpu.memory_space<vmem>>
      %dma_start3A_95 = tpu.memref_squeeze %dma_start3A_94 : memref<1x100xi32, #tpu.memory_space<vmem>> -> memref<100xi32, #tpu.memory_space<vmem>>
      %dma_start3A_96 = arith.constant 0 : i32
      %dma_start3A_97 = arith.constant 0 : i32
      %dma_start3A_98 = tpu.memref_slice %arg11[%dma_start3A_96, %dma_start3A_97] : memref<10240x128xf32, #tpu.memory_space<vmem_shared>> -> memref<10240x128xf32, #tpu.memory_space<vmem_shared>>
      tpu.enqueue_indirect_dma source(%arg8 : memref<100x128xf32, #tpu.memory_space<vmem>>) target(%dma_start3A_98 : memref<10240x128xf32, #tpu.memory_space<vmem_shared>>) offsets(%dma_start3A_95 : memref<100xi32, #tpu.memory_space<vmem>>) semaphore(%arg15 : memref<!tpu.dma_semaphore, #tpu.memory_space<semaphore_mem>>) {add = true}
      %dma_wait3A_99 = arith.constant 0 : i32
      %dma_wait3A_100 = arith.constant 0 : i32
      %dma_wait3A_101 = tpu.memref_slice %arg7[%dma_wait3A_99, %dma_wait3A_100] : memref<25x100xi32, #tpu.memory_space<vmem>> -> memref<1x100xi32, #tpu.memory_space<vmem>>
      %dma_wait3A_102 = tpu.memref_squeeze %dma_wait3A_101 : memref<1x100xi32, #tpu.memory_space<vmem>> -> memref<100xi32, #tpu.memory_space<vmem>>
      %dma_wait3A_103 = arith.constant 0 : i32
      %dma_wait3A_104 = arith.constant 0 : i32
      %dma_wait3A_105 = tpu.memref_slice %arg11[%dma_wait3A_103, %dma_wait3A_104] : memref<10240x128xf32, #tpu.memory_space<vmem_shared>> -> memref<10240x128xf32, #tpu.memory_space<vmem_shared>>
      tpu.wait_indirect_dma semaphore(%arg15 : memref<!tpu.dma_semaphore, #tpu.memory_space<semaphore_mem>>) src(%arg8 : memref<100x128xf32, #tpu.memory_space<vmem>>) dst(%dma_wait3A_105 : memref<10240x128xf32, #tpu.memory_space<vmem_shared>>)
      %dma_start3A_106 = arith.constant 3 : i32
      %dma_start3A_107 = arith.constant 0 : i32
      %dma_start3A_108 = tpu.memref_slice %arg6[%dma_start3A_106, %dma_start3A_107] : memref<25x100xi32, #tpu.memory_space<vmem>> -> memref<1x100xi32, #tpu.memory_space<vmem>>
      %dma_start3A_109 = tpu.memref_squeeze %dma_start3A_108 : memref<1x100xi32, #tpu.memory_space<vmem>> -> memref<100xi32, #tpu.memory_space<vmem>>
      %dma_start3A_110 = arith.constant 0 : i32
      %dma_start3A_111 = arith.constant 0 : i32
      %dma_start3A_112 = tpu.memref_slice %arg2[%dma_start3A_110, %dma_start3A_111] : memref<10000x128xf32, #tpu.memory_space<hbm>> -> memref<10000x128xf32, #tpu.memory_space<hbm>>
      tpu.enqueue_indirect_dma source(%dma_start3A_112 : memref<10000x128xf32, #tpu.memory_space<hbm>>) target(%arg8 : memref<100x128xf32, #tpu.memory_space<vmem>>) offsets(%dma_start3A_109 : memref<100xi32, #tpu.memory_space<vmem>>) semaphore(%arg12 : memref<!tpu.dma_semaphore, #tpu.memory_space<semaphore_mem>>)
      %dma_wait3A_113 = arith.constant 1 : i32
      %dma_wait3A_114 = arith.constant 0 : i32
      %dma_wait3A_115 = tpu.memref_slice %arg6[%dma_wait3A_113, %dma_wait3A_114] : memref<25x100xi32, #tpu.memory_space<vmem>> -> memref<1x100xi32, #tpu.memory_space<vmem>>
      %dma_wait3A_116 = tpu.memref_squeeze %dma_wait3A_115 : memref<1x100xi32, #tpu.memory_space<vmem>> -> memref<100xi32, #tpu.memory_space<vmem>>
      %dma_wait3A_117 = arith.constant 0 : i32
      %dma_wait3A_118 = arith.constant 0 : i32
      %dma_wait3A_119 = tpu.memref_slice %arg2[%dma_wait3A_117, %dma_wait3A_118] : memref<10000x128xf32, #tpu.memory_space<hbm>> -> memref<10000x128xf32, #tpu.memory_space<hbm>>
      tpu.wait_indirect_dma semaphore(%arg13 : memref<!tpu.dma_semaphore, #tpu.memory_space<semaphore_mem>>) src(%dma_wait3A_119 : memref<10000x128xf32, #tpu.memory_space<hbm>>) dst(%arg9 : memref<100x128xf32, #tpu.memory_space<vmem>>)
      %dma_start3A_120 = arith.constant 1 : i32
      %dma_start3A_121 = arith.constant 0 : i32
      %dma_start3A_122 = tpu.memref_slice %arg7[%dma_start3A_120, %dma_start3A_121] : memref<25x100xi32, #tpu.memory_space<vmem>> -> memref<1x100xi32, #tpu.memory_space<vmem>>
      %dma_start3A_123 = tpu.memref_squeeze %dma_start3A_122 : memref<1x100xi32, #tpu.memory_space<vmem>> -> memref<100xi32, #tpu.memory_space<vmem>>
      %dma_start3A_124 = arith.constant 0 : i32
      %dma_start3A_125 = arith.constant 0 : i32
      %dma_start3A_126 = tpu.memref_slice %arg11[%dma_start3A_124, %dma_start3A_125] : memref<10240x128xf32, #tpu.memory_space<vmem_shared>> -> memref<10240x128xf32, #tpu.memory_space<vmem_shared>>
      tpu.enqueue_indirect_dma source(%arg9 : memref<100x128xf32, #tpu.memory_space<vmem>>) target(%dma_start3A_126 : memref<10240x128xf32, #tpu.memory_space<vmem_shared>>) offsets(%dma_start3A_123 : memref<100xi32, #tpu.memory_space<vmem>>) semaphore(%arg16 : memref<!tpu.dma_semaphore, #tpu.memory_space<semaphore_mem>>) {add = true}
      %dma_wait3A_127 = arith.constant 1 : i32
      %dma_wait3A_128 = arith.constant 0 : i32
      %dma_wait3A_129 = tpu.memref_slice %arg7[%dma_wait3A_127, %dma_wait3A_128] : memref<25x100xi32, #tpu.memory_space<vmem>> -> memref<1x100xi32, #tpu.memory_space<vmem>>
      %dma_wait3A_130 = tpu.memref_squeeze %dma_wait3A_129 : memref<1x100xi32, #tpu.memory_space<vmem>> -> memref<100xi32, #tpu.memory_space<vmem>>
      %dma_wait3A_131 = arith.constant 0 : i32
      %dma_wait3A_132 = arith.constant 0 : i32
      %dma_wait3A_133 = tpu.memref_slice %arg11[%dma_wait3A_131, %dma_wait3A_132] : memref<10240x128xf32, #tpu.memory_space<vmem_shared>> -> memref<10240x128xf32, #tpu.memory_space<vmem_shared>>
      tpu.wait_indirect_dma semaphore(%arg16 : memref<!tpu.dma_semaphore, #tpu.memory_space<semaphore_mem>>) src(%arg9 : memref<100x128xf32, #tpu.memory_space<vmem>>) dst(%dma_wait3A_133 : memref<10240x128xf32, #tpu.memory_space<vmem_shared>>)
      %dma_start3A_134 = arith.constant 4 : i32
      %dma_start3A_135 = arith.constant 0 : i32
      %dma_start3A_136 = tpu.memref_slice %arg6[%dma_start3A_134, %dma_start3A_135] : memref<25x100xi32, #tpu.memory_space<vmem>> -> memref<1x100xi32, #tpu.memory_space<vmem>>
      %dma_start3A_137 = tpu.memref_squeeze %dma_start3A_136 : memref<1x100xi32, #tpu.memory_space<vmem>> -> memref<100xi32, #tpu.memory_space<vmem>>
      %dma_start3A_138 = arith.constant 0 : i32
      %dma_start3A_139 = arith.constant 0 : i32
      %dma_start3A_140 = tpu.memref_slice %arg2[%dma_start3A_138, %dma_start3A_139] : memref<10000x128xf32, #tpu.memory_space<hbm>> -> memref<10000x128xf32, #tpu.memory_space<hbm>>
      tpu.enqueue_indirect_dma source(%dma_start3A_140 : memref<10000x128xf32, #tpu.memory_space<hbm>>) target(%arg9 : memref<100x128xf32, #tpu.memory_space<vmem>>) offsets(%dma_start3A_137 : memref<100xi32, #tpu.memory_space<vmem>>) semaphore(%arg13 : memref<!tpu.dma_semaphore, #tpu.memory_space<semaphore_mem>>)
      %dma_wait3A_141 = arith.constant 2 : i32
      %dma_wait3A_142 = arith.constant 0 : i32
      %dma_wait3A_143 = tpu.memref_slice %arg6[%dma_wait3A_141, %dma_wait3A_142] : memref<25x100xi32, #tpu.memory_space<vmem>> -> memref<1x100xi32, #tpu.memory_space<vmem>>
      %dma_wait3A_144 = tpu.memref_squeeze %dma_wait3A_143 : memref<1x100xi32, #tpu.memory_space<vmem>> -> memref<100xi32, #tpu.memory_space<vmem>>
      %dma_wait3A_145 = arith.constant 0 : i32
      %dma_wait3A_146 = arith.constant 0 : i32
      %dma_wait3A_147 = tpu.memref_slice %arg2[%dma_wait3A_145, %dma_wait3A_146] : memref<10000x128xf32, #tpu.memory_space<hbm>> -> memref<10000x128xf32, #tpu.memory_space<hbm>>
      tpu.wait_indirect_dma semaphore(%arg14 : memref<!tpu.dma_semaphore, #tpu.memory_space<semaphore_mem>>) src(%dma_wait3A_147 : memref<10000x128xf32, #tpu.memory_space<hbm>>) dst(%arg10 : memref<100x128xf32, #tpu.memory_space<vmem>>)
      %dma_start3A_148 = arith.constant 2 : i32
      %dma_start3A_149 = arith.constant 0 : i32
      %dma_start3A_150 = tpu.memref_slice %arg7[%dma_start3A_148, %dma_start3A_149] : memref<25x100xi32, #tpu.memory_space<vmem>> -> memref<1x100xi32, #tpu.memory_space<vmem>>
      %dma_start3A_151 = tpu.memref_squeeze %dma_start3A_150 : memref<1x100xi32, #tpu.memory_space<vmem>> -> memref<100xi32, #tpu.memory_space<vmem>>
      %dma_start3A_152 = arith.constant 0 : i32
      %dma_start3A_153 = arith.constant 0 : i32
      %dma_start3A_154 = tpu.memref_slice %arg11[%dma_start3A_152, %dma_start3A_153] : memref<10240x128xf32, #tpu.memory_space<vmem_shared>> -> memref<10240x128xf32, #tpu.memory_space<vmem_shared>>
      tpu.enqueue_indirect_dma source(%arg10 : memref<100x128xf32, #tpu.memory_space<vmem>>) target(%dma_start3A_154 : memref<10240x128xf32, #tpu.memory_space<vmem_shared>>) offsets(%dma_start3A_151 : memref<100xi32, #tpu.memory_space<vmem>>) semaphore(%arg17 : memref<!tpu.dma_semaphore, #tpu.memory_space<semaphore_mem>>) {add = true}
      %dma_wait3A_155 = arith.constant 2 : i32
      %dma_wait3A_156 = arith.constant 0 : i32
      %dma_wait3A_157 = tpu.memref_slice %arg7[%dma_wait3A_155, %dma_wait3A_156] : memref<25x100xi32, #tpu.memory_space<vmem>> -> memref<1x100xi32, #tpu.memory_space<vmem>>
      %dma_wait3A_158 = tpu.memref_squeeze %dma_wait3A_157 : memref<1x100xi32, #tpu.memory_space<vmem>> -> memref<100xi32, #tpu.memory_space<vmem>>
      %dma_wait3A_159 = arith.constant 0 : i32
      %dma_wait3A_160 = arith.constant 0 : i32
      %dma_wait3A_161 = tpu.memref_slice %arg11[%dma_wait3A_159, %dma_wait3A_160] : memref<10240x128xf32, #tpu.memory_space<vmem_shared>> -> memref<10240x128xf32, #tpu.memory_space<vmem_shared>>
      tpu.wait_indirect_dma semaphore(%arg17 : memref<!tpu.dma_semaphore, #tpu.memory_space<semaphore_mem>>) src(%arg10 : memref<100x128xf32, #tpu.memory_space<vmem>>) dst(%dma_wait3A_161 : memref<10240x128xf32, #tpu.memory_space<vmem_shared>>)
      %dma_start3A_162 = arith.constant 5 : i32
      %dma_start3A_163 = arith.constant 0 : i32
      %dma_start3A_164 = tpu.memref_slice %arg6[%dma_start3A_162, %dma_start3A_163] : memref<25x100xi32, #tpu.memory_space<vmem>> -> memref<1x100xi32, #tpu.memory_space<vmem>>
      %dma_start3A_165 = tpu.memref_squeeze %dma_start3A_164 : memref<1x100xi32, #tpu.memory_space<vmem>> -> memref<100xi32, #tpu.memory_space<vmem>>
      %dma_start3A_166 = arith.constant 0 : i32
      %dma_start3A_167 = arith.constant 0 : i32
      %dma_start3A_168 = tpu.memref_slice %arg2[%dma_start3A_166, %dma_start3A_167] : memref<10000x128xf32, #tpu.memory_space<hbm>> -> memref<10000x128xf32, #tpu.memory_space<hbm>>
      tpu.enqueue_indirect_dma source(%dma_start3A_168 : memref<10000x128xf32, #tpu.memory_space<hbm>>) target(%arg10 : memref<100x128xf32, #tpu.memory_space<vmem>>) offsets(%dma_start3A_165 : memref<100xi32, #tpu.memory_space<vmem>>) semaphore(%arg14 : memref<!tpu.dma_semaphore, #tpu.memory_space<semaphore_mem>>)
      %dma_wait3A_169 = arith.constant 3 : i32
      %dma_wait3A_170 = arith.constant 0 : i32
      %dma_wait3A_171 = tpu.memref_slice %arg6[%dma_wait3A_169, %dma_wait3A_170] : memref<25x100xi32, #tpu.memory_space<vmem>> -> memref<1x100xi32, #tpu.memory_space<vmem>>
      %dma_wait3A_172 = tpu.memref_squeeze %dma_wait3A_171 : memref<1x100xi32, #tpu.memory_space<vmem>> -> memref<100xi32, #tpu.memory_space<vmem>>
      %dma_wait3A_173 = arith.constant 0 : i32
      %dma_wait3A_174 = arith.constant 0 : i32
      %dma_wait3A_175 = tpu.memref_slice %arg2[%dma_wait3A_173, %dma_wait3A_174] : memref<10000x128xf32, #tpu.memory_space<hbm>> -> memref<10000x128xf32, #tpu.memory_space<hbm>>
      tpu.wait_indirect_dma semaphore(%arg12 : memref<!tpu.dma_semaphore, #tpu.memory_space<semaphore_mem>>) src(%dma_wait3A_175 : memref<10000x128xf32, #tpu.memory_space<hbm>>) dst(%arg8 : memref<100x128xf32, #tpu.memory_space<vmem>>)
      %dma_start3A_176 = arith.constant 3 : i32
      %dma_start3A_177 = arith.constant 0 : i32
      %dma_start3A_178 = tpu.memref_slice %arg7[%dma_start3A_176, %dma_start3A_177] : memref<25x100xi32, #tpu.memory_space<vmem>> -> memref<1x100xi32, #tpu.memory_space<vmem>>
      %dma_start3A_179 = tpu.memref_squeeze %dma_start3A_178 : memref<1x100xi32, #tpu.memory_space<vmem>> -> memref<100xi32, #tpu.memory_space<vmem>>
      %dma_start3A_180 = arith.constant 0 : i32
      %dma_start3A_181 = arith.constant 0 : i32
      %dma_start3A_182 = tpu.memref_slice %arg11[%dma_start3A_180, %dma_start3A_181] : memref<10240x128xf32, #tpu.memory_space<vmem_shared>> -> memref<10240x128xf32, #tpu.memory_space<vmem_shared>>
      tpu.enqueue_indirect_dma source(%arg8 : memref<100x128xf32, #tpu.memory_space<vmem>>) target(%dma_start3A_182 : memref<10240x128xf32, #tpu.memory_space<vmem_shared>>) offsets(%dma_start3A_179 : memref<100xi32, #tpu.memory_space<vmem>>) semaphore(%arg15 : memref<!tpu.dma_semaphore, #tpu.memory_space<semaphore_mem>>) {add = true}
      %dma_wait3A_183 = arith.constant 3 : i32
      %dma_wait3A_184 = arith.constant 0 : i32
      %dma_wait3A_185 = tpu.memref_slice %arg7[%dma_wait3A_183, %dma_wait3A_184] : memref<25x100xi32, #tpu.memory_space<vmem>> -> memref<1x100xi32, #tpu.memory_space<vmem>>
      %dma_wait3A_186 = tpu.memref_squeeze %dma_wait3A_185 : memref<1x100xi32, #tpu.memory_space<vmem>> -> memref<100xi32, #tpu.memory_space<vmem>>
      %dma_wait3A_187 = arith.constant 0 : i32
      %dma_wait3A_188 = arith.constant 0 : i32
      %dma_wait3A_189 = tpu.memref_slice %arg11[%dma_wait3A_187, %dma_wait3A_188] : memref<10240x128xf32, #tpu.memory_space<vmem_shared>> -> memref<10240x128xf32, #tpu.memory_space<vmem_shared>>
      tpu.wait_indirect_dma semaphore(%arg15 : memref<!tpu.dma_semaphore, #tpu.memory_space<semaphore_mem>>) src(%arg8 : memref<100x128xf32, #tpu.memory_space<vmem>>) dst(%dma_wait3A_189 : memref<10240x128xf32, #tpu.memory_space<vmem_shared>>)
      %dma_start3A_190 = arith.constant 6 : i32
      %dma_start3A_191 = arith.constant 0 : i32
      %dma_start3A_192 = tpu.memref_slice %arg6[%dma_start3A_190, %dma_start3A_191] : memref<25x100xi32, #tpu.memory_space<vmem>> -> memref<1x100xi32, #tpu.memory_space<vmem>>
      %dma_start3A_193 = tpu.memref_squeeze %dma_start3A_192 : memref<1x100xi32, #tpu.memory_space<vmem>> -> memref<100xi32, #tpu.memory_space<vmem>>
      %dma_start3A_194 = arith.constant 0 : i32
      %dma_start3A_195 = arith.constant 0 : i32
      %dma_start3A_196 = tpu.memref_slice %arg2[%dma_start3A_194, %dma_start3A_195] : memref<10000x128xf32, #tpu.memory_space<hbm>> -> memref<10000x128xf32, #tpu.memory_space<hbm>>
      tpu.enqueue_indirect_dma source(%dma_start3A_196 : memref<10000x128xf32, #tpu.memory_space<hbm>>) target(%arg8 : memref<100x128xf32, #tpu.memory_space<vmem>>) offsets(%dma_start3A_193 : memref<100xi32, #tpu.memory_space<vmem>>) semaphore(%arg12 : memref<!tpu.dma_semaphore, #tpu.memory_space<semaphore_mem>>)
      %dma_wait3A_197 = arith.constant 4 : i32
      %dma_wait3A_198 = arith.constant 0 : i32
      %dma_wait3A_199 = tpu.memref_slice %arg6[%dma_wait3A_197, %dma_wait3A_198] : memref<25x100xi32, #tpu.memory_space<vmem>> -> memref<1x100xi32, #tpu.memory_space<vmem>>
      %dma_wait3A_200 = tpu.memref_squeeze %dma_wait3A_199 : memref<1x100xi32, #tpu.memory_space<vmem>> -> memref<100xi32, #tpu.memory_space<vmem>>
      %dma_wait3A_201 = arith.constant 0 : i32
      %dma_wait3A_202 = arith.constant 0 : i32
      %dma_wait3A_203 = tpu.memref_slice %arg2[%dma_wait3A_201, %dma_wait3A_202] : memref<10000x128xf32, #tpu.memory_space<hbm>> -> memref<10000x128xf32, #tpu.memory_space<hbm>>
      tpu.wait_indirect_dma semaphore(%arg13 : memref<!tpu.dma_semaphore, #tpu.memory_space<semaphore_mem>>) src(%dma_wait3A_203 : memref<10000x128xf32, #tpu.memory_space<hbm>>) dst(%arg9 : memref<100x128xf32, #tpu.memory_space<vmem>>)
      %dma_start3A_204 = arith.constant 4 : i32
      %dma_start3A_205 = arith.constant 0 : i32
      %dma_start3A_206 = tpu.memref_slice %arg7[%dma_start3A_204, %dma_start3A_205] : memref<25x100xi32, #tpu.memory_space<vmem>> -> memref<1x100xi32, #tpu.memory_space<vmem>>
      %dma_start3A_207 = tpu.memref_squeeze %dma_start3A_206 : memref<1x100xi32, #tpu.memory_space<vmem>> -> memref<100xi32, #tpu.memory_space<vmem>>
      %dma_start3A_208 = arith.constant 0 : i32
      %dma_start3A_209 = arith.constant 0 : i32
      %dma_start3A_210 = tpu.memref_slice %arg11[%dma_start3A_208, %dma_start3A_209] : memref<10240x128xf32, #tpu.memory_space<vmem_shared>> -> memref<10240x128xf32, #tpu.memory_space<vmem_shared>>
      tpu.enqueue_indirect_dma source(%arg9 : memref<100x128xf32, #tpu.memory_space<vmem>>) target(%dma_start3A_210 : memref<10240x128xf32, #tpu.memory_space<vmem_shared>>) offsets(%dma_start3A_207 : memref<100xi32, #tpu.memory_space<vmem>>) semaphore(%arg16 : memref<!tpu.dma_semaphore, #tpu.memory_space<semaphore_mem>>) {add = true}
      %dma_wait3A_211 = arith.constant 4 : i32
      %dma_wait3A_212 = arith.constant 0 : i32
      %dma_wait3A_213 = tpu.memref_slice %arg7[%dma_wait3A_211, %dma_wait3A_212] : memref<25x100xi32, #tpu.memory_space<vmem>> -> memref<1x100xi32, #tpu.memory_space<vmem>>
      %dma_wait3A_214 = tpu.memref_squeeze %dma_wait3A_213 : memref<1x100xi32, #tpu.memory_space<vmem>> -> memref<100xi32, #tpu.memory_space<vmem>>
      %dma_wait3A_215 = arith.constant 0 : i32
      %dma_wait3A_216 = arith.constant 0 : i32
      %dma_wait3A_217 = tpu.memref_slice %arg11[%dma_wait3A_215, %dma_wait3A_216] : memref<10240x128xf32, #tpu.memory_space<vmem_shared>> -> memref<10240x128xf32, #tpu.memory_space<vmem_shared>>
      tpu.wait_indirect_dma semaphore(%arg16 : memref<!tpu.dma_semaphore, #tpu.memory_space<semaphore_mem>>) src(%arg9 : memref<100x128xf32, #tpu.memory_space<vmem>>) dst(%dma_wait3A_217 : memref<10240x128xf32, #tpu.memory_space<vmem_shared>>)
      %dma_start3A_218 = arith.constant 7 : i32
      %dma_start3A_219 = arith.constant 0 : i32
      %dma_start3A_220 = tpu.memref_slice %arg6[%dma_start3A_218, %dma_start3A_219] : memref<25x100xi32, #tpu.memory_space<vmem>> -> memref<1x100xi32, #tpu.memory_space<vmem>>
      %dma_start3A_221 = tpu.memref_squeeze %dma_start3A_220 : memref<1x100xi32, #tpu.memory_space<vmem>> -> memref<100xi32, #tpu.memory_space<vmem>>
      %dma_start3A_222 = arith.constant 0 : i32
      %dma_start3A_223 = arith.constant 0 : i32
      %dma_start3A_224 = tpu.memref_slice %arg2[%dma_start3A_222, %dma_start3A_223] : memref<10000x128xf32, #tpu.memory_space<hbm>> -> memref<10000x128xf32, #tpu.memory_space<hbm>>
      tpu.enqueue_indirect_dma source(%dma_start3A_224 : memref<10000x128xf32, #tpu.memory_space<hbm>>) target(%arg9 : memref<100x128xf32, #tpu.memory_space<vmem>>) offsets(%dma_start3A_221 : memref<100xi32, #tpu.memory_space<vmem>>) semaphore(%arg13 : memref<!tpu.dma_semaphore, #tpu.memory_space<semaphore_mem>>)
      %dma_wait3A_225 = arith.constant 5 : i32
      %dma_wait3A_226 = arith.constant 0 : i32
      %dma_wait3A_227 = tpu.memref_slice %arg6[%dma_wait3A_225, %dma_wait3A_226] : memref<25x100xi32, #tpu.memory_space<vmem>> -> memref<1x100xi32, #tpu.memory_space<vmem>>
      %dma_wait3A_228 = tpu.memref_squeeze %dma_wait3A_227 : memref<1x100xi32, #tpu.memory_space<vmem>> -> memref<100xi32, #tpu.memory_space<vmem>>
      %dma_wait3A_229 = arith.constant 0 : i32
      %dma_wait3A_230 = arith.constant 0 : i32
      %dma_wait3A_231 = tpu.memref_slice %arg2[%dma_wait3A_229, %dma_wait3A_230] : memref<10000x128xf32, #tpu.memory_space<hbm>> -> memref<10000x128xf32, #tpu.memory_space<hbm>>
      tpu.wait_indirect_dma semaphore(%arg14 : memref<!tpu.dma_semaphore, #tpu.memory_space<semaphore_mem>>) src(%dma_wait3A_231 : memref<10000x128xf32, #tpu.memory_space<hbm>>) dst(%arg10 : memref<100x128xf32, #tpu.memory_space<vmem>>)
      %dma_start3A_232 = arith.constant 5 : i32
      %dma_start3A_233 = arith.constant 0 : i32
      %dma_start3A_234 = tpu.memref_slice %arg7[%dma_start3A_232, %dma_start3A_233] : memref<25x100xi32, #tpu.memory_space<vmem>> -> memref<1x100xi32, #tpu.memory_space<vmem>>
      %dma_start3A_235 = tpu.memref_squeeze %dma_start3A_234 : memref<1x100xi32, #tpu.memory_space<vmem>> -> memref<100xi32, #tpu.memory_space<vmem>>
      %dma_start3A_236 = arith.constant 0 : i32
      %dma_start3A_237 = arith.constant 0 : i32
      %dma_start3A_238 = tpu.memref_slice %arg11[%dma_start3A_236, %dma_start3A_237] : memref<10240x128xf32, #tpu.memory_space<vmem_shared>> -> memref<10240x128xf32, #tpu.memory_space<vmem_shared>>
      tpu.enqueue_indirect_dma source(%arg10 : memref<100x128xf32, #tpu.memory_space<vmem>>) target(%dma_start3A_238 : memref<10240x128xf32, #tpu.memory_space<vmem_shared>>) offsets(%dma_start3A_235 : memref<100xi32, #tpu.memory_space<vmem>>) semaphore(%arg17 : memref<!tpu.dma_semaphore, #tpu.memory_space<semaphore_mem>>) {add = true}
      %dma_wait3A_239 = arith.constant 5 : i32
      %dma_wait3A_240 = arith.constant 0 : i32
      %dma_wait3A_241 = tpu.memref_slice %arg7[%dma_wait3A_239, %dma_wait3A_240] : memref<25x100xi32, #tpu.memory_space<vmem>> -> memref<1x100xi32, #tpu.memory_space<vmem>>
      %dma_wait3A_242 = tpu.memref_squeeze %dma_wait3A_241 : memref<1x100xi32, #tpu.memory_space<vmem>> -> memref<100xi32, #tpu.memory_space<vmem>>
      %dma_wait3A_243 = arith.constant 0 : i32
      %dma_wait3A_244 = arith.constant 0 : i32
      %dma_wait3A_245 = tpu.memref_slice %arg11[%dma_wait3A_243, %dma_wait3A_244] : memref<10240x128xf32, #tpu.memory_space<vmem_shared>> -> memref<10240x128xf32, #tpu.memory_space<vmem_shared>>
      tpu.wait_indirect_dma semaphore(%arg17 : memref<!tpu.dma_semaphore, #tpu.memory_space<semaphore_mem>>) src(%arg10 : memref<100x128xf32, #tpu.memory_space<vmem>>) dst(%dma_wait3A_245 : memref<10240x128xf32, #tpu.memory_space<vmem_shared>>)
      %dma_start3A_246 = arith.constant 8 : i32
      %dma_start3A_247 = arith.constant 0 : i32
      %dma_start3A_248 = tpu.memref_slice %arg6[%dma_start3A_246, %dma_start3A_247] : memref<25x100xi32, #tpu.memory_space<vmem>> -> memref<1x100xi32, #tpu.memory_space<vmem>>
      %dma_start3A_249 = tpu.memref_squeeze %dma_start3A_248 : memref<1x100xi32, #tpu.memory_space<vmem>> -> memref<100xi32, #tpu.memory_space<vmem>>
      %dma_start3A_250 = arith.constant 0 : i32
      %dma_start3A_251 = arith.constant 0 : i32
      %dma_start3A_252 = tpu.memref_slice %arg2[%dma_start3A_250, %dma_start3A_251] : memref<10000x128xf32, #tpu.memory_space<hbm>> -> memref<10000x128xf32, #tpu.memory_space<hbm>>
      tpu.enqueue_indirect_dma source(%dma_start3A_252 : memref<10000x128xf32, #tpu.memory_space<hbm>>) target(%arg10 : memref<100x128xf32, #tpu.memory_space<vmem>>) offsets(%dma_start3A_249 : memref<100xi32, #tpu.memory_space<vmem>>) semaphore(%arg14 : memref<!tpu.dma_semaphore, #tpu.memory_space<semaphore_mem>>)
      %dma_wait3A_253 = arith.constant 6 : i32
      %dma_wait3A_254 = arith.constant 0 : i32
      %dma_wait3A_255 = tpu.memref_slice %arg6[%dma_wait3A_253, %dma_wait3A_254] : memref<25x100xi32, #tpu.memory_space<vmem>> -> memref<1x100xi32, #tpu.memory_space<vmem>>
      %dma_wait3A_256 = tpu.memref_squeeze %dma_wait3A_255 : memref<1x100xi32, #tpu.memory_space<vmem>> -> memref<100xi32, #tpu.memory_space<vmem>>
      %dma_wait3A_257 = arith.constant 0 : i32
      %dma_wait3A_258 = arith.constant 0 : i32
      %dma_wait3A_259 = tpu.memref_slice %arg2[%dma_wait3A_257, %dma_wait3A_258] : memref<10000x128xf32, #tpu.memory_space<hbm>> -> memref<10000x128xf32, #tpu.memory_space<hbm>>
      tpu.wait_indirect_dma semaphore(%arg12 : memref<!tpu.dma_semaphore, #tpu.memory_space<semaphore_mem>>) src(%dma_wait3A_259 : memref<10000x128xf32, #tpu.memory_space<hbm>>) dst(%arg8 : memref<100x128xf32, #tpu.memory_space<vmem>>)
      %dma_start3A_260 = arith.constant 6 : i32
      %dma_start3A_261 = arith.constant 0 : i32
      %dma_start3A_262 = tpu.memref_slice %arg7[%dma_start3A_260, %dma_start3A_261] : memref<25x100xi32, #tpu.memory_space<vmem>> -> memref<1x100xi32, #tpu.memory_space<vmem>>
      %dma_start3A_263 = tpu.memref_squeeze %dma_start3A_262 : memref<1x100xi32, #tpu.memory_space<vmem>> -> memref<100xi32, #tpu.memory_space<vmem>>
      %dma_start3A_264 = arith.constant 0 : i32
      %dma_start3A_265 = arith.constant 0 : i32
      %dma_start3A_266 = tpu.memref_slice %arg11[%dma_start3A_264, %dma_start3A_265] : memref<10240x128xf32, #tpu.memory_space<vmem_shared>> -> memref<10240x128xf32, #tpu.memory_space<vmem_shared>>
      tpu.enqueue_indirect_dma source(%arg8 : memref<100x128xf32, #tpu.memory_space<vmem>>) target(%dma_start3A_266 : memref<10240x128xf32, #tpu.memory_space<vmem_shared>>) offsets(%dma_start3A_263 : memref<100xi32, #tpu.memory_space<vmem>>) semaphore(%arg15 : memref<!tpu.dma_semaphore, #tpu.memory_space<semaphore_mem>>) {add = true}
      %dma_wait3A_267 = arith.constant 6 : i32
      %dma_wait3A_268 = arith.constant 0 : i32
      %dma_wait3A_269 = tpu.memref_slice %arg7[%dma_wait3A_267, %dma_wait3A_268] : memref<25x100xi32, #tpu.memory_space<vmem>> -> memref<1x100xi32, #tpu.memory_space<vmem>>
      %dma_wait3A_270 = tpu.memref_squeeze %dma_wait3A_269 : memref<1x100xi32, #tpu.memory_space<vmem>> -> memref<100xi32, #tpu.memory_space<vmem>>
      %dma_wait3A_271 = arith.constant 0 : i32
      %dma_wait3A_272 = arith.constant 0 : i32
      %dma_wait3A_273 = tpu.memref_slice %arg11[%dma_wait3A_271, %dma_wait3A_272] : memref<10240x128xf32, #tpu.memory_space<vmem_shared>> -> memref<10240x128xf32, #tpu.memory_space<vmem_shared>>
      tpu.wait_indirect_dma semaphore(%arg15 : memref<!tpu.dma_semaphore, #tpu.memory_space<semaphore_mem>>) src(%arg8 : memref<100x128xf32, #tpu.memory_space<vmem>>) dst(%dma_wait3A_273 : memref<10240x128xf32, #tpu.memory_space<vmem_shared>>)
      %dma_start3A_274 = arith.constant 9 : i32
      %dma_start3A_275 = arith.constant 0 : i32
      %dma_start3A_276 = tpu.memref_slice %arg6[%dma_start3A_274, %dma_start3A_275] : memref<25x100xi32, #tpu.memory_space<vmem>> -> memref<1x100xi32, #tpu.memory_space<vmem>>
      %dma_start3A_277 = tpu.memref_squeeze %dma_start3A_276 : memref<1x100xi32, #tpu.memory_space<vmem>> -> memref<100xi32, #tpu.memory_space<vmem>>
      %dma_start3A_278 = arith.constant 0 : i32
      %dma_start3A_279 = arith.constant 0 : i32
      %dma_start3A_280 = tpu.memref_slice %arg2[%dma_start3A_278, %dma_start3A_279] : memref<10000x128xf32, #tpu.memory_space<hbm>> -> memref<10000x128xf32, #tpu.memory_space<hbm>>
      tpu.enqueue_indirect_dma source(%dma_start3A_280 : memref<10000x128xf32, #tpu.memory_space<hbm>>) target(%arg8 : memref<100x128xf32, #tpu.memory_space<vmem>>) offsets(%dma_start3A_277 : memref<100xi32, #tpu.memory_space<vmem>>) semaphore(%arg12 : memref<!tpu.dma_semaphore, #tpu.memory_space<semaphore_mem>>)
      %dma_wait3A_281 = arith.constant 7 : i32
      %dma_wait3A_282 = arith.constant 0 : i32
      %dma_wait3A_283 = tpu.memref_slice %arg6[%dma_wait3A_281, %dma_wait3A_282] : memref<25x100xi32, #tpu.memory_space<vmem>> -> memref<1x100xi32, #tpu.memory_space<vmem>>
      %dma_wait3A_284 = tpu.memref_squeeze %dma_wait3A_283 : memref<1x100xi32, #tpu.memory_space<vmem>> -> memref<100xi32, #tpu.memory_space<vmem>>
      %dma_wait3A_285 = arith.constant 0 : i32
      %dma_wait3A_286 = arith.constant 0 : i32
      %dma_wait3A_287 = tpu.memref_slice %arg2[%dma_wait3A_285, %dma_wait3A_286] : memref<10000x128xf32, #tpu.memory_space<hbm>> -> memref<10000x128xf32, #tpu.memory_space<hbm>>
      tpu.wait_indirect_dma semaphore(%arg13 : memref<!tpu.dma_semaphore, #tpu.memory_space<semaphore_mem>>) src(%dma_wait3A_287 : memref<10000x128xf32, #tpu.memory_space<hbm>>) dst(%arg9 : memref<100x128xf32, #tpu.memory_space<vmem>>)
      %dma_start3A_288 = arith.constant 7 : i32
      %dma_start3A_289 = arith.constant 0 : i32
      %dma_start3A_290 = tpu.memref_slice %arg7[%dma_start3A_288, %dma_start3A_289] : memref<25x100xi32, #tpu.memory_space<vmem>> -> memref<1x100xi32, #tpu.memory_space<vmem>>
      %dma_start3A_291 = tpu.memref_squeeze %dma_start3A_290 : memref<1x100xi32, #tpu.memory_space<vmem>> -> memref<100xi32, #tpu.memory_space<vmem>>
      %dma_start3A_292 = arith.constant 0 : i32
      %dma_start3A_293 = arith.constant 0 : i32
      %dma_start3A_294 = tpu.memref_slice %arg11[%dma_start3A_292, %dma_start3A_293] : memref<10240x128xf32, #tpu.memory_space<vmem_shared>> -> memref<10240x128xf32, #tpu.memory_space<vmem_shared>>
      tpu.enqueue_indirect_dma source(%arg9 : memref<100x128xf32, #tpu.memory_space<vmem>>) target(%dma_start3A_294 : memref<10240x128xf32, #tpu.memory_space<vmem_shared>>) offsets(%dma_start3A_291 : memref<100xi32, #tpu.memory_space<vmem>>) semaphore(%arg16 : memref<!tpu.dma_semaphore, #tpu.memory_space<semaphore_mem>>) {add = true}
      %dma_wait3A_295 = arith.constant 7 : i32
      %dma_wait3A_296 = arith.constant 0 : i32
      %dma_wait3A_297 = tpu.memref_slice %arg7[%dma_wait3A_295, %dma_wait3A_296] : memref<25x100xi32, #tpu.memory_space<vmem>> -> memref<1x100xi32, #tpu.memory_space<vmem>>
      %dma_wait3A_298 = tpu.memref_squeeze %dma_wait3A_297 : memref<1x100xi32, #tpu.memory_space<vmem>> -> memref<100xi32, #tpu.memory_space<vmem>>
      %dma_wait3A_299 = arith.constant 0 : i32
      %dma_wait3A_300 = arith.constant 0 : i32
      %dma_wait3A_301 = tpu.memref_slice %arg11[%dma_wait3A_299, %dma_wait3A_300] : memref<10240x128xf32, #tpu.memory_space<vmem_shared>> -> memref<10240x128xf32, #tpu.memory_space<vmem_shared>>
      tpu.wait_indirect_dma semaphore(%arg16 : memref<!tpu.dma_semaphore, #tpu.memory_space<semaphore_mem>>) src(%arg9 : memref<100x128xf32, #tpu.memory_space<vmem>>) dst(%dma_wait3A_301 : memref<10240x128xf32, #tpu.memory_space<vmem_shared>>)
      %dma_start3A_302 = arith.constant 10 : i32
      %dma_start3A_303 = arith.constant 0 : i32
      %dma_start3A_304 = tpu.memref_slice %arg6[%dma_start3A_302, %dma_start3A_303] : memref<25x100xi32, #tpu.memory_space<vmem>> -> memref<1x100xi32, #tpu.memory_space<vmem>>
      %dma_start3A_305 = tpu.memref_squeeze %dma_start3A_304 : memref<1x100xi32, #tpu.memory_space<vmem>> -> memref<100xi32, #tpu.memory_space<vmem>>
      %dma_start3A_306 = arith.constant 0 : i32
      %dma_start3A_307 = arith.constant 0 : i32
      %dma_start3A_308 = tpu.memref_slice %arg2[%dma_start3A_306, %dma_start3A_307] : memref<10000x128xf32, #tpu.memory_space<hbm>> -> memref<10000x128xf32, #tpu.memory_space<hbm>>
      tpu.enqueue_indirect_dma source(%dma_start3A_308 : memref<10000x128xf32, #tpu.memory_space<hbm>>) target(%arg9 : memref<100x128xf32, #tpu.memory_space<vmem>>) offsets(%dma_start3A_305 : memref<100xi32, #tpu.memory_space<vmem>>) semaphore(%arg13 : memref<!tpu.dma_semaphore, #tpu.memory_space<semaphore_mem>>)
      %dma_wait3A_309 = arith.constant 8 : i32
      %dma_wait3A_310 = arith.constant 0 : i32
      %dma_wait3A_311 = tpu.memref_slice %arg6[%dma_wait3A_309, %dma_wait3A_310] : memref<25x100xi32, #tpu.memory_space<vmem>> -> memref<1x100xi32, #tpu.memory_space<vmem>>
      %dma_wait3A_312 = tpu.memref_squeeze %dma_wait3A_311 : memref<1x100xi32, #tpu.memory_space<vmem>> -> memref<100xi32, #tpu.memory_space<vmem>>
      %dma_wait3A_313 = arith.constant 0 : i32
      %dma_wait3A_314 = arith.constant 0 : i32
      %dma_wait3A_315 = tpu.memref_slice %arg2[%dma_wait3A_313, %dma_wait3A_314] : memref<10000x128xf32, #tpu.memory_space<hbm>> -> memref<10000x128xf32, #tpu.memory_space<hbm>>
      tpu.wait_indirect_dma semaphore(%arg14 : memref<!tpu.dma_semaphore, #tpu.memory_space<semaphore_mem>>) src(%dma_wait3A_315 : memref<10000x128xf32, #tpu.memory_space<hbm>>) dst(%arg10 : memref<100x128xf32, #tpu.memory_space<vmem>>)
      %dma_start3A_316 = arith.constant 8 : i32
      %dma_start3A_317 = arith.constant 0 : i32
      %dma_start3A_318 = tpu.memref_slice %arg7[%dma_start3A_316, %dma_start3A_317] : memref<25x100xi32, #tpu.memory_space<vmem>> -> memref<1x100xi32, #tpu.memory_space<vmem>>
      %dma_start3A_319 = tpu.memref_squeeze %dma_start3A_318 : memref<1x100xi32, #tpu.memory_space<vmem>> -> memref<100xi32, #tpu.memory_space<vmem>>
      %dma_start3A_320 = arith.constant 0 : i32
      %dma_start3A_321 = arith.constant 0 : i32
      %dma_start3A_322 = tpu.memref_slice %arg11[%dma_start3A_320, %dma_start3A_321] : memref<10240x128xf32, #tpu.memory_space<vmem_shared>> -> memref<10240x128xf32, #tpu.memory_space<vmem_shared>>
      tpu.enqueue_indirect_dma source(%arg10 : memref<100x128xf32, #tpu.memory_space<vmem>>) target(%dma_start3A_322 : memref<10240x128xf32, #tpu.memory_space<vmem_shared>>) offsets(%dma_start3A_319 : memref<100xi32, #tpu.memory_space<vmem>>) semaphore(%arg17 : memref<!tpu.dma_semaphore, #tpu.memory_space<semaphore_mem>>) {add = true}
      %dma_wait3A_323 = arith.constant 8 : i32
      %dma_wait3A_324 = arith.constant 0 : i32
      %dma_wait3A_325 = tpu.memref_slice %arg7[%dma_wait3A_323, %dma_wait3A_324] : memref<25x100xi32, #tpu.memory_space<vmem>> -> memref<1x100xi32, #tpu.memory_space<vmem>>
      %dma_wait3A_326 = tpu.memref_squeeze %dma_wait3A_325 : memref<1x100xi32, #tpu.memory_space<vmem>> -> memref<100xi32, #tpu.memory_space<vmem>>
      %dma_wait3A_327 = arith.constant 0 : i32
      %dma_wait3A_328 = arith.constant 0 : i32
      %dma_wait3A_329 = tpu.memref_slice %arg11[%dma_wait3A_327, %dma_wait3A_328] : memref<10240x128xf32, #tpu.memory_space<vmem_shared>> -> memref<10240x128xf32, #tpu.memory_space<vmem_shared>>
      tpu.wait_indirect_dma semaphore(%arg17 : memref<!tpu.dma_semaphore, #tpu.memory_space<semaphore_mem>>) src(%arg10 : memref<100x128xf32, #tpu.memory_space<vmem>>) dst(%dma_wait3A_329 : memref<10240x128xf32, #tpu.memory_space<vmem_shared>>)
      %dma_start3A_330 = arith.constant 11 : i32
      %dma_start3A_331 = arith.constant 0 : i32
      %dma_start3A_332 = tpu.memref_slice %arg6[%dma_start3A_330, %dma_start3A_331] : memref<25x100xi32, #tpu.memory_space<vmem>> -> memref<1x100xi32, #tpu.memory_space<vmem>>
      %dma_start3A_333 = tpu.memref_squeeze %dma_start3A_332 : memref<1x100xi32, #tpu.memory_space<vmem>> -> memref<100xi32, #tpu.memory_space<vmem>>
      %dma_start3A_334 = arith.constant 0 : i32
      %dma_start3A_335 = arith.constant 0 : i32
      %dma_start3A_336 = tpu.memref_slice %arg2[%dma_start3A_334, %dma_start3A_335] : memref<10000x128xf32, #tpu.memory_space<hbm>> -> memref<10000x128xf32, #tpu.memory_space<hbm>>
      tpu.enqueue_indirect_dma source(%dma_start3A_336 : memref<10000x128xf32, #tpu.memory_space<hbm>>) target(%arg10 : memref<100x128xf32, #tpu.memory_space<vmem>>) offsets(%dma_start3A_333 : memref<100xi32, #tpu.memory_space<vmem>>) semaphore(%arg14 : memref<!tpu.dma_semaphore, #tpu.memory_space<semaphore_mem>>)
      %dma_wait3A_337 = arith.constant 9 : i32
      %dma_wait3A_338 = arith.constant 0 : i32
      %dma_wait3A_339 = tpu.memref_slice %arg6[%dma_wait3A_337, %dma_wait3A_338] : memref<25x100xi32, #tpu.memory_space<vmem>> -> memref<1x100xi32, #tpu.memory_space<vmem>>
      %dma_wait3A_340 = tpu.memref_squeeze %dma_wait3A_339 : memref<1x100xi32, #tpu.memory_space<vmem>> -> memref<100xi32, #tpu.memory_space<vmem>>
      %dma_wait3A_341 = arith.constant 0 : i32
      %dma_wait3A_342 = arith.constant 0 : i32
      %dma_wait3A_343 = tpu.memref_slice %arg2[%dma_wait3A_341, %dma_wait3A_342] : memref<10000x128xf32, #tpu.memory_space<hbm>> -> memref<10000x128xf32, #tpu.memory_space<hbm>>
      tpu.wait_indirect_dma semaphore(%arg12 : memref<!tpu.dma_semaphore, #tpu.memory_space<semaphore_mem>>) src(%dma_wait3A_343 : memref<10000x128xf32, #tpu.memory_space<hbm>>) dst(%arg8 : memref<100x128xf32, #tpu.memory_space<vmem>>)
      %dma_start3A_344 = arith.constant 9 : i32
      %dma_start3A_345 = arith.constant 0 : i32
      %dma_start3A_346 = tpu.memref_slice %arg7[%dma_start3A_344, %dma_start3A_345] : memref<25x100xi32, #tpu.memory_space<vmem>> -> memref<1x100xi32, #tpu.memory_space<vmem>>
      %dma_start3A_347 = tpu.memref_squeeze %dma_start3A_346 : memref<1x100xi32, #tpu.memory_space<vmem>> -> memref<100xi32, #tpu.memory_space<vmem>>
      %dma_start3A_348 = arith.constant 0 : i32
      %dma_start3A_349 = arith.constant 0 : i32
      %dma_start3A_350 = tpu.memref_slice %arg11[%dma_start3A_348, %dma_start3A_349] : memref<10240x128xf32, #tpu.memory_space<vmem_shared>> -> memref<10240x128xf32, #tpu.memory_space<vmem_shared>>
      tpu.enqueue_indirect_dma source(%arg8 : memref<100x128xf32, #tpu.memory_space<vmem>>) target(%dma_start3A_350 : memref<10240x128xf32, #tpu.memory_space<vmem_shared>>) offsets(%dma_start3A_347 : memref<100xi32, #tpu.memory_space<vmem>>) semaphore(%arg15 : memref<!tpu.dma_semaphore, #tpu.memory_space<semaphore_mem>>) {add = true}
      %dma_wait3A_351 = arith.constant 9 : i32
      %dma_wait3A_352 = arith.constant 0 : i32
      %dma_wait3A_353 = tpu.memref_slice %arg7[%dma_wait3A_351, %dma_wait3A_352] : memref<25x100xi32, #tpu.memory_space<vmem>> -> memref<1x100xi32, #tpu.memory_space<vmem>>
      %dma_wait3A_354 = tpu.memref_squeeze %dma_wait3A_353 : memref<1x100xi32, #tpu.memory_space<vmem>> -> memref<100xi32, #tpu.memory_space<vmem>>
      %dma_wait3A_355 = arith.constant 0 : i32
      %dma_wait3A_356 = arith.constant 0 : i32
      %dma_wait3A_357 = tpu.memref_slice %arg11[%dma_wait3A_355, %dma_wait3A_356] : memref<10240x128xf32, #tpu.memory_space<vmem_shared>> -> memref<10240x128xf32, #tpu.memory_space<vmem_shared>>
      tpu.wait_indirect_dma semaphore(%arg15 : memref<!tpu.dma_semaphore, #tpu.memory_space<semaphore_mem>>) src(%arg8 : memref<100x128xf32, #tpu.memory_space<vmem>>) dst(%dma_wait3A_357 : memref<10240x128xf32, #tpu.memory_space<vmem_shared>>)
      %dma_start3A_358 = arith.constant 12 : i32
      %dma_start3A_359 = arith.constant 0 : i32
      %dma_start3A_360 = tpu.memref_slice %arg6[%dma_start3A_358, %dma_start3A_359] : memref<25x100xi32, #tpu.memory_space<vmem>> -> memref<1x100xi32, #tpu.memory_space<vmem>>
      %dma_start3A_361 = tpu.memref_squeeze %dma_start3A_360 : memref<1x100xi32, #tpu.memory_space<vmem>> -> memref<100xi32, #tpu.memory_space<vmem>>
      %dma_start3A_362 = arith.constant 0 : i32
      %dma_start3A_363 = arith.constant 0 : i32
      %dma_start3A_364 = tpu.memref_slice %arg2[%dma_start3A_362, %dma_start3A_363] : memref<10000x128xf32, #tpu.memory_space<hbm>> -> memref<10000x128xf32, #tpu.memory_space<hbm>>
      tpu.enqueue_indirect_dma source(%dma_start3A_364 : memref<10000x128xf32, #tpu.memory_space<hbm>>) target(%arg8 : memref<100x128xf32, #tpu.memory_space<vmem>>) offsets(%dma_start3A_361 : memref<100xi32, #tpu.memory_space<vmem>>) semaphore(%arg12 : memref<!tpu.dma_semaphore, #tpu.memory_space<semaphore_mem>>)
      %dma_wait3A_365 = arith.constant 10 : i32
      %dma_wait3A_366 = arith.constant 0 : i32
      %dma_wait3A_367 = tpu.memref_slice %arg6[%dma_wait3A_365, %dma_wait3A_366] : memref<25x100xi32, #tpu.memory_space<vmem>> -> memref<1x100xi32, #tpu.memory_space<vmem>>
      %dma_wait3A_368 = tpu.memref_squeeze %dma_wait3A_367 : memref<1x100xi32, #tpu.memory_space<vmem>> -> memref<100xi32, #tpu.memory_space<vmem>>
      %dma_wait3A_369 = arith.constant 0 : i32
      %dma_wait3A_370 = arith.constant 0 : i32
      %dma_wait3A_371 = tpu.memref_slice %arg2[%dma_wait3A_369, %dma_wait3A_370] : memref<10000x128xf32, #tpu.memory_space<hbm>> -> memref<10000x128xf32, #tpu.memory_space<hbm>>
      tpu.wait_indirect_dma semaphore(%arg13 : memref<!tpu.dma_semaphore, #tpu.memory_space<semaphore_mem>>) src(%dma_wait3A_371 : memref<10000x128xf32, #tpu.memory_space<hbm>>) dst(%arg9 : memref<100x128xf32, #tpu.memory_space<vmem>>)
      %dma_start3A_372 = arith.constant 10 : i32
      %dma_start3A_373 = arith.constant 0 : i32
      %dma_start3A_374 = tpu.memref_slice %arg7[%dma_start3A_372, %dma_start3A_373] : memref<25x100xi32, #tpu.memory_space<vmem>> -> memref<1x100xi32, #tpu.memory_space<vmem>>
      %dma_start3A_375 = tpu.memref_squeeze %dma_start3A_374 : memref<1x100xi32, #tpu.memory_space<vmem>> -> memref<100xi32, #tpu.memory_space<vmem>>
      %dma_start3A_376 = arith.constant 0 : i32
      %dma_start3A_377 = arith.constant 0 : i32
      %dma_start3A_378 = tpu.memref_slice %arg11[%dma_start3A_376, %dma_start3A_377] : memref<10240x128xf32, #tpu.memory_space<vmem_shared>> -> memref<10240x128xf32, #tpu.memory_space<vmem_shared>>
      tpu.enqueue_indirect_dma source(%arg9 : memref<100x128xf32, #tpu.memory_space<vmem>>) target(%dma_start3A_378 : memref<10240x128xf32, #tpu.memory_space<vmem_shared>>) offsets(%dma_start3A_375 : memref<100xi32, #tpu.memory_space<vmem>>) semaphore(%arg16 : memref<!tpu.dma_semaphore, #tpu.memory_space<semaphore_mem>>) {add = true}
      %dma_wait3A_379 = arith.constant 10 : i32
      %dma_wait3A_380 = arith.constant 0 : i32
      %dma_wait3A_381 = tpu.memref_slice %arg7[%dma_wait3A_379, %dma_wait3A_380] : memref<25x100xi32, #tpu.memory_space<vmem>> -> memref<1x100xi32, #tpu.memory_space<vmem>>
      %dma_wait3A_382 = tpu.memref_squeeze %dma_wait3A_381 : memref<1x100xi32, #tpu.memory_space<vmem>> -> memref<100xi32, #tpu.memory_space<vmem>>
      %dma_wait3A_383 = arith.constant 0 : i32
      %dma_wait3A_384 = arith.constant 0 : i32
      %dma_wait3A_385 = tpu.memref_slice %arg11[%dma_wait3A_383, %dma_wait3A_384] : memref<10240x128xf32, #tpu.memory_space<vmem_shared>> -> memref<10240x128xf32, #tpu.memory_space<vmem_shared>>
      tpu.wait_indirect_dma semaphore(%arg16 : memref<!tpu.dma_semaphore, #tpu.memory_space<semaphore_mem>>) src(%arg9 : memref<100x128xf32, #tpu.memory_space<vmem>>) dst(%dma_wait3A_385 : memref<10240x128xf32, #tpu.memory_space<vmem_shared>>)
      %dma_start3A_386 = arith.constant 13 : i32
      %dma_start3A_387 = arith.constant 0 : i32
      %dma_start3A_388 = tpu.memref_slice %arg6[%dma_start3A_386, %dma_start3A_387] : memref<25x100xi32, #tpu.memory_space<vmem>> -> memref<1x100xi32, #tpu.memory_space<vmem>>
      %dma_start3A_389 = tpu.memref_squeeze %dma_start3A_388 : memref<1x100xi32, #tpu.memory_space<vmem>> -> memref<100xi32, #tpu.memory_space<vmem>>
      %dma_start3A_390 = arith.constant 0 : i32
      %dma_start3A_391 = arith.constant 0 : i32
      %dma_start3A_392 = tpu.memref_slice %arg2[%dma_start3A_390, %dma_start3A_391] : memref<10000x128xf32, #tpu.memory_space<hbm>> -> memref<10000x128xf32, #tpu.memory_space<hbm>>
      tpu.enqueue_indirect_dma source(%dma_start3A_392 : memref<10000x128xf32, #tpu.memory_space<hbm>>) target(%arg9 : memref<100x128xf32, #tpu.memory_space<vmem>>) offsets(%dma_start3A_389 : memref<100xi32, #tpu.memory_space<vmem>>) semaphore(%arg13 : memref<!tpu.dma_semaphore, #tpu.memory_space<semaphore_mem>>)
      %dma_wait3A_393 = arith.constant 11 : i32
      %dma_wait3A_394 = arith.constant 0 : i32
      %dma_wait3A_395 = tpu.memref_slice %arg6[%dma_wait3A_393, %dma_wait3A_394] : memref<25x100xi32, #tpu.memory_space<vmem>> -> memref<1x100xi32, #tpu.memory_space<vmem>>
      %dma_wait3A_396 = tpu.memref_squeeze %dma_wait3A_395 : memref<1x100xi32, #tpu.memory_space<vmem>> -> memref<100xi32, #tpu.memory_space<vmem>>
      %dma_wait3A_397 = arith.constant 0 : i32
      %dma_wait3A_398 = arith.constant 0 : i32
      %dma_wait3A_399 = tpu.memref_slice %arg2[%dma_wait3A_397, %dma_wait3A_398] : memref<10000x128xf32, #tpu.memory_space<hbm>> -> memref<10000x128xf32, #tpu.memory_space<hbm>>
      tpu.wait_indirect_dma semaphore(%arg14 : memref<!tpu.dma_semaphore, #tpu.memory_space<semaphore_mem>>) src(%dma_wait3A_399 : memref<10000x128xf32, #tpu.memory_space<hbm>>) dst(%arg10 : memref<100x128xf32, #tpu.memory_space<vmem>>)
      %dma_start3A_400 = arith.constant 11 : i32
      %dma_start3A_401 = arith.constant 0 : i32
      %dma_start3A_402 = tpu.memref_slice %arg7[%dma_start3A_400, %dma_start3A_401] : memref<25x100xi32, #tpu.memory_space<vmem>> -> memref<1x100xi32, #tpu.memory_space<vmem>>
      %dma_start3A_403 = tpu.memref_squeeze %dma_start3A_402 : memref<1x100xi32, #tpu.memory_space<vmem>> -> memref<100xi32, #tpu.memory_space<vmem>>
      %dma_start3A_404 = arith.constant 0 : i32
      %dma_start3A_405 = arith.constant 0 : i32
      %dma_start3A_406 = tpu.memref_slice %arg11[%dma_start3A_404, %dma_start3A_405] : memref<10240x128xf32, #tpu.memory_space<vmem_shared>> -> memref<10240x128xf32, #tpu.memory_space<vmem_shared>>
      tpu.enqueue_indirect_dma source(%arg10 : memref<100x128xf32, #tpu.memory_space<vmem>>) target(%dma_start3A_406 : memref<10240x128xf32, #tpu.memory_space<vmem_shared>>) offsets(%dma_start3A_403 : memref<100xi32, #tpu.memory_space<vmem>>) semaphore(%arg17 : memref<!tpu.dma_semaphore, #tpu.memory_space<semaphore_mem>>) {add = true}
      %dma_wait3A_407 = arith.constant 11 : i32
      %dma_wait3A_408 = arith.constant 0 : i32
      %dma_wait3A_409 = tpu.memref_slice %arg7[%dma_wait3A_407, %dma_wait3A_408] : memref<25x100xi32, #tpu.memory_space<vmem>> -> memref<1x100xi32, #tpu.memory_space<vmem>>
      %dma_wait3A_410 = tpu.memref_squeeze %dma_wait3A_409 : memref<1x100xi32, #tpu.memory_space<vmem>> -> memref<100xi32, #tpu.memory_space<vmem>>
      %dma_wait3A_411 = arith.constant 0 : i32
      %dma_wait3A_412 = arith.constant 0 : i32
      %dma_wait3A_413 = tpu.memref_slice %arg11[%dma_wait3A_411, %dma_wait3A_412] : memref<10240x128xf32, #tpu.memory_space<vmem_shared>> -> memref<10240x128xf32, #tpu.memory_space<vmem_shared>>
      tpu.wait_indirect_dma semaphore(%arg17 : memref<!tpu.dma_semaphore, #tpu.memory_space<semaphore_mem>>) src(%arg10 : memref<100x128xf32, #tpu.memory_space<vmem>>) dst(%dma_wait3A_413 : memref<10240x128xf32, #tpu.memory_space<vmem_shared>>)
      %dma_start3A_414 = arith.constant 14 : i32
      %dma_start3A_415 = arith.constant 0 : i32
      %dma_start3A_416 = tpu.memref_slice %arg6[%dma_start3A_414, %dma_start3A_415] : memref<25x100xi32, #tpu.memory_space<vmem>> -> memref<1x100xi32, #tpu.memory_space<vmem>>
      %dma_start3A_417 = tpu.memref_squeeze %dma_start3A_416 : memref<1x100xi32, #tpu.memory_space<vmem>> -> memref<100xi32, #tpu.memory_space<vmem>>
      %dma_start3A_418 = arith.constant 0 : i32
      %dma_start3A_419 = arith.constant 0 : i32
      %dma_start3A_420 = tpu.memref_slice %arg2[%dma_start3A_418, %dma_start3A_419] : memref<10000x128xf32, #tpu.memory_space<hbm>> -> memref<10000x128xf32, #tpu.memory_space<hbm>>
      tpu.enqueue_indirect_dma source(%dma_start3A_420 : memref<10000x128xf32, #tpu.memory_space<hbm>>) target(%arg10 : memref<100x128xf32, #tpu.memory_space<vmem>>) offsets(%dma_start3A_417 : memref<100xi32, #tpu.memory_space<vmem>>) semaphore(%arg14 : memref<!tpu.dma_semaphore, #tpu.memory_space<semaphore_mem>>)
      %dma_wait3A_421 = arith.constant 12 : i32
      %dma_wait3A_422 = arith.constant 0 : i32
      %dma_wait3A_423 = tpu.memref_slice %arg6[%dma_wait3A_421, %dma_wait3A_422] : memref<25x100xi32, #tpu.memory_space<vmem>> -> memref<1x100xi32, #tpu.memory_space<vmem>>
      %dma_wait3A_424 = tpu.memref_squeeze %dma_wait3A_423 : memref<1x100xi32, #tpu.memory_space<vmem>> -> memref<100xi32, #tpu.memory_space<vmem>>
      %dma_wait3A_425 = arith.constant 0 : i32
      %dma_wait3A_426 = arith.constant 0 : i32
      %dma_wait3A_427 = tpu.memref_slice %arg2[%dma_wait3A_425, %dma_wait3A_426] : memref<10000x128xf32, #tpu.memory_space<hbm>> -> memref<10000x128xf32, #tpu.memory_space<hbm>>
      tpu.wait_indirect_dma semaphore(%arg12 : memref<!tpu.dma_semaphore, #tpu.memory_space<semaphore_mem>>) src(%dma_wait3A_427 : memref<10000x128xf32, #tpu.memory_space<hbm>>) dst(%arg8 : memref<100x128xf32, #tpu.memory_space<vmem>>)
      %dma_start3A_428 = arith.constant 12 : i32
      %dma_start3A_429 = arith.constant 0 : i32
      %dma_start3A_430 = tpu.memref_slice %arg7[%dma_start3A_428, %dma_start3A_429] : memref<25x100xi32, #tpu.memory_space<vmem>> -> memref<1x100xi32, #tpu.memory_space<vmem>>
      %dma_start3A_431 = tpu.memref_squeeze %dma_start3A_430 : memref<1x100xi32, #tpu.memory_space<vmem>> -> memref<100xi32, #tpu.memory_space<vmem>>
      %dma_start3A_432 = arith.constant 0 : i32
      %dma_start3A_433 = arith.constant 0 : i32
      %dma_start3A_434 = tpu.memref_slice %arg11[%dma_start3A_432, %dma_start3A_433] : memref<10240x128xf32, #tpu.memory_space<vmem_shared>> -> memref<10240x128xf32, #tpu.memory_space<vmem_shared>>
      tpu.enqueue_indirect_dma source(%arg8 : memref<100x128xf32, #tpu.memory_space<vmem>>) target(%dma_start3A_434 : memref<10240x128xf32, #tpu.memory_space<vmem_shared>>) offsets(%dma_start3A_431 : memref<100xi32, #tpu.memory_space<vmem>>) semaphore(%arg15 : memref<!tpu.dma_semaphore, #tpu.memory_space<semaphore_mem>>) {add = true}
      %dma_wait3A_435 = arith.constant 12 : i32
      %dma_wait3A_436 = arith.constant 0 : i32
      %dma_wait3A_437 = tpu.memref_slice %arg7[%dma_wait3A_435, %dma_wait3A_436] : memref<25x100xi32, #tpu.memory_space<vmem>> -> memref<1x100xi32, #tpu.memory_space<vmem>>
      %dma_wait3A_438 = tpu.memref_squeeze %dma_wait3A_437 : memref<1x100xi32, #tpu.memory_space<vmem>> -> memref<100xi32, #tpu.memory_space<vmem>>
      %dma_wait3A_439 = arith.constant 0 : i32
      %dma_wait3A_440 = arith.constant 0 : i32
      %dma_wait3A_441 = tpu.memref_slice %arg11[%dma_wait3A_439, %dma_wait3A_440] : memref<10240x128xf32, #tpu.memory_space<vmem_shared>> -> memref<10240x128xf32, #tpu.memory_space<vmem_shared>>
      tpu.wait_indirect_dma semaphore(%arg15 : memref<!tpu.dma_semaphore, #tpu.memory_space<semaphore_mem>>) src(%arg8 : memref<100x128xf32, #tpu.memory_space<vmem>>) dst(%dma_wait3A_441 : memref<10240x128xf32, #tpu.memory_space<vmem_shared>>)
      %dma_start3A_442 = arith.constant 15 : i32
      %dma_start3A_443 = arith.constant 0 : i32
      %dma_start3A_444 = tpu.memref_slice %arg6[%dma_start3A_442, %dma_start3A_443] : memref<25x100xi32, #tpu.memory_space<vmem>> -> memref<1x100xi32, #tpu.memory_space<vmem>>
      %dma_start3A_445 = tpu.memref_squeeze %dma_start3A_444 : memref<1x100xi32, #tpu.memory_space<vmem>> -> memref<100xi32, #tpu.memory_space<vmem>>
      %dma_start3A_446 = arith.constant 0 : i32
      %dma_start3A_447 = arith.constant 0 : i32
      %dma_start3A_448 = tpu.memref_slice %arg2[%dma_start3A_446, %dma_start3A_447] : memref<10000x128xf32, #tpu.memory_space<hbm>> -> memref<10000x128xf32, #tpu.memory_space<hbm>>
      tpu.enqueue_indirect_dma source(%dma_start3A_448 : memref<10000x128xf32, #tpu.memory_space<hbm>>) target(%arg8 : memref<100x128xf32, #tpu.memory_space<vmem>>) offsets(%dma_start3A_445 : memref<100xi32, #tpu.memory_space<vmem>>) semaphore(%arg12 : memref<!tpu.dma_semaphore, #tpu.memory_space<semaphore_mem>>)
      %dma_wait3A_449 = arith.constant 13 : i32
      %dma_wait3A_450 = arith.constant 0 : i32
      %dma_wait3A_451 = tpu.memref_slice %arg6[%dma_wait3A_449, %dma_wait3A_450] : memref<25x100xi32, #tpu.memory_space<vmem>> -> memref<1x100xi32, #tpu.memory_space<vmem>>
      %dma_wait3A_452 = tpu.memref_squeeze %dma_wait3A_451 : memref<1x100xi32, #tpu.memory_space<vmem>> -> memref<100xi32, #tpu.memory_space<vmem>>
      %dma_wait3A_453 = arith.constant 0 : i32
      %dma_wait3A_454 = arith.constant 0 : i32
      %dma_wait3A_455 = tpu.memref_slice %arg2[%dma_wait3A_453, %dma_wait3A_454] : memref<10000x128xf32, #tpu.memory_space<hbm>> -> memref<10000x128xf32, #tpu.memory_space<hbm>>
      tpu.wait_indirect_dma semaphore(%arg13 : memref<!tpu.dma_semaphore, #tpu.memory_space<semaphore_mem>>) src(%dma_wait3A_455 : memref<10000x128xf32, #tpu.memory_space<hbm>>) dst(%arg9 : memref<100x128xf32, #tpu.memory_space<vmem>>)
      %dma_start3A_456 = arith.constant 13 : i32
      %dma_start3A_457 = arith.constant 0 : i32
      %dma_start3A_458 = tpu.memref_slice %arg7[%dma_start3A_456, %dma_start3A_457] : memref<25x100xi32, #tpu.memory_space<vmem>> -> memref<1x100xi32, #tpu.memory_space<vmem>>
      %dma_start3A_459 = tpu.memref_squeeze %dma_start3A_458 : memref<1x100xi32, #tpu.memory_space<vmem>> -> memref<100xi32, #tpu.memory_space<vmem>>
      %dma_start3A_460 = arith.constant 0 : i32
      %dma_start3A_461 = arith.constant 0 : i32
      %dma_start3A_462 = tpu.memref_slice %arg11[%dma_start3A_460, %dma_start3A_461] : memref<10240x128xf32, #tpu.memory_space<vmem_shared>> -> memref<10240x128xf32, #tpu.memory_space<vmem_shared>>
      tpu.enqueue_indirect_dma source(%arg9 : memref<100x128xf32, #tpu.memory_space<vmem>>) target(%dma_start3A_462 : memref<10240x128xf32, #tpu.memory_space<vmem_shared>>) offsets(%dma_start3A_459 : memref<100xi32, #tpu.memory_space<vmem>>) semaphore(%arg16 : memref<!tpu.dma_semaphore, #tpu.memory_space<semaphore_mem>>) {add = true}
      %dma_wait3A_463 = arith.constant 13 : i32
      %dma_wait3A_464 = arith.constant 0 : i32
      %dma_wait3A_465 = tpu.memref_slice %arg7[%dma_wait3A_463, %dma_wait3A_464] : memref<25x100xi32, #tpu.memory_space<vmem>> -> memref<1x100xi32, #tpu.memory_space<vmem>>
      %dma_wait3A_466 = tpu.memref_squeeze %dma_wait3A_465 : memref<1x100xi32, #tpu.memory_space<vmem>> -> memref<100xi32, #tpu.memory_space<vmem>>
      %dma_wait3A_467 = arith.constant 0 : i32
      %dma_wait3A_468 = arith.constant 0 : i32
      %dma_wait3A_469 = tpu.memref_slice %arg11[%dma_wait3A_467, %dma_wait3A_468] : memref<10240x128xf32, #tpu.memory_space<vmem_shared>> -> memref<10240x128xf32, #tpu.memory_space<vmem_shared>>
      tpu.wait_indirect_dma semaphore(%arg16 : memref<!tpu.dma_semaphore, #tpu.memory_space<semaphore_mem>>) src(%arg9 : memref<100x128xf32, #tpu.memory_space<vmem>>) dst(%dma_wait3A_469 : memref<10240x128xf32, #tpu.memory_space<vmem_shared>>)
      %dma_start3A_470 = arith.constant 16 : i32
      %dma_start3A_471 = arith.constant 0 : i32
      %dma_start3A_472 = tpu.memref_slice %arg6[%dma_start3A_470, %dma_start3A_471] : memref<25x100xi32, #tpu.memory_space<vmem>> -> memref<1x100xi32, #tpu.memory_space<vmem>>
      %dma_start3A_473 = tpu.memref_squeeze %dma_start3A_472 : memref<1x100xi32, #tpu.memory_space<vmem>> -> memref<100xi32, #tpu.memory_space<vmem>>
      %dma_start3A_474 = arith.constant 0 : i32
      %dma_start3A_475 = arith.constant 0 : i32
      %dma_start3A_476 = tpu.memref_slice %arg2[%dma_start3A_474, %dma_start3A_475] : memref<10000x128xf32, #tpu.memory_space<hbm>> -> memref<10000x128xf32, #tpu.memory_space<hbm>>
      tpu.enqueue_indirect_dma source(%dma_start3A_476 : memref<10000x128xf32, #tpu.memory_space<hbm>>) target(%arg9 : memref<100x128xf32, #tpu.memory_space<vmem>>) offsets(%dma_start3A_473 : memref<100xi32, #tpu.memory_space<vmem>>) semaphore(%arg13 : memref<!tpu.dma_semaphore, #tpu.memory_space<semaphore_mem>>)
      %dma_wait3A_477 = arith.constant 14 : i32
      %dma_wait3A_478 = arith.constant 0 : i32
      %dma_wait3A_479 = tpu.memref_slice %arg6[%dma_wait3A_477, %dma_wait3A_478] : memref<25x100xi32, #tpu.memory_space<vmem>> -> memref<1x100xi32, #tpu.memory_space<vmem>>
      %dma_wait3A_480 = tpu.memref_squeeze %dma_wait3A_479 : memref<1x100xi32, #tpu.memory_space<vmem>> -> memref<100xi32, #tpu.memory_space<vmem>>
      %dma_wait3A_481 = arith.constant 0 : i32
      %dma_wait3A_482 = arith.constant 0 : i32
      %dma_wait3A_483 = tpu.memref_slice %arg2[%dma_wait3A_481, %dma_wait3A_482] : memref<10000x128xf32, #tpu.memory_space<hbm>> -> memref<10000x128xf32, #tpu.memory_space<hbm>>
      tpu.wait_indirect_dma semaphore(%arg14 : memref<!tpu.dma_semaphore, #tpu.memory_space<semaphore_mem>>) src(%dma_wait3A_483 : memref<10000x128xf32, #tpu.memory_space<hbm>>) dst(%arg10 : memref<100x128xf32, #tpu.memory_space<vmem>>)
      %dma_start3A_484 = arith.constant 14 : i32
      %dma_start3A_485 = arith.constant 0 : i32
      %dma_start3A_486 = tpu.memref_slice %arg7[%dma_start3A_484, %dma_start3A_485] : memref<25x100xi32, #tpu.memory_space<vmem>> -> memref<1x100xi32, #tpu.memory_space<vmem>>
      %dma_start3A_487 = tpu.memref_squeeze %dma_start3A_486 : memref<1x100xi32, #tpu.memory_space<vmem>> -> memref<100xi32, #tpu.memory_space<vmem>>
      %dma_start3A_488 = arith.constant 0 : i32
      %dma_start3A_489 = arith.constant 0 : i32
      %dma_start3A_490 = tpu.memref_slice %arg11[%dma_start3A_488, %dma_start3A_489] : memref<10240x128xf32, #tpu.memory_space<vmem_shared>> -> memref<10240x128xf32, #tpu.memory_space<vmem_shared>>
      tpu.enqueue_indirect_dma source(%arg10 : memref<100x128xf32, #tpu.memory_space<vmem>>) target(%dma_start3A_490 : memref<10240x128xf32, #tpu.memory_space<vmem_shared>>) offsets(%dma_start3A_487 : memref<100xi32, #tpu.memory_space<vmem>>) semaphore(%arg17 : memref<!tpu.dma_semaphore, #tpu.memory_space<semaphore_mem>>) {add = true}
      %dma_wait3A_491 = arith.constant 14 : i32
      %dma_wait3A_492 = arith.constant 0 : i32
      %dma_wait3A_493 = tpu.memref_slice %arg7[%dma_wait3A_491, %dma_wait3A_492] : memref<25x100xi32, #tpu.memory_space<vmem>> -> memref<1x100xi32, #tpu.memory_space<vmem>>
      %dma_wait3A_494 = tpu.memref_squeeze %dma_wait3A_493 : memref<1x100xi32, #tpu.memory_space<vmem>> -> memref<100xi32, #tpu.memory_space<vmem>>
      %dma_wait3A_495 = arith.constant 0 : i32
      %dma_wait3A_496 = arith.constant 0 : i32
      %dma_wait3A_497 = tpu.memref_slice %arg11[%dma_wait3A_495, %dma_wait3A_496] : memref<10240x128xf32, #tpu.memory_space<vmem_shared>> -> memref<10240x128xf32, #tpu.memory_space<vmem_shared>>
      tpu.wait_indirect_dma semaphore(%arg17 : memref<!tpu.dma_semaphore, #tpu.memory_space<semaphore_mem>>) src(%arg10 : memref<100x128xf32, #tpu.memory_space<vmem>>) dst(%dma_wait3A_497 : memref<10240x128xf32, #tpu.memory_space<vmem_shared>>)
      %dma_start3A_498 = arith.constant 17 : i32
      %dma_start3A_499 = arith.constant 0 : i32
      %dma_start3A_500 = tpu.memref_slice %arg6[%dma_start3A_498, %dma_start3A_499] : memref<25x100xi32, #tpu.memory_space<vmem>> -> memref<1x100xi32, #tpu.memory_space<vmem>>
      %dma_start3A_501 = tpu.memref_squeeze %dma_start3A_500 : memref<1x100xi32, #tpu.memory_space<vmem>> -> memref<100xi32, #tpu.memory_space<vmem>>
      %dma_start3A_502 = arith.constant 0 : i32
      %dma_start3A_503 = arith.constant 0 : i32
      %dma_start3A_504 = tpu.memref_slice %arg2[%dma_start3A_502, %dma_start3A_503] : memref<10000x128xf32, #tpu.memory_space<hbm>> -> memref<10000x128xf32, #tpu.memory_space<hbm>>
      tpu.enqueue_indirect_dma source(%dma_start3A_504 : memref<10000x128xf32, #tpu.memory_space<hbm>>) target(%arg10 : memref<100x128xf32, #tpu.memory_space<vmem>>) offsets(%dma_start3A_501 : memref<100xi32, #tpu.memory_space<vmem>>) semaphore(%arg14 : memref<!tpu.dma_semaphore, #tpu.memory_space<semaphore_mem>>)
      %dma_wait3A_505 = arith.constant 15 : i32
      %dma_wait3A_506 = arith.constant 0 : i32
      %dma_wait3A_507 = tpu.memref_slice %arg6[%dma_wait3A_505, %dma_wait3A_506] : memref<25x100xi32, #tpu.memory_space<vmem>> -> memref<1x100xi32, #tpu.memory_space<vmem>>
      %dma_wait3A_508 = tpu.memref_squeeze %dma_wait3A_507 : memref<1x100xi32, #tpu.memory_space<vmem>> -> memref<100xi32, #tpu.memory_space<vmem>>
      %dma_wait3A_509 = arith.constant 0 : i32
      %dma_wait3A_510 = arith.constant 0 : i32
      %dma_wait3A_511 = tpu.memref_slice %arg2[%dma_wait3A_509, %dma_wait3A_510] : memref<10000x128xf32, #tpu.memory_space<hbm>> -> memref<10000x128xf32, #tpu.memory_space<hbm>>
      tpu.wait_indirect_dma semaphore(%arg12 : memref<!tpu.dma_semaphore, #tpu.memory_space<semaphore_mem>>) src(%dma_wait3A_511 : memref<10000x128xf32, #tpu.memory_space<hbm>>) dst(%arg8 : memref<100x128xf32, #tpu.memory_space<vmem>>)
      %dma_start3A_512 = arith.constant 15 : i32
      %dma_start3A_513 = arith.constant 0 : i32
      %dma_start3A_514 = tpu.memref_slice %arg7[%dma_start3A_512, %dma_start3A_513] : memref<25x100xi32, #tpu.memory_space<vmem>> -> memref<1x100xi32, #tpu.memory_space<vmem>>
      %dma_start3A_515 = tpu.memref_squeeze %dma_start3A_514 : memref<1x100xi32, #tpu.memory_space<vmem>> -> memref<100xi32, #tpu.memory_space<vmem>>
      %dma_start3A_516 = arith.constant 0 : i32
      %dma_start3A_517 = arith.constant 0 : i32
      %dma_start3A_518 = tpu.memref_slice %arg11[%dma_start3A_516, %dma_start3A_517] : memref<10240x128xf32, #tpu.memory_space<vmem_shared>> -> memref<10240x128xf32, #tpu.memory_space<vmem_shared>>
      tpu.enqueue_indirect_dma source(%arg8 : memref<100x128xf32, #tpu.memory_space<vmem>>) target(%dma_start3A_518 : memref<10240x128xf32, #tpu.memory_space<vmem_shared>>) offsets(%dma_start3A_515 : memref<100xi32, #tpu.memory_space<vmem>>) semaphore(%arg15 : memref<!tpu.dma_semaphore, #tpu.memory_space<semaphore_mem>>) {add = true}
      %dma_wait3A_519 = arith.constant 15 : i32
      %dma_wait3A_520 = arith.constant 0 : i32
      %dma_wait3A_521 = tpu.memref_slice %arg7[%dma_wait3A_519, %dma_wait3A_520] : memref<25x100xi32, #tpu.memory_space<vmem>> -> memref<1x100xi32, #tpu.memory_space<vmem>>
      %dma_wait3A_522 = tpu.memref_squeeze %dma_wait3A_521 : memref<1x100xi32, #tpu.memory_space<vmem>> -> memref<100xi32, #tpu.memory_space<vmem>>
      %dma_wait3A_523 = arith.constant 0 : i32
      %dma_wait3A_524 = arith.constant 0 : i32
      %dma_wait3A_525 = tpu.memref_slice %arg11[%dma_wait3A_523, %dma_wait3A_524] : memref<10240x128xf32, #tpu.memory_space<vmem_shared>> -> memref<10240x128xf32, #tpu.memory_space<vmem_shared>>
      tpu.wait_indirect_dma semaphore(%arg15 : memref<!tpu.dma_semaphore, #tpu.memory_space<semaphore_mem>>) src(%arg8 : memref<100x128xf32, #tpu.memory_space<vmem>>) dst(%dma_wait3A_525 : memref<10240x128xf32, #tpu.memory_space<vmem_shared>>)
      %dma_start3A_526 = arith.constant 18 : i32
      %dma_start3A_527 = arith.constant 0 : i32
      %dma_start3A_528 = tpu.memref_slice %arg6[%dma_start3A_526, %dma_start3A_527] : memref<25x100xi32, #tpu.memory_space<vmem>> -> memref<1x100xi32, #tpu.memory_space<vmem>>
      %dma_start3A_529 = tpu.memref_squeeze %dma_start3A_528 : memref<1x100xi32, #tpu.memory_space<vmem>> -> memref<100xi32, #tpu.memory_space<vmem>>
      %dma_start3A_530 = arith.constant 0 : i32
      %dma_start3A_531 = arith.constant 0 : i32
      %dma_start3A_532 = tpu.memref_slice %arg2[%dma_start3A_530, %dma_start3A_531] : memref<10000x128xf32, #tpu.memory_space<hbm>> -> memref<10000x128xf32, #tpu.memory_space<hbm>>
      tpu.enqueue_indirect_dma source(%dma_start3A_532 : memref<10000x128xf32, #tpu.memory_space<hbm>>) target(%arg8 : memref<100x128xf32, #tpu.memory_space<vmem>>) offsets(%dma_start3A_529 : memref<100xi32, #tpu.memory_space<vmem>>) semaphore(%arg12 : memref<!tpu.dma_semaphore, #tpu.memory_space<semaphore_mem>>)
      %dma_wait3A_533 = arith.constant 16 : i32
      %dma_wait3A_534 = arith.constant 0 : i32
      %dma_wait3A_535 = tpu.memref_slice %arg6[%dma_wait3A_533, %dma_wait3A_534] : memref<25x100xi32, #tpu.memory_space<vmem>> -> memref<1x100xi32, #tpu.memory_space<vmem>>
      %dma_wait3A_536 = tpu.memref_squeeze %dma_wait3A_535 : memref<1x100xi32, #tpu.memory_space<vmem>> -> memref<100xi32, #tpu.memory_space<vmem>>
      %dma_wait3A_537 = arith.constant 0 : i32
      %dma_wait3A_538 = arith.constant 0 : i32
      %dma_wait3A_539 = tpu.memref_slice %arg2[%dma_wait3A_537, %dma_wait3A_538] : memref<10000x128xf32, #tpu.memory_space<hbm>> -> memref<10000x128xf32, #tpu.memory_space<hbm>>
      tpu.wait_indirect_dma semaphore(%arg13 : memref<!tpu.dma_semaphore, #tpu.memory_space<semaphore_mem>>) src(%dma_wait3A_539 : memref<10000x128xf32, #tpu.memory_space<hbm>>) dst(%arg9 : memref<100x128xf32, #tpu.memory_space<vmem>>)
      %dma_start3A_540 = arith.constant 16 : i32
      %dma_start3A_541 = arith.constant 0 : i32
      %dma_start3A_542 = tpu.memref_slice %arg7[%dma_start3A_540, %dma_start3A_541] : memref<25x100xi32, #tpu.memory_space<vmem>> -> memref<1x100xi32, #tpu.memory_space<vmem>>
      %dma_start3A_543 = tpu.memref_squeeze %dma_start3A_542 : memref<1x100xi32, #tpu.memory_space<vmem>> -> memref<100xi32, #tpu.memory_space<vmem>>
      %dma_start3A_544 = arith.constant 0 : i32
      %dma_start3A_545 = arith.constant 0 : i32
      %dma_start3A_546 = tpu.memref_slice %arg11[%dma_start3A_544, %dma_start3A_545] : memref<10240x128xf32, #tpu.memory_space<vmem_shared>> -> memref<10240x128xf32, #tpu.memory_space<vmem_shared>>
      tpu.enqueue_indirect_dma source(%arg9 : memref<100x128xf32, #tpu.memory_space<vmem>>) target(%dma_start3A_546 : memref<10240x128xf32, #tpu.memory_space<vmem_shared>>) offsets(%dma_start3A_543 : memref<100xi32, #tpu.memory_space<vmem>>) semaphore(%arg16 : memref<!tpu.dma_semaphore, #tpu.memory_space<semaphore_mem>>) {add = true}
      %dma_wait3A_547 = arith.constant 16 : i32
      %dma_wait3A_548 = arith.constant 0 : i32
      %dma_wait3A_549 = tpu.memref_slice %arg7[%dma_wait3A_547, %dma_wait3A_548] : memref<25x100xi32, #tpu.memory_space<vmem>> -> memref<1x100xi32, #tpu.memory_space<vmem>>
      %dma_wait3A_550 = tpu.memref_squeeze %dma_wait3A_549 : memref<1x100xi32, #tpu.memory_space<vmem>> -> memref<100xi32, #tpu.memory_space<vmem>>
      %dma_wait3A_551 = arith.constant 0 : i32
      %dma_wait3A_552 = arith.constant 0 : i32
      %dma_wait3A_553 = tpu.memref_slice %arg11[%dma_wait3A_551, %dma_wait3A_552] : memref<10240x128xf32, #tpu.memory_space<vmem_shared>> -> memref<10240x128xf32, #tpu.memory_space<vmem_shared>>
      tpu.wait_indirect_dma semaphore(%arg16 : memref<!tpu.dma_semaphore, #tpu.memory_space<semaphore_mem>>) src(%arg9 : memref<100x128xf32, #tpu.memory_space<vmem>>) dst(%dma_wait3A_553 : memref<10240x128xf32, #tpu.memory_space<vmem_shared>>)
      %dma_start3A_554 = arith.constant 19 : i32
      %dma_start3A_555 = arith.constant 0 : i32
      %dma_start3A_556 = tpu.memref_slice %arg6[%dma_start3A_554, %dma_start3A_555] : memref<25x100xi32, #tpu.memory_space<vmem>> -> memref<1x100xi32, #tpu.memory_space<vmem>>
      %dma_start3A_557 = tpu.memref_squeeze %dma_start3A_556 : memref<1x100xi32, #tpu.memory_space<vmem>> -> memref<100xi32, #tpu.memory_space<vmem>>
      %dma_start3A_558 = arith.constant 0 : i32
      %dma_start3A_559 = arith.constant 0 : i32
      %dma_start3A_560 = tpu.memref_slice %arg2[%dma_start3A_558, %dma_start3A_559] : memref<10000x128xf32, #tpu.memory_space<hbm>> -> memref<10000x128xf32, #tpu.memory_space<hbm>>
      tpu.enqueue_indirect_dma source(%dma_start3A_560 : memref<10000x128xf32, #tpu.memory_space<hbm>>) target(%arg9 : memref<100x128xf32, #tpu.memory_space<vmem>>) offsets(%dma_start3A_557 : memref<100xi32, #tpu.memory_space<vmem>>) semaphore(%arg13 : memref<!tpu.dma_semaphore, #tpu.memory_space<semaphore_mem>>)
      %dma_wait3A_561 = arith.constant 17 : i32
      %dma_wait3A_562 = arith.constant 0 : i32
      %dma_wait3A_563 = tpu.memref_slice %arg6[%dma_wait3A_561, %dma_wait3A_562] : memref<25x100xi32, #tpu.memory_space<vmem>> -> memref<1x100xi32, #tpu.memory_space<vmem>>
      %dma_wait3A_564 = tpu.memref_squeeze %dma_wait3A_563 : memref<1x100xi32, #tpu.memory_space<vmem>> -> memref<100xi32, #tpu.memory_space<vmem>>
      %dma_wait3A_565 = arith.constant 0 : i32
      %dma_wait3A_566 = arith.constant 0 : i32
      %dma_wait3A_567 = tpu.memref_slice %arg2[%dma_wait3A_565, %dma_wait3A_566] : memref<10000x128xf32, #tpu.memory_space<hbm>> -> memref<10000x128xf32, #tpu.memory_space<hbm>>
      tpu.wait_indirect_dma semaphore(%arg14 : memref<!tpu.dma_semaphore, #tpu.memory_space<semaphore_mem>>) src(%dma_wait3A_567 : memref<10000x128xf32, #tpu.memory_space<hbm>>) dst(%arg10 : memref<100x128xf32, #tpu.memory_space<vmem>>)
      %dma_start3A_568 = arith.constant 17 : i32
      %dma_start3A_569 = arith.constant 0 : i32
      %dma_start3A_570 = tpu.memref_slice %arg7[%dma_start3A_568, %dma_start3A_569] : memref<25x100xi32, #tpu.memory_space<vmem>> -> memref<1x100xi32, #tpu.memory_space<vmem>>
      %dma_start3A_571 = tpu.memref_squeeze %dma_start3A_570 : memref<1x100xi32, #tpu.memory_space<vmem>> -> memref<100xi32, #tpu.memory_space<vmem>>
      %dma_start3A_572 = arith.constant 0 : i32
      %dma_start3A_573 = arith.constant 0 : i32
      %dma_start3A_574 = tpu.memref_slice %arg11[%dma_start3A_572, %dma_start3A_573] : memref<10240x128xf32, #tpu.memory_space<vmem_shared>> -> memref<10240x128xf32, #tpu.memory_space<vmem_shared>>
      tpu.enqueue_indirect_dma source(%arg10 : memref<100x128xf32, #tpu.memory_space<vmem>>) target(%dma_start3A_574 : memref<10240x128xf32, #tpu.memory_space<vmem_shared>>) offsets(%dma_start3A_571 : memref<100xi32, #tpu.memory_space<vmem>>) semaphore(%arg17 : memref<!tpu.dma_semaphore, #tpu.memory_space<semaphore_mem>>) {add = true}
      %dma_wait3A_575 = arith.constant 17 : i32
      %dma_wait3A_576 = arith.constant 0 : i32
      %dma_wait3A_577 = tpu.memref_slice %arg7[%dma_wait3A_575, %dma_wait3A_576] : memref<25x100xi32, #tpu.memory_space<vmem>> -> memref<1x100xi32, #tpu.memory_space<vmem>>
      %dma_wait3A_578 = tpu.memref_squeeze %dma_wait3A_577 : memref<1x100xi32, #tpu.memory_space<vmem>> -> memref<100xi32, #tpu.memory_space<vmem>>
      %dma_wait3A_579 = arith.constant 0 : i32
      %dma_wait3A_580 = arith.constant 0 : i32
      %dma_wait3A_581 = tpu.memref_slice %arg11[%dma_wait3A_579, %dma_wait3A_580] : memref<10240x128xf32, #tpu.memory_space<vmem_shared>> -> memref<10240x128xf32, #tpu.memory_space<vmem_shared>>
      tpu.wait_indirect_dma semaphore(%arg17 : memref<!tpu.dma_semaphore, #tpu.memory_space<semaphore_mem>>) src(%arg10 : memref<100x128xf32, #tpu.memory_space<vmem>>) dst(%dma_wait3A_581 : memref<10240x128xf32, #tpu.memory_space<vmem_shared>>)
      %dma_start3A_582 = arith.constant 20 : i32
      %dma_start3A_583 = arith.constant 0 : i32
      %dma_start3A_584 = tpu.memref_slice %arg6[%dma_start3A_582, %dma_start3A_583] : memref<25x100xi32, #tpu.memory_space<vmem>> -> memref<1x100xi32, #tpu.memory_space<vmem>>
      %dma_start3A_585 = tpu.memref_squeeze %dma_start3A_584 : memref<1x100xi32, #tpu.memory_space<vmem>> -> memref<100xi32, #tpu.memory_space<vmem>>
      %dma_start3A_586 = arith.constant 0 : i32
      %dma_start3A_587 = arith.constant 0 : i32
      %dma_start3A_588 = tpu.memref_slice %arg2[%dma_start3A_586, %dma_start3A_587] : memref<10000x128xf32, #tpu.memory_space<hbm>> -> memref<10000x128xf32, #tpu.memory_space<hbm>>
      tpu.enqueue_indirect_dma source(%dma_start3A_588 : memref<10000x128xf32, #tpu.memory_space<hbm>>) target(%arg10 : memref<100x128xf32, #tpu.memory_space<vmem>>) offsets(%dma_start3A_585 : memref<100xi32, #tpu.memory_space<vmem>>) semaphore(%arg14 : memref<!tpu.dma_semaphore, #tpu.memory_space<semaphore_mem>>)
      %dma_wait3A_589 = arith.constant 18 : i32
      %dma_wait3A_590 = arith.constant 0 : i32
      %dma_wait3A_591 = tpu.memref_slice %arg6[%dma_wait3A_589, %dma_wait3A_590] : memref<25x100xi32, #tpu.memory_space<vmem>> -> memref<1x100xi32, #tpu.memory_space<vmem>>
      %dma_wait3A_592 = tpu.memref_squeeze %dma_wait3A_591 : memref<1x100xi32, #tpu.memory_space<vmem>> -> memref<100xi32, #tpu.memory_space<vmem>>
      %dma_wait3A_593 = arith.constant 0 : i32
      %dma_wait3A_594 = arith.constant 0 : i32
      %dma_wait3A_595 = tpu.memref_slice %arg2[%dma_wait3A_593, %dma_wait3A_594] : memref<10000x128xf32, #tpu.memory_space<hbm>> -> memref<10000x128xf32, #tpu.memory_space<hbm>>
      tpu.wait_indirect_dma semaphore(%arg12 : memref<!tpu.dma_semaphore, #tpu.memory_space<semaphore_mem>>) src(%dma_wait3A_595 : memref<10000x128xf32, #tpu.memory_space<hbm>>) dst(%arg8 : memref<100x128xf32, #tpu.memory_space<vmem>>)
      %dma_start3A_596 = arith.constant 18 : i32
      %dma_start3A_597 = arith.constant 0 : i32
      %dma_start3A_598 = tpu.memref_slice %arg7[%dma_start3A_596, %dma_start3A_597] : memref<25x100xi32, #tpu.memory_space<vmem>> -> memref<1x100xi32, #tpu.memory_space<vmem>>
      %dma_start3A_599 = tpu.memref_squeeze %dma_start3A_598 : memref<1x100xi32, #tpu.memory_space<vmem>> -> memref<100xi32, #tpu.memory_space<vmem>>
      %dma_start3A_600 = arith.constant 0 : i32
      %dma_start3A_601 = arith.constant 0 : i32
      %dma_start3A_602 = tpu.memref_slice %arg11[%dma_start3A_600, %dma_start3A_601] : memref<10240x128xf32, #tpu.memory_space<vmem_shared>> -> memref<10240x128xf32, #tpu.memory_space<vmem_shared>>
      tpu.enqueue_indirect_dma source(%arg8 : memref<100x128xf32, #tpu.memory_space<vmem>>) target(%dma_start3A_602 : memref<10240x128xf32, #tpu.memory_space<vmem_shared>>) offsets(%dma_start3A_599 : memref<100xi32, #tpu.memory_space<vmem>>) semaphore(%arg15 : memref<!tpu.dma_semaphore, #tpu.memory_space<semaphore_mem>>) {add = true}
      %dma_wait3A_603 = arith.constant 18 : i32
      %dma_wait3A_604 = arith.constant 0 : i32
      %dma_wait3A_605 = tpu.memref_slice %arg7[%dma_wait3A_603, %dma_wait3A_604] : memref<25x100xi32, #tpu.memory_space<vmem>> -> memref<1x100xi32, #tpu.memory_space<vmem>>
      %dma_wait3A_606 = tpu.memref_squeeze %dma_wait3A_605 : memref<1x100xi32, #tpu.memory_space<vmem>> -> memref<100xi32, #tpu.memory_space<vmem>>
      %dma_wait3A_607 = arith.constant 0 : i32
      %dma_wait3A_608 = arith.constant 0 : i32
      %dma_wait3A_609 = tpu.memref_slice %arg11[%dma_wait3A_607, %dma_wait3A_608] : memref<10240x128xf32, #tpu.memory_space<vmem_shared>> -> memref<10240x128xf32, #tpu.memory_space<vmem_shared>>
      tpu.wait_indirect_dma semaphore(%arg15 : memref<!tpu.dma_semaphore, #tpu.memory_space<semaphore_mem>>) src(%arg8 : memref<100x128xf32, #tpu.memory_space<vmem>>) dst(%dma_wait3A_609 : memref<10240x128xf32, #tpu.memory_space<vmem_shared>>)
      %dma_start3A_610 = arith.constant 21 : i32
      %dma_start3A_611 = arith.constant 0 : i32
      %dma_start3A_612 = tpu.memref_slice %arg6[%dma_start3A_610, %dma_start3A_611] : memref<25x100xi32, #tpu.memory_space<vmem>> -> memref<1x100xi32, #tpu.memory_space<vmem>>
      %dma_start3A_613 = tpu.memref_squeeze %dma_start3A_612 : memref<1x100xi32, #tpu.memory_space<vmem>> -> memref<100xi32, #tpu.memory_space<vmem>>
      %dma_start3A_614 = arith.constant 0 : i32
      %dma_start3A_615 = arith.constant 0 : i32
      %dma_start3A_616 = tpu.memref_slice %arg2[%dma_start3A_614, %dma_start3A_615] : memref<10000x128xf32, #tpu.memory_space<hbm>> -> memref<10000x128xf32, #tpu.memory_space<hbm>>
      tpu.enqueue_indirect_dma source(%dma_start3A_616 : memref<10000x128xf32, #tpu.memory_space<hbm>>) target(%arg8 : memref<100x128xf32, #tpu.memory_space<vmem>>) offsets(%dma_start3A_613 : memref<100xi32, #tpu.memory_space<vmem>>) semaphore(%arg12 : memref<!tpu.dma_semaphore, #tpu.memory_space<semaphore_mem>>)
      %dma_wait3A_617 = arith.constant 19 : i32
      %dma_wait3A_618 = arith.constant 0 : i32
      %dma_wait3A_619 = tpu.memref_slice %arg6[%dma_wait3A_617, %dma_wait3A_618] : memref<25x100xi32, #tpu.memory_space<vmem>> -> memref<1x100xi32, #tpu.memory_space<vmem>>
      %dma_wait3A_620 = tpu.memref_squeeze %dma_wait3A_619 : memref<1x100xi32, #tpu.memory_space<vmem>> -> memref<100xi32, #tpu.memory_space<vmem>>
      %dma_wait3A_621 = arith.constant 0 : i32
      %dma_wait3A_622 = arith.constant 0 : i32
      %dma_wait3A_623 = tpu.memref_slice %arg2[%dma_wait3A_621, %dma_wait3A_622] : memref<10000x128xf32, #tpu.memory_space<hbm>> -> memref<10000x128xf32, #tpu.memory_space<hbm>>
      tpu.wait_indirect_dma semaphore(%arg13 : memref<!tpu.dma_semaphore, #tpu.memory_space<semaphore_mem>>) src(%dma_wait3A_623 : memref<10000x128xf32, #tpu.memory_space<hbm>>) dst(%arg9 : memref<100x128xf32, #tpu.memory_space<vmem>>)
      %dma_start3A_624 = arith.constant 19 : i32
      %dma_start3A_625 = arith.constant 0 : i32
      %dma_start3A_626 = tpu.memref_slice %arg7[%dma_start3A_624, %dma_start3A_625] : memref<25x100xi32, #tpu.memory_space<vmem>> -> memref<1x100xi32, #tpu.memory_space<vmem>>
      %dma_start3A_627 = tpu.memref_squeeze %dma_start3A_626 : memref<1x100xi32, #tpu.memory_space<vmem>> -> memref<100xi32, #tpu.memory_space<vmem>>
      %dma_start3A_628 = arith.constant 0 : i32
      %dma_start3A_629 = arith.constant 0 : i32
      %dma_start3A_630 = tpu.memref_slice %arg11[%dma_start3A_628, %dma_start3A_629] : memref<10240x128xf32, #tpu.memory_space<vmem_shared>> -> memref<10240x128xf32, #tpu.memory_space<vmem_shared>>
      tpu.enqueue_indirect_dma source(%arg9 : memref<100x128xf32, #tpu.memory_space<vmem>>) target(%dma_start3A_630 : memref<10240x128xf32, #tpu.memory_space<vmem_shared>>) offsets(%dma_start3A_627 : memref<100xi32, #tpu.memory_space<vmem>>) semaphore(%arg16 : memref<!tpu.dma_semaphore, #tpu.memory_space<semaphore_mem>>) {add = true}
      %dma_wait3A_631 = arith.constant 19 : i32
      %dma_wait3A_632 = arith.constant 0 : i32
      %dma_wait3A_633 = tpu.memref_slice %arg7[%dma_wait3A_631, %dma_wait3A_632] : memref<25x100xi32, #tpu.memory_space<vmem>> -> memref<1x100xi32, #tpu.memory_space<vmem>>
      %dma_wait3A_634 = tpu.memref_squeeze %dma_wait3A_633 : memref<1x100xi32, #tpu.memory_space<vmem>> -> memref<100xi32, #tpu.memory_space<vmem>>
      %dma_wait3A_635 = arith.constant 0 : i32
      %dma_wait3A_636 = arith.constant 0 : i32
      %dma_wait3A_637 = tpu.memref_slice %arg11[%dma_wait3A_635, %dma_wait3A_636] : memref<10240x128xf32, #tpu.memory_space<vmem_shared>> -> memref<10240x128xf32, #tpu.memory_space<vmem_shared>>
      tpu.wait_indirect_dma semaphore(%arg16 : memref<!tpu.dma_semaphore, #tpu.memory_space<semaphore_mem>>) src(%arg9 : memref<100x128xf32, #tpu.memory_space<vmem>>) dst(%dma_wait3A_637 : memref<10240x128xf32, #tpu.memory_space<vmem_shared>>)
      %dma_start3A_638 = arith.constant 22 : i32
      %dma_start3A_639 = arith.constant 0 : i32
      %dma_start3A_640 = tpu.memref_slice %arg6[%dma_start3A_638, %dma_start3A_639] : memref<25x100xi32, #tpu.memory_space<vmem>> -> memref<1x100xi32, #tpu.memory_space<vmem>>
      %dma_start3A_641 = tpu.memref_squeeze %dma_start3A_640 : memref<1x100xi32, #tpu.memory_space<vmem>> -> memref<100xi32, #tpu.memory_space<vmem>>
      %dma_start3A_642 = arith.constant 0 : i32
      %dma_start3A_643 = arith.constant 0 : i32
      %dma_start3A_644 = tpu.memref_slice %arg2[%dma_start3A_642, %dma_start3A_643] : memref<10000x128xf32, #tpu.memory_space<hbm>> -> memref<10000x128xf32, #tpu.memory_space<hbm>>
      tpu.enqueue_indirect_dma source(%dma_start3A_644 : memref<10000x128xf32, #tpu.memory_space<hbm>>) target(%arg9 : memref<100x128xf32, #tpu.memory_space<vmem>>) offsets(%dma_start3A_641 : memref<100xi32, #tpu.memory_space<vmem>>) semaphore(%arg13 : memref<!tpu.dma_semaphore, #tpu.memory_space<semaphore_mem>>)
      %dma_wait3A_645 = arith.constant 20 : i32
      %dma_wait3A_646 = arith.constant 0 : i32
      %dma_wait3A_647 = tpu.memref_slice %arg6[%dma_wait3A_645, %dma_wait3A_646] : memref<25x100xi32, #tpu.memory_space<vmem>> -> memref<1x100xi32, #tpu.memory_space<vmem>>
      %dma_wait3A_648 = tpu.memref_squeeze %dma_wait3A_647 : memref<1x100xi32, #tpu.memory_space<vmem>> -> memref<100xi32, #tpu.memory_space<vmem>>
      %dma_wait3A_649 = arith.constant 0 : i32
      %dma_wait3A_650 = arith.constant 0 : i32
      %dma_wait3A_651 = tpu.memref_slice %arg2[%dma_wait3A_649, %dma_wait3A_650] : memref<10000x128xf32, #tpu.memory_space<hbm>> -> memref<10000x128xf32, #tpu.memory_space<hbm>>
      tpu.wait_indirect_dma semaphore(%arg14 : memref<!tpu.dma_semaphore, #tpu.memory_space<semaphore_mem>>) src(%dma_wait3A_651 : memref<10000x128xf32, #tpu.memory_space<hbm>>) dst(%arg10 : memref<100x128xf32, #tpu.memory_space<vmem>>)
      %dma_start3A_652 = arith.constant 20 : i32
      %dma_start3A_653 = arith.constant 0 : i32
      %dma_start3A_654 = tpu.memref_slice %arg7[%dma_start3A_652, %dma_start3A_653] : memref<25x100xi32, #tpu.memory_space<vmem>> -> memref<1x100xi32, #tpu.memory_space<vmem>>
      %dma_start3A_655 = tpu.memref_squeeze %dma_start3A_654 : memref<1x100xi32, #tpu.memory_space<vmem>> -> memref<100xi32, #tpu.memory_space<vmem>>
      %dma_start3A_656 = arith.constant 0 : i32
      %dma_start3A_657 = arith.constant 0 : i32
      %dma_start3A_658 = tpu.memref_slice %arg11[%dma_start3A_656, %dma_start3A_657] : memref<10240x128xf32, #tpu.memory_space<vmem_shared>> -> memref<10240x128xf32, #tpu.memory_space<vmem_shared>>
      tpu.enqueue_indirect_dma source(%arg10 : memref<100x128xf32, #tpu.memory_space<vmem>>) target(%dma_start3A_658 : memref<10240x128xf32, #tpu.memory_space<vmem_shared>>) offsets(%dma_start3A_655 : memref<100xi32, #tpu.memory_space<vmem>>) semaphore(%arg17 : memref<!tpu.dma_semaphore, #tpu.memory_space<semaphore_mem>>) {add = true}
      %dma_wait3A_659 = arith.constant 20 : i32
      %dma_wait3A_660 = arith.constant 0 : i32
      %dma_wait3A_661 = tpu.memref_slice %arg7[%dma_wait3A_659, %dma_wait3A_660] : memref<25x100xi32, #tpu.memory_space<vmem>> -> memref<1x100xi32, #tpu.memory_space<vmem>>
      %dma_wait3A_662 = tpu.memref_squeeze %dma_wait3A_661 : memref<1x100xi32, #tpu.memory_space<vmem>> -> memref<100xi32, #tpu.memory_space<vmem>>
      %dma_wait3A_663 = arith.constant 0 : i32
      %dma_wait3A_664 = arith.constant 0 : i32
      %dma_wait3A_665 = tpu.memref_slice %arg11[%dma_wait3A_663, %dma_wait3A_664] : memref<10240x128xf32, #tpu.memory_space<vmem_shared>> -> memref<10240x128xf32, #tpu.memory_space<vmem_shared>>
      tpu.wait_indirect_dma semaphore(%arg17 : memref<!tpu.dma_semaphore, #tpu.memory_space<semaphore_mem>>) src(%arg10 : memref<100x128xf32, #tpu.memory_space<vmem>>) dst(%dma_wait3A_665 : memref<10240x128xf32, #tpu.memory_space<vmem_shared>>)
      %dma_start3A_666 = arith.constant 23 : i32
      %dma_start3A_667 = arith.constant 0 : i32
      %dma_start3A_668 = tpu.memref_slice %arg6[%dma_start3A_666, %dma_start3A_667] : memref<25x100xi32, #tpu.memory_space<vmem>> -> memref<1x100xi32, #tpu.memory_space<vmem>>
      %dma_start3A_669 = tpu.memref_squeeze %dma_start3A_668 : memref<1x100xi32, #tpu.memory_space<vmem>> -> memref<100xi32, #tpu.memory_space<vmem>>
      %dma_start3A_670 = arith.constant 0 : i32
      %dma_start3A_671 = arith.constant 0 : i32
      %dma_start3A_672 = tpu.memref_slice %arg2[%dma_start3A_670, %dma_start3A_671] : memref<10000x128xf32, #tpu.memory_space<hbm>> -> memref<10000x128xf32, #tpu.memory_space<hbm>>
      tpu.enqueue_indirect_dma source(%dma_start3A_672 : memref<10000x128xf32, #tpu.memory_space<hbm>>) target(%arg10 : memref<100x128xf32, #tpu.memory_space<vmem>>) offsets(%dma_start3A_669 : memref<100xi32, #tpu.memory_space<vmem>>) semaphore(%arg14 : memref<!tpu.dma_semaphore, #tpu.memory_space<semaphore_mem>>)
      %dma_wait3A_673 = arith.constant 21 : i32
      %dma_wait3A_674 = arith.constant 0 : i32
      %dma_wait3A_675 = tpu.memref_slice %arg6[%dma_wait3A_673, %dma_wait3A_674] : memref<25x100xi32, #tpu.memory_space<vmem>> -> memref<1x100xi32, #tpu.memory_space<vmem>>
      %dma_wait3A_676 = tpu.memref_squeeze %dma_wait3A_675 : memref<1x100xi32, #tpu.memory_space<vmem>> -> memref<100xi32, #tpu.memory_space<vmem>>
      %dma_wait3A_677 = arith.constant 0 : i32
      %dma_wait3A_678 = arith.constant 0 : i32
      %dma_wait3A_679 = tpu.memref_slice %arg2[%dma_wait3A_677, %dma_wait3A_678] : memref<10000x128xf32, #tpu.memory_space<hbm>> -> memref<10000x128xf32, #tpu.memory_space<hbm>>
      tpu.wait_indirect_dma semaphore(%arg12 : memref<!tpu.dma_semaphore, #tpu.memory_space<semaphore_mem>>) src(%dma_wait3A_679 : memref<10000x128xf32, #tpu.memory_space<hbm>>) dst(%arg8 : memref<100x128xf32, #tpu.memory_space<vmem>>)
      %dma_start3A_680 = arith.constant 21 : i32
      %dma_start3A_681 = arith.constant 0 : i32
      %dma_start3A_682 = tpu.memref_slice %arg7[%dma_start3A_680, %dma_start3A_681] : memref<25x100xi32, #tpu.memory_space<vmem>> -> memref<1x100xi32, #tpu.memory_space<vmem>>
      %dma_start3A_683 = tpu.memref_squeeze %dma_start3A_682 : memref<1x100xi32, #tpu.memory_space<vmem>> -> memref<100xi32, #tpu.memory_space<vmem>>
      %dma_start3A_684 = arith.constant 0 : i32
      %dma_start3A_685 = arith.constant 0 : i32
      %dma_start3A_686 = tpu.memref_slice %arg11[%dma_start3A_684, %dma_start3A_685] : memref<10240x128xf32, #tpu.memory_space<vmem_shared>> -> memref<10240x128xf32, #tpu.memory_space<vmem_shared>>
      tpu.enqueue_indirect_dma source(%arg8 : memref<100x128xf32, #tpu.memory_space<vmem>>) target(%dma_start3A_686 : memref<10240x128xf32, #tpu.memory_space<vmem_shared>>) offsets(%dma_start3A_683 : memref<100xi32, #tpu.memory_space<vmem>>) semaphore(%arg15 : memref<!tpu.dma_semaphore, #tpu.memory_space<semaphore_mem>>) {add = true}
      %dma_wait3A_687 = arith.constant 21 : i32
      %dma_wait3A_688 = arith.constant 0 : i32
      %dma_wait3A_689 = tpu.memref_slice %arg7[%dma_wait3A_687, %dma_wait3A_688] : memref<25x100xi32, #tpu.memory_space<vmem>> -> memref<1x100xi32, #tpu.memory_space<vmem>>
      %dma_wait3A_690 = tpu.memref_squeeze %dma_wait3A_689 : memref<1x100xi32, #tpu.memory_space<vmem>> -> memref<100xi32, #tpu.memory_space<vmem>>
      %dma_wait3A_691 = arith.constant 0 : i32
      %dma_wait3A_692 = arith.constant 0 : i32
      %dma_wait3A_693 = tpu.memref_slice %arg11[%dma_wait3A_691, %dma_wait3A_692] : memref<10240x128xf32, #tpu.memory_space<vmem_shared>> -> memref<10240x128xf32, #tpu.memory_space<vmem_shared>>
      tpu.wait_indirect_dma semaphore(%arg15 : memref<!tpu.dma_semaphore, #tpu.memory_space<semaphore_mem>>) src(%arg8 : memref<100x128xf32, #tpu.memory_space<vmem>>) dst(%dma_wait3A_693 : memref<10240x128xf32, #tpu.memory_space<vmem_shared>>)
      %dma_start3A_694 = arith.constant 24 : i32
      %dma_start3A_695 = arith.constant 0 : i32
      %dma_start3A_696 = tpu.memref_slice %arg6[%dma_start3A_694, %dma_start3A_695] : memref<25x100xi32, #tpu.memory_space<vmem>> -> memref<1x100xi32, #tpu.memory_space<vmem>>
      %dma_start3A_697 = tpu.memref_squeeze %dma_start3A_696 : memref<1x100xi32, #tpu.memory_space<vmem>> -> memref<100xi32, #tpu.memory_space<vmem>>
      %dma_start3A_698 = arith.constant 0 : i32
      %dma_start3A_699 = arith.constant 0 : i32
      %dma_start3A_700 = tpu.memref_slice %arg2[%dma_start3A_698, %dma_start3A_699] : memref<10000x128xf32, #tpu.memory_space<hbm>> -> memref<10000x128xf32, #tpu.memory_space<hbm>>
      tpu.enqueue_indirect_dma source(%dma_start3A_700 : memref<10000x128xf32, #tpu.memory_space<hbm>>) target(%arg8 : memref<100x128xf32, #tpu.memory_space<vmem>>) offsets(%dma_start3A_697 : memref<100xi32, #tpu.memory_space<vmem>>) semaphore(%arg12 : memref<!tpu.dma_semaphore, #tpu.memory_space<semaphore_mem>>)
      %dma_wait3A_701 = arith.constant 22 : i32
      %dma_wait3A_702 = arith.constant 0 : i32
      %dma_wait3A_703 = tpu.memref_slice %arg6[%dma_wait3A_701, %dma_wait3A_702] : memref<25x100xi32, #tpu.memory_space<vmem>> -> memref<1x100xi32, #tpu.memory_space<vmem>>
      %dma_wait3A_704 = tpu.memref_squeeze %dma_wait3A_703 : memref<1x100xi32, #tpu.memory_space<vmem>> -> memref<100xi32, #tpu.memory_space<vmem>>
      %dma_wait3A_705 = arith.constant 0 : i32
      %dma_wait3A_706 = arith.constant 0 : i32
      %dma_wait3A_707 = tpu.memref_slice %arg2[%dma_wait3A_705, %dma_wait3A_706] : memref<10000x128xf32, #tpu.memory_space<hbm>> -> memref<10000x128xf32, #tpu.memory_space<hbm>>
      tpu.wait_indirect_dma semaphore(%arg13 : memref<!tpu.dma_semaphore, #tpu.memory_space<semaphore_mem>>) src(%dma_wait3A_707 : memref<10000x128xf32, #tpu.memory_space<hbm>>) dst(%arg9 : memref<100x128xf32, #tpu.memory_space<vmem>>)
      %dma_start3A_708 = arith.constant 22 : i32
      %dma_start3A_709 = arith.constant 0 : i32
      %dma_start3A_710 = tpu.memref_slice %arg7[%dma_start3A_708, %dma_start3A_709] : memref<25x100xi32, #tpu.memory_space<vmem>> -> memref<1x100xi32, #tpu.memory_space<vmem>>
      %dma_start3A_711 = tpu.memref_squeeze %dma_start3A_710 : memref<1x100xi32, #tpu.memory_space<vmem>> -> memref<100xi32, #tpu.memory_space<vmem>>
      %dma_start3A_712 = arith.constant 0 : i32
      %dma_start3A_713 = arith.constant 0 : i32
      %dma_start3A_714 = tpu.memref_slice %arg11[%dma_start3A_712, %dma_start3A_713] : memref<10240x128xf32, #tpu.memory_space<vmem_shared>> -> memref<10240x128xf32, #tpu.memory_space<vmem_shared>>
      tpu.enqueue_indirect_dma source(%arg9 : memref<100x128xf32, #tpu.memory_space<vmem>>) target(%dma_start3A_714 : memref<10240x128xf32, #tpu.memory_space<vmem_shared>>) offsets(%dma_start3A_711 : memref<100xi32, #tpu.memory_space<vmem>>) semaphore(%arg16 : memref<!tpu.dma_semaphore, #tpu.memory_space<semaphore_mem>>) {add = true}
      %dma_wait3A_715 = arith.constant 22 : i32
      %dma_wait3A_716 = arith.constant 0 : i32
      %dma_wait3A_717 = tpu.memref_slice %arg7[%dma_wait3A_715, %dma_wait3A_716] : memref<25x100xi32, #tpu.memory_space<vmem>> -> memref<1x100xi32, #tpu.memory_space<vmem>>
      %dma_wait3A_718 = tpu.memref_squeeze %dma_wait3A_717 : memref<1x100xi32, #tpu.memory_space<vmem>> -> memref<100xi32, #tpu.memory_space<vmem>>
      %dma_wait3A_719 = arith.constant 0 : i32
      %dma_wait3A_720 = arith.constant 0 : i32
      %dma_wait3A_721 = tpu.memref_slice %arg11[%dma_wait3A_719, %dma_wait3A_720] : memref<10240x128xf32, #tpu.memory_space<vmem_shared>> -> memref<10240x128xf32, #tpu.memory_space<vmem_shared>>
      tpu.wait_indirect_dma semaphore(%arg16 : memref<!tpu.dma_semaphore, #tpu.memory_space<semaphore_mem>>) src(%arg9 : memref<100x128xf32, #tpu.memory_space<vmem>>) dst(%dma_wait3A_721 : memref<10240x128xf32, #tpu.memory_space<vmem_shared>>)
      %dma_wait3A_722 = arith.constant 23 : i32
      %dma_wait3A_723 = arith.constant 0 : i32
      %dma_wait3A_724 = tpu.memref_slice %arg6[%dma_wait3A_722, %dma_wait3A_723] : memref<25x100xi32, #tpu.memory_space<vmem>> -> memref<1x100xi32, #tpu.memory_space<vmem>>
      %dma_wait3A_725 = tpu.memref_squeeze %dma_wait3A_724 : memref<1x100xi32, #tpu.memory_space<vmem>> -> memref<100xi32, #tpu.memory_space<vmem>>
      %dma_wait3A_726 = arith.constant 0 : i32
      %dma_wait3A_727 = arith.constant 0 : i32
      %dma_wait3A_728 = tpu.memref_slice %arg2[%dma_wait3A_726, %dma_wait3A_727] : memref<10000x128xf32, #tpu.memory_space<hbm>> -> memref<10000x128xf32, #tpu.memory_space<hbm>>
      tpu.wait_indirect_dma semaphore(%arg14 : memref<!tpu.dma_semaphore, #tpu.memory_space<semaphore_mem>>) src(%dma_wait3A_728 : memref<10000x128xf32, #tpu.memory_space<hbm>>) dst(%arg10 : memref<100x128xf32, #tpu.memory_space<vmem>>)
      %dma_start3A_729 = arith.constant 23 : i32
      %dma_start3A_730 = arith.constant 0 : i32
      %dma_start3A_731 = tpu.memref_slice %arg7[%dma_start3A_729, %dma_start3A_730] : memref<25x100xi32, #tpu.memory_space<vmem>> -> memref<1x100xi32, #tpu.memory_space<vmem>>
      %dma_start3A_732 = tpu.memref_squeeze %dma_start3A_731 : memref<1x100xi32, #tpu.memory_space<vmem>> -> memref<100xi32, #tpu.memory_space<vmem>>
      %dma_start3A_733 = arith.constant 0 : i32
      %dma_start3A_734 = arith.constant 0 : i32
      %dma_start3A_735 = tpu.memref_slice %arg11[%dma_start3A_733, %dma_start3A_734] : memref<10240x128xf32, #tpu.memory_space<vmem_shared>> -> memref<10240x128xf32, #tpu.memory_space<vmem_shared>>
      tpu.enqueue_indirect_dma source(%arg10 : memref<100x128xf32, #tpu.memory_space<vmem>>) target(%dma_start3A_735 : memref<10240x128xf32, #tpu.memory_space<vmem_shared>>) offsets(%dma_start3A_732 : memref<100xi32, #tpu.memory_space<vmem>>) semaphore(%arg17 : memref<!tpu.dma_semaphore, #tpu.memory_space<semaphore_mem>>) {add = true}
      %dma_wait3A_736 = arith.constant 23 : i32
      %dma_wait3A_737 = arith.constant 0 : i32
      %dma_wait3A_738 = tpu.memref_slice %arg7[%dma_wait3A_736, %dma_wait3A_737] : memref<25x100xi32, #tpu.memory_space<vmem>> -> memref<1x100xi32, #tpu.memory_space<vmem>>
      %dma_wait3A_739 = tpu.memref_squeeze %dma_wait3A_738 : memref<1x100xi32, #tpu.memory_space<vmem>> -> memref<100xi32, #tpu.memory_space<vmem>>
      %dma_wait3A_740 = arith.constant 0 : i32
      %dma_wait3A_741 = arith.constant 0 : i32
      %dma_wait3A_742 = tpu.memref_slice %arg11[%dma_wait3A_740, %dma_wait3A_741] : memref<10240x128xf32, #tpu.memory_space<vmem_shared>> -> memref<10240x128xf32, #tpu.memory_space<vmem_shared>>
      tpu.wait_indirect_dma semaphore(%arg17 : memref<!tpu.dma_semaphore, #tpu.memory_space<semaphore_mem>>) src(%arg10 : memref<100x128xf32, #tpu.memory_space<vmem>>) dst(%dma_wait3A_742 : memref<10240x128xf32, #tpu.memory_space<vmem_shared>>)
      %dma_wait3A_743 = arith.constant 24 : i32
      %dma_wait3A_744 = arith.constant 0 : i32
      %dma_wait3A_745 = tpu.memref_slice %arg6[%dma_wait3A_743, %dma_wait3A_744] : memref<25x100xi32, #tpu.memory_space<vmem>> -> memref<1x100xi32, #tpu.memory_space<vmem>>
      %dma_wait3A_746 = tpu.memref_squeeze %dma_wait3A_745 : memref<1x100xi32, #tpu.memory_space<vmem>> -> memref<100xi32, #tpu.memory_space<vmem>>
      %dma_wait3A_747 = arith.constant 0 : i32
      %dma_wait3A_748 = arith.constant 0 : i32
      %dma_wait3A_749 = tpu.memref_slice %arg2[%dma_wait3A_747, %dma_wait3A_748] : memref<10000x128xf32, #tpu.memory_space<hbm>> -> memref<10000x128xf32, #tpu.memory_space<hbm>>
      tpu.wait_indirect_dma semaphore(%arg12 : memref<!tpu.dma_semaphore, #tpu.memory_space<semaphore_mem>>) src(%dma_wait3A_749 : memref<10000x128xf32, #tpu.memory_space<hbm>>) dst(%arg8 : memref<100x128xf32, #tpu.memory_space<vmem>>)
      %dma_start3A_750 = arith.constant 24 : i32
      %dma_start3A_751 = arith.constant 0 : i32
      %dma_start3A_752 = tpu.memref_slice %arg7[%dma_start3A_750, %dma_start3A_751] : memref<25x100xi32, #tpu.memory_space<vmem>> -> memref<1x100xi32, #tpu.memory_space<vmem>>
      %dma_start3A_753 = tpu.memref_squeeze %dma_start3A_752 : memref<1x100xi32, #tpu.memory_space<vmem>> -> memref<100xi32, #tpu.memory_space<vmem>>
      %dma_start3A_754 = arith.constant 0 : i32
      %dma_start3A_755 = arith.constant 0 : i32
      %dma_start3A_756 = tpu.memref_slice %arg11[%dma_start3A_754, %dma_start3A_755] : memref<10240x128xf32, #tpu.memory_space<vmem_shared>> -> memref<10240x128xf32, #tpu.memory_space<vmem_shared>>
      tpu.enqueue_indirect_dma source(%arg8 : memref<100x128xf32, #tpu.memory_space<vmem>>) target(%dma_start3A_756 : memref<10240x128xf32, #tpu.memory_space<vmem_shared>>) offsets(%dma_start3A_753 : memref<100xi32, #tpu.memory_space<vmem>>) semaphore(%arg15 : memref<!tpu.dma_semaphore, #tpu.memory_space<semaphore_mem>>) {add = true}
      %dma_wait3A_757 = arith.constant 24 : i32
      %dma_wait3A_758 = arith.constant 0 : i32
      %dma_wait3A_759 = tpu.memref_slice %arg7[%dma_wait3A_757, %dma_wait3A_758] : memref<25x100xi32, #tpu.memory_space<vmem>> -> memref<1x100xi32, #tpu.memory_space<vmem>>
      %dma_wait3A_760 = tpu.memref_squeeze %dma_wait3A_759 : memref<1x100xi32, #tpu.memory_space<vmem>> -> memref<100xi32, #tpu.memory_space<vmem>>
      %dma_wait3A_761 = arith.constant 0 : i32
      %dma_wait3A_762 = arith.constant 0 : i32
      %dma_wait3A_763 = tpu.memref_slice %arg11[%dma_wait3A_761, %dma_wait3A_762] : memref<10240x128xf32, #tpu.memory_space<vmem_shared>> -> memref<10240x128xf32, #tpu.memory_space<vmem_shared>>
      tpu.wait_indirect_dma semaphore(%arg15 : memref<!tpu.dma_semaphore, #tpu.memory_space<semaphore_mem>>) src(%arg8 : memref<100x128xf32, #tpu.memory_space<vmem>>) dst(%dma_wait3A_763 : memref<10240x128xf32, #tpu.memory_space<vmem_shared>>)
      %scan3A_764 = arith.constant 0 : i32
      scf.yield %scan3A_764 : i32
    }
    %scan3A_30 = arith.constant 4 : i32
    %barrier3A_31 = arith.constant 0 : index
    tpu.barrier barrier_id(%barrier3A_31)
    "tpu.region"() ({
      %run_scoped3A = tpu.sem_alloc : memref<!tpu.dma_semaphore, #tpu.memory_space<semaphore_mem>>
      %dma_start3A = arith.constant 0 : i32
      %dma_start3A_32 = tpu.memref_slice %arg5[%arg0, %mul3A_9, %dma_start3A] : memref<2x10240x128xf32, #tpu.memory_space<hbm>> -> memref<1x640x128xf32, #tpu.memory_space<hbm>>
      %dma_start3A_33 = tpu.memref_squeeze %dma_start3A_32 : memref<1x640x128xf32, #tpu.memory_space<hbm>> -> memref<640x128xf32, #tpu.memory_space<hbm>>
      %dma_start3A_34 = arith.constant 0 : i32
      %dma_start3A_35 = tpu.memref_slice %arg11[%mul3A_9, %dma_start3A_34] : memref<10240x128xf32, #tpu.memory_space<vmem_shared>> -> memref<640x128xf32, #tpu.memory_space<vmem_shared>>
      tpu.enqueue_dma source(%dma_start3A_35 : memref<640x128xf32, #tpu.memory_space<vmem_shared>>) target(%dma_start3A_33 : memref<640x128xf32, #tpu.memory_space<hbm>>) target_semaphore(%run_scoped3A : memref<!tpu.dma_semaphore, #tpu.memory_space<semaphore_mem>>)
      %dma_wait3A = arith.constant 0 : i32
      %dma_wait3A_36 = tpu.memref_slice %arg5[%arg0, %mul3A_9, %dma_wait3A] : memref<2x10240x128xf32, #tpu.memory_space<hbm>> -> memref<1x640x128xf32, #tpu.memory_space<hbm>>
      %dma_wait3A_37 = tpu.memref_squeeze %dma_wait3A_36 : memref<1x640x128xf32, #tpu.memory_space<hbm>> -> memref<640x128xf32, #tpu.memory_space<hbm>>
      %dma_wait3A_38 = arith.constant 0 : i32
      %dma_wait3A_39 = tpu.memref_slice %arg11[%mul3A_9, %dma_wait3A_38] : memref<10240x128xf32, #tpu.memory_space<vmem_shared>> -> memref<640x128xf32, #tpu.memory_space<vmem_shared>>
      tpu.wait_dma2 semaphore(%run_scoped3A : memref<!tpu.dma_semaphore, #tpu.memory_space<semaphore_mem>>) src(%dma_wait3A_39 : memref<640x128xf32, #tpu.memory_space<vmem_shared>>) dst(%dma_wait3A_37 : memref<640x128xf32, #tpu.memory_space<hbm>>)
      tpu.yield
    }) : () -> ()
    return
  }
}

#map = affine_map<(d0, d1) -> (0, 0)>
#map1 = affine_map<(d0, d1) -> (0, 0, 0, 0)>
#map2 = affine_map<(d0, d1) -> (0, 0, 0)>
module attributes {stable_mosaic.version = 14 : i64} {
  func.func @_sc_scatter(%arg0: i32, %arg1: i32, %arg2: memref<10000x128xf32, #tpu.memory_space<hbm>>, %arg3: memref<32x4x25x100xi32, #tpu.memory_space<hbm>>, %arg4: memref<32x4x25x100xi32, #tpu.memory_space<hbm>>, %arg5: memref<2x10240x128xf32, #tpu.memory_space<hbm>>, %arg6: memref<25x100xi32, #tpu.memory_space<vmem>>, %arg7: memref<25x100xi32, #tpu.memory_space<vmem>>, %arg8: memref<100x128xf32, #tpu.memory_space<vmem>>, %arg9: memref<100x128xf32, #tpu.memory_space<vmem>>, %arg10: memref<100x128xf32, #tpu.memory_space<vmem>>, %arg11: memref<10240x128xf32, #tpu.memory_space<vmem_shared>>, %arg12: memref<!tpu.dma_semaphore, #tpu.memory_space<semaphore_mem>>, %arg13: memref<!tpu.dma_semaphore, #tpu.memory_space<semaphore_mem>>, %arg14: memref<!tpu.dma_semaphore, #tpu.memory_space<semaphore_mem>>, %arg15: memref<!tpu.dma_semaphore, #tpu.memory_space<semaphore_mem>>, %arg16: memref<!tpu.dma_semaphore, #tpu.memory_space<semaphore_mem>>, %arg17: memref<!tpu.dma_semaphore, #tpu.memory_space<semaphore_mem>>) attributes {dimension_semantics = [#tpu.dimension_semantics<core_parallel>, #tpu.dimension_semantics<subcore_parallel>], iteration_bounds = array<i64: 2, 16>, scalar_prefetch = 0 : i64, scratch_operands = 12 : i64, tpu.core_type = #tpu.core_type<sc_vector_subcore>, window_params = [{transform_indices = #map}, {transform_indices = #map1}, {transform_indices = #map1}, {transform_indices = #map2}]} {
    %mul3A = arith.constant 2 : i32
    %mul3A_0 = arith.muli %arg1, %mul3A : i32
    %add3A = arith.addi %mul3A_0, %arg0 : i32
    %broadcast_in_dim3A = arith.constant 0.000000e+00 : f32
    %broadcast_in_dim3A_1 = vector.broadcast %broadcast_in_dim3A : f32 to vector<16xf32>
    %scan3A = arith.constant 0 : i32
    %scan3A_2 = arith.constant 0 : i32
    %scan3A_3 = arith.constant 800 : i32
    %scan3A_4 = arith.addi %scan3A_2, %scan3A_3 : i32
    %scan3A_5 = arith.constant 1 : i32
    %scan3A_6 = scf.for %scan3A_32 = %scan3A_2 to %scan3A_4 step %scan3A_5 iter_args(%scan3A_33 = %scan3A) -> (i32)  : i32 {
      %jit3A = arith.constant 8 : i32
      %div3A = arith.divsi %scan3A_32, %jit3A : i32
      %sign3A = arith.constant 0 : i32
      %sign3A_34 = arith.cmpi sgt, %scan3A_32, %sign3A : i32
      %sign3A_35 = arith.extui %sign3A_34 : i1 to i32
      %sign3A_36 = arith.constant 0 : i32
      %sign3A_37 = arith.cmpi slt, %scan3A_32, %sign3A_36 : i32
      %sign3A_38 = arith.extui %sign3A_37 : i1 to i32
      %sign3A_39 = arith.subi %sign3A_35, %sign3A_38 : i32
      %sign3A_40 = arith.constant 0 : i32
      %sign3A_41 = arith.cmpi sgt, %jit3A, %sign3A_40 : i32
      %sign3A_42 = arith.extui %sign3A_41 : i1 to i32
      %sign3A_43 = arith.constant 0 : i32
      %sign3A_44 = arith.cmpi slt, %jit3A, %sign3A_43 : i32
      %sign3A_45 = arith.extui %sign3A_44 : i1 to i32
      %sign3A_46 = arith.subi %sign3A_42, %sign3A_45 : i32
      %ne3A = arith.cmpi ne, %sign3A_39, %sign3A_46 : i32
      %rem3A = arith.remsi %scan3A_32, %jit3A : i32
      %ne3A_47 = arith.constant 0 : i32
      %ne3A_48 = arith.cmpi ne, %rem3A, %ne3A_47 : i32
      %and3A = arith.andi %ne3A, %ne3A_48 : i1
      %sub3A = arith.constant 1 : i32
      %sub3A_49 = arith.subi %div3A, %sub3A : i32
      %select_n3A = arith.select %and3A, %sub3A_49, %div3A : i32
      %jit3A_50 = arith.constant 8 : i32
      %eq3A = arith.constant 0 : i32
      %eq3A_51 = arith.cmpi eq, %jit3A_50, %eq3A : i32
      %jit3A_52 = arith.constant 1 : i32
      %select_n3A_53 = arith.select %eq3A_51, %jit3A_52, %jit3A_50 : i32
      %rem3A_54 = arith.remsi %scan3A_32, %select_n3A_53 : i32
      %ne3A_55 = arith.constant 0 : i32
      %ne3A_56 = arith.cmpi ne, %rem3A_54, %ne3A_55 : i32
      %lt3A = arith.constant 0 : i32
      %lt3A_57 = arith.cmpi slt, %rem3A_54, %lt3A : i32
      %lt3A_58 = arith.constant 0 : i32
      %lt3A_59 = arith.cmpi slt, %select_n3A_53, %lt3A_58 : i32
      %ne3A_60 = arith.xori %lt3A_57, %lt3A_59 : i1
      %and3A_61 = arith.andi %ne3A_60, %ne3A_56 : i1
      %add3A_62 = arith.addi %rem3A_54, %select_n3A_53 : i32
      %select_n3A_63 = arith.select %and3A_61, %add3A_62, %rem3A_54 : i32
      %mul3A_64 = arith.constant 16 : i32
      %mul3A_65 = arith.muli %select_n3A_63, %mul3A_64 : i32
      %swap3A = arith.index_cast %select_n3A : i32 to index
      %swap3A_66 = arith.index_cast %mul3A_65 : i32 to index
      %swap3A_67 = tpu.vector_load %arg8[%swap3A, %swap3A_66] {strides = array<i32>} : memref<100x128xf32, #tpu.memory_space<vmem>>, vector<1x16xf32>,
      %swap3A_68 = vector.shape_cast %swap3A_67 : vector<1x16xf32> to vector<16xf32>
      %swap3A_69 = vector.shape_cast %broadcast_in_dim3A_1 : vector<16xf32> to vector<1x16xf32>
      tpu.vector_store %arg8[%swap3A, %swap3A_66], %swap3A_69 {strides = array<i32>} : memref<100x128xf32, #tpu.memory_space<vmem>>, vector<1x16xf32>,
      %scan3A_70 = arith.constant 0 : i32
      scf.yield %scan3A_70 : i32
    }
    %scan3A_7 = arith.constant 800 : i32
    %mul3A_8 = arith.constant 640 : i32
    %mul3A_9 = arith.muli %arg1, %mul3A_8 : i32
    %add3A_10 = arith.constant 0 : i32
    %add3A_11 = arith.addi %mul3A_9, %add3A_10 : i32
    "tpu.region"() ({
      %run_scoped3A = tpu.sem_alloc : memref<!tpu.dma_semaphore, #tpu.memory_space<semaphore_mem>>
      %dma_start3A = arith.constant 0 : i32
      %dma_start3A_32 = tpu.memref_slice %arg11[%add3A_11, %dma_start3A] : memref<10240x128xf32, #tpu.memory_space<vmem_shared>> -> memref<100x128xf32, #tpu.memory_space<vmem_shared>>
      %dma_start3A_33 = arith.constant 0 : i32
      %dma_start3A_34 = tpu.memref_slice %arg11[%add3A_11, %dma_start3A_33] : memref<10240x128xf32, #tpu.memory_space<vmem_shared>> -> memref<100x128xf32, #tpu.memory_space<vmem_shared>>
      tpu.enqueue_dma source(%arg8 : memref<100x128xf32, #tpu.memory_space<vmem>>) target(%dma_start3A_34 : memref<100x128xf32, #tpu.memory_space<vmem_shared>>) target_semaphore(%run_scoped3A : memref<!tpu.dma_semaphore, #tpu.memory_space<semaphore_mem>>)
      %dma_wait3A = arith.constant 0 : i32
      %dma_wait3A_35 = tpu.memref_slice %arg11[%add3A_11, %dma_wait3A] : memref<10240x128xf32, #tpu.memory_space<vmem_shared>> -> memref<100x128xf32, #tpu.memory_space<vmem_shared>>
      %dma_wait3A_36 = arith.constant 0 : i32
      %dma_wait3A_37 = tpu.memref_slice %arg11[%add3A_11, %dma_wait3A_36] : memref<10240x128xf32, #tpu.memory_space<vmem_shared>> -> memref<100x128xf32, #tpu.memory_space<vmem_shared>>
      tpu.wait_dma2 semaphore(%run_scoped3A : memref<!tpu.dma_semaphore, #tpu.memory_space<semaphore_mem>>) src(%arg8 : memref<100x128xf32, #tpu.memory_space<vmem>>) dst(%dma_wait3A_37 : memref<100x128xf32, #tpu.memory_space<vmem_shared>>)
      tpu.yield
    }) : () -> ()
    %add3A_12 = arith.constant 100 : i32
    %add3A_13 = arith.addi %mul3A_9, %add3A_12 : i32
    "tpu.region"() ({
      %run_scoped3A = tpu.sem_alloc : memref<!tpu.dma_semaphore, #tpu.memory_space<semaphore_mem>>
      %dma_start3A = arith.constant 0 : i32
      %dma_start3A_32 = tpu.memref_slice %arg11[%add3A_13, %dma_start3A] : memref<10240x128xf32, #tpu.memory_space<vmem_shared>> -> memref<100x128xf32, #tpu.memory_space<vmem_shared>>
      %dma_start3A_33 = arith.constant 0 : i32
      %dma_start3A_34 = tpu.memref_slice %arg11[%add3A_13, %dma_start3A_33] : memref<10240x128xf32, #tpu.memory_space<vmem_shared>> -> memref<100x128xf32, #tpu.memory_space<vmem_shared>>
      tpu.enqueue_dma source(%arg8 : memref<100x128xf32, #tpu.memory_space<vmem>>) target(%dma_start3A_34 : memref<100x128xf32, #tpu.memory_space<vmem_shared>>) target_semaphore(%run_scoped3A : memref<!tpu.dma_semaphore, #tpu.memory_space<semaphore_mem>>)
      %dma_wait3A = arith.constant 0 : i32
      %dma_wait3A_35 = tpu.memref_slice %arg11[%add3A_13, %dma_wait3A] : memref<10240x128xf32, #tpu.memory_space<vmem_shared>> -> memref<100x128xf32, #tpu.memory_space<vmem_shared>>
      %dma_wait3A_36 = arith.constant 0 : i32
      %dma_wait3A_37 = tpu.memref_slice %arg11[%add3A_13, %dma_wait3A_36] : memref<10240x128xf32, #tpu.memory_space<vmem_shared>> -> memref<100x128xf32, #tpu.memory_space<vmem_shared>>
      tpu.wait_dma2 semaphore(%run_scoped3A : memref<!tpu.dma_semaphore, #tpu.memory_space<semaphore_mem>>) src(%arg8 : memref<100x128xf32, #tpu.memory_space<vmem>>) dst(%dma_wait3A_37 : memref<100x128xf32, #tpu.memory_space<vmem_shared>>)
      tpu.yield
    }) : () -> ()
    %add3A_14 = arith.constant 200 : i32
    %add3A_15 = arith.addi %mul3A_9, %add3A_14 : i32
    "tpu.region"() ({
      %run_scoped3A = tpu.sem_alloc : memref<!tpu.dma_semaphore, #tpu.memory_space<semaphore_mem>>
      %dma_start3A = arith.constant 0 : i32
      %dma_start3A_32 = tpu.memref_slice %arg11[%add3A_15, %dma_start3A] : memref<10240x128xf32, #tpu.memory_space<vmem_shared>> -> memref<100x128xf32, #tpu.memory_space<vmem_shared>>
      %dma_start3A_33 = arith.constant 0 : i32
      %dma_start3A_34 = tpu.memref_slice %arg11[%add3A_15, %dma_start3A_33] : memref<10240x128xf32, #tpu.memory_space<vmem_shared>> -> memref<100x128xf32, #tpu.memory_space<vmem_shared>>
      tpu.enqueue_dma source(%arg8 : memref<100x128xf32, #tpu.memory_space<vmem>>) target(%dma_start3A_34 : memref<100x128xf32, #tpu.memory_space<vmem_shared>>) target_semaphore(%run_scoped3A : memref<!tpu.dma_semaphore, #tpu.memory_space<semaphore_mem>>)
      %dma_wait3A = arith.constant 0 : i32
      %dma_wait3A_35 = tpu.memref_slice %arg11[%add3A_15, %dma_wait3A] : memref<10240x128xf32, #tpu.memory_space<vmem_shared>> -> memref<100x128xf32, #tpu.memory_space<vmem_shared>>
      %dma_wait3A_36 = arith.constant 0 : i32
      %dma_wait3A_37 = tpu.memref_slice %arg11[%add3A_15, %dma_wait3A_36] : memref<10240x128xf32, #tpu.memory_space<vmem_shared>> -> memref<100x128xf32, #tpu.memory_space<vmem_shared>>
      tpu.wait_dma2 semaphore(%run_scoped3A : memref<!tpu.dma_semaphore, #tpu.memory_space<semaphore_mem>>) src(%arg8 : memref<100x128xf32, #tpu.memory_space<vmem>>) dst(%dma_wait3A_37 : memref<100x128xf32, #tpu.memory_space<vmem_shared>>)
      tpu.yield
    }) : () -> ()
    %add3A_16 = arith.constant 300 : i32
    %add3A_17 = arith.addi %mul3A_9, %add3A_16 : i32
    "tpu.region"() ({
      %run_scoped3A = tpu.sem_alloc : memref<!tpu.dma_semaphore, #tpu.memory_space<semaphore_mem>>
      %dma_start3A = arith.constant 0 : i32
      %dma_start3A_32 = tpu.memref_slice %arg11[%add3A_17, %dma_start3A] : memref<10240x128xf32, #tpu.memory_space<vmem_shared>> -> memref<100x128xf32, #tpu.memory_space<vmem_shared>>
      %dma_start3A_33 = arith.constant 0 : i32
      %dma_start3A_34 = tpu.memref_slice %arg11[%add3A_17, %dma_start3A_33] : memref<10240x128xf32, #tpu.memory_space<vmem_shared>> -> memref<100x128xf32, #tpu.memory_space<vmem_shared>>
      tpu.enqueue_dma source(%arg8 : memref<100x128xf32, #tpu.memory_space<vmem>>) target(%dma_start3A_34 : memref<100x128xf32, #tpu.memory_space<vmem_shared>>) target_semaphore(%run_scoped3A : memref<!tpu.dma_semaphore, #tpu.memory_space<semaphore_mem>>)
      %dma_wait3A = arith.constant 0 : i32
      %dma_wait3A_35 = tpu.memref_slice %arg11[%add3A_17, %dma_wait3A] : memref<10240x128xf32, #tpu.memory_space<vmem_shared>> -> memref<100x128xf32, #tpu.memory_space<vmem_shared>>
      %dma_wait3A_36 = arith.constant 0 : i32
      %dma_wait3A_37 = tpu.memref_slice %arg11[%add3A_17, %dma_wait3A_36] : memref<10240x128xf32, #tpu.memory_space<vmem_shared>> -> memref<100x128xf32, #tpu.memory_space<vmem_shared>>
      tpu.wait_dma2 semaphore(%run_scoped3A : memref<!tpu.dma_semaphore, #tpu.memory_space<semaphore_mem>>) src(%arg8 : memref<100x128xf32, #tpu.memory_space<vmem>>) dst(%dma_wait3A_37 : memref<100x128xf32, #tpu.memory_space<vmem_shared>>)
      tpu.yield
    }) : () -> ()
    %add3A_18 = arith.constant 400 : i32
    %add3A_19 = arith.addi %mul3A_9, %add3A_18 : i32
    "tpu.region"() ({
      %run_scoped3A = tpu.sem_alloc : memref<!tpu.dma_semaphore, #tpu.memory_space<semaphore_mem>>
      %dma_start3A = arith.constant 0 : i32
      %dma_start3A_32 = tpu.memref_slice %arg11[%add3A_19, %dma_start3A] : memref<10240x128xf32, #tpu.memory_space<vmem_shared>> -> memref<100x128xf32, #tpu.memory_space<vmem_shared>>
      %dma_start3A_33 = arith.constant 0 : i32
      %dma_start3A_34 = tpu.memref_slice %arg11[%add3A_19, %dma_start3A_33] : memref<10240x128xf32, #tpu.memory_space<vmem_shared>> -> memref<100x128xf32, #tpu.memory_space<vmem_shared>>
      tpu.enqueue_dma source(%arg8 : memref<100x128xf32, #tpu.memory_space<vmem>>) target(%dma_start3A_34 : memref<100x128xf32, #tpu.memory_space<vmem_shared>>) target_semaphore(%run_scoped3A : memref<!tpu.dma_semaphore, #tpu.memory_space<semaphore_mem>>)
      %dma_wait3A = arith.constant 0 : i32
      %dma_wait3A_35 = tpu.memref_slice %arg11[%add3A_19, %dma_wait3A] : memref<10240x128xf32, #tpu.memory_space<vmem_shared>> -> memref<100x128xf32, #tpu.memory_space<vmem_shared>>
      %dma_wait3A_36 = arith.constant 0 : i32
      %dma_wait3A_37 = tpu.memref_slice %arg11[%add3A_19, %dma_wait3A_36] : memref<10240x128xf32, #tpu.memory_space<vmem_shared>> -> memref<100x128xf32, #tpu.memory_space<vmem_shared>>
      tpu.wait_dma2 semaphore(%run_scoped3A : memref<!tpu.dma_semaphore, #tpu.memory_space<semaphore_mem>>) src(%arg8 : memref<100x128xf32, #tpu.memory_space<vmem>>) dst(%dma_wait3A_37 : memref<100x128xf32, #tpu.memory_space<vmem_shared>>)
      tpu.yield
    }) : () -> ()
    %add3A_20 = arith.constant 500 : i32
    %add3A_21 = arith.addi %mul3A_9, %add3A_20 : i32
    "tpu.region"() ({
      %run_scoped3A = tpu.sem_alloc : memref<!tpu.dma_semaphore, #tpu.memory_space<semaphore_mem>>
      %dma_start3A = arith.constant 0 : i32
      %dma_start3A_32 = tpu.memref_slice %arg11[%add3A_21, %dma_start3A] : memref<10240x128xf32, #tpu.memory_space<vmem_shared>> -> memref<100x128xf32, #tpu.memory_space<vmem_shared>>
      %dma_start3A_33 = arith.constant 0 : i32
      %dma_start3A_34 = tpu.memref_slice %arg11[%add3A_21, %dma_start3A_33] : memref<10240x128xf32, #tpu.memory_space<vmem_shared>> -> memref<100x128xf32, #tpu.memory_space<vmem_shared>>
      tpu.enqueue_dma source(%arg8 : memref<100x128xf32, #tpu.memory_space<vmem>>) target(%dma_start3A_34 : memref<100x128xf32, #tpu.memory_space<vmem_shared>>) target_semaphore(%run_scoped3A : memref<!tpu.dma_semaphore, #tpu.memory_space<semaphore_mem>>)
      %dma_wait3A = arith.constant 0 : i32
      %dma_wait3A_35 = tpu.memref_slice %arg11[%add3A_21, %dma_wait3A] : memref<10240x128xf32, #tpu.memory_space<vmem_shared>> -> memref<100x128xf32, #tpu.memory_space<vmem_shared>>
      %dma_wait3A_36 = arith.constant 0 : i32
      %dma_wait3A_37 = tpu.memref_slice %arg11[%add3A_21, %dma_wait3A_36] : memref<10240x128xf32, #tpu.memory_space<vmem_shared>> -> memref<100x128xf32, #tpu.memory_space<vmem_shared>>
      tpu.wait_dma2 semaphore(%run_scoped3A : memref<!tpu.dma_semaphore, #tpu.memory_space<semaphore_mem>>) src(%arg8 : memref<100x128xf32, #tpu.memory_space<vmem>>) dst(%dma_wait3A_37 : memref<100x128xf32, #tpu.memory_space<vmem_shared>>)
      tpu.yield
    }) : () -> ()
    %add3A_22 = arith.constant 600 : i32
    %add3A_23 = arith.addi %mul3A_9, %add3A_22 : i32
    "tpu.region"() ({
      %run_scoped3A = tpu.sem_alloc : memref<!tpu.dma_semaphore, #tpu.memory_space<semaphore_mem>>
      %dma_start3A = arith.constant 0 : i32
      %dma_start3A_32 = arith.constant 0 : i32
      %dma_start3A_33 = tpu.memref_slice %arg8[%dma_start3A, %dma_start3A_32] : memref<100x128xf32, #tpu.memory_space<vmem>> -> memref<40x128xf32, #tpu.memory_space<vmem>>
      %dma_start3A_34 = arith.constant 0 : i32
      %dma_start3A_35 = tpu.memref_slice %arg11[%add3A_23, %dma_start3A_34] : memref<10240x128xf32, #tpu.memory_space<vmem_shared>> -> memref<40x128xf32, #tpu.memory_space<vmem_shared>>
      %dma_start3A_36 = arith.constant 0 : i32
      %dma_start3A_37 = tpu.memref_slice %arg11[%add3A_23, %dma_start3A_36] : memref<10240x128xf32, #tpu.memory_space<vmem_shared>> -> memref<40x128xf32, #tpu.memory_space<vmem_shared>>
      %dma_start3A_38 = arith.constant 0 : i32
      %dma_start3A_39 = arith.constant 0 : i32
      %dma_start3A_40 = tpu.memref_slice %arg8[%dma_start3A_38, %dma_start3A_39] : memref<100x128xf32, #tpu.memory_space<vmem>> -> memref<40x128xf32, #tpu.memory_space<vmem>>
      tpu.enqueue_dma source(%dma_start3A_40 : memref<40x128xf32, #tpu.memory_space<vmem>>) target(%dma_start3A_37 : memref<40x128xf32, #tpu.memory_space<vmem_shared>>) target_semaphore(%run_scoped3A : memref<!tpu.dma_semaphore, #tpu.memory_space<semaphore_mem>>)
      %dma_wait3A = arith.constant 0 : i32
      %dma_wait3A_41 = arith.constant 0 : i32
      %dma_wait3A_42 = tpu.memref_slice %arg8[%dma_wait3A, %dma_wait3A_41] : memref<100x128xf32, #tpu.memory_space<vmem>> -> memref<40x128xf32, #tpu.memory_space<vmem>>
      %dma_wait3A_43 = arith.constant 0 : i32
      %dma_wait3A_44 = tpu.memref_slice %arg11[%add3A_23, %dma_wait3A_43] : memref<10240x128xf32, #tpu.memory_space<vmem_shared>> -> memref<40x128xf32, #tpu.memory_space<vmem_shared>>
      %dma_wait3A_45 = arith.constant 0 : i32
      %dma_wait3A_46 = tpu.memref_slice %arg11[%add3A_23, %dma_wait3A_45] : memref<10240x128xf32, #tpu.memory_space<vmem_shared>> -> memref<40x128xf32, #tpu.memory_space<vmem_shared>>
      %dma_wait3A_47 = arith.constant 0 : i32
      %dma_wait3A_48 = arith.constant 0 : i32
      %dma_wait3A_49 = tpu.memref_slice %arg8[%dma_wait3A_47, %dma_wait3A_48] : memref<100x128xf32, #tpu.memory_space<vmem>> -> memref<40x128xf32, #tpu.memory_space<vmem>>
      tpu.wait_dma2 semaphore(%run_scoped3A : memref<!tpu.dma_semaphore, #tpu.memory_space<semaphore_mem>>) src(%dma_wait3A_49 : memref<40x128xf32, #tpu.memory_space<vmem>>) dst(%dma_wait3A_46 : memref<40x128xf32, #tpu.memory_space<vmem_shared>>)
      tpu.yield
    }) : () -> ()
    %barrier3A = arith.constant 0 : index
    tpu.barrier barrier_id(%barrier3A)
    %scan3A_24 = arith.constant 0 : i32
    %scan3A_25 = arith.constant 0 : i32
    %scan3A_26 = arith.constant 4 : i32
    %scan3A_27 = arith.addi %scan3A_25, %scan3A_26 : i32
    %scan3A_28 = arith.constant 1 : i32
    %scan3A_29 = scf.for %scan3A_32 = %scan3A_25 to %scan3A_27 step %scan3A_28 iter_args(%scan3A_33 = %scan3A_24) -> (i32)  : i32 {
      %dma_start3A = arith.constant 0 : i32
      %dma_start3A_34 = arith.constant 0 : i32
      %dma_start3A_35 = tpu.memref_slice %arg3[%add3A, %scan3A_32, %dma_start3A, %dma_start3A_34] : memref<32x4x25x100xi32, #tpu.memory_space<hbm>> -> memref<1x1x25x100xi32, #tpu.memory_space<hbm>>
      %dma_start3A_36 = tpu.memref_squeeze %dma_start3A_35 : memref<1x1x25x100xi32, #tpu.memory_space<hbm>> -> memref<25x100xi32, #tpu.memory_space<hbm>>
      %dma_start3A_37 = arith.constant 0 : i32
      %dma_start3A_38 = arith.constant 0 : i32
      %dma_start3A_39 = tpu.memref_slice %arg3[%add3A, %scan3A_32, %dma_start3A_37, %dma_start3A_38] : memref<32x4x25x100xi32, #tpu.memory_space<hbm>> -> memref<1x1x25x100xi32, #tpu.memory_space<hbm>>
      %dma_start3A_40 = tpu.memref_squeeze %dma_start3A_39 : memref<1x1x25x100xi32, #tpu.memory_space<hbm>> -> memref<25x100xi32, #tpu.memory_space<hbm>>
      tpu.enqueue_dma source(%dma_start3A_40 : memref<25x100xi32, #tpu.memory_space<hbm>>) target(%arg6 : memref<25x100xi32, #tpu.memory_space<vmem>>) target_semaphore(%arg12 : memref<!tpu.dma_semaphore, #tpu.memory_space<semaphore_mem>>)
      %dma_start3A_41 = arith.constant 0 : i32
      %dma_start3A_42 = arith.constant 0 : i32
      %dma_start3A_43 = tpu.memref_slice %arg4[%add3A, %scan3A_32, %dma_start3A_41, %dma_start3A_42] : memref<32x4x25x100xi32, #tpu.memory_space<hbm>> -> memref<1x1x25x100xi32, #tpu.memory_space<hbm>>
      %dma_start3A_44 = tpu.memref_squeeze %dma_start3A_43 : memref<1x1x25x100xi32, #tpu.memory_space<hbm>> -> memref<25x100xi32, #tpu.memory_space<hbm>>
      %dma_start3A_45 = arith.constant 0 : i32
      %dma_start3A_46 = arith.constant 0 : i32
      %dma_start3A_47 = tpu.memref_slice %arg4[%add3A, %scan3A_32, %dma_start3A_45, %dma_start3A_46] : memref<32x4x25x100xi32, #tpu.memory_space<hbm>> -> memref<1x1x25x100xi32, #tpu.memory_space<hbm>>
      %dma_start3A_48 = tpu.memref_squeeze %dma_start3A_47 : memref<1x1x25x100xi32, #tpu.memory_space<hbm>> -> memref<25x100xi32, #tpu.memory_space<hbm>>
      tpu.enqueue_dma source(%dma_start3A_48 : memref<25x100xi32, #tpu.memory_space<hbm>>) target(%arg7 : memref<25x100xi32, #tpu.memory_space<vmem>>) target_semaphore(%arg13 : memref<!tpu.dma_semaphore, #tpu.memory_space<semaphore_mem>>)
      %dma_wait3A = arith.constant 0 : i32
      %dma_wait3A_49 = arith.constant 0 : i32
      %dma_wait3A_50 = tpu.memref_slice %arg3[%add3A, %scan3A_32, %dma_wait3A, %dma_wait3A_49] : memref<32x4x25x100xi32, #tpu.memory_space<hbm>> -> memref<1x1x25x100xi32, #tpu.memory_space<hbm>>
      %dma_wait3A_51 = tpu.memref_squeeze %dma_wait3A_50 : memref<1x1x25x100xi32, #tpu.memory_space<hbm>> -> memref<25x100xi32, #tpu.memory_space<hbm>>
      %dma_wait3A_52 = arith.constant 0 : i32
      %dma_wait3A_53 = arith.constant 0 : i32
      %dma_wait3A_54 = tpu.memref_slice %arg3[%add3A, %scan3A_32, %dma_wait3A_52, %dma_wait3A_53] : memref<32x4x25x100xi32, #tpu.memory_space<hbm>> -> memref<1x1x25x100xi32, #tpu.memory_space<hbm>>
      %dma_wait3A_55 = tpu.memref_squeeze %dma_wait3A_54 : memref<1x1x25x100xi32, #tpu.memory_space<hbm>> -> memref<25x100xi32, #tpu.memory_space<hbm>>
      tpu.wait_dma2 semaphore(%arg12 : memref<!tpu.dma_semaphore, #tpu.memory_space<semaphore_mem>>) src(%dma_wait3A_55 : memref<25x100xi32, #tpu.memory_space<hbm>>) dst(%arg6 : memref<25x100xi32, #tpu.memory_space<vmem>>)
      %dma_wait3A_56 = arith.constant 0 : i32
      %dma_wait3A_57 = arith.constant 0 : i32
      %dma_wait3A_58 = tpu.memref_slice %arg4[%add3A, %scan3A_32, %dma_wait3A_56, %dma_wait3A_57] : memref<32x4x25x100xi32, #tpu.memory_space<hbm>> -> memref<1x1x25x100xi32, #tpu.memory_space<hbm>>
      %dma_wait3A_59 = tpu.memref_squeeze %dma_wait3A_58 : memref<1x1x25x100xi32, #tpu.memory_space<hbm>> -> memref<25x100xi32, #tpu.memory_space<hbm>>
      %dma_wait3A_60 = arith.constant 0 : i32
      %dma_wait3A_61 = arith.constant 0 : i32
      %dma_wait3A_62 = tpu.memref_slice %arg4[%add3A, %scan3A_32, %dma_wait3A_60, %dma_wait3A_61] : memref<32x4x25x100xi32, #tpu.memory_space<hbm>> -> memref<1x1x25x100xi32, #tpu.memory_space<hbm>>
      %dma_wait3A_63 = tpu.memref_squeeze %dma_wait3A_62 : memref<1x1x25x100xi32, #tpu.memory_space<hbm>> -> memref<25x100xi32, #tpu.memory_space<hbm>>
      tpu.wait_dma2 semaphore(%arg13 : memref<!tpu.dma_semaphore, #tpu.memory_space<semaphore_mem>>) src(%dma_wait3A_63 : memref<25x100xi32, #tpu.memory_space<hbm>>) dst(%arg7 : memref<25x100xi32, #tpu.memory_space<vmem>>)
      %dma_start3A_64 = arith.constant 0 : i32
      %dma_start3A_65 = arith.constant 0 : i32
      %dma_start3A_66 = tpu.memref_slice %arg6[%dma_start3A_64, %dma_start3A_65] : memref<25x100xi32, #tpu.memory_space<vmem>> -> memref<1x100xi32, #tpu.memory_space<vmem>>
      %dma_start3A_67 = tpu.memref_squeeze %dma_start3A_66 : memref<1x100xi32, #tpu.memory_space<vmem>> -> memref<100xi32, #tpu.memory_space<vmem>>
      %dma_start3A_68 = arith.constant 0 : i32
      %dma_start3A_69 = arith.constant 0 : i32
      %dma_start3A_70 = tpu.memref_slice %arg2[%dma_start3A_68, %dma_start3A_69] : memref<10000x128xf32, #tpu.memory_space<hbm>> -> memref<10000x128xf32, #tpu.memory_space<hbm>>
      tpu.enqueue_indirect_dma source(%dma_start3A_70 : memref<10000x128xf32, #tpu.memory_space<hbm>>) target(%arg8 : memref<100x128xf32, #tpu.memory_space<vmem>>) offsets(%dma_start3A_67 : memref<100xi32, #tpu.memory_space<vmem>>) semaphore(%arg12 : memref<!tpu.dma_semaphore, #tpu.memory_space<semaphore_mem>>)
      %dma_start3A_71 = arith.constant 1 : i32
      %dma_start3A_72 = arith.constant 0 : i32
      %dma_start3A_73 = tpu.memref_slice %arg6[%dma_start3A_71, %dma_start3A_72] : memref<25x100xi32, #tpu.memory_space<vmem>> -> memref<1x100xi32, #tpu.memory_space<vmem>>
      %dma_start3A_74 = tpu.memref_squeeze %dma_start3A_73 : memref<1x100xi32, #tpu.memory_space<vmem>> -> memref<100xi32, #tpu.memory_space<vmem>>
      %dma_start3A_75 = arith.constant 0 : i32
      %dma_start3A_76 = arith.constant 0 : i32
      %dma_start3A_77 = tpu.memref_slice %arg2[%dma_start3A_75, %dma_start3A_76] : memref<10000x128xf32, #tpu.memory_space<hbm>> -> memref<10000x128xf32, #tpu.memory_space<hbm>>
      tpu.enqueue_indirect_dma source(%dma_start3A_77 : memref<10000x128xf32, #tpu.memory_space<hbm>>) target(%arg9 : memref<100x128xf32, #tpu.memory_space<vmem>>) offsets(%dma_start3A_74 : memref<100xi32, #tpu.memory_space<vmem>>) semaphore(%arg13 : memref<!tpu.dma_semaphore, #tpu.memory_space<semaphore_mem>>)
      %dma_start3A_78 = arith.constant 2 : i32
      %dma_start3A_79 = arith.constant 0 : i32
      %dma_start3A_80 = tpu.memref_slice %arg6[%dma_start3A_78, %dma_start3A_79] : memref<25x100xi32, #tpu.memory_space<vmem>> -> memref<1x100xi32, #tpu.memory_space<vmem>>
      %dma_start3A_81 = tpu.memref_squeeze %dma_start3A_80 : memref<1x100xi32, #tpu.memory_space<vmem>> -> memref<100xi32, #tpu.memory_space<vmem>>
      %dma_start3A_82 = arith.constant 0 : i32
      %dma_start3A_83 = arith.constant 0 : i32
      %dma_start3A_84 = tpu.memref_slice %arg2[%dma_start3A_82, %dma_start3A_83] : memref<10000x128xf32, #tpu.memory_space<hbm>> -> memref<10000x128xf32, #tpu.memory_space<hbm>>
      tpu.enqueue_indirect_dma source(%dma_start3A_84 : memref<10000x128xf32, #tpu.memory_space<hbm>>) target(%arg10 : memref<100x128xf32, #tpu.memory_space<vmem>>) offsets(%dma_start3A_81 : memref<100xi32, #tpu.memory_space<vmem>>) semaphore(%arg14 : memref<!tpu.dma_semaphore, #tpu.memory_space<semaphore_mem>>)
      %dma_wait3A_85 = arith.constant 0 : i32
      %dma_wait3A_86 = arith.constant 0 : i32
      %dma_wait3A_87 = tpu.memref_slice %arg6[%dma_wait3A_85, %dma_wait3A_86] : memref<25x100xi32, #tpu.memory_space<vmem>> -> memref<1x100xi32, #tpu.memory_space<vmem>>
      %dma_wait3A_88 = tpu.memref_squeeze %dma_wait3A_87 : memref<1x100xi32, #tpu.memory_space<vmem>> -> memref<100xi32, #tpu.memory_space<vmem>>
      %dma_wait3A_89 = arith.constant 0 : i32
      %dma_wait3A_90 = arith.constant 0 : i32
      %dma_wait3A_91 = tpu.memref_slice %arg2[%dma_wait3A_89, %dma_wait3A_90] : memref<10000x128xf32, #tpu.memory_space<hbm>> -> memref<10000x128xf32, #tpu.memory_space<hbm>>
      tpu.wait_indirect_dma semaphore(%arg12 : memref<!tpu.dma_semaphore, #tpu.memory_space<semaphore_mem>>) src(%dma_wait3A_91 : memref<10000x128xf32, #tpu.memory_space<hbm>>) dst(%arg8 : memref<100x128xf32, #tpu.memory_space<vmem>>)
      %dma_start3A_92 = arith.constant 0 : i32
      %dma_start3A_93 = arith.constant 0 : i32
      %dma_start3A_94 = tpu.memref_slice %arg7[%dma_start3A_92, %dma_start3A_93] : memref<25x100xi32, #tpu.memory_space<vmem>> -> memref<1x100xi32, #tpu.memory_space<vmem>>
      %dma_start3A_95 = tpu.memref_squeeze %dma_start3A_94 : memref<1x100xi32, #tpu.memory_space<vmem>> -> memref<100xi32, #tpu.memory_space<vmem>>
      %dma_start3A_96 = arith.constant 0 : i32
      %dma_start3A_97 = arith.constant 0 : i32
      %dma_start3A_98 = tpu.memref_slice %arg11[%dma_start3A_96, %dma_start3A_97] : memref<10240x128xf32, #tpu.memory_space<vmem_shared>> -> memref<10240x128xf32, #tpu.memory_space<vmem_shared>>
      tpu.enqueue_indirect_dma source(%arg8 : memref<100x128xf32, #tpu.memory_space<vmem>>) target(%dma_start3A_98 : memref<10240x128xf32, #tpu.memory_space<vmem_shared>>) offsets(%dma_start3A_95 : memref<100xi32, #tpu.memory_space<vmem>>) semaphore(%arg15 : memref<!tpu.dma_semaphore, #tpu.memory_space<semaphore_mem>>) {add = true}
      %dma_wait3A_99 = arith.constant 0 : i32
      %dma_wait3A_100 = arith.constant 0 : i32
      %dma_wait3A_101 = tpu.memref_slice %arg7[%dma_wait3A_99, %dma_wait3A_100] : memref<25x100xi32, #tpu.memory_space<vmem>> -> memref<1x100xi32, #tpu.memory_space<vmem>>
      %dma_wait3A_102 = tpu.memref_squeeze %dma_wait3A_101 : memref<1x100xi32, #tpu.memory_space<vmem>> -> memref<100xi32, #tpu.memory_space<vmem>>
      %dma_wait3A_103 = arith.constant 0 : i32
      %dma_wait3A_104 = arith.constant 0 : i32
      %dma_wait3A_105 = tpu.memref_slice %arg11[%dma_wait3A_103, %dma_wait3A_104] : memref<10240x128xf32, #tpu.memory_space<vmem_shared>> -> memref<10240x128xf32, #tpu.memory_space<vmem_shared>>
      tpu.wait_indirect_dma semaphore(%arg15 : memref<!tpu.dma_semaphore, #tpu.memory_space<semaphore_mem>>) src(%arg8 : memref<100x128xf32, #tpu.memory_space<vmem>>) dst(%dma_wait3A_105 : memref<10240x128xf32, #tpu.memory_space<vmem_shared>>)
      %dma_start3A_106 = arith.constant 3 : i32
      %dma_start3A_107 = arith.constant 0 : i32
      %dma_start3A_108 = tpu.memref_slice %arg6[%dma_start3A_106, %dma_start3A_107] : memref<25x100xi32, #tpu.memory_space<vmem>> -> memref<1x100xi32, #tpu.memory_space<vmem>>
      %dma_start3A_109 = tpu.memref_squeeze %dma_start3A_108 : memref<1x100xi32, #tpu.memory_space<vmem>> -> memref<100xi32, #tpu.memory_space<vmem>>
      %dma_start3A_110 = arith.constant 0 : i32
      %dma_start3A_111 = arith.constant 0 : i32
      %dma_start3A_112 = tpu.memref_slice %arg2[%dma_start3A_110, %dma_start3A_111] : memref<10000x128xf32, #tpu.memory_space<hbm>> -> memref<10000x128xf32, #tpu.memory_space<hbm>>
      tpu.enqueue_indirect_dma source(%dma_start3A_112 : memref<10000x128xf32, #tpu.memory_space<hbm>>) target(%arg8 : memref<100x128xf32, #tpu.memory_space<vmem>>) offsets(%dma_start3A_109 : memref<100xi32, #tpu.memory_space<vmem>>) semaphore(%arg12 : memref<!tpu.dma_semaphore, #tpu.memory_space<semaphore_mem>>)
      %dma_wait3A_113 = arith.constant 1 : i32
      %dma_wait3A_114 = arith.constant 0 : i32
      %dma_wait3A_115 = tpu.memref_slice %arg6[%dma_wait3A_113, %dma_wait3A_114] : memref<25x100xi32, #tpu.memory_space<vmem>> -> memref<1x100xi32, #tpu.memory_space<vmem>>
      %dma_wait3A_116 = tpu.memref_squeeze %dma_wait3A_115 : memref<1x100xi32, #tpu.memory_space<vmem>> -> memref<100xi32, #tpu.memory_space<vmem>>
      %dma_wait3A_117 = arith.constant 0 : i32
      %dma_wait3A_118 = arith.constant 0 : i32
      %dma_wait3A_119 = tpu.memref_slice %arg2[%dma_wait3A_117, %dma_wait3A_118] : memref<10000x128xf32, #tpu.memory_space<hbm>> -> memref<10000x128xf32, #tpu.memory_space<hbm>>
      tpu.wait_indirect_dma semaphore(%arg13 : memref<!tpu.dma_semaphore, #tpu.memory_space<semaphore_mem>>) src(%dma_wait3A_119 : memref<10000x128xf32, #tpu.memory_space<hbm>>) dst(%arg9 : memref<100x128xf32, #tpu.memory_space<vmem>>)
      %dma_start3A_120 = arith.constant 1 : i32
      %dma_start3A_121 = arith.constant 0 : i32
      %dma_start3A_122 = tpu.memref_slice %arg7[%dma_start3A_120, %dma_start3A_121] : memref<25x100xi32, #tpu.memory_space<vmem>> -> memref<1x100xi32, #tpu.memory_space<vmem>>
      %dma_start3A_123 = tpu.memref_squeeze %dma_start3A_122 : memref<1x100xi32, #tpu.memory_space<vmem>> -> memref<100xi32, #tpu.memory_space<vmem>>
      %dma_start3A_124 = arith.constant 0 : i32
      %dma_start3A_125 = arith.constant 0 : i32
      %dma_start3A_126 = tpu.memref_slice %arg11[%dma_start3A_124, %dma_start3A_125] : memref<10240x128xf32, #tpu.memory_space<vmem_shared>> -> memref<10240x128xf32, #tpu.memory_space<vmem_shared>>
      tpu.enqueue_indirect_dma source(%arg9 : memref<100x128xf32, #tpu.memory_space<vmem>>) target(%dma_start3A_126 : memref<10240x128xf32, #tpu.memory_space<vmem_shared>>) offsets(%dma_start3A_123 : memref<100xi32, #tpu.memory_space<vmem>>) semaphore(%arg16 : memref<!tpu.dma_semaphore, #tpu.memory_space<semaphore_mem>>) {add = true}
      %dma_wait3A_127 = arith.constant 1 : i32
      %dma_wait3A_128 = arith.constant 0 : i32
      %dma_wait3A_129 = tpu.memref_slice %arg7[%dma_wait3A_127, %dma_wait3A_128] : memref<25x100xi32, #tpu.memory_space<vmem>> -> memref<1x100xi32, #tpu.memory_space<vmem>>
      %dma_wait3A_130 = tpu.memref_squeeze %dma_wait3A_129 : memref<1x100xi32, #tpu.memory_space<vmem>> -> memref<100xi32, #tpu.memory_space<vmem>>
      %dma_wait3A_131 = arith.constant 0 : i32
      %dma_wait3A_132 = arith.constant 0 : i32
      %dma_wait3A_133 = tpu.memref_slice %arg11[%dma_wait3A_131, %dma_wait3A_132] : memref<10240x128xf32, #tpu.memory_space<vmem_shared>> -> memref<10240x128xf32, #tpu.memory_space<vmem_shared>>
      tpu.wait_indirect_dma semaphore(%arg16 : memref<!tpu.dma_semaphore, #tpu.memory_space<semaphore_mem>>) src(%arg9 : memref<100x128xf32, #tpu.memory_space<vmem>>) dst(%dma_wait3A_133 : memref<10240x128xf32, #tpu.memory_space<vmem_shared>>)
      %dma_start3A_134 = arith.constant 4 : i32
      %dma_start3A_135 = arith.constant 0 : i32
      %dma_start3A_136 = tpu.memref_slice %arg6[%dma_start3A_134, %dma_start3A_135] : memref<25x100xi32, #tpu.memory_space<vmem>> -> memref<1x100xi32, #tpu.memory_space<vmem>>
      %dma_start3A_137 = tpu.memref_squeeze %dma_start3A_136 : memref<1x100xi32, #tpu.memory_space<vmem>> -> memref<100xi32, #tpu.memory_space<vmem>>
      %dma_start3A_138 = arith.constant 0 : i32
      %dma_start3A_139 = arith.constant 0 : i32
      %dma_start3A_140 = tpu.memref_slice %arg2[%dma_start3A_138, %dma_start3A_139] : memref<10000x128xf32, #tpu.memory_space<hbm>> -> memref<10000x128xf32, #tpu.memory_space<hbm>>
      tpu.enqueue_indirect_dma source(%dma_start3A_140 : memref<10000x128xf32, #tpu.memory_space<hbm>>) target(%arg9 : memref<100x128xf32, #tpu.memory_space<vmem>>) offsets(%dma_start3A_137 : memref<100xi32, #tpu.memory_space<vmem>>) semaphore(%arg13 : memref<!tpu.dma_semaphore, #tpu.memory_space<semaphore_mem>>)
      %dma_wait3A_141 = arith.constant 2 : i32
      %dma_wait3A_142 = arith.constant 0 : i32
      %dma_wait3A_143 = tpu.memref_slice %arg6[%dma_wait3A_141, %dma_wait3A_142] : memref<25x100xi32, #tpu.memory_space<vmem>> -> memref<1x100xi32, #tpu.memory_space<vmem>>
      %dma_wait3A_144 = tpu.memref_squeeze %dma_wait3A_143 : memref<1x100xi32, #tpu.memory_space<vmem>> -> memref<100xi32, #tpu.memory_space<vmem>>
      %dma_wait3A_145 = arith.constant 0 : i32
      %dma_wait3A_146 = arith.constant 0 : i32
      %dma_wait3A_147 = tpu.memref_slice %arg2[%dma_wait3A_145, %dma_wait3A_146] : memref<10000x128xf32, #tpu.memory_space<hbm>> -> memref<10000x128xf32, #tpu.memory_space<hbm>>
      tpu.wait_indirect_dma semaphore(%arg14 : memref<!tpu.dma_semaphore, #tpu.memory_space<semaphore_mem>>) src(%dma_wait3A_147 : memref<10000x128xf32, #tpu.memory_space<hbm>>) dst(%arg10 : memref<100x128xf32, #tpu.memory_space<vmem>>)
      %dma_start3A_148 = arith.constant 2 : i32
      %dma_start3A_149 = arith.constant 0 : i32
      %dma_start3A_150 = tpu.memref_slice %arg7[%dma_start3A_148, %dma_start3A_149] : memref<25x100xi32, #tpu.memory_space<vmem>> -> memref<1x100xi32, #tpu.memory_space<vmem>>
      %dma_start3A_151 = tpu.memref_squeeze %dma_start3A_150 : memref<1x100xi32, #tpu.memory_space<vmem>> -> memref<100xi32, #tpu.memory_space<vmem>>
      %dma_start3A_152 = arith.constant 0 : i32
      %dma_start3A_153 = arith.constant 0 : i32
      %dma_start3A_154 = tpu.memref_slice %arg11[%dma_start3A_152, %dma_start3A_153] : memref<10240x128xf32, #tpu.memory_space<vmem_shared>> -> memref<10240x128xf32, #tpu.memory_space<vmem_shared>>
      tpu.enqueue_indirect_dma source(%arg10 : memref<100x128xf32, #tpu.memory_space<vmem>>) target(%dma_start3A_154 : memref<10240x128xf32, #tpu.memory_space<vmem_shared>>) offsets(%dma_start3A_151 : memref<100xi32, #tpu.memory_space<vmem>>) semaphore(%arg17 : memref<!tpu.dma_semaphore, #tpu.memory_space<semaphore_mem>>) {add = true}
      %dma_wait3A_155 = arith.constant 2 : i32
      %dma_wait3A_156 = arith.constant 0 : i32
      %dma_wait3A_157 = tpu.memref_slice %arg7[%dma_wait3A_155, %dma_wait3A_156] : memref<25x100xi32, #tpu.memory_space<vmem>> -> memref<1x100xi32, #tpu.memory_space<vmem>>
      %dma_wait3A_158 = tpu.memref_squeeze %dma_wait3A_157 : memref<1x100xi32, #tpu.memory_space<vmem>> -> memref<100xi32, #tpu.memory_space<vmem>>
      %dma_wait3A_159 = arith.constant 0 : i32
      %dma_wait3A_160 = arith.constant 0 : i32
      %dma_wait3A_161 = tpu.memref_slice %arg11[%dma_wait3A_159, %dma_wait3A_160] : memref<10240x128xf32, #tpu.memory_space<vmem_shared>> -> memref<10240x128xf32, #tpu.memory_space<vmem_shared>>
      tpu.wait_indirect_dma semaphore(%arg17 : memref<!tpu.dma_semaphore, #tpu.memory_space<semaphore_mem>>) src(%arg10 : memref<100x128xf32, #tpu.memory_space<vmem>>) dst(%dma_wait3A_161 : memref<10240x128xf32, #tpu.memory_space<vmem_shared>>)
      %dma_start3A_162 = arith.constant 5 : i32
      %dma_start3A_163 = arith.constant 0 : i32
      %dma_start3A_164 = tpu.memref_slice %arg6[%dma_start3A_162, %dma_start3A_163] : memref<25x100xi32, #tpu.memory_space<vmem>> -> memref<1x100xi32, #tpu.memory_space<vmem>>
      %dma_start3A_165 = tpu.memref_squeeze %dma_start3A_164 : memref<1x100xi32, #tpu.memory_space<vmem>> -> memref<100xi32, #tpu.memory_space<vmem>>
      %dma_start3A_166 = arith.constant 0 : i32
      %dma_start3A_167 = arith.constant 0 : i32
      %dma_start3A_168 = tpu.memref_slice %arg2[%dma_start3A_166, %dma_start3A_167] : memref<10000x128xf32, #tpu.memory_space<hbm>> -> memref<10000x128xf32, #tpu.memory_space<hbm>>
      tpu.enqueue_indirect_dma source(%dma_start3A_168 : memref<10000x128xf32, #tpu.memory_space<hbm>>) target(%arg10 : memref<100x128xf32, #tpu.memory_space<vmem>>) offsets(%dma_start3A_165 : memref<100xi32, #tpu.memory_space<vmem>>) semaphore(%arg14 : memref<!tpu.dma_semaphore, #tpu.memory_space<semaphore_mem>>)
      %dma_wait3A_169 = arith.constant 3 : i32
      %dma_wait3A_170 = arith.constant 0 : i32
      %dma_wait3A_171 = tpu.memref_slice %arg6[%dma_wait3A_169, %dma_wait3A_170] : memref<25x100xi32, #tpu.memory_space<vmem>> -> memref<1x100xi32, #tpu.memory_space<vmem>>
      %dma_wait3A_172 = tpu.memref_squeeze %dma_wait3A_171 : memref<1x100xi32, #tpu.memory_space<vmem>> -> memref<100xi32, #tpu.memory_space<vmem>>
      %dma_wait3A_173 = arith.constant 0 : i32
      %dma_wait3A_174 = arith.constant 0 : i32
      %dma_wait3A_175 = tpu.memref_slice %arg2[%dma_wait3A_173, %dma_wait3A_174] : memref<10000x128xf32, #tpu.memory_space<hbm>> -> memref<10000x128xf32, #tpu.memory_space<hbm>>
      tpu.wait_indirect_dma semaphore(%arg12 : memref<!tpu.dma_semaphore, #tpu.memory_space<semaphore_mem>>) src(%dma_wait3A_175 : memref<10000x128xf32, #tpu.memory_space<hbm>>) dst(%arg8 : memref<100x128xf32, #tpu.memory_space<vmem>>)
      %dma_start3A_176 = arith.constant 3 : i32
      %dma_start3A_177 = arith.constant 0 : i32
      %dma_start3A_178 = tpu.memref_slice %arg7[%dma_start3A_176, %dma_start3A_177] : memref<25x100xi32, #tpu.memory_space<vmem>> -> memref<1x100xi32, #tpu.memory_space<vmem>>
      %dma_start3A_179 = tpu.memref_squeeze %dma_start3A_178 : memref<1x100xi32, #tpu.memory_space<vmem>> -> memref<100xi32, #tpu.memory_space<vmem>>
      %dma_start3A_180 = arith.constant 0 : i32
      %dma_start3A_181 = arith.constant 0 : i32
      %dma_start3A_182 = tpu.memref_slice %arg11[%dma_start3A_180, %dma_start3A_181] : memref<10240x128xf32, #tpu.memory_space<vmem_shared>> -> memref<10240x128xf32, #tpu.memory_space<vmem_shared>>
      tpu.enqueue_indirect_dma source(%arg8 : memref<100x128xf32, #tpu.memory_space<vmem>>) target(%dma_start3A_182 : memref<10240x128xf32, #tpu.memory_space<vmem_shared>>) offsets(%dma_start3A_179 : memref<100xi32, #tpu.memory_space<vmem>>) semaphore(%arg15 : memref<!tpu.dma_semaphore, #tpu.memory_space<semaphore_mem>>) {add = true}
      %dma_wait3A_183 = arith.constant 3 : i32
      %dma_wait3A_184 = arith.constant 0 : i32
      %dma_wait3A_185 = tpu.memref_slice %arg7[%dma_wait3A_183, %dma_wait3A_184] : memref<25x100xi32, #tpu.memory_space<vmem>> -> memref<1x100xi32, #tpu.memory_space<vmem>>
      %dma_wait3A_186 = tpu.memref_squeeze %dma_wait3A_185 : memref<1x100xi32, #tpu.memory_space<vmem>> -> memref<100xi32, #tpu.memory_space<vmem>>
      %dma_wait3A_187 = arith.constant 0 : i32
      %dma_wait3A_188 = arith.constant 0 : i32
      %dma_wait3A_189 = tpu.memref_slice %arg11[%dma_wait3A_187, %dma_wait3A_188] : memref<10240x128xf32, #tpu.memory_space<vmem_shared>> -> memref<10240x128xf32, #tpu.memory_space<vmem_shared>>
      tpu.wait_indirect_dma semaphore(%arg15 : memref<!tpu.dma_semaphore, #tpu.memory_space<semaphore_mem>>) src(%arg8 : memref<100x128xf32, #tpu.memory_space<vmem>>) dst(%dma_wait3A_189 : memref<10240x128xf32, #tpu.memory_space<vmem_shared>>)
      %dma_start3A_190 = arith.constant 6 : i32
      %dma_start3A_191 = arith.constant 0 : i32
      %dma_start3A_192 = tpu.memref_slice %arg6[%dma_start3A_190, %dma_start3A_191] : memref<25x100xi32, #tpu.memory_space<vmem>> -> memref<1x100xi32, #tpu.memory_space<vmem>>
      %dma_start3A_193 = tpu.memref_squeeze %dma_start3A_192 : memref<1x100xi32, #tpu.memory_space<vmem>> -> memref<100xi32, #tpu.memory_space<vmem>>
      %dma_start3A_194 = arith.constant 0 : i32
      %dma_start3A_195 = arith.constant 0 : i32
      %dma_start3A_196 = tpu.memref_slice %arg2[%dma_start3A_194, %dma_start3A_195] : memref<10000x128xf32, #tpu.memory_space<hbm>> -> memref<10000x128xf32, #tpu.memory_space<hbm>>
      tpu.enqueue_indirect_dma source(%dma_start3A_196 : memref<10000x128xf32, #tpu.memory_space<hbm>>) target(%arg8 : memref<100x128xf32, #tpu.memory_space<vmem>>) offsets(%dma_start3A_193 : memref<100xi32, #tpu.memory_space<vmem>>) semaphore(%arg12 : memref<!tpu.dma_semaphore, #tpu.memory_space<semaphore_mem>>)
      %dma_wait3A_197 = arith.constant 4 : i32
      %dma_wait3A_198 = arith.constant 0 : i32
      %dma_wait3A_199 = tpu.memref_slice %arg6[%dma_wait3A_197, %dma_wait3A_198] : memref<25x100xi32, #tpu.memory_space<vmem>> -> memref<1x100xi32, #tpu.memory_space<vmem>>
      %dma_wait3A_200 = tpu.memref_squeeze %dma_wait3A_199 : memref<1x100xi32, #tpu.memory_space<vmem>> -> memref<100xi32, #tpu.memory_space<vmem>>
      %dma_wait3A_201 = arith.constant 0 : i32
      %dma_wait3A_202 = arith.constant 0 : i32
      %dma_wait3A_203 = tpu.memref_slice %arg2[%dma_wait3A_201, %dma_wait3A_202] : memref<10000x128xf32, #tpu.memory_space<hbm>> -> memref<10000x128xf32, #tpu.memory_space<hbm>>
      tpu.wait_indirect_dma semaphore(%arg13 : memref<!tpu.dma_semaphore, #tpu.memory_space<semaphore_mem>>) src(%dma_wait3A_203 : memref<10000x128xf32, #tpu.memory_space<hbm>>) dst(%arg9 : memref<100x128xf32, #tpu.memory_space<vmem>>)
      %dma_start3A_204 = arith.constant 4 : i32
      %dma_start3A_205 = arith.constant 0 : i32
      %dma_start3A_206 = tpu.memref_slice %arg7[%dma_start3A_204, %dma_start3A_205] : memref<25x100xi32, #tpu.memory_space<vmem>> -> memref<1x100xi32, #tpu.memory_space<vmem>>
      %dma_start3A_207 = tpu.memref_squeeze %dma_start3A_206 : memref<1x100xi32, #tpu.memory_space<vmem>> -> memref<100xi32, #tpu.memory_space<vmem>>
      %dma_start3A_208 = arith.constant 0 : i32
      %dma_start3A_209 = arith.constant 0 : i32
      %dma_start3A_210 = tpu.memref_slice %arg11[%dma_start3A_208, %dma_start3A_209] : memref<10240x128xf32, #tpu.memory_space<vmem_shared>> -> memref<10240x128xf32, #tpu.memory_space<vmem_shared>>
      tpu.enqueue_indirect_dma source(%arg9 : memref<100x128xf32, #tpu.memory_space<vmem>>) target(%dma_start3A_210 : memref<10240x128xf32, #tpu.memory_space<vmem_shared>>) offsets(%dma_start3A_207 : memref<100xi32, #tpu.memory_space<vmem>>) semaphore(%arg16 : memref<!tpu.dma_semaphore, #tpu.memory_space<semaphore_mem>>) {add = true}
      %dma_wait3A_211 = arith.constant 4 : i32
      %dma_wait3A_212 = arith.constant 0 : i32
      %dma_wait3A_213 = tpu.memref_slice %arg7[%dma_wait3A_211, %dma_wait3A_212] : memref<25x100xi32, #tpu.memory_space<vmem>> -> memref<1x100xi32, #tpu.memory_space<vmem>>
      %dma_wait3A_214 = tpu.memref_squeeze %dma_wait3A_213 : memref<1x100xi32, #tpu.memory_space<vmem>> -> memref<100xi32, #tpu.memory_space<vmem>>
      %dma_wait3A_215 = arith.constant 0 : i32
      %dma_wait3A_216 = arith.constant 0 : i32
      %dma_wait3A_217 = tpu.memref_slice %arg11[%dma_wait3A_215, %dma_wait3A_216] : memref<10240x128xf32, #tpu.memory_space<vmem_shared>> -> memref<10240x128xf32, #tpu.memory_space<vmem_shared>>
      tpu.wait_indirect_dma semaphore(%arg16 : memref<!tpu.dma_semaphore, #tpu.memory_space<semaphore_mem>>) src(%arg9 : memref<100x128xf32, #tpu.memory_space<vmem>>) dst(%dma_wait3A_217 : memref<10240x128xf32, #tpu.memory_space<vmem_shared>>)
      %dma_start3A_218 = arith.constant 7 : i32
      %dma_start3A_219 = arith.constant 0 : i32
      %dma_start3A_220 = tpu.memref_slice %arg6[%dma_start3A_218, %dma_start3A_219] : memref<25x100xi32, #tpu.memory_space<vmem>> -> memref<1x100xi32, #tpu.memory_space<vmem>>
      %dma_start3A_221 = tpu.memref_squeeze %dma_start3A_220 : memref<1x100xi32, #tpu.memory_space<vmem>> -> memref<100xi32, #tpu.memory_space<vmem>>
      %dma_start3A_222 = arith.constant 0 : i32
      %dma_start3A_223 = arith.constant 0 : i32
      %dma_start3A_224 = tpu.memref_slice %arg2[%dma_start3A_222, %dma_start3A_223] : memref<10000x128xf32, #tpu.memory_space<hbm>> -> memref<10000x128xf32, #tpu.memory_space<hbm>>
      tpu.enqueue_indirect_dma source(%dma_start3A_224 : memref<10000x128xf32, #tpu.memory_space<hbm>>) target(%arg9 : memref<100x128xf32, #tpu.memory_space<vmem>>) offsets(%dma_start3A_221 : memref<100xi32, #tpu.memory_space<vmem>>) semaphore(%arg13 : memref<!tpu.dma_semaphore, #tpu.memory_space<semaphore_mem>>)
      %dma_wait3A_225 = arith.constant 5 : i32
      %dma_wait3A_226 = arith.constant 0 : i32
      %dma_wait3A_227 = tpu.memref_slice %arg6[%dma_wait3A_225, %dma_wait3A_226] : memref<25x100xi32, #tpu.memory_space<vmem>> -> memref<1x100xi32, #tpu.memory_space<vmem>>
      %dma_wait3A_228 = tpu.memref_squeeze %dma_wait3A_227 : memref<1x100xi32, #tpu.memory_space<vmem>> -> memref<100xi32, #tpu.memory_space<vmem>>
      %dma_wait3A_229 = arith.constant 0 : i32
      %dma_wait3A_230 = arith.constant 0 : i32
      %dma_wait3A_231 = tpu.memref_slice %arg2[%dma_wait3A_229, %dma_wait3A_230] : memref<10000x128xf32, #tpu.memory_space<hbm>> -> memref<10000x128xf32, #tpu.memory_space<hbm>>
      tpu.wait_indirect_dma semaphore(%arg14 : memref<!tpu.dma_semaphore, #tpu.memory_space<semaphore_mem>>) src(%dma_wait3A_231 : memref<10000x128xf32, #tpu.memory_space<hbm>>) dst(%arg10 : memref<100x128xf32, #tpu.memory_space<vmem>>)
      %dma_start3A_232 = arith.constant 5 : i32
      %dma_start3A_233 = arith.constant 0 : i32
      %dma_start3A_234 = tpu.memref_slice %arg7[%dma_start3A_232, %dma_start3A_233] : memref<25x100xi32, #tpu.memory_space<vmem>> -> memref<1x100xi32, #tpu.memory_space<vmem>>
      %dma_start3A_235 = tpu.memref_squeeze %dma_start3A_234 : memref<1x100xi32, #tpu.memory_space<vmem>> -> memref<100xi32, #tpu.memory_space<vmem>>
      %dma_start3A_236 = arith.constant 0 : i32
      %dma_start3A_237 = arith.constant 0 : i32
      %dma_start3A_238 = tpu.memref_slice %arg11[%dma_start3A_236, %dma_start3A_237] : memref<10240x128xf32, #tpu.memory_space<vmem_shared>> -> memref<10240x128xf32, #tpu.memory_space<vmem_shared>>
      tpu.enqueue_indirect_dma source(%arg10 : memref<100x128xf32, #tpu.memory_space<vmem>>) target(%dma_start3A_238 : memref<10240x128xf32, #tpu.memory_space<vmem_shared>>) offsets(%dma_start3A_235 : memref<100xi32, #tpu.memory_space<vmem>>) semaphore(%arg17 : memref<!tpu.dma_semaphore, #tpu.memory_space<semaphore_mem>>) {add = true}
      %dma_wait3A_239 = arith.constant 5 : i32
      %dma_wait3A_240 = arith.constant 0 : i32
      %dma_wait3A_241 = tpu.memref_slice %arg7[%dma_wait3A_239, %dma_wait3A_240] : memref<25x100xi32, #tpu.memory_space<vmem>> -> memref<1x100xi32, #tpu.memory_space<vmem>>
      %dma_wait3A_242 = tpu.memref_squeeze %dma_wait3A_241 : memref<1x100xi32, #tpu.memory_space<vmem>> -> memref<100xi32, #tpu.memory_space<vmem>>
      %dma_wait3A_243 = arith.constant 0 : i32
      %dma_wait3A_244 = arith.constant 0 : i32
      %dma_wait3A_245 = tpu.memref_slice %arg11[%dma_wait3A_243, %dma_wait3A_244] : memref<10240x128xf32, #tpu.memory_space<vmem_shared>> -> memref<10240x128xf32, #tpu.memory_space<vmem_shared>>
      tpu.wait_indirect_dma semaphore(%arg17 : memref<!tpu.dma_semaphore, #tpu.memory_space<semaphore_mem>>) src(%arg10 : memref<100x128xf32, #tpu.memory_space<vmem>>) dst(%dma_wait3A_245 : memref<10240x128xf32, #tpu.memory_space<vmem_shared>>)
      %dma_start3A_246 = arith.constant 8 : i32
      %dma_start3A_247 = arith.constant 0 : i32
      %dma_start3A_248 = tpu.memref_slice %arg6[%dma_start3A_246, %dma_start3A_247] : memref<25x100xi32, #tpu.memory_space<vmem>> -> memref<1x100xi32, #tpu.memory_space<vmem>>
      %dma_start3A_249 = tpu.memref_squeeze %dma_start3A_248 : memref<1x100xi32, #tpu.memory_space<vmem>> -> memref<100xi32, #tpu.memory_space<vmem>>
      %dma_start3A_250 = arith.constant 0 : i32
      %dma_start3A_251 = arith.constant 0 : i32
      %dma_start3A_252 = tpu.memref_slice %arg2[%dma_start3A_250, %dma_start3A_251] : memref<10000x128xf32, #tpu.memory_space<hbm>> -> memref<10000x128xf32, #tpu.memory_space<hbm>>
      tpu.enqueue_indirect_dma source(%dma_start3A_252 : memref<10000x128xf32, #tpu.memory_space<hbm>>) target(%arg10 : memref<100x128xf32, #tpu.memory_space<vmem>>) offsets(%dma_start3A_249 : memref<100xi32, #tpu.memory_space<vmem>>) semaphore(%arg14 : memref<!tpu.dma_semaphore, #tpu.memory_space<semaphore_mem>>)
      %dma_wait3A_253 = arith.constant 6 : i32
      %dma_wait3A_254 = arith.constant 0 : i32
      %dma_wait3A_255 = tpu.memref_slice %arg6[%dma_wait3A_253, %dma_wait3A_254] : memref<25x100xi32, #tpu.memory_space<vmem>> -> memref<1x100xi32, #tpu.memory_space<vmem>>
      %dma_wait3A_256 = tpu.memref_squeeze %dma_wait3A_255 : memref<1x100xi32, #tpu.memory_space<vmem>> -> memref<100xi32, #tpu.memory_space<vmem>>
      %dma_wait3A_257 = arith.constant 0 : i32
      %dma_wait3A_258 = arith.constant 0 : i32
      %dma_wait3A_259 = tpu.memref_slice %arg2[%dma_wait3A_257, %dma_wait3A_258] : memref<10000x128xf32, #tpu.memory_space<hbm>> -> memref<10000x128xf32, #tpu.memory_space<hbm>>
      tpu.wait_indirect_dma semaphore(%arg12 : memref<!tpu.dma_semaphore, #tpu.memory_space<semaphore_mem>>) src(%dma_wait3A_259 : memref<10000x128xf32, #tpu.memory_space<hbm>>) dst(%arg8 : memref<100x128xf32, #tpu.memory_space<vmem>>)
      %dma_start3A_260 = arith.constant 6 : i32
      %dma_start3A_261 = arith.constant 0 : i32
      %dma_start3A_262 = tpu.memref_slice %arg7[%dma_start3A_260, %dma_start3A_261] : memref<25x100xi32, #tpu.memory_space<vmem>> -> memref<1x100xi32, #tpu.memory_space<vmem>>
      %dma_start3A_263 = tpu.memref_squeeze %dma_start3A_262 : memref<1x100xi32, #tpu.memory_space<vmem>> -> memref<100xi32, #tpu.memory_space<vmem>>
      %dma_start3A_264 = arith.constant 0 : i32
      %dma_start3A_265 = arith.constant 0 : i32
      %dma_start3A_266 = tpu.memref_slice %arg11[%dma_start3A_264, %dma_start3A_265] : memref<10240x128xf32, #tpu.memory_space<vmem_shared>> -> memref<10240x128xf32, #tpu.memory_space<vmem_shared>>
      tpu.enqueue_indirect_dma source(%arg8 : memref<100x128xf32, #tpu.memory_space<vmem>>) target(%dma_start3A_266 : memref<10240x128xf32, #tpu.memory_space<vmem_shared>>) offsets(%dma_start3A_263 : memref<100xi32, #tpu.memory_space<vmem>>) semaphore(%arg15 : memref<!tpu.dma_semaphore, #tpu.memory_space<semaphore_mem>>) {add = true}
      %dma_wait3A_267 = arith.constant 6 : i32
      %dma_wait3A_268 = arith.constant 0 : i32
      %dma_wait3A_269 = tpu.memref_slice %arg7[%dma_wait3A_267, %dma_wait3A_268] : memref<25x100xi32, #tpu.memory_space<vmem>> -> memref<1x100xi32, #tpu.memory_space<vmem>>
      %dma_wait3A_270 = tpu.memref_squeeze %dma_wait3A_269 : memref<1x100xi32, #tpu.memory_space<vmem>> -> memref<100xi32, #tpu.memory_space<vmem>>
      %dma_wait3A_271 = arith.constant 0 : i32
      %dma_wait3A_272 = arith.constant 0 : i32
      %dma_wait3A_273 = tpu.memref_slice %arg11[%dma_wait3A_271, %dma_wait3A_272] : memref<10240x128xf32, #tpu.memory_space<vmem_shared>> -> memref<10240x128xf32, #tpu.memory_space<vmem_shared>>
      tpu.wait_indirect_dma semaphore(%arg15 : memref<!tpu.dma_semaphore, #tpu.memory_space<semaphore_mem>>) src(%arg8 : memref<100x128xf32, #tpu.memory_space<vmem>>) dst(%dma_wait3A_273 : memref<10240x128xf32, #tpu.memory_space<vmem_shared>>)
      %dma_start3A_274 = arith.constant 9 : i32
      %dma_start3A_275 = arith.constant 0 : i32
      %dma_start3A_276 = tpu.memref_slice %arg6[%dma_start3A_274, %dma_start3A_275] : memref<25x100xi32, #tpu.memory_space<vmem>> -> memref<1x100xi32, #tpu.memory_space<vmem>>
      %dma_start3A_277 = tpu.memref_squeeze %dma_start3A_276 : memref<1x100xi32, #tpu.memory_space<vmem>> -> memref<100xi32, #tpu.memory_space<vmem>>
      %dma_start3A_278 = arith.constant 0 : i32
      %dma_start3A_279 = arith.constant 0 : i32
      %dma_start3A_280 = tpu.memref_slice %arg2[%dma_start3A_278, %dma_start3A_279] : memref<10000x128xf32, #tpu.memory_space<hbm>> -> memref<10000x128xf32, #tpu.memory_space<hbm>>
      tpu.enqueue_indirect_dma source(%dma_start3A_280 : memref<10000x128xf32, #tpu.memory_space<hbm>>) target(%arg8 : memref<100x128xf32, #tpu.memory_space<vmem>>) offsets(%dma_start3A_277 : memref<100xi32, #tpu.memory_space<vmem>>) semaphore(%arg12 : memref<!tpu.dma_semaphore, #tpu.memory_space<semaphore_mem>>)
      %dma_wait3A_281 = arith.constant 7 : i32
      %dma_wait3A_282 = arith.constant 0 : i32
      %dma_wait3A_283 = tpu.memref_slice %arg6[%dma_wait3A_281, %dma_wait3A_282] : memref<25x100xi32, #tpu.memory_space<vmem>> -> memref<1x100xi32, #tpu.memory_space<vmem>>
      %dma_wait3A_284 = tpu.memref_squeeze %dma_wait3A_283 : memref<1x100xi32, #tpu.memory_space<vmem>> -> memref<100xi32, #tpu.memory_space<vmem>>
      %dma_wait3A_285 = arith.constant 0 : i32
      %dma_wait3A_286 = arith.constant 0 : i32
      %dma_wait3A_287 = tpu.memref_slice %arg2[%dma_wait3A_285, %dma_wait3A_286] : memref<10000x128xf32, #tpu.memory_space<hbm>> -> memref<10000x128xf32, #tpu.memory_space<hbm>>
      tpu.wait_indirect_dma semaphore(%arg13 : memref<!tpu.dma_semaphore, #tpu.memory_space<semaphore_mem>>) src(%dma_wait3A_287 : memref<10000x128xf32, #tpu.memory_space<hbm>>) dst(%arg9 : memref<100x128xf32, #tpu.memory_space<vmem>>)
      %dma_start3A_288 = arith.constant 7 : i32
      %dma_start3A_289 = arith.constant 0 : i32
      %dma_start3A_290 = tpu.memref_slice %arg7[%dma_start3A_288, %dma_start3A_289] : memref<25x100xi32, #tpu.memory_space<vmem>> -> memref<1x100xi32, #tpu.memory_space<vmem>>
      %dma_start3A_291 = tpu.memref_squeeze %dma_start3A_290 : memref<1x100xi32, #tpu.memory_space<vmem>> -> memref<100xi32, #tpu.memory_space<vmem>>
      %dma_start3A_292 = arith.constant 0 : i32
      %dma_start3A_293 = arith.constant 0 : i32
      %dma_start3A_294 = tpu.memref_slice %arg11[%dma_start3A_292, %dma_start3A_293] : memref<10240x128xf32, #tpu.memory_space<vmem_shared>> -> memref<10240x128xf32, #tpu.memory_space<vmem_shared>>
      tpu.enqueue_indirect_dma source(%arg9 : memref<100x128xf32, #tpu.memory_space<vmem>>) target(%dma_start3A_294 : memref<10240x128xf32, #tpu.memory_space<vmem_shared>>) offsets(%dma_start3A_291 : memref<100xi32, #tpu.memory_space<vmem>>) semaphore(%arg16 : memref<!tpu.dma_semaphore, #tpu.memory_space<semaphore_mem>>) {add = true}
      %dma_wait3A_295 = arith.constant 7 : i32
      %dma_wait3A_296 = arith.constant 0 : i32
      %dma_wait3A_297 = tpu.memref_slice %arg7[%dma_wait3A_295, %dma_wait3A_296] : memref<25x100xi32, #tpu.memory_space<vmem>> -> memref<1x100xi32, #tpu.memory_space<vmem>>
      %dma_wait3A_298 = tpu.memref_squeeze %dma_wait3A_297 : memref<1x100xi32, #tpu.memory_space<vmem>> -> memref<100xi32, #tpu.memory_space<vmem>>
      %dma_wait3A_299 = arith.constant 0 : i32
      %dma_wait3A_300 = arith.constant 0 : i32
      %dma_wait3A_301 = tpu.memref_slice %arg11[%dma_wait3A_299, %dma_wait3A_300] : memref<10240x128xf32, #tpu.memory_space<vmem_shared>> -> memref<10240x128xf32, #tpu.memory_space<vmem_shared>>
      tpu.wait_indirect_dma semaphore(%arg16 : memref<!tpu.dma_semaphore, #tpu.memory_space<semaphore_mem>>) src(%arg9 : memref<100x128xf32, #tpu.memory_space<vmem>>) dst(%dma_wait3A_301 : memref<10240x128xf32, #tpu.memory_space<vmem_shared>>)
      %dma_start3A_302 = arith.constant 10 : i32
      %dma_start3A_303 = arith.constant 0 : i32
      %dma_start3A_304 = tpu.memref_slice %arg6[%dma_start3A_302, %dma_start3A_303] : memref<25x100xi32, #tpu.memory_space<vmem>> -> memref<1x100xi32, #tpu.memory_space<vmem>>
      %dma_start3A_305 = tpu.memref_squeeze %dma_start3A_304 : memref<1x100xi32, #tpu.memory_space<vmem>> -> memref<100xi32, #tpu.memory_space<vmem>>
      %dma_start3A_306 = arith.constant 0 : i32
      %dma_start3A_307 = arith.constant 0 : i32
      %dma_start3A_308 = tpu.memref_slice %arg2[%dma_start3A_306, %dma_start3A_307] : memref<10000x128xf32, #tpu.memory_space<hbm>> -> memref<10000x128xf32, #tpu.memory_space<hbm>>
      tpu.enqueue_indirect_dma source(%dma_start3A_308 : memref<10000x128xf32, #tpu.memory_space<hbm>>) target(%arg9 : memref<100x128xf32, #tpu.memory_space<vmem>>) offsets(%dma_start3A_305 : memref<100xi32, #tpu.memory_space<vmem>>) semaphore(%arg13 : memref<!tpu.dma_semaphore, #tpu.memory_space<semaphore_mem>>)
      %dma_wait3A_309 = arith.constant 8 : i32
      %dma_wait3A_310 = arith.constant 0 : i32
      %dma_wait3A_311 = tpu.memref_slice %arg6[%dma_wait3A_309, %dma_wait3A_310] : memref<25x100xi32, #tpu.memory_space<vmem>> -> memref<1x100xi32, #tpu.memory_space<vmem>>
      %dma_wait3A_312 = tpu.memref_squeeze %dma_wait3A_311 : memref<1x100xi32, #tpu.memory_space<vmem>> -> memref<100xi32, #tpu.memory_space<vmem>>
      %dma_wait3A_313 = arith.constant 0 : i32
      %dma_wait3A_314 = arith.constant 0 : i32
      %dma_wait3A_315 = tpu.memref_slice %arg2[%dma_wait3A_313, %dma_wait3A_314] : memref<10000x128xf32, #tpu.memory_space<hbm>> -> memref<10000x128xf32, #tpu.memory_space<hbm>>
      tpu.wait_indirect_dma semaphore(%arg14 : memref<!tpu.dma_semaphore, #tpu.memory_space<semaphore_mem>>) src(%dma_wait3A_315 : memref<10000x128xf32, #tpu.memory_space<hbm>>) dst(%arg10 : memref<100x128xf32, #tpu.memory_space<vmem>>)
      %dma_start3A_316 = arith.constant 8 : i32
      %dma_start3A_317 = arith.constant 0 : i32
      %dma_start3A_318 = tpu.memref_slice %arg7[%dma_start3A_316, %dma_start3A_317] : memref<25x100xi32, #tpu.memory_space<vmem>> -> memref<1x100xi32, #tpu.memory_space<vmem>>
      %dma_start3A_319 = tpu.memref_squeeze %dma_start3A_318 : memref<1x100xi32, #tpu.memory_space<vmem>> -> memref<100xi32, #tpu.memory_space<vmem>>
      %dma_start3A_320 = arith.constant 0 : i32
      %dma_start3A_321 = arith.constant 0 : i32
      %dma_start3A_322 = tpu.memref_slice %arg11[%dma_start3A_320, %dma_start3A_321] : memref<10240x128xf32, #tpu.memory_space<vmem_shared>> -> memref<10240x128xf32, #tpu.memory_space<vmem_shared>>
      tpu.enqueue_indirect_dma source(%arg10 : memref<100x128xf32, #tpu.memory_space<vmem>>) target(%dma_start3A_322 : memref<10240x128xf32, #tpu.memory_space<vmem_shared>>) offsets(%dma_start3A_319 : memref<100xi32, #tpu.memory_space<vmem>>) semaphore(%arg17 : memref<!tpu.dma_semaphore, #tpu.memory_space<semaphore_mem>>) {add = true}
      %dma_wait3A_323 = arith.constant 8 : i32
      %dma_wait3A_324 = arith.constant 0 : i32
      %dma_wait3A_325 = tpu.memref_slice %arg7[%dma_wait3A_323, %dma_wait3A_324] : memref<25x100xi32, #tpu.memory_space<vmem>> -> memref<1x100xi32, #tpu.memory_space<vmem>>
      %dma_wait3A_326 = tpu.memref_squeeze %dma_wait3A_325 : memref<1x100xi32, #tpu.memory_space<vmem>> -> memref<100xi32, #tpu.memory_space<vmem>>
      %dma_wait3A_327 = arith.constant 0 : i32
      %dma_wait3A_328 = arith.constant 0 : i32
      %dma_wait3A_329 = tpu.memref_slice %arg11[%dma_wait3A_327, %dma_wait3A_328] : memref<10240x128xf32, #tpu.memory_space<vmem_shared>> -> memref<10240x128xf32, #tpu.memory_space<vmem_shared>>
      tpu.wait_indirect_dma semaphore(%arg17 : memref<!tpu.dma_semaphore, #tpu.memory_space<semaphore_mem>>) src(%arg10 : memref<100x128xf32, #tpu.memory_space<vmem>>) dst(%dma_wait3A_329 : memref<10240x128xf32, #tpu.memory_space<vmem_shared>>)
      %dma_start3A_330 = arith.constant 11 : i32
      %dma_start3A_331 = arith.constant 0 : i32
      %dma_start3A_332 = tpu.memref_slice %arg6[%dma_start3A_330, %dma_start3A_331] : memref<25x100xi32, #tpu.memory_space<vmem>> -> memref<1x100xi32, #tpu.memory_space<vmem>>
      %dma_start3A_333 = tpu.memref_squeeze %dma_start3A_332 : memref<1x100xi32, #tpu.memory_space<vmem>> -> memref<100xi32, #tpu.memory_space<vmem>>
      %dma_start3A_334 = arith.constant 0 : i32
      %dma_start3A_335 = arith.constant 0 : i32
      %dma_start3A_336 = tpu.memref_slice %arg2[%dma_start3A_334, %dma_start3A_335] : memref<10000x128xf32, #tpu.memory_space<hbm>> -> memref<10000x128xf32, #tpu.memory_space<hbm>>
      tpu.enqueue_indirect_dma source(%dma_start3A_336 : memref<10000x128xf32, #tpu.memory_space<hbm>>) target(%arg10 : memref<100x128xf32, #tpu.memory_space<vmem>>) offsets(%dma_start3A_333 : memref<100xi32, #tpu.memory_space<vmem>>) semaphore(%arg14 : memref<!tpu.dma_semaphore, #tpu.memory_space<semaphore_mem>>)
      %dma_wait3A_337 = arith.constant 9 : i32
      %dma_wait3A_338 = arith.constant 0 : i32
      %dma_wait3A_339 = tpu.memref_slice %arg6[%dma_wait3A_337, %dma_wait3A_338] : memref<25x100xi32, #tpu.memory_space<vmem>> -> memref<1x100xi32, #tpu.memory_space<vmem>>
      %dma_wait3A_340 = tpu.memref_squeeze %dma_wait3A_339 : memref<1x100xi32, #tpu.memory_space<vmem>> -> memref<100xi32, #tpu.memory_space<vmem>>
      %dma_wait3A_341 = arith.constant 0 : i32
      %dma_wait3A_342 = arith.constant 0 : i32
      %dma_wait3A_343 = tpu.memref_slice %arg2[%dma_wait3A_341, %dma_wait3A_342] : memref<10000x128xf32, #tpu.memory_space<hbm>> -> memref<10000x128xf32, #tpu.memory_space<hbm>>
      tpu.wait_indirect_dma semaphore(%arg12 : memref<!tpu.dma_semaphore, #tpu.memory_space<semaphore_mem>>) src(%dma_wait3A_343 : memref<10000x128xf32, #tpu.memory_space<hbm>>) dst(%arg8 : memref<100x128xf32, #tpu.memory_space<vmem>>)
      %dma_start3A_344 = arith.constant 9 : i32
      %dma_start3A_345 = arith.constant 0 : i32
      %dma_start3A_346 = tpu.memref_slice %arg7[%dma_start3A_344, %dma_start3A_345] : memref<25x100xi32, #tpu.memory_space<vmem>> -> memref<1x100xi32, #tpu.memory_space<vmem>>
      %dma_start3A_347 = tpu.memref_squeeze %dma_start3A_346 : memref<1x100xi32, #tpu.memory_space<vmem>> -> memref<100xi32, #tpu.memory_space<vmem>>
      %dma_start3A_348 = arith.constant 0 : i32
      %dma_start3A_349 = arith.constant 0 : i32
      %dma_start3A_350 = tpu.memref_slice %arg11[%dma_start3A_348, %dma_start3A_349] : memref<10240x128xf32, #tpu.memory_space<vmem_shared>> -> memref<10240x128xf32, #tpu.memory_space<vmem_shared>>
      tpu.enqueue_indirect_dma source(%arg8 : memref<100x128xf32, #tpu.memory_space<vmem>>) target(%dma_start3A_350 : memref<10240x128xf32, #tpu.memory_space<vmem_shared>>) offsets(%dma_start3A_347 : memref<100xi32, #tpu.memory_space<vmem>>) semaphore(%arg15 : memref<!tpu.dma_semaphore, #tpu.memory_space<semaphore_mem>>) {add = true}
      %dma_wait3A_351 = arith.constant 9 : i32
      %dma_wait3A_352 = arith.constant 0 : i32
      %dma_wait3A_353 = tpu.memref_slice %arg7[%dma_wait3A_351, %dma_wait3A_352] : memref<25x100xi32, #tpu.memory_space<vmem>> -> memref<1x100xi32, #tpu.memory_space<vmem>>
      %dma_wait3A_354 = tpu.memref_squeeze %dma_wait3A_353 : memref<1x100xi32, #tpu.memory_space<vmem>> -> memref<100xi32, #tpu.memory_space<vmem>>
      %dma_wait3A_355 = arith.constant 0 : i32
      %dma_wait3A_356 = arith.constant 0 : i32
      %dma_wait3A_357 = tpu.memref_slice %arg11[%dma_wait3A_355, %dma_wait3A_356] : memref<10240x128xf32, #tpu.memory_space<vmem_shared>> -> memref<10240x128xf32, #tpu.memory_space<vmem_shared>>
      tpu.wait_indirect_dma semaphore(%arg15 : memref<!tpu.dma_semaphore, #tpu.memory_space<semaphore_mem>>) src(%arg8 : memref<100x128xf32, #tpu.memory_space<vmem>>) dst(%dma_wait3A_357 : memref<10240x128xf32, #tpu.memory_space<vmem_shared>>)
      %dma_start3A_358 = arith.constant 12 : i32
      %dma_start3A_359 = arith.constant 0 : i32
      %dma_start3A_360 = tpu.memref_slice %arg6[%dma_start3A_358, %dma_start3A_359] : memref<25x100xi32, #tpu.memory_space<vmem>> -> memref<1x100xi32, #tpu.memory_space<vmem>>
      %dma_start3A_361 = tpu.memref_squeeze %dma_start3A_360 : memref<1x100xi32, #tpu.memory_space<vmem>> -> memref<100xi32, #tpu.memory_space<vmem>>
      %dma_start3A_362 = arith.constant 0 : i32
      %dma_start3A_363 = arith.constant 0 : i32
      %dma_start3A_364 = tpu.memref_slice %arg2[%dma_start3A_362, %dma_start3A_363] : memref<10000x128xf32, #tpu.memory_space<hbm>> -> memref<10000x128xf32, #tpu.memory_space<hbm>>
      tpu.enqueue_indirect_dma source(%dma_start3A_364 : memref<10000x128xf32, #tpu.memory_space<hbm>>) target(%arg8 : memref<100x128xf32, #tpu.memory_space<vmem>>) offsets(%dma_start3A_361 : memref<100xi32, #tpu.memory_space<vmem>>) semaphore(%arg12 : memref<!tpu.dma_semaphore, #tpu.memory_space<semaphore_mem>>)
      %dma_wait3A_365 = arith.constant 10 : i32
      %dma_wait3A_366 = arith.constant 0 : i32
      %dma_wait3A_367 = tpu.memref_slice %arg6[%dma_wait3A_365, %dma_wait3A_366] : memref<25x100xi32, #tpu.memory_space<vmem>> -> memref<1x100xi32, #tpu.memory_space<vmem>>
      %dma_wait3A_368 = tpu.memref_squeeze %dma_wait3A_367 : memref<1x100xi32, #tpu.memory_space<vmem>> -> memref<100xi32, #tpu.memory_space<vmem>>
      %dma_wait3A_369 = arith.constant 0 : i32
      %dma_wait3A_370 = arith.constant 0 : i32
      %dma_wait3A_371 = tpu.memref_slice %arg2[%dma_wait3A_369, %dma_wait3A_370] : memref<10000x128xf32, #tpu.memory_space<hbm>> -> memref<10000x128xf32, #tpu.memory_space<hbm>>
      tpu.wait_indirect_dma semaphore(%arg13 : memref<!tpu.dma_semaphore, #tpu.memory_space<semaphore_mem>>) src(%dma_wait3A_371 : memref<10000x128xf32, #tpu.memory_space<hbm>>) dst(%arg9 : memref<100x128xf32, #tpu.memory_space<vmem>>)
      %dma_start3A_372 = arith.constant 10 : i32
      %dma_start3A_373 = arith.constant 0 : i32
      %dma_start3A_374 = tpu.memref_slice %arg7[%dma_start3A_372, %dma_start3A_373] : memref<25x100xi32, #tpu.memory_space<vmem>> -> memref<1x100xi32, #tpu.memory_space<vmem>>
      %dma_start3A_375 = tpu.memref_squeeze %dma_start3A_374 : memref<1x100xi32, #tpu.memory_space<vmem>> -> memref<100xi32, #tpu.memory_space<vmem>>
      %dma_start3A_376 = arith.constant 0 : i32
      %dma_start3A_377 = arith.constant 0 : i32
      %dma_start3A_378 = tpu.memref_slice %arg11[%dma_start3A_376, %dma_start3A_377] : memref<10240x128xf32, #tpu.memory_space<vmem_shared>> -> memref<10240x128xf32, #tpu.memory_space<vmem_shared>>
      tpu.enqueue_indirect_dma source(%arg9 : memref<100x128xf32, #tpu.memory_space<vmem>>) target(%dma_start3A_378 : memref<10240x128xf32, #tpu.memory_space<vmem_shared>>) offsets(%dma_start3A_375 : memref<100xi32, #tpu.memory_space<vmem>>) semaphore(%arg16 : memref<!tpu.dma_semaphore, #tpu.memory_space<semaphore_mem>>) {add = true}
      %dma_wait3A_379 = arith.constant 10 : i32
      %dma_wait3A_380 = arith.constant 0 : i32
      %dma_wait3A_381 = tpu.memref_slice %arg7[%dma_wait3A_379, %dma_wait3A_380] : memref<25x100xi32, #tpu.memory_space<vmem>> -> memref<1x100xi32, #tpu.memory_space<vmem>>
      %dma_wait3A_382 = tpu.memref_squeeze %dma_wait3A_381 : memref<1x100xi32, #tpu.memory_space<vmem>> -> memref<100xi32, #tpu.memory_space<vmem>>
      %dma_wait3A_383 = arith.constant 0 : i32
      %dma_wait3A_384 = arith.constant 0 : i32
      %dma_wait3A_385 = tpu.memref_slice %arg11[%dma_wait3A_383, %dma_wait3A_384] : memref<10240x128xf32, #tpu.memory_space<vmem_shared>> -> memref<10240x128xf32, #tpu.memory_space<vmem_shared>>
      tpu.wait_indirect_dma semaphore(%arg16 : memref<!tpu.dma_semaphore, #tpu.memory_space<semaphore_mem>>) src(%arg9 : memref<100x128xf32, #tpu.memory_space<vmem>>) dst(%dma_wait3A_385 : memref<10240x128xf32, #tpu.memory_space<vmem_shared>>)
      %dma_start3A_386 = arith.constant 13 : i32
      %dma_start3A_387 = arith.constant 0 : i32
      %dma_start3A_388 = tpu.memref_slice %arg6[%dma_start3A_386, %dma_start3A_387] : memref<25x100xi32, #tpu.memory_space<vmem>> -> memref<1x100xi32, #tpu.memory_space<vmem>>
      %dma_start3A_389 = tpu.memref_squeeze %dma_start3A_388 : memref<1x100xi32, #tpu.memory_space<vmem>> -> memref<100xi32, #tpu.memory_space<vmem>>
      %dma_start3A_390 = arith.constant 0 : i32
      %dma_start3A_391 = arith.constant 0 : i32
      %dma_start3A_392 = tpu.memref_slice %arg2[%dma_start3A_390, %dma_start3A_391] : memref<10000x128xf32, #tpu.memory_space<hbm>> -> memref<10000x128xf32, #tpu.memory_space<hbm>>
      tpu.enqueue_indirect_dma source(%dma_start3A_392 : memref<10000x128xf32, #tpu.memory_space<hbm>>) target(%arg9 : memref<100x128xf32, #tpu.memory_space<vmem>>) offsets(%dma_start3A_389 : memref<100xi32, #tpu.memory_space<vmem>>) semaphore(%arg13 : memref<!tpu.dma_semaphore, #tpu.memory_space<semaphore_mem>>)
      %dma_wait3A_393 = arith.constant 11 : i32
      %dma_wait3A_394 = arith.constant 0 : i32
      %dma_wait3A_395 = tpu.memref_slice %arg6[%dma_wait3A_393, %dma_wait3A_394] : memref<25x100xi32, #tpu.memory_space<vmem>> -> memref<1x100xi32, #tpu.memory_space<vmem>>
      %dma_wait3A_396 = tpu.memref_squeeze %dma_wait3A_395 : memref<1x100xi32, #tpu.memory_space<vmem>> -> memref<100xi32, #tpu.memory_space<vmem>>
      %dma_wait3A_397 = arith.constant 0 : i32
      %dma_wait3A_398 = arith.constant 0 : i32
      %dma_wait3A_399 = tpu.memref_slice %arg2[%dma_wait3A_397, %dma_wait3A_398] : memref<10000x128xf32, #tpu.memory_space<hbm>> -> memref<10000x128xf32, #tpu.memory_space<hbm>>
      tpu.wait_indirect_dma semaphore(%arg14 : memref<!tpu.dma_semaphore, #tpu.memory_space<semaphore_mem>>) src(%dma_wait3A_399 : memref<10000x128xf32, #tpu.memory_space<hbm>>) dst(%arg10 : memref<100x128xf32, #tpu.memory_space<vmem>>)
      %dma_start3A_400 = arith.constant 11 : i32
      %dma_start3A_401 = arith.constant 0 : i32
      %dma_start3A_402 = tpu.memref_slice %arg7[%dma_start3A_400, %dma_start3A_401] : memref<25x100xi32, #tpu.memory_space<vmem>> -> memref<1x100xi32, #tpu.memory_space<vmem>>
      %dma_start3A_403 = tpu.memref_squeeze %dma_start3A_402 : memref<1x100xi32, #tpu.memory_space<vmem>> -> memref<100xi32, #tpu.memory_space<vmem>>
      %dma_start3A_404 = arith.constant 0 : i32
      %dma_start3A_405 = arith.constant 0 : i32
      %dma_start3A_406 = tpu.memref_slice %arg11[%dma_start3A_404, %dma_start3A_405] : memref<10240x128xf32, #tpu.memory_space<vmem_shared>> -> memref<10240x128xf32, #tpu.memory_space<vmem_shared>>
      tpu.enqueue_indirect_dma source(%arg10 : memref<100x128xf32, #tpu.memory_space<vmem>>) target(%dma_start3A_406 : memref<10240x128xf32, #tpu.memory_space<vmem_shared>>) offsets(%dma_start3A_403 : memref<100xi32, #tpu.memory_space<vmem>>) semaphore(%arg17 : memref<!tpu.dma_semaphore, #tpu.memory_space<semaphore_mem>>) {add = true}
      %dma_wait3A_407 = arith.constant 11 : i32
      %dma_wait3A_408 = arith.constant 0 : i32
      %dma_wait3A_409 = tpu.memref_slice %arg7[%dma_wait3A_407, %dma_wait3A_408] : memref<25x100xi32, #tpu.memory_space<vmem>> -> memref<1x100xi32, #tpu.memory_space<vmem>>
      %dma_wait3A_410 = tpu.memref_squeeze %dma_wait3A_409 : memref<1x100xi32, #tpu.memory_space<vmem>> -> memref<100xi32, #tpu.memory_space<vmem>>
      %dma_wait3A_411 = arith.constant 0 : i32
      %dma_wait3A_412 = arith.constant 0 : i32
      %dma_wait3A_413 = tpu.memref_slice %arg11[%dma_wait3A_411, %dma_wait3A_412] : memref<10240x128xf32, #tpu.memory_space<vmem_shared>> -> memref<10240x128xf32, #tpu.memory_space<vmem_shared>>
      tpu.wait_indirect_dma semaphore(%arg17 : memref<!tpu.dma_semaphore, #tpu.memory_space<semaphore_mem>>) src(%arg10 : memref<100x128xf32, #tpu.memory_space<vmem>>) dst(%dma_wait3A_413 : memref<10240x128xf32, #tpu.memory_space<vmem_shared>>)
      %dma_start3A_414 = arith.constant 14 : i32
      %dma_start3A_415 = arith.constant 0 : i32
      %dma_start3A_416 = tpu.memref_slice %arg6[%dma_start3A_414, %dma_start3A_415] : memref<25x100xi32, #tpu.memory_space<vmem>> -> memref<1x100xi32, #tpu.memory_space<vmem>>
      %dma_start3A_417 = tpu.memref_squeeze %dma_start3A_416 : memref<1x100xi32, #tpu.memory_space<vmem>> -> memref<100xi32, #tpu.memory_space<vmem>>
      %dma_start3A_418 = arith.constant 0 : i32
      %dma_start3A_419 = arith.constant 0 : i32
      %dma_start3A_420 = tpu.memref_slice %arg2[%dma_start3A_418, %dma_start3A_419] : memref<10000x128xf32, #tpu.memory_space<hbm>> -> memref<10000x128xf32, #tpu.memory_space<hbm>>
      tpu.enqueue_indirect_dma source(%dma_start3A_420 : memref<10000x128xf32, #tpu.memory_space<hbm>>) target(%arg10 : memref<100x128xf32, #tpu.memory_space<vmem>>) offsets(%dma_start3A_417 : memref<100xi32, #tpu.memory_space<vmem>>) semaphore(%arg14 : memref<!tpu.dma_semaphore, #tpu.memory_space<semaphore_mem>>)
      %dma_wait3A_421 = arith.constant 12 : i32
      %dma_wait3A_422 = arith.constant 0 : i32
      %dma_wait3A_423 = tpu.memref_slice %arg6[%dma_wait3A_421, %dma_wait3A_422] : memref<25x100xi32, #tpu.memory_space<vmem>> -> memref<1x100xi32, #tpu.memory_space<vmem>>
      %dma_wait3A_424 = tpu.memref_squeeze %dma_wait3A_423 : memref<1x100xi32, #tpu.memory_space<vmem>> -> memref<100xi32, #tpu.memory_space<vmem>>
      %dma_wait3A_425 = arith.constant 0 : i32
      %dma_wait3A_426 = arith.constant 0 : i32
      %dma_wait3A_427 = tpu.memref_slice %arg2[%dma_wait3A_425, %dma_wait3A_426] : memref<10000x128xf32, #tpu.memory_space<hbm>> -> memref<10000x128xf32, #tpu.memory_space<hbm>>
      tpu.wait_indirect_dma semaphore(%arg12 : memref<!tpu.dma_semaphore, #tpu.memory_space<semaphore_mem>>) src(%dma_wait3A_427 : memref<10000x128xf32, #tpu.memory_space<hbm>>) dst(%arg8 : memref<100x128xf32, #tpu.memory_space<vmem>>)
      %dma_start3A_428 = arith.constant 12 : i32
      %dma_start3A_429 = arith.constant 0 : i32
      %dma_start3A_430 = tpu.memref_slice %arg7[%dma_start3A_428, %dma_start3A_429] : memref<25x100xi32, #tpu.memory_space<vmem>> -> memref<1x100xi32, #tpu.memory_space<vmem>>
      %dma_start3A_431 = tpu.memref_squeeze %dma_start3A_430 : memref<1x100xi32, #tpu.memory_space<vmem>> -> memref<100xi32, #tpu.memory_space<vmem>>
      %dma_start3A_432 = arith.constant 0 : i32
      %dma_start3A_433 = arith.constant 0 : i32
      %dma_start3A_434 = tpu.memref_slice %arg11[%dma_start3A_432, %dma_start3A_433] : memref<10240x128xf32, #tpu.memory_space<vmem_shared>> -> memref<10240x128xf32, #tpu.memory_space<vmem_shared>>
      tpu.enqueue_indirect_dma source(%arg8 : memref<100x128xf32, #tpu.memory_space<vmem>>) target(%dma_start3A_434 : memref<10240x128xf32, #tpu.memory_space<vmem_shared>>) offsets(%dma_start3A_431 : memref<100xi32, #tpu.memory_space<vmem>>) semaphore(%arg15 : memref<!tpu.dma_semaphore, #tpu.memory_space<semaphore_mem>>) {add = true}
      %dma_wait3A_435 = arith.constant 12 : i32
      %dma_wait3A_436 = arith.constant 0 : i32
      %dma_wait3A_437 = tpu.memref_slice %arg7[%dma_wait3A_435, %dma_wait3A_436] : memref<25x100xi32, #tpu.memory_space<vmem>> -> memref<1x100xi32, #tpu.memory_space<vmem>>
      %dma_wait3A_438 = tpu.memref_squeeze %dma_wait3A_437 : memref<1x100xi32, #tpu.memory_space<vmem>> -> memref<100xi32, #tpu.memory_space<vmem>>
      %dma_wait3A_439 = arith.constant 0 : i32
      %dma_wait3A_440 = arith.constant 0 : i32
      %dma_wait3A_441 = tpu.memref_slice %arg11[%dma_wait3A_439, %dma_wait3A_440] : memref<10240x128xf32, #tpu.memory_space<vmem_shared>> -> memref<10240x128xf32, #tpu.memory_space<vmem_shared>>
      tpu.wait_indirect_dma semaphore(%arg15 : memref<!tpu.dma_semaphore, #tpu.memory_space<semaphore_mem>>) src(%arg8 : memref<100x128xf32, #tpu.memory_space<vmem>>) dst(%dma_wait3A_441 : memref<10240x128xf32, #tpu.memory_space<vmem_shared>>)
      %dma_start3A_442 = arith.constant 15 : i32
      %dma_start3A_443 = arith.constant 0 : i32
      %dma_start3A_444 = tpu.memref_slice %arg6[%dma_start3A_442, %dma_start3A_443] : memref<25x100xi32, #tpu.memory_space<vmem>> -> memref<1x100xi32, #tpu.memory_space<vmem>>
      %dma_start3A_445 = tpu.memref_squeeze %dma_start3A_444 : memref<1x100xi32, #tpu.memory_space<vmem>> -> memref<100xi32, #tpu.memory_space<vmem>>
      %dma_start3A_446 = arith.constant 0 : i32
      %dma_start3A_447 = arith.constant 0 : i32
      %dma_start3A_448 = tpu.memref_slice %arg2[%dma_start3A_446, %dma_start3A_447] : memref<10000x128xf32, #tpu.memory_space<hbm>> -> memref<10000x128xf32, #tpu.memory_space<hbm>>
      tpu.enqueue_indirect_dma source(%dma_start3A_448 : memref<10000x128xf32, #tpu.memory_space<hbm>>) target(%arg8 : memref<100x128xf32, #tpu.memory_space<vmem>>) offsets(%dma_start3A_445 : memref<100xi32, #tpu.memory_space<vmem>>) semaphore(%arg12 : memref<!tpu.dma_semaphore, #tpu.memory_space<semaphore_mem>>)
      %dma_wait3A_449 = arith.constant 13 : i32
      %dma_wait3A_450 = arith.constant 0 : i32
      %dma_wait3A_451 = tpu.memref_slice %arg6[%dma_wait3A_449, %dma_wait3A_450] : memref<25x100xi32, #tpu.memory_space<vmem>> -> memref<1x100xi32, #tpu.memory_space<vmem>>
      %dma_wait3A_452 = tpu.memref_squeeze %dma_wait3A_451 : memref<1x100xi32, #tpu.memory_space<vmem>> -> memref<100xi32, #tpu.memory_space<vmem>>
      %dma_wait3A_453 = arith.constant 0 : i32
      %dma_wait3A_454 = arith.constant 0 : i32
      %dma_wait3A_455 = tpu.memref_slice %arg2[%dma_wait3A_453, %dma_wait3A_454] : memref<10000x128xf32, #tpu.memory_space<hbm>> -> memref<10000x128xf32, #tpu.memory_space<hbm>>
      tpu.wait_indirect_dma semaphore(%arg13 : memref<!tpu.dma_semaphore, #tpu.memory_space<semaphore_mem>>) src(%dma_wait3A_455 : memref<10000x128xf32, #tpu.memory_space<hbm>>) dst(%arg9 : memref<100x128xf32, #tpu.memory_space<vmem>>)
      %dma_start3A_456 = arith.constant 13 : i32
      %dma_start3A_457 = arith.constant 0 : i32
      %dma_start3A_458 = tpu.memref_slice %arg7[%dma_start3A_456, %dma_start3A_457] : memref<25x100xi32, #tpu.memory_space<vmem>> -> memref<1x100xi32, #tpu.memory_space<vmem>>
      %dma_start3A_459 = tpu.memref_squeeze %dma_start3A_458 : memref<1x100xi32, #tpu.memory_space<vmem>> -> memref<100xi32, #tpu.memory_space<vmem>>
      %dma_start3A_460 = arith.constant 0 : i32
      %dma_start3A_461 = arith.constant 0 : i32
      %dma_start3A_462 = tpu.memref_slice %arg11[%dma_start3A_460, %dma_start3A_461] : memref<10240x128xf32, #tpu.memory_space<vmem_shared>> -> memref<10240x128xf32, #tpu.memory_space<vmem_shared>>
      tpu.enqueue_indirect_dma source(%arg9 : memref<100x128xf32, #tpu.memory_space<vmem>>) target(%dma_start3A_462 : memref<10240x128xf32, #tpu.memory_space<vmem_shared>>) offsets(%dma_start3A_459 : memref<100xi32, #tpu.memory_space<vmem>>) semaphore(%arg16 : memref<!tpu.dma_semaphore, #tpu.memory_space<semaphore_mem>>) {add = true}
      %dma_wait3A_463 = arith.constant 13 : i32
      %dma_wait3A_464 = arith.constant 0 : i32
      %dma_wait3A_465 = tpu.memref_slice %arg7[%dma_wait3A_463, %dma_wait3A_464] : memref<25x100xi32, #tpu.memory_space<vmem>> -> memref<1x100xi32, #tpu.memory_space<vmem>>
      %dma_wait3A_466 = tpu.memref_squeeze %dma_wait3A_465 : memref<1x100xi32, #tpu.memory_space<vmem>> -> memref<100xi32, #tpu.memory_space<vmem>>
      %dma_wait3A_467 = arith.constant 0 : i32
      %dma_wait3A_468 = arith.constant 0 : i32
      %dma_wait3A_469 = tpu.memref_slice %arg11[%dma_wait3A_467, %dma_wait3A_468] : memref<10240x128xf32, #tpu.memory_space<vmem_shared>> -> memref<10240x128xf32, #tpu.memory_space<vmem_shared>>
      tpu.wait_indirect_dma semaphore(%arg16 : memref<!tpu.dma_semaphore, #tpu.memory_space<semaphore_mem>>) src(%arg9 : memref<100x128xf32, #tpu.memory_space<vmem>>) dst(%dma_wait3A_469 : memref<10240x128xf32, #tpu.memory_space<vmem_shared>>)
      %dma_start3A_470 = arith.constant 16 : i32
      %dma_start3A_471 = arith.constant 0 : i32
      %dma_start3A_472 = tpu.memref_slice %arg6[%dma_start3A_470, %dma_start3A_471] : memref<25x100xi32, #tpu.memory_space<vmem>> -> memref<1x100xi32, #tpu.memory_space<vmem>>
      %dma_start3A_473 = tpu.memref_squeeze %dma_start3A_472 : memref<1x100xi32, #tpu.memory_space<vmem>> -> memref<100xi32, #tpu.memory_space<vmem>>
      %dma_start3A_474 = arith.constant 0 : i32
      %dma_start3A_475 = arith.constant 0 : i32
      %dma_start3A_476 = tpu.memref_slice %arg2[%dma_start3A_474, %dma_start3A_475] : memref<10000x128xf32, #tpu.memory_space<hbm>> -> memref<10000x128xf32, #tpu.memory_space<hbm>>
      tpu.enqueue_indirect_dma source(%dma_start3A_476 : memref<10000x128xf32, #tpu.memory_space<hbm>>) target(%arg9 : memref<100x128xf32, #tpu.memory_space<vmem>>) offsets(%dma_start3A_473 : memref<100xi32, #tpu.memory_space<vmem>>) semaphore(%arg13 : memref<!tpu.dma_semaphore, #tpu.memory_space<semaphore_mem>>)
      %dma_wait3A_477 = arith.constant 14 : i32
      %dma_wait3A_478 = arith.constant 0 : i32
      %dma_wait3A_479 = tpu.memref_slice %arg6[%dma_wait3A_477, %dma_wait3A_478] : memref<25x100xi32, #tpu.memory_space<vmem>> -> memref<1x100xi32, #tpu.memory_space<vmem>>
      %dma_wait3A_480 = tpu.memref_squeeze %dma_wait3A_479 : memref<1x100xi32, #tpu.memory_space<vmem>> -> memref<100xi32, #tpu.memory_space<vmem>>
      %dma_wait3A_481 = arith.constant 0 : i32
      %dma_wait3A_482 = arith.constant 0 : i32
      %dma_wait3A_483 = tpu.memref_slice %arg2[%dma_wait3A_481, %dma_wait3A_482] : memref<10000x128xf32, #tpu.memory_space<hbm>> -> memref<10000x128xf32, #tpu.memory_space<hbm>>
      tpu.wait_indirect_dma semaphore(%arg14 : memref<!tpu.dma_semaphore, #tpu.memory_space<semaphore_mem>>) src(%dma_wait3A_483 : memref<10000x128xf32, #tpu.memory_space<hbm>>) dst(%arg10 : memref<100x128xf32, #tpu.memory_space<vmem>>)
      %dma_start3A_484 = arith.constant 14 : i32
      %dma_start3A_485 = arith.constant 0 : i32
      %dma_start3A_486 = tpu.memref_slice %arg7[%dma_start3A_484, %dma_start3A_485] : memref<25x100xi32, #tpu.memory_space<vmem>> -> memref<1x100xi32, #tpu.memory_space<vmem>>
      %dma_start3A_487 = tpu.memref_squeeze %dma_start3A_486 : memref<1x100xi32, #tpu.memory_space<vmem>> -> memref<100xi32, #tpu.memory_space<vmem>>
      %dma_start3A_488 = arith.constant 0 : i32
      %dma_start3A_489 = arith.constant 0 : i32
      %dma_start3A_490 = tpu.memref_slice %arg11[%dma_start3A_488, %dma_start3A_489] : memref<10240x128xf32, #tpu.memory_space<vmem_shared>> -> memref<10240x128xf32, #tpu.memory_space<vmem_shared>>
      tpu.enqueue_indirect_dma source(%arg10 : memref<100x128xf32, #tpu.memory_space<vmem>>) target(%dma_start3A_490 : memref<10240x128xf32, #tpu.memory_space<vmem_shared>>) offsets(%dma_start3A_487 : memref<100xi32, #tpu.memory_space<vmem>>) semaphore(%arg17 : memref<!tpu.dma_semaphore, #tpu.memory_space<semaphore_mem>>) {add = true}
      %dma_wait3A_491 = arith.constant 14 : i32
      %dma_wait3A_492 = arith.constant 0 : i32
      %dma_wait3A_493 = tpu.memref_slice %arg7[%dma_wait3A_491, %dma_wait3A_492] : memref<25x100xi32, #tpu.memory_space<vmem>> -> memref<1x100xi32, #tpu.memory_space<vmem>>
      %dma_wait3A_494 = tpu.memref_squeeze %dma_wait3A_493 : memref<1x100xi32, #tpu.memory_space<vmem>> -> memref<100xi32, #tpu.memory_space<vmem>>
      %dma_wait3A_495 = arith.constant 0 : i32
      %dma_wait3A_496 = arith.constant 0 : i32
      %dma_wait3A_497 = tpu.memref_slice %arg11[%dma_wait3A_495, %dma_wait3A_496] : memref<10240x128xf32, #tpu.memory_space<vmem_shared>> -> memref<10240x128xf32, #tpu.memory_space<vmem_shared>>
      tpu.wait_indirect_dma semaphore(%arg17 : memref<!tpu.dma_semaphore, #tpu.memory_space<semaphore_mem>>) src(%arg10 : memref<100x128xf32, #tpu.memory_space<vmem>>) dst(%dma_wait3A_497 : memref<10240x128xf32, #tpu.memory_space<vmem_shared>>)
      %dma_start3A_498 = arith.constant 17 : i32
      %dma_start3A_499 = arith.constant 0 : i32
      %dma_start3A_500 = tpu.memref_slice %arg6[%dma_start3A_498, %dma_start3A_499] : memref<25x100xi32, #tpu.memory_space<vmem>> -> memref<1x100xi32, #tpu.memory_space<vmem>>
      %dma_start3A_501 = tpu.memref_squeeze %dma_start3A_500 : memref<1x100xi32, #tpu.memory_space<vmem>> -> memref<100xi32, #tpu.memory_space<vmem>>
      %dma_start3A_502 = arith.constant 0 : i32
      %dma_start3A_503 = arith.constant 0 : i32
      %dma_start3A_504 = tpu.memref_slice %arg2[%dma_start3A_502, %dma_start3A_503] : memref<10000x128xf32, #tpu.memory_space<hbm>> -> memref<10000x128xf32, #tpu.memory_space<hbm>>
      tpu.enqueue_indirect_dma source(%dma_start3A_504 : memref<10000x128xf32, #tpu.memory_space<hbm>>) target(%arg10 : memref<100x128xf32, #tpu.memory_space<vmem>>) offsets(%dma_start3A_501 : memref<100xi32, #tpu.memory_space<vmem>>) semaphore(%arg14 : memref<!tpu.dma_semaphore, #tpu.memory_space<semaphore_mem>>)
      %dma_wait3A_505 = arith.constant 15 : i32
      %dma_wait3A_506 = arith.constant 0 : i32
      %dma_wait3A_507 = tpu.memref_slice %arg6[%dma_wait3A_505, %dma_wait3A_506] : memref<25x100xi32, #tpu.memory_space<vmem>> -> memref<1x100xi32, #tpu.memory_space<vmem>>
      %dma_wait3A_508 = tpu.memref_squeeze %dma_wait3A_507 : memref<1x100xi32, #tpu.memory_space<vmem>> -> memref<100xi32, #tpu.memory_space<vmem>>
      %dma_wait3A_509 = arith.constant 0 : i32
      %dma_wait3A_510 = arith.constant 0 : i32
      %dma_wait3A_511 = tpu.memref_slice %arg2[%dma_wait3A_509, %dma_wait3A_510] : memref<10000x128xf32, #tpu.memory_space<hbm>> -> memref<10000x128xf32, #tpu.memory_space<hbm>>
      tpu.wait_indirect_dma semaphore(%arg12 : memref<!tpu.dma_semaphore, #tpu.memory_space<semaphore_mem>>) src(%dma_wait3A_511 : memref<10000x128xf32, #tpu.memory_space<hbm>>) dst(%arg8 : memref<100x128xf32, #tpu.memory_space<vmem>>)
      %dma_start3A_512 = arith.constant 15 : i32
      %dma_start3A_513 = arith.constant 0 : i32
      %dma_start3A_514 = tpu.memref_slice %arg7[%dma_start3A_512, %dma_start3A_513] : memref<25x100xi32, #tpu.memory_space<vmem>> -> memref<1x100xi32, #tpu.memory_space<vmem>>
      %dma_start3A_515 = tpu.memref_squeeze %dma_start3A_514 : memref<1x100xi32, #tpu.memory_space<vmem>> -> memref<100xi32, #tpu.memory_space<vmem>>
      %dma_start3A_516 = arith.constant 0 : i32
      %dma_start3A_517 = arith.constant 0 : i32
      %dma_start3A_518 = tpu.memref_slice %arg11[%dma_start3A_516, %dma_start3A_517] : memref<10240x128xf32, #tpu.memory_space<vmem_shared>> -> memref<10240x128xf32, #tpu.memory_space<vmem_shared>>
      tpu.enqueue_indirect_dma source(%arg8 : memref<100x128xf32, #tpu.memory_space<vmem>>) target(%dma_start3A_518 : memref<10240x128xf32, #tpu.memory_space<vmem_shared>>) offsets(%dma_start3A_515 : memref<100xi32, #tpu.memory_space<vmem>>) semaphore(%arg15 : memref<!tpu.dma_semaphore, #tpu.memory_space<semaphore_mem>>) {add = true}
      %dma_wait3A_519 = arith.constant 15 : i32
      %dma_wait3A_520 = arith.constant 0 : i32
      %dma_wait3A_521 = tpu.memref_slice %arg7[%dma_wait3A_519, %dma_wait3A_520] : memref<25x100xi32, #tpu.memory_space<vmem>> -> memref<1x100xi32, #tpu.memory_space<vmem>>
      %dma_wait3A_522 = tpu.memref_squeeze %dma_wait3A_521 : memref<1x100xi32, #tpu.memory_space<vmem>> -> memref<100xi32, #tpu.memory_space<vmem>>
      %dma_wait3A_523 = arith.constant 0 : i32
      %dma_wait3A_524 = arith.constant 0 : i32
      %dma_wait3A_525 = tpu.memref_slice %arg11[%dma_wait3A_523, %dma_wait3A_524] : memref<10240x128xf32, #tpu.memory_space<vmem_shared>> -> memref<10240x128xf32, #tpu.memory_space<vmem_shared>>
      tpu.wait_indirect_dma semaphore(%arg15 : memref<!tpu.dma_semaphore, #tpu.memory_space<semaphore_mem>>) src(%arg8 : memref<100x128xf32, #tpu.memory_space<vmem>>) dst(%dma_wait3A_525 : memref<10240x128xf32, #tpu.memory_space<vmem_shared>>)
      %dma_start3A_526 = arith.constant 18 : i32
      %dma_start3A_527 = arith.constant 0 : i32
      %dma_start3A_528 = tpu.memref_slice %arg6[%dma_start3A_526, %dma_start3A_527] : memref<25x100xi32, #tpu.memory_space<vmem>> -> memref<1x100xi32, #tpu.memory_space<vmem>>
      %dma_start3A_529 = tpu.memref_squeeze %dma_start3A_528 : memref<1x100xi32, #tpu.memory_space<vmem>> -> memref<100xi32, #tpu.memory_space<vmem>>
      %dma_start3A_530 = arith.constant 0 : i32
      %dma_start3A_531 = arith.constant 0 : i32
      %dma_start3A_532 = tpu.memref_slice %arg2[%dma_start3A_530, %dma_start3A_531] : memref<10000x128xf32, #tpu.memory_space<hbm>> -> memref<10000x128xf32, #tpu.memory_space<hbm>>
      tpu.enqueue_indirect_dma source(%dma_start3A_532 : memref<10000x128xf32, #tpu.memory_space<hbm>>) target(%arg8 : memref<100x128xf32, #tpu.memory_space<vmem>>) offsets(%dma_start3A_529 : memref<100xi32, #tpu.memory_space<vmem>>) semaphore(%arg12 : memref<!tpu.dma_semaphore, #tpu.memory_space<semaphore_mem>>)
      %dma_wait3A_533 = arith.constant 16 : i32
      %dma_wait3A_534 = arith.constant 0 : i32
      %dma_wait3A_535 = tpu.memref_slice %arg6[%dma_wait3A_533, %dma_wait3A_534] : memref<25x100xi32, #tpu.memory_space<vmem>> -> memref<1x100xi32, #tpu.memory_space<vmem>>
      %dma_wait3A_536 = tpu.memref_squeeze %dma_wait3A_535 : memref<1x100xi32, #tpu.memory_space<vmem>> -> memref<100xi32, #tpu.memory_space<vmem>>
      %dma_wait3A_537 = arith.constant 0 : i32
      %dma_wait3A_538 = arith.constant 0 : i32
      %dma_wait3A_539 = tpu.memref_slice %arg2[%dma_wait3A_537, %dma_wait3A_538] : memref<10000x128xf32, #tpu.memory_space<hbm>> -> memref<10000x128xf32, #tpu.memory_space<hbm>>
      tpu.wait_indirect_dma semaphore(%arg13 : memref<!tpu.dma_semaphore, #tpu.memory_space<semaphore_mem>>) src(%dma_wait3A_539 : memref<10000x128xf32, #tpu.memory_space<hbm>>) dst(%arg9 : memref<100x128xf32, #tpu.memory_space<vmem>>)
      %dma_start3A_540 = arith.constant 16 : i32
      %dma_start3A_541 = arith.constant 0 : i32
      %dma_start3A_542 = tpu.memref_slice %arg7[%dma_start3A_540, %dma_start3A_541] : memref<25x100xi32, #tpu.memory_space<vmem>> -> memref<1x100xi32, #tpu.memory_space<vmem>>
      %dma_start3A_543 = tpu.memref_squeeze %dma_start3A_542 : memref<1x100xi32, #tpu.memory_space<vmem>> -> memref<100xi32, #tpu.memory_space<vmem>>
      %dma_start3A_544 = arith.constant 0 : i32
      %dma_start3A_545 = arith.constant 0 : i32
      %dma_start3A_546 = tpu.memref_slice %arg11[%dma_start3A_544, %dma_start3A_545] : memref<10240x128xf32, #tpu.memory_space<vmem_shared>> -> memref<10240x128xf32, #tpu.memory_space<vmem_shared>>
      tpu.enqueue_indirect_dma source(%arg9 : memref<100x128xf32, #tpu.memory_space<vmem>>) target(%dma_start3A_546 : memref<10240x128xf32, #tpu.memory_space<vmem_shared>>) offsets(%dma_start3A_543 : memref<100xi32, #tpu.memory_space<vmem>>) semaphore(%arg16 : memref<!tpu.dma_semaphore, #tpu.memory_space<semaphore_mem>>) {add = true}
      %dma_wait3A_547 = arith.constant 16 : i32
      %dma_wait3A_548 = arith.constant 0 : i32
      %dma_wait3A_549 = tpu.memref_slice %arg7[%dma_wait3A_547, %dma_wait3A_548] : memref<25x100xi32, #tpu.memory_space<vmem>> -> memref<1x100xi32, #tpu.memory_space<vmem>>
      %dma_wait3A_550 = tpu.memref_squeeze %dma_wait3A_549 : memref<1x100xi32, #tpu.memory_space<vmem>> -> memref<100xi32, #tpu.memory_space<vmem>>
      %dma_wait3A_551 = arith.constant 0 : i32
      %dma_wait3A_552 = arith.constant 0 : i32
      %dma_wait3A_553 = tpu.memref_slice %arg11[%dma_wait3A_551, %dma_wait3A_552] : memref<10240x128xf32, #tpu.memory_space<vmem_shared>> -> memref<10240x128xf32, #tpu.memory_space<vmem_shared>>
      tpu.wait_indirect_dma semaphore(%arg16 : memref<!tpu.dma_semaphore, #tpu.memory_space<semaphore_mem>>) src(%arg9 : memref<100x128xf32, #tpu.memory_space<vmem>>) dst(%dma_wait3A_553 : memref<10240x128xf32, #tpu.memory_space<vmem_shared>>)
      %dma_start3A_554 = arith.constant 19 : i32
      %dma_start3A_555 = arith.constant 0 : i32
      %dma_start3A_556 = tpu.memref_slice %arg6[%dma_start3A_554, %dma_start3A_555] : memref<25x100xi32, #tpu.memory_space<vmem>> -> memref<1x100xi32, #tpu.memory_space<vmem>>
      %dma_start3A_557 = tpu.memref_squeeze %dma_start3A_556 : memref<1x100xi32, #tpu.memory_space<vmem>> -> memref<100xi32, #tpu.memory_space<vmem>>
      %dma_start3A_558 = arith.constant 0 : i32
      %dma_start3A_559 = arith.constant 0 : i32
      %dma_start3A_560 = tpu.memref_slice %arg2[%dma_start3A_558, %dma_start3A_559] : memref<10000x128xf32, #tpu.memory_space<hbm>> -> memref<10000x128xf32, #tpu.memory_space<hbm>>
      tpu.enqueue_indirect_dma source(%dma_start3A_560 : memref<10000x128xf32, #tpu.memory_space<hbm>>) target(%arg9 : memref<100x128xf32, #tpu.memory_space<vmem>>) offsets(%dma_start3A_557 : memref<100xi32, #tpu.memory_space<vmem>>) semaphore(%arg13 : memref<!tpu.dma_semaphore, #tpu.memory_space<semaphore_mem>>)
      %dma_wait3A_561 = arith.constant 17 : i32
      %dma_wait3A_562 = arith.constant 0 : i32
      %dma_wait3A_563 = tpu.memref_slice %arg6[%dma_wait3A_561, %dma_wait3A_562] : memref<25x100xi32, #tpu.memory_space<vmem>> -> memref<1x100xi32, #tpu.memory_space<vmem>>
      %dma_wait3A_564 = tpu.memref_squeeze %dma_wait3A_563 : memref<1x100xi32, #tpu.memory_space<vmem>> -> memref<100xi32, #tpu.memory_space<vmem>>
      %dma_wait3A_565 = arith.constant 0 : i32
      %dma_wait3A_566 = arith.constant 0 : i32
      %dma_wait3A_567 = tpu.memref_slice %arg2[%dma_wait3A_565, %dma_wait3A_566] : memref<10000x128xf32, #tpu.memory_space<hbm>> -> memref<10000x128xf32, #tpu.memory_space<hbm>>
      tpu.wait_indirect_dma semaphore(%arg14 : memref<!tpu.dma_semaphore, #tpu.memory_space<semaphore_mem>>) src(%dma_wait3A_567 : memref<10000x128xf32, #tpu.memory_space<hbm>>) dst(%arg10 : memref<100x128xf32, #tpu.memory_space<vmem>>)
      %dma_start3A_568 = arith.constant 17 : i32
      %dma_start3A_569 = arith.constant 0 : i32
      %dma_start3A_570 = tpu.memref_slice %arg7[%dma_start3A_568, %dma_start3A_569] : memref<25x100xi32, #tpu.memory_space<vmem>> -> memref<1x100xi32, #tpu.memory_space<vmem>>
      %dma_start3A_571 = tpu.memref_squeeze %dma_start3A_570 : memref<1x100xi32, #tpu.memory_space<vmem>> -> memref<100xi32, #tpu.memory_space<vmem>>
      %dma_start3A_572 = arith.constant 0 : i32
      %dma_start3A_573 = arith.constant 0 : i32
      %dma_start3A_574 = tpu.memref_slice %arg11[%dma_start3A_572, %dma_start3A_573] : memref<10240x128xf32, #tpu.memory_space<vmem_shared>> -> memref<10240x128xf32, #tpu.memory_space<vmem_shared>>
      tpu.enqueue_indirect_dma source(%arg10 : memref<100x128xf32, #tpu.memory_space<vmem>>) target(%dma_start3A_574 : memref<10240x128xf32, #tpu.memory_space<vmem_shared>>) offsets(%dma_start3A_571 : memref<100xi32, #tpu.memory_space<vmem>>) semaphore(%arg17 : memref<!tpu.dma_semaphore, #tpu.memory_space<semaphore_mem>>) {add = true}
      %dma_wait3A_575 = arith.constant 17 : i32
      %dma_wait3A_576 = arith.constant 0 : i32
      %dma_wait3A_577 = tpu.memref_slice %arg7[%dma_wait3A_575, %dma_wait3A_576] : memref<25x100xi32, #tpu.memory_space<vmem>> -> memref<1x100xi32, #tpu.memory_space<vmem>>
      %dma_wait3A_578 = tpu.memref_squeeze %dma_wait3A_577 : memref<1x100xi32, #tpu.memory_space<vmem>> -> memref<100xi32, #tpu.memory_space<vmem>>
      %dma_wait3A_579 = arith.constant 0 : i32
      %dma_wait3A_580 = arith.constant 0 : i32
      %dma_wait3A_581 = tpu.memref_slice %arg11[%dma_wait3A_579, %dma_wait3A_580] : memref<10240x128xf32, #tpu.memory_space<vmem_shared>> -> memref<10240x128xf32, #tpu.memory_space<vmem_shared>>
      tpu.wait_indirect_dma semaphore(%arg17 : memref<!tpu.dma_semaphore, #tpu.memory_space<semaphore_mem>>) src(%arg10 : memref<100x128xf32, #tpu.memory_space<vmem>>) dst(%dma_wait3A_581 : memref<10240x128xf32, #tpu.memory_space<vmem_shared>>)
      %dma_start3A_582 = arith.constant 20 : i32
      %dma_start3A_583 = arith.constant 0 : i32
      %dma_start3A_584 = tpu.memref_slice %arg6[%dma_start3A_582, %dma_start3A_583] : memref<25x100xi32, #tpu.memory_space<vmem>> -> memref<1x100xi32, #tpu.memory_space<vmem>>
      %dma_start3A_585 = tpu.memref_squeeze %dma_start3A_584 : memref<1x100xi32, #tpu.memory_space<vmem>> -> memref<100xi32, #tpu.memory_space<vmem>>
      %dma_start3A_586 = arith.constant 0 : i32
      %dma_start3A_587 = arith.constant 0 : i32
      %dma_start3A_588 = tpu.memref_slice %arg2[%dma_start3A_586, %dma_start3A_587] : memref<10000x128xf32, #tpu.memory_space<hbm>> -> memref<10000x128xf32, #tpu.memory_space<hbm>>
      tpu.enqueue_indirect_dma source(%dma_start3A_588 : memref<10000x128xf32, #tpu.memory_space<hbm>>) target(%arg10 : memref<100x128xf32, #tpu.memory_space<vmem>>) offsets(%dma_start3A_585 : memref<100xi32, #tpu.memory_space<vmem>>) semaphore(%arg14 : memref<!tpu.dma_semaphore, #tpu.memory_space<semaphore_mem>>)
      %dma_wait3A_589 = arith.constant 18 : i32
      %dma_wait3A_590 = arith.constant 0 : i32
      %dma_wait3A_591 = tpu.memref_slice %arg6[%dma_wait3A_589, %dma_wait3A_590] : memref<25x100xi32, #tpu.memory_space<vmem>> -> memref<1x100xi32, #tpu.memory_space<vmem>>
      %dma_wait3A_592 = tpu.memref_squeeze %dma_wait3A_591 : memref<1x100xi32, #tpu.memory_space<vmem>> -> memref<100xi32, #tpu.memory_space<vmem>>
      %dma_wait3A_593 = arith.constant 0 : i32
      %dma_wait3A_594 = arith.constant 0 : i32
      %dma_wait3A_595 = tpu.memref_slice %arg2[%dma_wait3A_593, %dma_wait3A_594] : memref<10000x128xf32, #tpu.memory_space<hbm>> -> memref<10000x128xf32, #tpu.memory_space<hbm>>
      tpu.wait_indirect_dma semaphore(%arg12 : memref<!tpu.dma_semaphore, #tpu.memory_space<semaphore_mem>>) src(%dma_wait3A_595 : memref<10000x128xf32, #tpu.memory_space<hbm>>) dst(%arg8 : memref<100x128xf32, #tpu.memory_space<vmem>>)
      %dma_start3A_596 = arith.constant 18 : i32
      %dma_start3A_597 = arith.constant 0 : i32
      %dma_start3A_598 = tpu.memref_slice %arg7[%dma_start3A_596, %dma_start3A_597] : memref<25x100xi32, #tpu.memory_space<vmem>> -> memref<1x100xi32, #tpu.memory_space<vmem>>
      %dma_start3A_599 = tpu.memref_squeeze %dma_start3A_598 : memref<1x100xi32, #tpu.memory_space<vmem>> -> memref<100xi32, #tpu.memory_space<vmem>>
      %dma_start3A_600 = arith.constant 0 : i32
      %dma_start3A_601 = arith.constant 0 : i32
      %dma_start3A_602 = tpu.memref_slice %arg11[%dma_start3A_600, %dma_start3A_601] : memref<10240x128xf32, #tpu.memory_space<vmem_shared>> -> memref<10240x128xf32, #tpu.memory_space<vmem_shared>>
      tpu.enqueue_indirect_dma source(%arg8 : memref<100x128xf32, #tpu.memory_space<vmem>>) target(%dma_start3A_602 : memref<10240x128xf32, #tpu.memory_space<vmem_shared>>) offsets(%dma_start3A_599 : memref<100xi32, #tpu.memory_space<vmem>>) semaphore(%arg15 : memref<!tpu.dma_semaphore, #tpu.memory_space<semaphore_mem>>) {add = true}
      %dma_wait3A_603 = arith.constant 18 : i32
      %dma_wait3A_604 = arith.constant 0 : i32
      %dma_wait3A_605 = tpu.memref_slice %arg7[%dma_wait3A_603, %dma_wait3A_604] : memref<25x100xi32, #tpu.memory_space<vmem>> -> memref<1x100xi32, #tpu.memory_space<vmem>>
      %dma_wait3A_606 = tpu.memref_squeeze %dma_wait3A_605 : memref<1x100xi32, #tpu.memory_space<vmem>> -> memref<100xi32, #tpu.memory_space<vmem>>
      %dma_wait3A_607 = arith.constant 0 : i32
      %dma_wait3A_608 = arith.constant 0 : i32
      %dma_wait3A_609 = tpu.memref_slice %arg11[%dma_wait3A_607, %dma_wait3A_608] : memref<10240x128xf32, #tpu.memory_space<vmem_shared>> -> memref<10240x128xf32, #tpu.memory_space<vmem_shared>>
      tpu.wait_indirect_dma semaphore(%arg15 : memref<!tpu.dma_semaphore, #tpu.memory_space<semaphore_mem>>) src(%arg8 : memref<100x128xf32, #tpu.memory_space<vmem>>) dst(%dma_wait3A_609 : memref<10240x128xf32, #tpu.memory_space<vmem_shared>>)
      %dma_start3A_610 = arith.constant 21 : i32
      %dma_start3A_611 = arith.constant 0 : i32
      %dma_start3A_612 = tpu.memref_slice %arg6[%dma_start3A_610, %dma_start3A_611] : memref<25x100xi32, #tpu.memory_space<vmem>> -> memref<1x100xi32, #tpu.memory_space<vmem>>
      %dma_start3A_613 = tpu.memref_squeeze %dma_start3A_612 : memref<1x100xi32, #tpu.memory_space<vmem>> -> memref<100xi32, #tpu.memory_space<vmem>>
      %dma_start3A_614 = arith.constant 0 : i32
      %dma_start3A_615 = arith.constant 0 : i32
      %dma_start3A_616 = tpu.memref_slice %arg2[%dma_start3A_614, %dma_start3A_615] : memref<10000x128xf32, #tpu.memory_space<hbm>> -> memref<10000x128xf32, #tpu.memory_space<hbm>>
      tpu.enqueue_indirect_dma source(%dma_start3A_616 : memref<10000x128xf32, #tpu.memory_space<hbm>>) target(%arg8 : memref<100x128xf32, #tpu.memory_space<vmem>>) offsets(%dma_start3A_613 : memref<100xi32, #tpu.memory_space<vmem>>) semaphore(%arg12 : memref<!tpu.dma_semaphore, #tpu.memory_space<semaphore_mem>>)
      %dma_wait3A_617 = arith.constant 19 : i32
      %dma_wait3A_618 = arith.constant 0 : i32
      %dma_wait3A_619 = tpu.memref_slice %arg6[%dma_wait3A_617, %dma_wait3A_618] : memref<25x100xi32, #tpu.memory_space<vmem>> -> memref<1x100xi32, #tpu.memory_space<vmem>>
      %dma_wait3A_620 = tpu.memref_squeeze %dma_wait3A_619 : memref<1x100xi32, #tpu.memory_space<vmem>> -> memref<100xi32, #tpu.memory_space<vmem>>
      %dma_wait3A_621 = arith.constant 0 : i32
      %dma_wait3A_622 = arith.constant 0 : i32
      %dma_wait3A_623 = tpu.memref_slice %arg2[%dma_wait3A_621, %dma_wait3A_622] : memref<10000x128xf32, #tpu.memory_space<hbm>> -> memref<10000x128xf32, #tpu.memory_space<hbm>>
      tpu.wait_indirect_dma semaphore(%arg13 : memref<!tpu.dma_semaphore, #tpu.memory_space<semaphore_mem>>) src(%dma_wait3A_623 : memref<10000x128xf32, #tpu.memory_space<hbm>>) dst(%arg9 : memref<100x128xf32, #tpu.memory_space<vmem>>)
      %dma_start3A_624 = arith.constant 19 : i32
      %dma_start3A_625 = arith.constant 0 : i32
      %dma_start3A_626 = tpu.memref_slice %arg7[%dma_start3A_624, %dma_start3A_625] : memref<25x100xi32, #tpu.memory_space<vmem>> -> memref<1x100xi32, #tpu.memory_space<vmem>>
      %dma_start3A_627 = tpu.memref_squeeze %dma_start3A_626 : memref<1x100xi32, #tpu.memory_space<vmem>> -> memref<100xi32, #tpu.memory_space<vmem>>
      %dma_start3A_628 = arith.constant 0 : i32
      %dma_start3A_629 = arith.constant 0 : i32
      %dma_start3A_630 = tpu.memref_slice %arg11[%dma_start3A_628, %dma_start3A_629] : memref<10240x128xf32, #tpu.memory_space<vmem_shared>> -> memref<10240x128xf32, #tpu.memory_space<vmem_shared>>
      tpu.enqueue_indirect_dma source(%arg9 : memref<100x128xf32, #tpu.memory_space<vmem>>) target(%dma_start3A_630 : memref<10240x128xf32, #tpu.memory_space<vmem_shared>>) offsets(%dma_start3A_627 : memref<100xi32, #tpu.memory_space<vmem>>) semaphore(%arg16 : memref<!tpu.dma_semaphore, #tpu.memory_space<semaphore_mem>>) {add = true}
      %dma_wait3A_631 = arith.constant 19 : i32
      %dma_wait3A_632 = arith.constant 0 : i32
      %dma_wait3A_633 = tpu.memref_slice %arg7[%dma_wait3A_631, %dma_wait3A_632] : memref<25x100xi32, #tpu.memory_space<vmem>> -> memref<1x100xi32, #tpu.memory_space<vmem>>
      %dma_wait3A_634 = tpu.memref_squeeze %dma_wait3A_633 : memref<1x100xi32, #tpu.memory_space<vmem>> -> memref<100xi32, #tpu.memory_space<vmem>>
      %dma_wait3A_635 = arith.constant 0 : i32
      %dma_wait3A_636 = arith.constant 0 : i32
      %dma_wait3A_637 = tpu.memref_slice %arg11[%dma_wait3A_635, %dma_wait3A_636] : memref<10240x128xf32, #tpu.memory_space<vmem_shared>> -> memref<10240x128xf32, #tpu.memory_space<vmem_shared>>
      tpu.wait_indirect_dma semaphore(%arg16 : memref<!tpu.dma_semaphore, #tpu.memory_space<semaphore_mem>>) src(%arg9 : memref<100x128xf32, #tpu.memory_space<vmem>>) dst(%dma_wait3A_637 : memref<10240x128xf32, #tpu.memory_space<vmem_shared>>)
      %dma_start3A_638 = arith.constant 22 : i32
      %dma_start3A_639 = arith.constant 0 : i32
      %dma_start3A_640 = tpu.memref_slice %arg6[%dma_start3A_638, %dma_start3A_639] : memref<25x100xi32, #tpu.memory_space<vmem>> -> memref<1x100xi32, #tpu.memory_space<vmem>>
      %dma_start3A_641 = tpu.memref_squeeze %dma_start3A_640 : memref<1x100xi32, #tpu.memory_space<vmem>> -> memref<100xi32, #tpu.memory_space<vmem>>
      %dma_start3A_642 = arith.constant 0 : i32
      %dma_start3A_643 = arith.constant 0 : i32
      %dma_start3A_644 = tpu.memref_slice %arg2[%dma_start3A_642, %dma_start3A_643] : memref<10000x128xf32, #tpu.memory_space<hbm>> -> memref<10000x128xf32, #tpu.memory_space<hbm>>
      tpu.enqueue_indirect_dma source(%dma_start3A_644 : memref<10000x128xf32, #tpu.memory_space<hbm>>) target(%arg9 : memref<100x128xf32, #tpu.memory_space<vmem>>) offsets(%dma_start3A_641 : memref<100xi32, #tpu.memory_space<vmem>>) semaphore(%arg13 : memref<!tpu.dma_semaphore, #tpu.memory_space<semaphore_mem>>)
      %dma_wait3A_645 = arith.constant 20 : i32
      %dma_wait3A_646 = arith.constant 0 : i32
      %dma_wait3A_647 = tpu.memref_slice %arg6[%dma_wait3A_645, %dma_wait3A_646] : memref<25x100xi32, #tpu.memory_space<vmem>> -> memref<1x100xi32, #tpu.memory_space<vmem>>
      %dma_wait3A_648 = tpu.memref_squeeze %dma_wait3A_647 : memref<1x100xi32, #tpu.memory_space<vmem>> -> memref<100xi32, #tpu.memory_space<vmem>>
      %dma_wait3A_649 = arith.constant 0 : i32
      %dma_wait3A_650 = arith.constant 0 : i32
      %dma_wait3A_651 = tpu.memref_slice %arg2[%dma_wait3A_649, %dma_wait3A_650] : memref<10000x128xf32, #tpu.memory_space<hbm>> -> memref<10000x128xf32, #tpu.memory_space<hbm>>
      tpu.wait_indirect_dma semaphore(%arg14 : memref<!tpu.dma_semaphore, #tpu.memory_space<semaphore_mem>>) src(%dma_wait3A_651 : memref<10000x128xf32, #tpu.memory_space<hbm>>) dst(%arg10 : memref<100x128xf32, #tpu.memory_space<vmem>>)
      %dma_start3A_652 = arith.constant 20 : i32
      %dma_start3A_653 = arith.constant 0 : i32
      %dma_start3A_654 = tpu.memref_slice %arg7[%dma_start3A_652, %dma_start3A_653] : memref<25x100xi32, #tpu.memory_space<vmem>> -> memref<1x100xi32, #tpu.memory_space<vmem>>
      %dma_start3A_655 = tpu.memref_squeeze %dma_start3A_654 : memref<1x100xi32, #tpu.memory_space<vmem>> -> memref<100xi32, #tpu.memory_space<vmem>>
      %dma_start3A_656 = arith.constant 0 : i32
      %dma_start3A_657 = arith.constant 0 : i32
      %dma_start3A_658 = tpu.memref_slice %arg11[%dma_start3A_656, %dma_start3A_657] : memref<10240x128xf32, #tpu.memory_space<vmem_shared>> -> memref<10240x128xf32, #tpu.memory_space<vmem_shared>>
      tpu.enqueue_indirect_dma source(%arg10 : memref<100x128xf32, #tpu.memory_space<vmem>>) target(%dma_start3A_658 : memref<10240x128xf32, #tpu.memory_space<vmem_shared>>) offsets(%dma_start3A_655 : memref<100xi32, #tpu.memory_space<vmem>>) semaphore(%arg17 : memref<!tpu.dma_semaphore, #tpu.memory_space<semaphore_mem>>) {add = true}
      %dma_wait3A_659 = arith.constant 20 : i32
      %dma_wait3A_660 = arith.constant 0 : i32
      %dma_wait3A_661 = tpu.memref_slice %arg7[%dma_wait3A_659, %dma_wait3A_660] : memref<25x100xi32, #tpu.memory_space<vmem>> -> memref<1x100xi32, #tpu.memory_space<vmem>>
      %dma_wait3A_662 = tpu.memref_squeeze %dma_wait3A_661 : memref<1x100xi32, #tpu.memory_space<vmem>> -> memref<100xi32, #tpu.memory_space<vmem>>
      %dma_wait3A_663 = arith.constant 0 : i32
      %dma_wait3A_664 = arith.constant 0 : i32
      %dma_wait3A_665 = tpu.memref_slice %arg11[%dma_wait3A_663, %dma_wait3A_664] : memref<10240x128xf32, #tpu.memory_space<vmem_shared>> -> memref<10240x128xf32, #tpu.memory_space<vmem_shared>>
      tpu.wait_indirect_dma semaphore(%arg17 : memref<!tpu.dma_semaphore, #tpu.memory_space<semaphore_mem>>) src(%arg10 : memref<100x128xf32, #tpu.memory_space<vmem>>) dst(%dma_wait3A_665 : memref<10240x128xf32, #tpu.memory_space<vmem_shared>>)
      %dma_start3A_666 = arith.constant 23 : i32
      %dma_start3A_667 = arith.constant 0 : i32
      %dma_start3A_668 = tpu.memref_slice %arg6[%dma_start3A_666, %dma_start3A_667] : memref<25x100xi32, #tpu.memory_space<vmem>> -> memref<1x100xi32, #tpu.memory_space<vmem>>
      %dma_start3A_669 = tpu.memref_squeeze %dma_start3A_668 : memref<1x100xi32, #tpu.memory_space<vmem>> -> memref<100xi32, #tpu.memory_space<vmem>>
      %dma_start3A_670 = arith.constant 0 : i32
      %dma_start3A_671 = arith.constant 0 : i32
      %dma_start3A_672 = tpu.memref_slice %arg2[%dma_start3A_670, %dma_start3A_671] : memref<10000x128xf32, #tpu.memory_space<hbm>> -> memref<10000x128xf32, #tpu.memory_space<hbm>>
      tpu.enqueue_indirect_dma source(%dma_start3A_672 : memref<10000x128xf32, #tpu.memory_space<hbm>>) target(%arg10 : memref<100x128xf32, #tpu.memory_space<vmem>>) offsets(%dma_start3A_669 : memref<100xi32, #tpu.memory_space<vmem>>) semaphore(%arg14 : memref<!tpu.dma_semaphore, #tpu.memory_space<semaphore_mem>>)
      %dma_wait3A_673 = arith.constant 21 : i32
      %dma_wait3A_674 = arith.constant 0 : i32
      %dma_wait3A_675 = tpu.memref_slice %arg6[%dma_wait3A_673, %dma_wait3A_674] : memref<25x100xi32, #tpu.memory_space<vmem>> -> memref<1x100xi32, #tpu.memory_space<vmem>>
      %dma_wait3A_676 = tpu.memref_squeeze %dma_wait3A_675 : memref<1x100xi32, #tpu.memory_space<vmem>> -> memref<100xi32, #tpu.memory_space<vmem>>
      %dma_wait3A_677 = arith.constant 0 : i32
      %dma_wait3A_678 = arith.constant 0 : i32
      %dma_wait3A_679 = tpu.memref_slice %arg2[%dma_wait3A_677, %dma_wait3A_678] : memref<10000x128xf32, #tpu.memory_space<hbm>> -> memref<10000x128xf32, #tpu.memory_space<hbm>>
      tpu.wait_indirect_dma semaphore(%arg12 : memref<!tpu.dma_semaphore, #tpu.memory_space<semaphore_mem>>) src(%dma_wait3A_679 : memref<10000x128xf32, #tpu.memory_space<hbm>>) dst(%arg8 : memref<100x128xf32, #tpu.memory_space<vmem>>)
      %dma_start3A_680 = arith.constant 21 : i32
      %dma_start3A_681 = arith.constant 0 : i32
      %dma_start3A_682 = tpu.memref_slice %arg7[%dma_start3A_680, %dma_start3A_681] : memref<25x100xi32, #tpu.memory_space<vmem>> -> memref<1x100xi32, #tpu.memory_space<vmem>>
      %dma_start3A_683 = tpu.memref_squeeze %dma_start3A_682 : memref<1x100xi32, #tpu.memory_space<vmem>> -> memref<100xi32, #tpu.memory_space<vmem>>
      %dma_start3A_684 = arith.constant 0 : i32
      %dma_start3A_685 = arith.constant 0 : i32
      %dma_start3A_686 = tpu.memref_slice %arg11[%dma_start3A_684, %dma_start3A_685] : memref<10240x128xf32, #tpu.memory_space<vmem_shared>> -> memref<10240x128xf32, #tpu.memory_space<vmem_shared>>
      tpu.enqueue_indirect_dma source(%arg8 : memref<100x128xf32, #tpu.memory_space<vmem>>) target(%dma_start3A_686 : memref<10240x128xf32, #tpu.memory_space<vmem_shared>>) offsets(%dma_start3A_683 : memref<100xi32, #tpu.memory_space<vmem>>) semaphore(%arg15 : memref<!tpu.dma_semaphore, #tpu.memory_space<semaphore_mem>>) {add = true}
      %dma_wait3A_687 = arith.constant 21 : i32
      %dma_wait3A_688 = arith.constant 0 : i32
      %dma_wait3A_689 = tpu.memref_slice %arg7[%dma_wait3A_687, %dma_wait3A_688] : memref<25x100xi32, #tpu.memory_space<vmem>> -> memref<1x100xi32, #tpu.memory_space<vmem>>
      %dma_wait3A_690 = tpu.memref_squeeze %dma_wait3A_689 : memref<1x100xi32, #tpu.memory_space<vmem>> -> memref<100xi32, #tpu.memory_space<vmem>>
      %dma_wait3A_691 = arith.constant 0 : i32
      %dma_wait3A_692 = arith.constant 0 : i32
      %dma_wait3A_693 = tpu.memref_slice %arg11[%dma_wait3A_691, %dma_wait3A_692] : memref<10240x128xf32, #tpu.memory_space<vmem_shared>> -> memref<10240x128xf32, #tpu.memory_space<vmem_shared>>
      tpu.wait_indirect_dma semaphore(%arg15 : memref<!tpu.dma_semaphore, #tpu.memory_space<semaphore_mem>>) src(%arg8 : memref<100x128xf32, #tpu.memory_space<vmem>>) dst(%dma_wait3A_693 : memref<10240x128xf32, #tpu.memory_space<vmem_shared>>)
      %dma_start3A_694 = arith.constant 24 : i32
      %dma_start3A_695 = arith.constant 0 : i32
      %dma_start3A_696 = tpu.memref_slice %arg6[%dma_start3A_694, %dma_start3A_695] : memref<25x100xi32, #tpu.memory_space<vmem>> -> memref<1x100xi32, #tpu.memory_space<vmem>>
      %dma_start3A_697 = tpu.memref_squeeze %dma_start3A_696 : memref<1x100xi32, #tpu.memory_space<vmem>> -> memref<100xi32, #tpu.memory_space<vmem>>
      %dma_start3A_698 = arith.constant 0 : i32
      %dma_start3A_699 = arith.constant 0 : i32
      %dma_start3A_700 = tpu.memref_slice %arg2[%dma_start3A_698, %dma_start3A_699] : memref<10000x128xf32, #tpu.memory_space<hbm>> -> memref<10000x128xf32, #tpu.memory_space<hbm>>
      tpu.enqueue_indirect_dma source(%dma_start3A_700 : memref<10000x128xf32, #tpu.memory_space<hbm>>) target(%arg8 : memref<100x128xf32, #tpu.memory_space<vmem>>) offsets(%dma_start3A_697 : memref<100xi32, #tpu.memory_space<vmem>>) semaphore(%arg12 : memref<!tpu.dma_semaphore, #tpu.memory_space<semaphore_mem>>)
      %dma_wait3A_701 = arith.constant 22 : i32
      %dma_wait3A_702 = arith.constant 0 : i32
      %dma_wait3A_703 = tpu.memref_slice %arg6[%dma_wait3A_701, %dma_wait3A_702] : memref<25x100xi32, #tpu.memory_space<vmem>> -> memref<1x100xi32, #tpu.memory_space<vmem>>
      %dma_wait3A_704 = tpu.memref_squeeze %dma_wait3A_703 : memref<1x100xi32, #tpu.memory_space<vmem>> -> memref<100xi32, #tpu.memory_space<vmem>>
      %dma_wait3A_705 = arith.constant 0 : i32
      %dma_wait3A_706 = arith.constant 0 : i32
      %dma_wait3A_707 = tpu.memref_slice %arg2[%dma_wait3A_705, %dma_wait3A_706] : memref<10000x128xf32, #tpu.memory_space<hbm>> -> memref<10000x128xf32, #tpu.memory_space<hbm>>
      tpu.wait_indirect_dma semaphore(%arg13 : memref<!tpu.dma_semaphore, #tpu.memory_space<semaphore_mem>>) src(%dma_wait3A_707 : memref<10000x128xf32, #tpu.memory_space<hbm>>) dst(%arg9 : memref<100x128xf32, #tpu.memory_space<vmem>>)
      %dma_start3A_708 = arith.constant 22 : i32
      %dma_start3A_709 = arith.constant 0 : i32
      %dma_start3A_710 = tpu.memref_slice %arg7[%dma_start3A_708, %dma_start3A_709] : memref<25x100xi32, #tpu.memory_space<vmem>> -> memref<1x100xi32, #tpu.memory_space<vmem>>
      %dma_start3A_711 = tpu.memref_squeeze %dma_start3A_710 : memref<1x100xi32, #tpu.memory_space<vmem>> -> memref<100xi32, #tpu.memory_space<vmem>>
      %dma_start3A_712 = arith.constant 0 : i32
      %dma_start3A_713 = arith.constant 0 : i32
      %dma_start3A_714 = tpu.memref_slice %arg11[%dma_start3A_712, %dma_start3A_713] : memref<10240x128xf32, #tpu.memory_space<vmem_shared>> -> memref<10240x128xf32, #tpu.memory_space<vmem_shared>>
      tpu.enqueue_indirect_dma source(%arg9 : memref<100x128xf32, #tpu.memory_space<vmem>>) target(%dma_start3A_714 : memref<10240x128xf32, #tpu.memory_space<vmem_shared>>) offsets(%dma_start3A_711 : memref<100xi32, #tpu.memory_space<vmem>>) semaphore(%arg16 : memref<!tpu.dma_semaphore, #tpu.memory_space<semaphore_mem>>) {add = true}
      %dma_wait3A_715 = arith.constant 22 : i32
      %dma_wait3A_716 = arith.constant 0 : i32
      %dma_wait3A_717 = tpu.memref_slice %arg7[%dma_wait3A_715, %dma_wait3A_716] : memref<25x100xi32, #tpu.memory_space<vmem>> -> memref<1x100xi32, #tpu.memory_space<vmem>>
      %dma_wait3A_718 = tpu.memref_squeeze %dma_wait3A_717 : memref<1x100xi32, #tpu.memory_space<vmem>> -> memref<100xi32, #tpu.memory_space<vmem>>
      %dma_wait3A_719 = arith.constant 0 : i32
      %dma_wait3A_720 = arith.constant 0 : i32
      %dma_wait3A_721 = tpu.memref_slice %arg11[%dma_wait3A_719, %dma_wait3A_720] : memref<10240x128xf32, #tpu.memory_space<vmem_shared>> -> memref<10240x128xf32, #tpu.memory_space<vmem_shared>>
      tpu.wait_indirect_dma semaphore(%arg16 : memref<!tpu.dma_semaphore, #tpu.memory_space<semaphore_mem>>) src(%arg9 : memref<100x128xf32, #tpu.memory_space<vmem>>) dst(%dma_wait3A_721 : memref<10240x128xf32, #tpu.memory_space<vmem_shared>>)
      %dma_wait3A_722 = arith.constant 23 : i32
      %dma_wait3A_723 = arith.constant 0 : i32
      %dma_wait3A_724 = tpu.memref_slice %arg6[%dma_wait3A_722, %dma_wait3A_723] : memref<25x100xi32, #tpu.memory_space<vmem>> -> memref<1x100xi32, #tpu.memory_space<vmem>>
      %dma_wait3A_725 = tpu.memref_squeeze %dma_wait3A_724 : memref<1x100xi32, #tpu.memory_space<vmem>> -> memref<100xi32, #tpu.memory_space<vmem>>
      %dma_wait3A_726 = arith.constant 0 : i32
      %dma_wait3A_727 = arith.constant 0 : i32
      %dma_wait3A_728 = tpu.memref_slice %arg2[%dma_wait3A_726, %dma_wait3A_727] : memref<10000x128xf32, #tpu.memory_space<hbm>> -> memref<10000x128xf32, #tpu.memory_space<hbm>>
      tpu.wait_indirect_dma semaphore(%arg14 : memref<!tpu.dma_semaphore, #tpu.memory_space<semaphore_mem>>) src(%dma_wait3A_728 : memref<10000x128xf32, #tpu.memory_space<hbm>>) dst(%arg10 : memref<100x128xf32, #tpu.memory_space<vmem>>)
      %dma_start3A_729 = arith.constant 23 : i32
      %dma_start3A_730 = arith.constant 0 : i32
      %dma_start3A_731 = tpu.memref_slice %arg7[%dma_start3A_729, %dma_start3A_730] : memref<25x100xi32, #tpu.memory_space<vmem>> -> memref<1x100xi32, #tpu.memory_space<vmem>>
      %dma_start3A_732 = tpu.memref_squeeze %dma_start3A_731 : memref<1x100xi32, #tpu.memory_space<vmem>> -> memref<100xi32, #tpu.memory_space<vmem>>
      %dma_start3A_733 = arith.constant 0 : i32
      %dma_start3A_734 = arith.constant 0 : i32
      %dma_start3A_735 = tpu.memref_slice %arg11[%dma_start3A_733, %dma_start3A_734] : memref<10240x128xf32, #tpu.memory_space<vmem_shared>> -> memref<10240x128xf32, #tpu.memory_space<vmem_shared>>
      tpu.enqueue_indirect_dma source(%arg10 : memref<100x128xf32, #tpu.memory_space<vmem>>) target(%dma_start3A_735 : memref<10240x128xf32, #tpu.memory_space<vmem_shared>>) offsets(%dma_start3A_732 : memref<100xi32, #tpu.memory_space<vmem>>) semaphore(%arg17 : memref<!tpu.dma_semaphore, #tpu.memory_space<semaphore_mem>>) {add = true}
      %dma_wait3A_736 = arith.constant 23 : i32
      %dma_wait3A_737 = arith.constant 0 : i32
      %dma_wait3A_738 = tpu.memref_slice %arg7[%dma_wait3A_736, %dma_wait3A_737] : memref<25x100xi32, #tpu.memory_space<vmem>> -> memref<1x100xi32, #tpu.memory_space<vmem>>
      %dma_wait3A_739 = tpu.memref_squeeze %dma_wait3A_738 : memref<1x100xi32, #tpu.memory_space<vmem>> -> memref<100xi32, #tpu.memory_space<vmem>>
      %dma_wait3A_740 = arith.constant 0 : i32
      %dma_wait3A_741 = arith.constant 0 : i32
      %dma_wait3A_742 = tpu.memref_slice %arg11[%dma_wait3A_740, %dma_wait3A_741] : memref<10240x128xf32, #tpu.memory_space<vmem_shared>> -> memref<10240x128xf32, #tpu.memory_space<vmem_shared>>
      tpu.wait_indirect_dma semaphore(%arg17 : memref<!tpu.dma_semaphore, #tpu.memory_space<semaphore_mem>>) src(%arg10 : memref<100x128xf32, #tpu.memory_space<vmem>>) dst(%dma_wait3A_742 : memref<10240x128xf32, #tpu.memory_space<vmem_shared>>)
      %dma_wait3A_743 = arith.constant 24 : i32
      %dma_wait3A_744 = arith.constant 0 : i32
      %dma_wait3A_745 = tpu.memref_slice %arg6[%dma_wait3A_743, %dma_wait3A_744] : memref<25x100xi32, #tpu.memory_space<vmem>> -> memref<1x100xi32, #tpu.memory_space<vmem>>
      %dma_wait3A_746 = tpu.memref_squeeze %dma_wait3A_745 : memref<1x100xi32, #tpu.memory_space<vmem>> -> memref<100xi32, #tpu.memory_space<vmem>>
      %dma_wait3A_747 = arith.constant 0 : i32
      %dma_wait3A_748 = arith.constant 0 : i32
      %dma_wait3A_749 = tpu.memref_slice %arg2[%dma_wait3A_747, %dma_wait3A_748] : memref<10000x128xf32, #tpu.memory_space<hbm>> -> memref<10000x128xf32, #tpu.memory_space<hbm>>
      tpu.wait_indirect_dma semaphore(%arg12 : memref<!tpu.dma_semaphore, #tpu.memory_space<semaphore_mem>>) src(%dma_wait3A_749 : memref<10000x128xf32, #tpu.memory_space<hbm>>) dst(%arg8 : memref<100x128xf32, #tpu.memory_space<vmem>>)
      %dma_start3A_750 = arith.constant 24 : i32
      %dma_start3A_751 = arith.constant 0 : i32
      %dma_start3A_752 = tpu.memref_slice %arg7[%dma_start3A_750, %dma_start3A_751] : memref<25x100xi32, #tpu.memory_space<vmem>> -> memref<1x100xi32, #tpu.memory_space<vmem>>
      %dma_start3A_753 = tpu.memref_squeeze %dma_start3A_752 : memref<1x100xi32, #tpu.memory_space<vmem>> -> memref<100xi32, #tpu.memory_space<vmem>>
      %dma_start3A_754 = arith.constant 0 : i32
      %dma_start3A_755 = arith.constant 0 : i32
      %dma_start3A_756 = tpu.memref_slice %arg11[%dma_start3A_754, %dma_start3A_755] : memref<10240x128xf32, #tpu.memory_space<vmem_shared>> -> memref<10240x128xf32, #tpu.memory_space<vmem_shared>>
      tpu.enqueue_indirect_dma source(%arg8 : memref<100x128xf32, #tpu.memory_space<vmem>>) target(%dma_start3A_756 : memref<10240x128xf32, #tpu.memory_space<vmem_shared>>) offsets(%dma_start3A_753 : memref<100xi32, #tpu.memory_space<vmem>>) semaphore(%arg15 : memref<!tpu.dma_semaphore, #tpu.memory_space<semaphore_mem>>) {add = true}
      %dma_wait3A_757 = arith.constant 24 : i32
      %dma_wait3A_758 = arith.constant 0 : i32
      %dma_wait3A_759 = tpu.memref_slice %arg7[%dma_wait3A_757, %dma_wait3A_758] : memref<25x100xi32, #tpu.memory_space<vmem>> -> memref<1x100xi32, #tpu.memory_space<vmem>>
      %dma_wait3A_760 = tpu.memref_squeeze %dma_wait3A_759 : memref<1x100xi32, #tpu.memory_space<vmem>> -> memref<100xi32, #tpu.memory_space<vmem>>
      %dma_wait3A_761 = arith.constant 0 : i32
      %dma_wait3A_762 = arith.constant 0 : i32
      %dma_wait3A_763 = tpu.memref_slice %arg11[%dma_wait3A_761, %dma_wait3A_762] : memref<10240x128xf32, #tpu.memory_space<vmem_shared>> -> memref<10240x128xf32, #tpu.memory_space<vmem_shared>>
      tpu.wait_indirect_dma semaphore(%arg15 : memref<!tpu.dma_semaphore, #tpu.memory_space<semaphore_mem>>) src(%arg8 : memref<100x128xf32, #tpu.memory_space<vmem>>) dst(%dma_wait3A_763 : memref<10240x128xf32, #tpu.memory_space<vmem_shared>>)
      %scan3A_764 = arith.constant 0 : i32
      scf.yield %scan3A_764 : i32
    }
    %scan3A_30 = arith.constant 4 : i32
    %barrier3A_31 = arith.constant 0 : index
    tpu.barrier barrier_id(%barrier3A_31)
    "tpu.region"() ({
      %run_scoped3A = tpu.sem_alloc : memref<!tpu.dma_semaphore, #tpu.memory_space<semaphore_mem>>
      %dma_start3A = arith.constant 0 : i32
      %dma_start3A_32 = tpu.memref_slice %arg5[%arg0, %mul3A_9, %dma_start3A] : memref<2x10240x128xf32, #tpu.memory_space<hbm>> -> memref<1x640x128xf32, #tpu.memory_space<hbm>>
      %dma_start3A_33 = tpu.memref_squeeze %dma_start3A_32 : memref<1x640x128xf32, #tpu.memory_space<hbm>> -> memref<640x128xf32, #tpu.memory_space<hbm>>
      %dma_start3A_34 = arith.constant 0 : i32
      %dma_start3A_35 = tpu.memref_slice %arg11[%mul3A_9, %dma_start3A_34] : memref<10240x128xf32, #tpu.memory_space<vmem_shared>> -> memref<640x128xf32, #tpu.memory_space<vmem_shared>>
      tpu.enqueue_dma source(%dma_start3A_35 : memref<640x128xf32, #tpu.memory_space<vmem_shared>>) target(%dma_start3A_33 : memref<640x128xf32, #tpu.memory_space<hbm>>) target_semaphore(%run_scoped3A : memref<!tpu.dma_semaphore, #tpu.memory_space<semaphore_mem>>)
      %dma_wait3A = arith.constant 0 : i32
      %dma_wait3A_36 = tpu.memref_slice %arg5[%arg0, %mul3A_9, %dma_wait3A] : memref<2x10240x128xf32, #tpu.memory_space<hbm>> -> memref<1x640x128xf32, #tpu.memory_space<hbm>>
      %dma_wait3A_37 = tpu.memref_squeeze %dma_wait3A_36 : memref<1x640x128xf32, #tpu.memory_space<hbm>> -> memref<640x128xf32, #tpu.memory_space<hbm>>
      %dma_wait3A_38 = arith.constant 0 : i32
      %dma_wait3A_39 = tpu.memref_slice %arg11[%mul3A_9, %dma_wait3A_38] : memref<10240x128xf32, #tpu.memory_space<vmem_shared>> -> memref<640x128xf32, #tpu.memory_space<vmem_shared>>
      tpu.wait_dma2 semaphore(%run_scoped3A : memref<!tpu.dma_semaphore, #tpu.memory_space<semaphore_mem>>) src(%dma_wait3A_39 : memref<640x128xf32, #tpu.memory_space<vmem_shared>>) dst(%dma_wait3A_37 : memref<640x128xf32, #tpu.memory_space<hbm>>)
      tpu.yield
    }) : () -> ()
    return
  }
}

module attributes {stable_mosaic.version = 14 : i64} {
  func.func @_tc1_body(%arg0: i32, %arg1: memref<2000x2xf32, #tpu.memory_space<vmem>>, %arg2: memref<2000x128xf32, #tpu.memory_space<vmem>>, %arg3: memref<2000x8xf32, #tpu.memory_space<vmem>>, %arg4: memref<2000x128xf32, #tpu.memory_space<vmem>>) attributes {dimension_semantics = [#tpu.dimension_semantics<arbitrary>], iteration_bounds = array<i64: 5>, scalar_prefetch = 0 : i64, scratch_operands = 0 : i64, tpu.core_type = #tpu.core_type<tc>, window_params = [{transform_indices = @transform_0, window_bounds = array<i64: 2000, 2>}, {transform_indices = @transform_1, window_bounds = array<i64: 2000, 128>}, {transform_indices = @transform_2, window_bounds = array<i64: 2000, 8>}, {transform_indices = @transform_3, window_bounds = array<i64: 2000, 128>}]} {
    %get3A = arith.constant 0 : index
    %get3A_0 = arith.constant 0 : index
    %get3A_1 = vector.load %arg1[%get3A, %get3A_0] : memref<2000x2xf32, #tpu.memory_space<vmem>>, vector<2000x1xf32>
    %get3A_2 = vector.shape_cast %get3A_1 : vector<2000x1xf32> to vector<2000xf32>
    %get3A_3 = arith.constant 0 : index
    %get3A_4 = arith.constant 1 : index
    %get3A_5 = vector.load %arg1[%get3A_3, %get3A_4] : memref<2000x2xf32, #tpu.memory_space<vmem>>, vector<2000x1xf32>
    %get3A_6 = vector.shape_cast %get3A_5 : vector<2000x1xf32> to vector<2000xf32>
    %add3A = arith.addf %get3A_2, %get3A_6 : vector<2000xf32>
    %add3A_7 = arith.constant 1.000000e+00 : f32
    %add3A_8 = vector.broadcast %add3A_7 : f32 to vector<2000xf32>
    %add3A_9 = arith.addf %add3A, %add3A_8 : vector<2000xf32>
    %rsqrt3A = math.rsqrt %add3A_9 : vector<2000xf32>
    %broadcast_in_dim3A = vector.shape_cast %rsqrt3A : vector<2000xf32> to vector<2000x1xf32>
    %broadcast_in_dim3A_10 = vector.shape_cast %broadcast_in_dim3A : vector<2000x1xf32> to vector<2000x1xf32>
    %broadcast_in_dim3A_11 = vector.broadcast %broadcast_in_dim3A_10 : vector<2000x1xf32> to vector<2000x8xf32>
    %swap3A = arith.constant 0 : index
    %swap3A_12 = arith.constant 0 : index
    %swap3A_13 = vector.load %arg3[%swap3A, %swap3A_12] : memref<2000x8xf32, #tpu.memory_space<vmem>>, vector<2000x8xf32>
    tpu.vector_store %arg3[%swap3A, %swap3A_12], %broadcast_in_dim3A_11 {strides = array<i32>} : memref<2000x8xf32, #tpu.memory_space<vmem>>, vector<2000x8xf32>,
    %get3A_14 = arith.constant 0 : index
    %get3A_15 = arith.constant 0 : index
    %get3A_16 = vector.load %arg2[%get3A_14, %get3A_15] : memref<2000x128xf32, #tpu.memory_space<vmem>>, vector<2000x128xf32>
    %broadcast_in_dim3A_17 = vector.shape_cast %rsqrt3A : vector<2000xf32> to vector<2000x1xf32>
    %mul3A = vector.broadcast %broadcast_in_dim3A_17 : vector<2000x1xf32> to vector<2000x128xf32>
    %mul3A_18 = arith.mulf %get3A_16, %mul3A : vector<2000x128xf32>
    %swap3A_19 = arith.constant 0 : index
    %swap3A_20 = arith.constant 0 : index
    %swap3A_21 = vector.load %arg4[%swap3A_19, %swap3A_20] : memref<2000x128xf32, #tpu.memory_space<vmem>>, vector<2000x128xf32>
    tpu.vector_store %arg4[%swap3A_19, %swap3A_20], %mul3A_18 {strides = array<i32>} : memref<2000x128xf32, #tpu.memory_space<vmem>>, vector<2000x128xf32>,
    return
  }
  func.func @transform_0(%arg0: i32) -> (i32, i32) {
    %c0_i32 = arith.constant 0 : i32
    %c0_i32_0 = arith.constant 0 : i32
    return %arg0, %c0_i32 : i32, i32
  }
  func.func @transform_1(%arg0: i32) -> (i32, i32) {
    %c0_i32 = arith.constant 0 : i32
    %c0_i32_0 = arith.constant 0 : i32
    return %arg0, %c0_i32 : i32, i32
  }
  func.func @transform_2(%arg0: i32) -> (i32, i32) {
    %c0_i32 = arith.constant 0 : i32
    %c0_i32_0 = arith.constant 0 : i32
    return %arg0, %c0_i32 : i32, i32
  }
  func.func @transform_3(%arg0: i32) -> (i32, i32) {
    %c0_i32 = arith.constant 0 : i32
    %c0_i32_0 = arith.constant 0 : i32
    return %arg0, %c0_i32 : i32, i32
  }
}

module attributes {stable_mosaic.version = 14 : i64} {
  func.func @_tc2_body(%arg0: i32, %arg1: memref<2x2000x128xf32, #tpu.memory_space<vmem>>, %arg2: memref<2000x128xf32, #tpu.memory_space<vmem>>, %arg3: memref<2000x8xf32, #tpu.memory_space<vmem>>, %arg4: memref<128x512xf32, #tpu.memory_space<vmem>>, %arg5: memref<1x512xf32, #tpu.memory_space<vmem>>, %arg6: memref<512x128xf32, #tpu.memory_space<vmem>>, %arg7: memref<1x1xf32, #tpu.memory_space<vmem>>, %arg8: memref<2000x128xf32, #tpu.memory_space<vmem>>, %arg9: memref<2000x128xf32, #tpu.memory_space<vmem>>) attributes {dimension_semantics = [#tpu.dimension_semantics<arbitrary>], iteration_bounds = array<i64: 5>, scalar_prefetch = 0 : i64, scratch_operands = 0 : i64, tpu.core_type = #tpu.core_type<tc>, window_params = [{transform_indices = @transform_0, window_bounds = array<i64: 2, 2000, 128>}, {transform_indices = @transform_1, window_bounds = array<i64: 2000, 128>}, {transform_indices = @transform_2, window_bounds = array<i64: 2000, 8>}, {pipeline_mode = #tpu.pipeline_mode<synchronous>, transform_indices = @transform_3, window_bounds = array<i64: 128, 512>}, {pipeline_mode = #tpu.pipeline_mode<synchronous>, transform_indices = @transform_4, window_bounds = array<i64: 1, 512>}, {pipeline_mode = #tpu.pipeline_mode<synchronous>, transform_indices = @transform_5, window_bounds = array<i64: 512, 128>}, {pipeline_mode = #tpu.pipeline_mode<synchronous>, transform_indices = @transform_6, window_bounds = array<i64: 1, 1>}, {transform_indices = @transform_7, window_bounds = array<i64: 2000, 128>}, {transform_indices = @transform_8, window_bounds = array<i64: 2000, 128>}]} {
    %get3A = arith.constant 0 : index
    %get3A_0 = arith.constant 0 : index
    %get3A_1 = vector.load %arg3[%get3A, %get3A_0] : memref<2000x8xf32, #tpu.memory_space<vmem>>, vector<2000x1xf32>
    %get3A_2 = arith.constant 0 : index
    %get3A_3 = arith.constant 0 : index
    %get3A_4 = arith.constant 0 : index
    %get3A_5 = vector.load %arg1[%get3A_2, %get3A_3, %get3A_4] : memref<2x2000x128xf32, #tpu.memory_space<vmem>>, vector<1x2000x128xf32>
    %get3A_6 = vector.shape_cast %get3A_5 : vector<1x2000x128xf32> to vector<2000x128xf32>
    %get3A_7 = arith.constant 1 : index
    %get3A_8 = arith.constant 0 : index
    %get3A_9 = arith.constant 0 : index
    %get3A_10 = vector.load %arg1[%get3A_7, %get3A_8, %get3A_9] : memref<2x2000x128xf32, #tpu.memory_space<vmem>>, vector<1x2000x128xf32>
    %get3A_11 = vector.shape_cast %get3A_10 : vector<1x2000x128xf32> to vector<2000x128xf32>
    %add3A = arith.addf %get3A_6, %get3A_11 : vector<2000x128xf32>
    %mul3A = vector.broadcast %get3A_1 : vector<2000x1xf32> to vector<2000x128xf32>
    %mul3A_12 = arith.mulf %mul3A, %add3A : vector<2000x128xf32>
    %mul3A_13 = arith.mulf %get3A_1, %get3A_1 : vector<2000x1xf32>
    %get3A_14 = arith.constant 0 : index
    %get3A_15 = arith.constant 0 : index
    %get3A_16 = vector.load %arg2[%get3A_14, %get3A_15] : memref<2000x128xf32, #tpu.memory_space<vmem>>, vector<2000x128xf32>
    %mul3A_17 = vector.broadcast %mul3A_13 : vector<2000x1xf32> to vector<2000x128xf32>
    %mul3A_18 = arith.mulf %mul3A_17, %get3A_16 : vector<2000x128xf32>
    %add3A_19 = arith.addf %mul3A_12, %mul3A_18 : vector<2000x128xf32>
    %get3A_20 = arith.constant 0 : index
    %get3A_21 = arith.constant 0 : index
    %get3A_22 = vector.load %arg4[%get3A_20, %get3A_21] : memref<128x512xf32, #tpu.memory_space<vmem>>, vector<128x512xf32>
    %dot_general3A = arith.constant dense<0.000000e+00> : vector<2000x512xf32>
    %dot_general3A_23 = tpu.matmul %add3A_19, %get3A_22, %dot_general3A {dimension_numbers = #tpu.dot_dimension_numbers<[1], [0], [0], [1], [0, 0, 1, 1], [], []>, transpose_lhs_hint = false} : vector<2000x128xf32>, vector<128x512xf32>, vector<2000x512xf32> -> vector<2000x512xf32>
    %get3A_24 = arith.constant 0 : index
    %get3A_25 = arith.constant 0 : index
    %get3A_26 = vector.load %arg5[%get3A_24, %get3A_25] : memref<1x512xf32, #tpu.memory_space<vmem>>, vector<1x512xf32>
    %add3A_27 = vector.broadcast %get3A_26 : vector<1x512xf32> to vector<2000x512xf32>
    %add3A_28 = arith.addf %dot_general3A_23, %add3A_27 : vector<2000x512xf32>
    %get3A_29 = arith.constant 0 : index
    %get3A_30 = arith.constant 0 : index
    %get3A_31 = vector.load %arg7[%get3A_29, %get3A_30] : memref<1x1xf32, #tpu.memory_space<vmem>>, vector<1x1xf32>
    %get3A_32 = vector.extract %get3A_31[0, 0] : f32 from vector<1x1xf32>
    %ge3A = arith.constant 0.000000e+00 : f32
    %ge3A_33 = vector.broadcast %ge3A : f32 to vector<2000x512xf32>
    %ge3A_34 = arith.cmpf oge, %add3A_28, %ge3A_33 : vector<2000x512xf32>
    %mul3A_35 = vector.broadcast %get3A_32 : f32 to vector<2000x512xf32>
    %mul3A_36 = arith.mulf %mul3A_35, %add3A_28 : vector<2000x512xf32>
    %select_n3A = arith.select %ge3A_34, %add3A_28, %mul3A_36 : vector<2000x512xi1>, vector<2000x512xf32>
    %get3A_37 = arith.constant 0 : index
    %get3A_38 = arith.constant 0 : index
    %get3A_39 = vector.load %arg6[%get3A_37, %get3A_38] : memref<512x128xf32, #tpu.memory_space<vmem>>, vector<512x128xf32>
    %dot_general3A_40 = arith.constant dense<0.000000e+00> : vector<2000x128xf32>
    %dot_general3A_41 = tpu.matmul %select_n3A, %get3A_39, %dot_general3A_40 {dimension_numbers = #tpu.dot_dimension_numbers<[1], [0], [0], [1], [0, 0, 1, 1], [], []>, transpose_lhs_hint = false} : vector<2000x512xf32>, vector<512x128xf32>, vector<2000x128xf32> -> vector<2000x128xf32>
    %swap3A = arith.constant 0 : index
    %swap3A_42 = arith.constant 0 : index
    %swap3A_43 = vector.load %arg8[%swap3A, %swap3A_42] : memref<2000x128xf32, #tpu.memory_space<vmem>>, vector<2000x128xf32>
    tpu.vector_store %arg8[%swap3A, %swap3A_42], %dot_general3A_41 {strides = array<i32>} : memref<2000x128xf32, #tpu.memory_space<vmem>>, vector<2000x128xf32>,
    %mul3A_44 = vector.broadcast %get3A_1 : vector<2000x1xf32> to vector<2000x128xf32>
    %mul3A_45 = arith.mulf %dot_general3A_41, %mul3A_44 : vector<2000x128xf32>
    %swap3A_46 = arith.constant 0 : index
    %swap3A_47 = arith.constant 0 : index
    %swap3A_48 = vector.load %arg9[%swap3A_46, %swap3A_47] : memref<2000x128xf32, #tpu.memory_space<vmem>>, vector<2000x128xf32>
    tpu.vector_store %arg9[%swap3A_46, %swap3A_47], %mul3A_45 {strides = array<i32>} : memref<2000x128xf32, #tpu.memory_space<vmem>>, vector<2000x128xf32>,
    return
  }
  func.func @transform_0(%arg0: i32) -> (i32, i32, i32) {
    %c0_i32 = arith.constant 0 : i32
    %c0_i32_0 = arith.constant 0 : i32
    %c0_i32_1 = arith.constant 0 : i32
    return %c0_i32, %arg0, %c0_i32_0 : i32, i32, i32
  }
  func.func @transform_1(%arg0: i32) -> (i32, i32) {
    %c0_i32 = arith.constant 0 : i32
    %c0_i32_0 = arith.constant 0 : i32
    return %arg0, %c0_i32 : i32, i32
  }
  func.func @transform_2(%arg0: i32) -> (i32, i32) {
    %c0_i32 = arith.constant 0 : i32
    %c0_i32_0 = arith.constant 0 : i32
    return %arg0, %c0_i32 : i32, i32
  }
  func.func @transform_3(%arg0: i32) -> (i32, i32) {
    %c0_i32 = arith.constant 0 : i32
    %c0_i32_0 = arith.constant 0 : i32
    %c0_i32_1 = arith.constant 0 : i32
    return %c0_i32, %c0_i32_0 : i32, i32
  }
  func.func @transform_4(%arg0: i32) -> (i32, i32) {
    %c0_i32 = arith.constant 0 : i32
    %c0_i32_0 = arith.constant 0 : i32
    %c0_i32_1 = arith.constant 0 : i32
    return %c0_i32, %c0_i32_0 : i32, i32
  }
  func.func @transform_5(%arg0: i32) -> (i32, i32) {
    %c0_i32 = arith.constant 0 : i32
    %c0_i32_0 = arith.constant 0 : i32
    %c0_i32_1 = arith.constant 0 : i32
    return %c0_i32, %c0_i32_0 : i32, i32
  }
  func.func @transform_6(%arg0: i32) -> (i32, i32) {
    %c0_i32 = arith.constant 0 : i32
    %c0_i32_0 = arith.constant 0 : i32
    %c0_i32_1 = arith.constant 0 : i32
    return %c0_i32, %c0_i32_0 : i32, i32
  }
  func.func @transform_7(%arg0: i32) -> (i32, i32) {
    %c0_i32 = arith.constant 0 : i32
    %c0_i32_0 = arith.constant 0 : i32
    return %arg0, %c0_i32 : i32, i32
  }
  func.func @transform_8(%arg0: i32) -> (i32, i32) {
    %c0_i32 = arith.constant 0 : i32
    %c0_i32_0 = arith.constant 0 : i32
    return %arg0, %c0_i32 : i32, i32
  }
}

module attributes {stable_mosaic.version = 14 : i64} {
  func.func @_tc3_body(%arg0: i32, %arg1: memref<2x2000x128xf32, #tpu.memory_space<vmem>>, %arg2: memref<2000x128xf32, #tpu.memory_space<vmem>>, %arg3: memref<2000x8xf32, #tpu.memory_space<vmem>>, %arg4: memref<1x128xf32, #tpu.memory_space<vmem>>, %arg5: memref<128x128xf32, #tpu.memory_space<vmem>>, %arg6: memref<1x128xf32, #tpu.memory_space<vmem>>, %arg7: memref<1x1xf32, #tpu.memory_space<vmem>>, %arg8: memref<2000x128xf32, #tpu.memory_space<vmem>>) attributes {dimension_semantics = [#tpu.dimension_semantics<arbitrary>], iteration_bounds = array<i64: 5>, scalar_prefetch = 0 : i64, scratch_operands = 0 : i64, tpu.core_type = #tpu.core_type<tc>, window_params = [{transform_indices = @transform_0, window_bounds = array<i64: 2, 2000, 128>}, {transform_indices = @transform_1, window_bounds = array<i64: 2000, 128>}, {transform_indices = @transform_2, window_bounds = array<i64: 2000, 8>}, {pipeline_mode = #tpu.pipeline_mode<synchronous>, transform_indices = @transform_3, window_bounds = array<i64: 1, 128>}, {pipeline_mode = #tpu.pipeline_mode<synchronous>, transform_indices = @transform_4, window_bounds = array<i64: 128, 128>}, {pipeline_mode = #tpu.pipeline_mode<synchronous>, transform_indices = @transform_5, window_bounds = array<i64: 1, 128>}, {pipeline_mode = #tpu.pipeline_mode<synchronous>, transform_indices = @transform_6, window_bounds = array<i64: 1, 1>}, {transform_indices = @transform_7, window_bounds = array<i64: 2000, 128>}]} {
    %get3A = arith.constant 0 : index
    %get3A_0 = arith.constant 0 : index
    %get3A_1 = vector.load %arg3[%get3A, %get3A_0] : memref<2000x8xf32, #tpu.memory_space<vmem>>, vector<2000x1xf32>
    %get3A_2 = arith.constant 0 : index
    %get3A_3 = arith.constant 0 : index
    %get3A_4 = arith.constant 0 : index
    %get3A_5 = vector.load %arg1[%get3A_2, %get3A_3, %get3A_4] : memref<2x2000x128xf32, #tpu.memory_space<vmem>>, vector<1x2000x128xf32>
    %get3A_6 = vector.shape_cast %get3A_5 : vector<1x2000x128xf32> to vector<2000x128xf32>
    %get3A_7 = arith.constant 1 : index
    %get3A_8 = arith.constant 0 : index
    %get3A_9 = arith.constant 0 : index
    %get3A_10 = vector.load %arg1[%get3A_7, %get3A_8, %get3A_9] : memref<2x2000x128xf32, #tpu.memory_space<vmem>>, vector<1x2000x128xf32>
    %get3A_11 = vector.shape_cast %get3A_10 : vector<1x2000x128xf32> to vector<2000x128xf32>
    %add3A = arith.addf %get3A_6, %get3A_11 : vector<2000x128xf32>
    %mul3A = vector.broadcast %get3A_1 : vector<2000x1xf32> to vector<2000x128xf32>
    %mul3A_12 = arith.mulf %mul3A, %add3A : vector<2000x128xf32>
    %mul3A_13 = arith.mulf %get3A_1, %get3A_1 : vector<2000x1xf32>
    %get3A_14 = arith.constant 0 : index
    %get3A_15 = arith.constant 0 : index
    %get3A_16 = vector.load %arg2[%get3A_14, %get3A_15] : memref<2000x128xf32, #tpu.memory_space<vmem>>, vector<2000x128xf32>
    %mul3A_17 = vector.broadcast %mul3A_13 : vector<2000x1xf32> to vector<2000x128xf32>
    %mul3A_18 = arith.mulf %mul3A_17, %get3A_16 : vector<2000x128xf32>
    %add3A_19 = arith.addf %mul3A_12, %mul3A_18 : vector<2000x128xf32>
    %get3A_20 = arith.constant 0 : index
    %get3A_21 = arith.constant 0 : index
    %get3A_22 = vector.load %arg4[%get3A_20, %get3A_21] : memref<1x128xf32, #tpu.memory_space<vmem>>, vector<1x128xf32>
    %add3A_23 = vector.broadcast %get3A_22 : vector<1x128xf32> to vector<2000x128xf32>
    %add3A_24 = arith.addf %add3A_19, %add3A_23 : vector<2000x128xf32>
    %get3A_25 = arith.constant 0 : index
    %get3A_26 = arith.constant 0 : index
    %get3A_27 = vector.load %arg7[%get3A_25, %get3A_26] : memref<1x1xf32, #tpu.memory_space<vmem>>, vector<1x1xf32>
    %get3A_28 = vector.extract %get3A_27[0, 0] : f32 from vector<1x1xf32>
    %ge3A = arith.constant 0.000000e+00 : f32
    %ge3A_29 = vector.broadcast %ge3A : f32 to vector<2000x128xf32>
    %ge3A_30 = arith.cmpf oge, %add3A_24, %ge3A_29 : vector<2000x128xf32>
    %mul3A_31 = vector.broadcast %get3A_28 : f32 to vector<2000x128xf32>
    %mul3A_32 = arith.mulf %mul3A_31, %add3A_24 : vector<2000x128xf32>
    %select_n3A = arith.select %ge3A_30, %add3A_24, %mul3A_32 : vector<2000x128xi1>, vector<2000x128xf32>
    %get3A_33 = arith.constant 0 : index
    %get3A_34 = arith.constant 0 : index
    %get3A_35 = vector.load %arg5[%get3A_33, %get3A_34] : memref<128x128xf32, #tpu.memory_space<vmem>>, vector<128x128xf32>
    %dot_general3A = arith.constant dense<0.000000e+00> : vector<2000x128xf32>
    %dot_general3A_36 = tpu.matmul %select_n3A, %get3A_35, %dot_general3A {dimension_numbers = #tpu.dot_dimension_numbers<[1], [0], [0], [1], [0, 0, 1, 1], [], []>, transpose_lhs_hint = false} : vector<2000x128xf32>, vector<128x128xf32>, vector<2000x128xf32> -> vector<2000x128xf32>
    %get3A_37 = arith.constant 0 : index
    %get3A_38 = arith.constant 0 : index
    %get3A_39 = vector.load %arg6[%get3A_37, %get3A_38] : memref<1x128xf32, #tpu.memory_space<vmem>>, vector<1x128xf32>
    %add3A_40 = vector.broadcast %get3A_39 : vector<1x128xf32> to vector<2000x128xf32>
    %add3A_41 = arith.addf %dot_general3A_36, %add3A_40 : vector<2000x128xf32>
    %swap3A = arith.constant 0 : index
    %swap3A_42 = arith.constant 0 : index
    %swap3A_43 = vector.load %arg8[%swap3A, %swap3A_42] : memref<2000x128xf32, #tpu.memory_space<vmem>>, vector<2000x128xf32>
    tpu.vector_store %arg8[%swap3A, %swap3A_42], %add3A_41 {strides = array<i32>} : memref<2000x128xf32, #tpu.memory_space<vmem>>, vector<2000x128xf32>,
    return
  }
  func.func @transform_0(%arg0: i32) -> (i32, i32, i32) {
    %c0_i32 = arith.constant 0 : i32
    %c0_i32_0 = arith.constant 0 : i32
    %c0_i32_1 = arith.constant 0 : i32
    return %c0_i32, %arg0, %c0_i32_0 : i32, i32, i32
  }
  func.func @transform_1(%arg0: i32) -> (i32, i32) {
    %c0_i32 = arith.constant 0 : i32
    %c0_i32_0 = arith.constant 0 : i32
    return %arg0, %c0_i32 : i32, i32
  }
  func.func @transform_2(%arg0: i32) -> (i32, i32) {
    %c0_i32 = arith.constant 0 : i32
    %c0_i32_0 = arith.constant 0 : i32
    return %arg0, %c0_i32 : i32, i32
  }
  func.func @transform_3(%arg0: i32) -> (i32, i32) {
    %c0_i32 = arith.constant 0 : i32
    %c0_i32_0 = arith.constant 0 : i32
    %c0_i32_1 = arith.constant 0 : i32
    return %c0_i32, %c0_i32_0 : i32, i32
  }
  func.func @transform_4(%arg0: i32) -> (i32, i32) {
    %c0_i32 = arith.constant 0 : i32
    %c0_i32_0 = arith.constant 0 : i32
    %c0_i32_1 = arith.constant 0 : i32
    return %c0_i32, %c0_i32_0 : i32, i32
  }
  func.func @transform_5(%arg0: i32) -> (i32, i32) {
    %c0_i32 = arith.constant 0 : i32
    %c0_i32_0 = arith.constant 0 : i32
    %c0_i32_1 = arith.constant 0 : i32
    return %c0_i32, %c0_i32_0 : i32, i32
  }
  func.func @transform_6(%arg0: i32) -> (i32, i32) {
    %c0_i32 = arith.constant 0 : i32
    %c0_i32_0 = arith.constant 0 : i32
    %c0_i32_1 = arith.constant 0 : i32
    return %c0_i32, %c0_i32_0 : i32, i32
  }
  func.func @transform_7(%arg0: i32) -> (i32, i32) {
    %c0_i32 = arith.constant 0 : i32
    %c0_i32_0 = arith.constant 0 : i32
    return %arg0, %c0_i32 : i32, i32
  }
}

</mosaic_0001>

<sc_bundles>
// kernel: kernel.11.cloned.1.call-start
scs
__scs_entry_jumppad:
0x0: {  	(pc) =	sbr.rel $0x88, $3  }
0x1: {  	(tag) =	ssettag $0x0;
	lr =	simm.s32 $0x1  }
0x2: {  	[smem:$0x3F98] =	sst lr;
	_ =	strace $0xD0000000  }
0x3: {  	_ = 	snop  }
0x4: {  	_ = 	snop  }
0x5: {  	_ = 	snop  }
0x6: {  	_ = 	snop  }
0x7: {  	_ = 	snop  }
__scs_overlays_trampoline_lowered:
0x8: {  	[smem:$0x3FA7] =	sst s0  }
0x9: {  	[smem:$0x3FA8] =	sst s1  }
0xa: {  	[smem:$0x3FA9] =	sst s2  }
0xb: {  	[smem:$0x3FAA] =	sst s3  }
0xc: {  	[smem:$0x3FAB] =	sst s4  }
0xd: {  	[smem:$0x3FAC] =	sst s5  }
0xe: {  	[smem:$0x3FAD] =	sst s6  }
0xf: {  	[smem:$0x3FAE] =	sst s7  }
0x10: {  	[smem:$0x3FAF] =	sst s8  }
0x11: {  	[smem:$0x3FB0] =	sst s9;
	s0 =	simm.s32 @!p0 $0x0  }
0x12: {  	s1 =	sld [smem:$0x3F96];
	s0 =	simm.s32 @p0 $0x1  }
0x13: {  	[smem:$0x3FB1] =	sst s0;
	s0 =	simm.s32 @!p1 $0x0  }
0x14: {  	s2 =	sld [smem:$0x3F95];
	s0 =	simm.s32 @p1 $0x1  }
0x15: {  	[smem:$0x3FB2] =	sst s0;
	s0 =	simm.s32 @!p2 $0x0  }
0x16: {  	s3 =	sld [smem:$0x3FDB];
	s0 =	simm.s32 @p2 $0x1  }
0x17: {  	s4 =	simm.s32 $0x1BF5;
	[smem:$0x3FB4] =	sst s0  }
0x18: {  	s0 =	sld [smem:$0x3F97];
	_ =	swait.ge [sflag:s4], $0x0  }
0x19: {  	s7 =	sld [smem:$0x3F98]  }
0x1a: {  	s8 =	sadd.s32 $0xFFFFE003, lr  }
0x1b: {  	s9 =	sadd.s32 $0xFFFFFEF7, lr;
	s5 =	simm.s32 $0xFFFFFFFF;
	p2 =	slt.u32 s8, $0xFFFFF086  }
0x1c: {  	p1 =	slt.u32 s9, $0xF7A;
	s5 =	simm.s32 @!p2 $0x0  }
0x1d: {  	s5 =	simm.s32 @p1 $0x1;
	p0 =	seq.s32 s7, s2  }
0x1e: {  	s7 =	smul.u32 @!p0 $0xF7A, s2;
	p2 =	seq.s32 @!p0 s5, $0x0  }
0x1f: {  	s9 =	smul.u32 $0xF7A, s1;
	s8 =	simm.s32 @!p0 $0x1BF5;
	p2 =	por !p2, p0  }
0x20: {  	[sflag:s8] =	ssyncset.s32 @!p0 $0xFFFFF086;
	s6 =	sadd.s32 @!p0 s3, s7;
	s7 =	simm.s32 @!p0 $0x108  }
0x21: {  	s3 =	sadd.s32 s3, s9;
	s6 =	sadd.s32 @!p0 $0x88, s6;
	s7 =	simm.s32 @p2 $0x1082  }
0x22: {  	[simem:s7], [sflag:s8] =	dma.local @!p0 [hbm:s6], $0xF7A  }
0x23: {  	s9 =	sor.u32 $0xD0000000, s2;
	s6 =	simm.s32 $0x108;
	_ =	swait.ge @!p0 [sflag:s8], $0x0  }
0x24: {  	s3 =	sadd.s32 $0x88, s3;
	s6 =	simm.s32 @!p1 $0x1082;
	[sflag:s4] =	ssyncset.s32 $0xFFFFF086  }
0x25: {  	[simem:s6], [sflag:s4] =	dma.local [hbm:s3], $0xF7A  }
0x26: {  	[smem:$0x3F98] =	sst s1;
	(tag) =	ssettag s2;
	_ =	strace s9  }
0x27: {  	s1 =	sld [smem:$0x3FA8]  }
0x28: {  	s2 =	sld [smem:$0x3FA9]  }
0x29: {  	s4 =	sld [smem:$0x3FAB]  }
0x2a: {  	p0 =	seq.s32 s5, $0x0;
	s5 =	sld [smem:$0x3FAC]  }
0x2b: {  	s6 =	sld [smem:$0x3FAD]  }
0x2c: {  	s7 =	sld [smem:$0x3FAE]  }
0x2d: {  	s3 =	simm.s32 $0x108;
	s8 =	sld [smem:$0x3FAF]  }
0x2e: {  	s3 =	simm.s32 @!p0 $0x1082;
	s9 =	sld [smem:$0x3FB0]  }
0x2f: {  	lr =	sadd.s32 s0, s3;
	s0 =	sld [smem:$0x3FA7]  }
0x30: {  	s3 =	sld [smem:$0x3FAA]  }
0x31: {  	[smem:$0x3FB3] =	sst s10  }
0x32: {  	s10 =	sld [smem:$0x3FB1];
	_ =	sdelay $0x3  }
0x33: {  	p0 =	seq.s32 s10, $0x1;
	s10 =	sld [smem:$0x3FB3];
	_ =	sdelay $0x3  }
0x34: {  	[smem:$0x3FB3] =	sst s10  }
0x35: {  	s10 =	sld [smem:$0x3FB2];
	_ =	sdelay $0x3  }
0x36: {  	p1 =	seq.s32 s10, $0x1;
	s10 =	sld [smem:$0x3FB3];
	_ =	sdelay $0x3  }
0x37: {  	[smem:$0x3FB3] =	sst s10  }
0x38: {  	s10 =	sld [smem:$0x3FB4]  }
0x39: {  	_ = 	snop;
	(pc) =	sbr.ind lr, $3  }
0x3a: {  	_ = 	snop  }
0x3b: {  	_ = 	snop  }
0x3c: {  	p2 =	seq.s32 s10, $0x1;
	s10 =	sld [smem:$0x3FB3]  }
0x3d: {  	_ =	shalt  }
0x3e: {  	_ =	shalt  }
0x3f: {  	_ =	shalt  }
0x40: {  	_ =	shalt  }
0x41: {  	_ =	shalt  }
0x42: {  	_ =	shalt  }
0x43: {  	_ =	shalt  }
0x44: {  	_ =	shalt  }
0x45: {  	_ =	shalt  }
0x46: {  	_ =	shalt  }
0x47: {  	_ =	shalt  }
0x48: {  	_ =	shalt  }
0x49: {  	_ =	shalt  }
0x4a: {  	_ =	shalt  }
0x4b: {  	_ =	shalt  }
0x4c: {  	_ =	shalt  }
0x4d: {  	_ =	shalt  }
0x4e: {  	_ =	shalt  }
0x4f: {  	_ =	shalt  }
0x50: {  	_ =	shalt  }
0x51: {  	_ =	shalt  }
0x52: {  	_ =	shalt  }
0x53: {  	_ =	shalt  }
0x54: {  	_ =	shalt  }
0x55: {  	_ =	shalt  }
0x56: {  	_ =	shalt  }
0x57: {  	_ =	shalt  }
0x58: {  	_ =	shalt  }
0x59: {  	_ =	shalt  }
0x5a: {  	_ =	shalt  }
0x5b: {  	_ =	shalt  }
0x5c: {  	_ =	shalt  }
0x5d: {  	_ =	shalt  }
0x5e: {  	_ =	shalt  }
0x5f: {  	_ =	shalt  }
0x60: {  	_ =	shalt  }
0x61: {  	_ =	shalt  }
0x62: {  	_ =	shalt  }
0x63: {  	_ =	shalt  }
0x64: {  	_ =	shalt  }
0x65: {  	_ =	shalt  }
0x66: {  	_ =	shalt  }
0x67: {  	_ =	shalt  }
0x68: {  	_ =	shalt  }
0x69: {  	_ =	shalt  }
0x6a: {  	_ =	shalt  }
0x6b: {  	_ =	shalt  }
0x6c: {  	_ =	shalt  }
0x6d: {  	_ =	shalt  }
0x6e: {  	_ =	shalt  }
0x6f: {  	_ =	shalt  }
0x70: {  	_ =	shalt  }
0x71: {  	_ =	shalt  }
0x72: {  	_ =	shalt  }
0x73: {  	_ =	shalt  }
0x74: {  	_ =	shalt  }
0x75: {  	_ =	shalt  }
0x76: {  	_ =	shalt  }
0x77: {  	_ =	shalt  }
0x78: {  	_ =	shalt  }
0x79: {  	_ =	shalt  }
0x7a: {  	_ =	shalt  }
0x7b: {  	_ =	shalt  }
0x7c: {  	_ =	shalt  }
0x7d: {  	_ =	shalt  }
0x7e: {  	_ =	shalt  }
0x7f: {  	_ =	shalt  }
0x80: {  	_ =	shalt  }
0x81: {  	_ =	shalt  }
0x82: {  	_ =	shalt  }
0x83: {  	_ =	shalt  }
0x84: {  	_ =	shalt  }
0x85: {  	_ =	shalt  }
0x86: {  	_ =	shalt  }
0x87: {  	_ =	shalt  }
.Lfunc_end0:
.L_simem_size_0:
called_computation.1_lowered:
.L_overlay_start_0:
0x88: {  	s2 =	sld [smem:$0x3FD9]  }
0x89: {  	s3 =	sld [smem:$0x3FFE];
	_ =	sdelay $0x1  }
0x8a: {  	s1 =	srdreg.scid  }
0x8b: {  	s0 =	sand.u32 $0x1, s1  }
0x8c: {  	s16 =	sshll.u32 s0, $0xA;
	s2 =	sadd.s32 s3, s2  }
0x8d: {  	s2 =	sadd.s32 s2, s16  }
0x8e: {  	[smem:$0x3FBF] =	sst s2  }
0x8f: {  	_ = 	snop  }
0x90: {  	(tm) =	ssettm $0x1  }
0x91: {  	s17 =	sld [smem:$0x3FFB];
	_ =	sdelay $0x3  }
0x92: {  	_ =	strace s17  }
0x93: {  	s2 =	sld [smem:$0x3FFC];
	_ =	sdelay $0x3  }
0x94: {  	_ =	strace s2  }
0x95: {  	s2 =	sld [smem:$0x3FFD];
	_ =	sdelay $0x3  }
0x96: {  	_ =	strace s2  }
0x97: {  	_ =	strace $0x8FFFFFFF  }
0x98: {  	s18 =	sld [smem:$0x3FDB];
	_ =	sdelay $0x1  }
0x99: {  	s19 =	simm.s32 $_scs_section_size  }
0x9a: {  	s4 =	simm.s32 $_size__tile_overlayer_lowered;
	s5 =	simm.s32 $_tile_overlayer_lowered  }
0x9b: {  	s22 =	simm.s32 $0x1BFF;
	s21 =	sshll.u32 s5, $0x1;
	s2 =	sadd.s32 s19, s18  }
0x9c: {  	s6 =	simm.s32 $0x0;
	s20 =	sshll.u32 s4, $0x1;
	s4 =	sadd.s32 s21, s2  }
0x9d: {  	[timem:s6], [sflag:s22] =	dma.local [hbm:s4], s20  }
0x9e: {  	_ =	swait.ge [sflag:s22], s20  }
0x9f: {  	s3 =	ssub.s32 $0x0, s20;
	[sflag:s22] =	ssyncset.done $0x0  }
0xa0: {  	[sflag:s22] =	ssyncadd.s32 s3;
	_ =	sdelay $0x1  }
0xa1: {  	s23 =	simm.s32 $0x1B8B  }
0xa2: {  	_ =	swait.ge [sflag:s23], $0x1  }
0xa3: {  	[sflag:s23] =	ssyncset.done $0x0  }
0xa4: {  	s25 =	simm.s32 $0x1B8E;
	s24 =	sld [smem:$0x3FFE];
	[sflag:s23] =	ssyncadd.s32 $0xFFFFFFFF  }
0xa5: {  	s26 =	simm.s32 $execute0_lowered;
	[smem:$0x3FD2] =	sst s25  }
0xa6: {  	s4 =	sshll.u32 s26, $0x1;
	_ =	strace $0x80000049;
	[dreg:$0x1] =	wrdreg $0xFFFFFFFF  }
0xa7: {  	s28 =	simm.s32 $_size_execute0_lowered;
	s2 =	sadd.s32 s2, s4;
	[dreg:$0x0] =	wrdreg $0x0  }
0xa8: {  	s4 =	sshll.u32 s28, $0x1;
	[dreg:$0x2] =	wrdreg s2  }
0xa9: {  	[dreg:$0x3] =	wrdreg s4  }
0xaa: {  	[dreg:$0x4] =	wrdreg $0xC0  }
0xab: {  	_ =	task [dreg:s6], $0x5FFFF  }
0xac: {  	[dreg:$0x1] =	wrdreg $0xFFFFFFFF  }
0xad: {  	[dreg:$0x0] =	wrdreg $0x60  }
0xae: {  	[dreg:$0x2] =	wrdreg s24  }
0xaf: {  	[dreg:$0x3] =	wrdreg $0xBC000  }
0xb0: {  	[dreg:$0x4] =	wrdreg $0x9  }
0xb1: {  	_ =	task.clear_ibuf [dreg:s6], $0x5FFFF;
	_ =	strace $0x90000049  }
0xb2: {  	s29 =	simm.s32 $0x9;
	_ =	strace $0x8000004B  }
0xb3: {  	_ =	swait.ge [sflag:s29], $0x1  }
0xb4: {  	[sflag:s29] =	ssyncadd.s32 $0xFFFFFFFF  }
0xb5: {  	_ =	strace $0x9000004B  }
0xb6: {  	_ =	sfence  }
0xb7: {  	s30 =	sld [smem:$0x0];
	_ =	sdelay $0x2  }
0xb8: {  	s31 =	sshll.u32 s1, $0xD;
	s1 =	sshrl.u32 s1, $0x2  }
0xb9: {  	s3 =	sand.u32 $0x4000, s31;
	s1 =	sadd.s32 s1, s30  }
0xba: {  	s0 =	sor.u32 s3, s0;
	s1 =	sshll.u32 s1, $0x11  }
0xbb: {  	s0 =	sor.u32 s1, s0  }
0xbc: {  	s0 =	sadd.s32 $0x8F2B, s0  }
0xbd: {  	[sflag:s0] =	ssyncadd.remote.s32 $0x1  }
0xbe: {  	_ =	sfence.sel $0xFFFF  }
0xbf: {  	[dreg:$0x0] =	wrdreg $0xFFFFFFFF;
	(pc) =	sbr.abs _section_cstart, $3  }
0xc0: {  	[dreg:$0x1] =	wrdreg $0xFFFFFFFF  }
0xc1: {  	_ =	task.clear_ibuf [dreg:s6], $0x2FFFF;
	_ =	strace $0x9FFFFFFF  }
0xc2: {  	(tm) =	ssettm $0x7FFFFFFF  }
0xc3: {  	_ =	shalt  }
tec
execute0_lowered:
.L_overlay_start_1:
0x0: {  	(tag) =	ssettag $0x1  }
0x1: {  	s0 =	rddreg [dreg:$0x0]  }
0x2: {  	s2 =	rddreg [dreg:$0x1];
	s3 =	simm.s32 $0x0  }
0x3: {  	s20 =	simm.s32 $0x80;
	[smem:$0x7FF] =	sst s3  }
0x4: {  	s21 =	simm.s32 $0x100;
	_ =	strace $0x8000004A;
	[dreg:$0x5] =	wrdreg s20  }
0x5: {  	s22 =	simm.s32 $0x180;
	[dreg:$0x6] =	wrdreg s21  }
0x6: {  	s23 =	simm.s32 $0x1080;
	[dreg:$0x7] =	wrdreg s22  }
0x7: {  	s24 =	simm.s32 $0x200;
	[dreg:$0x8] =	wrdreg s23  }
0x8: {  	s25 =	simm.s32 $0x1100;
	[dreg:$0x9] =	wrdreg s24  }
0x9: {  	s9 =	simm.s32 $0x280;
	[dreg:$0xa] =	wrdreg s25  }
0xa: {  	s7 =	simm.s32 $0x1180;
	[dreg:$0xb] =	wrdreg s9  }
0xb: {  	s10 =	simm.s32 $0x300;
	[dreg:$0xc] =	wrdreg s7  }
0xc: {  	s8 =	stileid.u32;
	s11 =	simm.s32 $0x1200;
	[dreg:$0xd] =	wrdreg s10  }
0xd: {  	s1 =	srdreg.scid;
	s12 =	simm.s32 $0x380;
	[dreg:$0xe] =	wrdreg s11  }
0xe: {  	s13 =	simm.s32 $0x1280;
	s14 =	simm.s32 $0x400;
	[dreg:$0xf] =	wrdreg s12  }
0xf: {  	s16 =	simm.s32 $0x1300;
	s18 =	simm.s32 $0x480;
	[dreg:$0x10] =	wrdreg s13  }
0x10: {  	s19 =	simm.s32 $0x1380;
	s28 =	simm.s32 $0xA00;
	[dreg:$0x11] =	wrdreg s14  }
0x11: {  	s29 =	simm.s32 $0x1900;
	s30 =	simm.s32 $0xA80;
	[dreg:$0x12] =	wrdreg s16  }
0x12: {  	s4 =	sshll.u32 s8, $0xC;
	s6 =	smul.u32 $0x14000, s8;
	[dreg:$0x13] =	wrdreg s18  }
0x13: {  	s17 =	smul.u32 $0x50000, s8;
	s8 =	simm.s32 $0x600;
	[dreg:$0x14] =	wrdreg s19  }
0x14: {  	s31 =	simm.s32 $0x1980;
	s21 =	simm.s32 $0x500;
	[dreg:$0x19] =	wrdreg s8  }
0x15: {  	s1 =	sand.u32 $0x1, s1;
	s22 =	simm.s32 $0x1400;
	[dreg:$0x15] =	wrdreg s21  }
0x16: {  	s4 =	sadd.s32 s4, s0;
	s23 =	simm.s32 $0x580;
	[dreg:$0x16] =	wrdreg s22  }
0x17: {  	s5 =	sshll.u32 s1, $0xB;
	s25 =	simm.s32 $0x1480;
	[dreg:$0x17] =	wrdreg s23  }
0x18: {  	s26 =	smul.u32 $0x140000, s1;
	s10 =	simm.s32 $0x1500;
	[dreg:$0x18] =	wrdreg s25  }
0x19: {  	s1 =	ssub.s32 $0x2, s1;
	s12 =	simm.s32 $0x680;
	[dreg:$0x1a] =	wrdreg s10  }
0x1a: {  	s14 =	simm.s32 $0x1580;
	s16 =	simm.s32 $0x1600;
	[dreg:$0x1b] =	wrdreg s12  }
0x1b: {  	s18 =	simm.s32 $0x1680;
	s19 =	simm.s32 $0x800;
	[dreg:$0x1c] =	wrdreg s14  }
0x1c: {  	s8 =	simm.s32 $0xC00;
	s4 =	sadd.s32 s5, s4;
	[dreg:$0x1e] =	wrdreg s16  }
0x1d: {  	s15 =	sshrl.u32 s1, $0x1;
	s20 =	sshrl.u32 s17, $0x2;
	[smem:$0x7F5] =	sst s18  }
0x1e: {  	s14 =	simm.s32 $0x2000;
	s17 =	simm.s32 $0x780;
	[smem:$0x7F6] =	sst s19  }
0x1f: {  	s16 =	simm.s32 $0x1000;
	s21 =	simm.s32 $0x880;
	[dreg:$0x1f] =	wrdreg s17  }
0x20: {  	s18 =	simm.s32 $0x2;
	s22 =	simm.s32 $0x1780;
	[smem:$0x7F8] =	sst s21  }
0x21: {  	s19 =	simm.s32 $0x64;
	s23 =	simm.s32 $0x900;
	[smem:$0x7F9] =	sst s22  }
0x22: {  	s25 =	simm.s32 $0x980;
	s10 =	simm.s32 $0x1B80;
	[smem:$0x7FA] =	sst s23  }
0x23: {  	s5 =	sadd.s32 $0x2400, s4;
	s4 =	sadd.s32 $0x12400, s4;
	[smem:$0x7FC] =	sst s25  }
0x24: {  	s1 =	ssub.s32 s1, s15;
	s15 =	simm.s32 $0x700;
	[dreg:$0x3] =	wrdreg s5  }
0x25: {  	s17 =	simm.s32 $0x1;
	s21 =	simm.s32 $0x8800;
	[dreg:$0x4] =	wrdreg s4  }
0x26: {  	s5 =	sadd.s32 s6, s26;
	s1 =	smax.u32 s1, $0x1;
	[dreg:$0x1d] =	wrdreg s15  }
0x27: {  	s26 =	sadd.s32 s20, s2;
	s20 =	simm.s32 $0x1700;
	[smem:$0x7F4] =	sst s1  }
0x28: {  	s22 =	simm.s32 $0x4;
	s23 =	simm.s32 $0x5;
	[smem:$0x7F7] =	sst s20  }
0x29: {  	s25 =	simm.s32 $0x6;
	s6 =	sadd.s32 $0x3200, s26;
	[smem:$0x7FD] =	sst s26  }
0x2a: {  	s4 =	sadd.s32 $0x22400, s0;
	s24 =	sadd.s32 $0x6400, s26;
	[smem:$0x7ED] =	sst s6  }
0x2b: {  	s5 =	sshrl.u32 s5, $0x3;
	s7 =	sadd.s32 $0x9600, s26;
	[smem:$0x7EE] =	sst s24  }
0x2c: {  	s9 =	sadd.s32 $0xC800, s26;
	s11 =	sadd.s32 $0xFA00, s26;
	[smem:$0x7EF] =	sst s7  }
0x2d: {  	s13 =	sadd.s32 $0x12C00, s26;
	s20 =	simm.s32 $0x5400;
	[smem:$0x7F0] =	sst s9  }
0x2e: {  	s1 =	simm.s32 $0x1A00;
	s0 =	sadd.s32 s5, s0;
	[smem:$0x7F1] =	sst s11  }
0x2f: {  	[smem:$0x7F2] =	sst s13;
	s24 =	simm.s32 $0x1800;
	s6 =	simm.s32 $0xB80  }
0x30: {  	s7 =	simm.s32 $0x1A80;
	s9 =	simm.s32 $0x1B00;
	s11 =	simm.s32 $0x1C00  }
0x31: {  	s13 =	simm.s32 $0x0;
	s0 =	sadd.s32 $0x49600, s0;
	[smem:$0x7FB] =	sst s24  }
0x32: {  	v0 =	vimm.f32 $0.0e+00;
	s24 =	simm.s32 $0x3;
	[smem:$0x7F3] =	sst s0;
	s0 =	simm.s32 $0xB00  }
.LBB2_1:
0x33: {  	s5 =	sand.u32 $0xFE00, s3  }
0x34: {  	[smem:$0x7EC] =	sst s13;
	s12 =	sand.u32 $0x70, s3;
	s15 =	sshrl.u32 s5, $0x2  }
0x35: {  	s13 =	simm.s32 $0x0;
	s5 =	simm.s32 $0x40;
	s12 =	sor.u32 s12, s15  }
.LBB2_2:
0x36: {  	p0 =	sne.s32 s5, $0xC7C0  }
0x37: {  	[tilespmem:s12+$0x2000] =	vst v0;
	s13 =	sadd.s32 $0x10, s13;
	s12 =	smov.u32 s5;
	s5 =	sadd.s32 $0x40, s5  }
.Ltmp0:
0x38: {  	(pc) =	sbr.rel @p0 .LBB2_2-.Ltmp0, $4  }
0x39: {  	_ = 	snop  }
0x3a: {  	s12 =	sand.u32 $0xFE00, s12  }
0x3b: {  	s15 =	sand.u32 $0x70, s13;
	s12 =	sshrl.u32 s12, $0x2  }
0x3c: {  	s12 =	sor.u32 s15, s12  }
0x3d: {  	[tilespmem:s12+$0x2000] =	vst v0;
	s12 =	simm.s32 $0x7  }
0x3e: {  	[spmem:s26] =	stream.linear.scatter [tilespmem:s14], [sflag:$0x7], $0x3200, $0x38;
	[tilespmem:$0x1FC00] =	vst v63  }
0x3f: {  	_ =	swait.ge [sflag:s12], $0x3200  }
0x40: {  	s5 =	sld [smem:$0x7ED]  }
0x41: {  	[sflag:s12] =	ssyncset.done $0x0  }
0x42: {  	[sflag:s12] =	ssyncadd.s32 $0xFFFFCE00  }
0x43: {  	[spmem:s5] =	stream.linear.scatter [tilespmem:s14], [sflag:$0x7], $0x3200, $0x38;
	[tilespmem:$0x1FC00] =	vst v63  }
0x44: {  	_ =	swait.ge [sflag:s12], $0x3200  }
0x45: {  	s15 =	sld [smem:$0x7EE]  }
0x46: {  	[sflag:s12] =	ssyncset.done $0x0  }
0x47: {  	[sflag:s12] =	ssyncadd.s32 $0xFFFFCE00  }
0x48: {  	[spmem:s15] =	stream.linear.scatter [tilespmem:s14], [sflag:$0x7], $0x3200, $0x38;
	[tilespmem:$0x1FC00] =	vst v63  }
0x49: {  	_ =	swait.ge [sflag:s12], $0x3200  }
0x4a: {  	s26 =	sld [smem:$0x7EF]  }
0x4b: {  	[sflag:s12] =	ssyncset.done $0x0  }
0x4c: {  	[sflag:s12] =	ssyncadd.s32 $0xFFFFCE00  }
0x4d: {  	[spmem:s26] =	stream.linear.scatter [tilespmem:s14], [sflag:$0x7], $0x3200, $0x38;
	[tilespmem:$0x1FC00] =	vst v63  }
0x4e: {  	_ =	swait.ge [sflag:s12], $0x3200  }
0x4f: {  	s13 =	sld [smem:$0x7F0]  }
0x50: {  	[sflag:s12] =	ssyncset.done $0x0  }
0x51: {  	[sflag:s12] =	ssyncadd.s32 $0xFFFFCE00  }
0x52: {  	[spmem:s13] =	stream.linear.scatter [tilespmem:s14], [sflag:$0x7], $0x3200, $0x38;
	[tilespmem:$0x1FC00] =	vst v63  }
0x53: {  	_ =	swait.ge [sflag:s12], $0x3200  }
0x54: {  	s15 =	sld [smem:$0x7F1]  }
0x55: {  	[sflag:s12] =	ssyncset.done $0x0  }
0x56: {  	[sflag:s12] =	ssyncadd.s32 $0xFFFFCE00  }
0x57: {  	[spmem:s15] =	stream.linear.scatter [tilespmem:s14], [sflag:$0x7], $0x3200, $0x38;
	[tilespmem:$0x1FC00] =	vst v63  }
0x58: {  	_ =	swait.ge [sflag:s12], $0x3200  }
0x59: {  	s26 =	sld [smem:$0x7F2]  }
0x5a: {  	[sflag:s12] =	ssyncset.done $0x0  }
0x5b: {  	[sflag:s12] =	ssyncadd.s32 $0xFFFFCE00  }
0x5c: {  	[spmem:s26] =	stream.linear.scatter [tilespmem:s14], [sflag:$0x7], $0x1400, $0x38;
	[tilespmem:$0x1FC00] =	vst v63  }
0x5d: {  	_ =	swait.ge [sflag:s12], $0x1400  }
0x5e: {  	[sflag:s12] =	ssyncset.done $0x0  }
0x5f: {  	[sflag:s12] =	ssyncadd.s32 $0xFFFFEC00  }
0x60: {  	[bflag:$0x0] =	sbarrier.arrive $0xFFFF  }
0x61: {  	s13 =	rddreg [dreg:$0x4]  }
0x62: {  	s15 =	rddreg [dreg:$0x3];
	s5 =	sadd.s32 $0x0, s13  }
0x63: {  	[tilespmem:s3], [sflag:$0x1] =	stream.linear.gather [hbm4b:s5+s3], $0xC80, $0x38;
	[tilespmem:$0x1FC00] =	vst v63  }
0x64: {  	s26 =	sadd.s32 $0x0, s15  }
0x65: {  	[tilespmem:s16], [sflag:$0x2] =	stream.linear.gather [hbm4b:s26+s3], $0xC80, $0x38;
	[tilespmem:$0x1FC00] =	vst v63  }
0x66: {  	_ =	swait.ge [sflag:s17], $0xC80  }
0x67: {  	[sflag:s17] =	ssyncset.done $0x0  }
0x68: {  	[sflag:s17] =	ssyncadd.s32 $0xFFFFF380  }
0x69: {  	_ =	swait.ge [sflag:s18], $0xC80  }
0x6a: {  	[sflag:s18] =	ssyncset.done $0x0  }
0x6b: {  	[sflag:s18] =	ssyncadd.s32 $0xFFFFF380  }
0x6c: {  	[tilespmem:s14], [sflag:$0x1] =	stream.indirect.gather [hbm4b:s4+s19], $0x80, s3, s19, $0xb8;
	[tilespmem:$0x1FC00] =	vst v63  }
0x6d: {  	s12 =	rddreg [dreg:$0x5]  }
0x6e: {  	[tilespmem:s20], [sflag:$0x2] =	stream.indirect.gather [hbm4b:s4+s19], $0x80, s12, s19, $0xb8;
	[tilespmem:$0x1FC00] =	vst v63  }
0x6f: {  	s13 =	rddreg [dreg:$0x6]  }
0x70: {  	[tilespmem:s21], [sflag:$0x3] =	stream.indirect.gather [hbm4b:s4+s19], $0x80, s13, s19, $0xb8;
	[tilespmem:$0x1FC00] =	vst v63  }
0x71: {  	_ =	swait.ge [sflag:s17], $0x3200  }
0x72: {  	[sflag:s17] =	ssyncset.done $0x0  }
0x73: {  	[sflag:s17] =	ssyncadd.s32 $0xFFFFCE00  }
0x74: {  	[spmem:s2] =	stream.indirect.scatter.add.f32 [tilespmem:s14], [sflag:$0x4], $0x80, s16, s19, $0xb8;
	[tilespmem:$0x1FC00] =	vst v63  }
0x75: {  	_ =	swait.ge [sflag:s22], $0x3200  }
0x76: {  	[sflag:s22] =	ssyncset.done $0x0  }
0x77: {  	s15 =	rddreg [dreg:$0x7];
	[sflag:s22] =	ssyncadd.s32 $0xFFFFCE00  }
0x78: {  	[tilespmem:s14], [sflag:$0x1] =	stream.indirect.gather [hbm4b:s4+s19], $0x80, s15, s19, $0xb8;
	[tilespmem:$0x1FC00] =	vst v63  }
0x79: {  	_ =	swait.ge [sflag:s18], $0x3200  }
0x7a: {  	[sflag:s18] =	ssyncset.done $0x0  }
0x7b: {  	s26 =	rddreg [dreg:$0x8];
	[sflag:s18] =	ssyncadd.s32 $0xFFFFCE00  }
0x7c: {  	[spmem:s2] =	stream.indirect.scatter.add.f32 [tilespmem:s20], [sflag:$0x5], $0x80, s26, s19, $0xb8;
	[tilespmem:$0x1FC00] =	vst v63  }
0x7d: {  	_ =	swait.ge [sflag:s23], $0x3200  }
0x7e: {  	[sflag:s23] =	ssyncset.done $0x0  }
0x7f: {  	s12 =	rddreg [dreg:$0x9];
	[sflag:s23] =	ssyncadd.s32 $0xFFFFCE00  }
0x80: {  	[tilespmem:s20], [sflag:$0x2] =	stream.indirect.gather [hbm4b:s4+s19], $0x80, s12, s19, $0xb8;
	[tilespmem:$0x1FC00] =	vst v63  }
0x81: {  	_ =	swait.ge [sflag:s24], $0x3200  }
0x82: {  	[sflag:s24] =	ssyncset.done $0x0  }
0x83: {  	s13 =	rddreg [dreg:$0xa];
	[sflag:s24] =	ssyncadd.s32 $0xFFFFCE00  }
0x84: {  	[spmem:s2] =	stream.indirect.scatter.add.f32 [tilespmem:s21], [sflag:$0x6], $0x80, s13, s19, $0xb8;
	[tilespmem:$0x1FC00] =	vst v63  }
0x85: {  	_ =	swait.ge [sflag:s25], $0x3200  }
0x86: {  	[sflag:s25] =	ssyncset.done $0x0  }
0x87: {  	s15 =	rddreg [dreg:$0xb];
	[sflag:s25] =	ssyncadd.s32 $0xFFFFCE00  }
0x88: {  	[tilespmem:s21], [sflag:$0x3] =	stream.indirect.gather [hbm4b:s4+s19], $0x80, s15, s19, $0xb8;
	[tilespmem:$0x1FC00] =	vst v63  }
0x89: {  	_ =	swait.ge [sflag:s17], $0x3200  }
0x8a: {  	[sflag:s17] =	ssyncset.done $0x0  }
0x8b: {  	s26 =	rddreg [dreg:$0xc];
	[sflag:s17] =	ssyncadd.s32 $0xFFFFCE00  }
0x8c: {  	[spmem:s2] =	stream.indirect.scatter.add.f32 [tilespmem:s14], [sflag:$0x4], $0x80, s26, s19, $0xb8;
	[tilespmem:$0x1FC00] =	vst v63  }
0x8d: {  	_ =	swait.ge [sflag:s22], $0x3200  }
0x8e: {  	[sflag:s22] =	ssyncset.done $0x0  }
0x8f: {  	s12 =	rddreg [dreg:$0xd];
	[sflag:s22] =	ssyncadd.s32 $0xFFFFCE00  }
0x90: {  	[tilespmem:s14], [sflag:$0x1] =	stream.indirect.gather [hbm4b:s4+s19], $0x80, s12, s19, $0xb8;
	[tilespmem:$0x1FC00] =	vst v63  }
0x91: {  	_ =	swait.ge [sflag:s18], $0x3200  }
0x92: {  	[sflag:s18] =	ssyncset.done $0x0  }
0x93: {  	s13 =	rddreg [dreg:$0xe];
	[sflag:s18] =	ssyncadd.s32 $0xFFFFCE00  }
0x94: {  	[spmem:s2] =	stream.indirect.scatter.add.f32 [tilespmem:s20], [sflag:$0x5], $0x80, s13, s19, $0xb8;
	[tilespmem:$0x1FC00] =	vst v63  }
0x95: {  	_ =	swait.ge [sflag:s23], $0x3200  }
0x96: {  	[sflag:s23] =	ssyncset.done $0x0  }
0x97: {  	s15 =	rddreg [dreg:$0xf];
	[sflag:s23] =	ssyncadd.s32 $0xFFFFCE00  }
0x98: {  	[tilespmem:s20], [sflag:$0x2] =	stream.indirect.gather [hbm4b:s4+s19], $0x80, s15, s19, $0xb8;
	[tilespmem:$0x1FC00] =	vst v63  }
0x99: {  	_ =	swait.ge [sflag:s24], $0x3200  }
0x9a: {  	[sflag:s24] =	ssyncset.done $0x0  }
0x9b: {  	s26 =	rddreg [dreg:$0x10];
	[sflag:s24] =	ssyncadd.s32 $0xFFFFCE00  }
0x9c: {  	[spmem:s2] =	stream.indirect.scatter.add.f32 [tilespmem:s21], [sflag:$0x6], $0x80, s26, s19, $0xb8;
	[tilespmem:$0x1FC00] =	vst v63  }
0x9d: {  	_ =	swait.ge [sflag:s25], $0x3200  }
0x9e: {  	[sflag:s25] =	ssyncset.done $0x0  }
0x9f: {  	s12 =	rddreg [dreg:$0x11];
	[sflag:s25] =	ssyncadd.s32 $0xFFFFCE00  }
0xa0: {  	[tilespmem:s21], [sflag:$0x3] =	stream.indirect.gather [hbm4b:s4+s19], $0x80, s12, s19, $0xb8;
	[tilespmem:$0x1FC00] =	vst v63  }
0xa1: {  	_ =	swait.ge [sflag:s17], $0x3200  }
0xa2: {  	[sflag:s17] =	ssyncset.done $0x0  }
0xa3: {  	s13 =	rddreg [dreg:$0x12];
	[sflag:s17] =	ssyncadd.s32 $0xFFFFCE00  }
0xa4: {  	[spmem:s2] =	stream.indirect.scatter.add.f32 [tilespmem:s14], [sflag:$0x4], $0x80, s13, s19, $0xb8;
	[tilespmem:$0x1FC00] =	vst v63  }
0xa5: {  	_ =	swait.ge [sflag:s22], $0x3200  }
0xa6: {  	[sflag:s22] =	ssyncset.done $0x0  }
0xa7: {  	s15 =	rddreg [dreg:$0x13];
	[sflag:s22] =	ssyncadd.s32 $0xFFFFCE00  }
0xa8: {  	[tilespmem:s14], [sflag:$0x1] =	stream.indirect.gather [hbm4b:s4+s19], $0x80, s15, s19, $0xb8;
	[tilespmem:$0x1FC00] =	vst v63  }
0xa9: {  	_ =	swait.ge [sflag:s18], $0x3200  }
0xaa: {  	[sflag:s18] =	ssyncset.done $0x0  }
0xab: {  	s26 =	rddreg [dreg:$0x14];
	[sflag:s18] =	ssyncadd.s32 $0xFFFFCE00  }
0xac: {  	[spmem:s2] =	stream.indirect.scatter.add.f32 [tilespmem:s20], [sflag:$0x5], $0x80, s26, s19, $0xb8;
	[tilespmem:$0x1FC00] =	vst v63  }
0xad: {  	_ =	swait.ge [sflag:s23], $0x3200  }
0xae: {  	[sflag:s23] =	ssyncset.done $0x0  }
0xaf: {  	s12 =	rddreg [dreg:$0x15];
	[sflag:s23] =	ssyncadd.s32 $0xFFFFCE00  }
0xb0: {  	[tilespmem:s20], [sflag:$0x2] =	stream.indirect.gather [hbm4b:s4+s19], $0x80, s12, s19, $0xb8;
	[tilespmem:$0x1FC00] =	vst v63  }
0xb1: {  	_ =	swait.ge [sflag:s24], $0x3200  }
0xb2: {  	[sflag:s24] =	ssyncset.done $0x0  }
0xb3: {  	s13 =	rddreg [dreg:$0x16];
	[sflag:s24] =	ssyncadd.s32 $0xFFFFCE00  }
0xb4: {  	[spmem:s2] =	stream.indirect.scatter.add.f32 [tilespmem:s21], [sflag:$0x6], $0x80, s13, s19, $0xb8;
	[tilespmem:$0x1FC00] =	vst v63  }
0xb5: {  	_ =	swait.ge [sflag:s25], $0x3200  }
0xb6: {  	[sflag:s25] =	ssyncset.done $0x0  }
0xb7: {  	s15 =	rddreg [dreg:$0x17];
	[sflag:s25] =	ssyncadd.s32 $0xFFFFCE00  }
0xb8: {  	[tilespmem:s21], [sflag:$0x3] =	stream.indirect.gather [hbm4b:s4+s19], $0x80, s15, s19, $0xb8;
	[tilespmem:$0x1FC00] =	vst v63  }
0xb9: {  	_ =	swait.ge [sflag:s17], $0x3200  }
0xba: {  	[sflag:s17] =	ssyncset.done $0x0  }
0xbb: {  	s26 =	rddreg [dreg:$0x18];
	[sflag:s17] =	ssyncadd.s32 $0xFFFFCE00  }
0xbc: {  	[spmem:s2] =	stream.indirect.scatter.add.f32 [tilespmem:s14], [sflag:$0x4], $0x80, s26, s19, $0xb8;
	[tilespmem:$0x1FC00] =	vst v63  }
0xbd: {  	_ =	swait.ge [sflag:s22], $0x3200  }
0xbe: {  	[sflag:s22] =	ssyncset.done $0x0  }
0xbf: {  	s12 =	rddreg [dreg:$0x19];
	[sflag:s22] =	ssyncadd.s32 $0xFFFFCE00  }
0xc0: {  	[tilespmem:s14], [sflag:$0x1] =	stream.indirect.gather [hbm4b:s4+s19], $0x80, s12, s19, $0xb8;
	[tilespmem:$0x1FC00] =	vst v63  }
0xc1: {  	_ =	swait.ge [sflag:s18], $0x3200  }
0xc2: {  	[sflag:s18] =	ssyncset.done $0x0  }
0xc3: {  	s13 =	rddreg [dreg:$0x1a];
	[sflag:s18] =	ssyncadd.s32 $0xFFFFCE00  }
0xc4: {  	[spmem:s2] =	stream.indirect.scatter.add.f32 [tilespmem:s20], [sflag:$0x5], $0x80, s13, s19, $0xb8;
	[tilespmem:$0x1FC00] =	vst v63  }
0xc5: {  	_ =	swait.ge [sflag:s23], $0x3200  }
0xc6: {  	[sflag:s23] =	ssyncset.done $0x0  }
0xc7: {  	s15 =	rddreg [dreg:$0x1b];
	[sflag:s23] =	ssyncadd.s32 $0xFFFFCE00  }
0xc8: {  	[tilespmem:s20], [sflag:$0x2] =	stream.indirect.gather [hbm4b:s4+s19], $0x80, s15, s19, $0xb8;
	[tilespmem:$0x1FC00] =	vst v63  }
0xc9: {  	_ =	swait.ge [sflag:s24], $0x3200  }
0xca: {  	[sflag:s24] =	ssyncset.done $0x0  }
0xcb: {  	s26 =	rddreg [dreg:$0x1c];
	[sflag:s24] =	ssyncadd.s32 $0xFFFFCE00  }
0xcc: {  	[spmem:s2] =	stream.indirect.scatter.add.f32 [tilespmem:s21], [sflag:$0x6], $0x80, s26, s19, $0xb8;
	[tilespmem:$0x1FC00] =	vst v63  }
0xcd: {  	_ =	swait.ge [sflag:s25], $0x3200  }
0xce: {  	[sflag:s25] =	ssyncset.done $0x0  }
0xcf: {  	s12 =	rddreg [dreg:$0x1d];
	[sflag:s25] =	ssyncadd.s32 $0xFFFFCE00  }
0xd0: {  	[tilespmem:s21], [sflag:$0x3] =	stream.indirect.gather [hbm4b:s4+s19], $0x80, s12, s19, $0xb8;
	[tilespmem:$0x1FC00] =	vst v63  }
0xd1: {  	_ =	swait.ge [sflag:s17], $0x3200  }
0xd2: {  	[sflag:s17] =	ssyncset.done $0x0  }
0xd3: {  	s13 =	rddreg [dreg:$0x1e];
	[sflag:s17] =	ssyncadd.s32 $0xFFFFCE00  }
0xd4: {  	[spmem:s2] =	stream.indirect.scatter.add.f32 [tilespmem:s14], [sflag:$0x4], $0x80, s13, s19, $0xb8;
	[tilespmem:$0x1FC00] =	vst v63  }
0xd5: {  	_ =	swait.ge [sflag:s22], $0x3200  }
0xd6: {  	[sflag:s22] =	ssyncset.done $0x0  }
0xd7: {  	s15 =	rddreg [dreg:$0x1f];
	[sflag:s22] =	ssyncadd.s32 $0xFFFFCE00  }
0xd8: {  	[tilespmem:s14], [sflag:$0x1] =	stream.indirect.gather [hbm4b:s4+s19], $0x80, s15, s19, $0xb8;
	[tilespmem:$0x1FC00] =	vst v63  }
0xd9: {  	_ =	swait.ge [sflag:s18], $0x3200  }
0xda: {  	s26 =	sld [smem:$0x7F5]  }
0xdb: {  	[sflag:s18] =	ssyncset.done $0x0  }
0xdc: {  	[sflag:s18] =	ssyncadd.s32 $0xFFFFCE00  }
0xdd: {  	[spmem:s2] =	stream.indirect.scatter.add.f32 [tilespmem:s20], [sflag:$0x5], $0x80, s26, s19, $0xb8;
	[tilespmem:$0x1FC00] =	vst v63  }
0xde: {  	_ =	swait.ge [sflag:s23], $0x3200  }
0xdf: {  	s12 =	sld [smem:$0x7F6]  }
0xe0: {  	[sflag:s23] =	ssyncset.done $0x0  }
0xe1: {  	[sflag:s23] =	ssyncadd.s32 $0xFFFFCE00  }
0xe2: {  	[tilespmem:s20], [sflag:$0x2] =	stream.indirect.gather [hbm4b:s4+s19], $0x80, s12, s19, $0xb8;
	[tilespmem:$0x1FC00] =	vst v63  }
0xe3: {  	_ =	swait.ge [sflag:s24], $0x3200  }
0xe4: {  	s13 =	sld [smem:$0x7F7]  }
0xe5: {  	[sflag:s24] =	ssyncset.done $0x0  }
0xe6: {  	[sflag:s24] =	ssyncadd.s32 $0xFFFFCE00  }
0xe7: {  	[spmem:s2] =	stream.indirect.scatter.add.f32 [tilespmem:s21], [sflag:$0x6], $0x80, s13, s19, $0xb8;
	[tilespmem:$0x1FC00] =	vst v63  }
0xe8: {  	_ =	swait.ge [sflag:s25], $0x3200  }
0xe9: {  	s15 =	sld [smem:$0x7F8]  }
0xea: {  	[sflag:s25] =	ssyncset.done $0x0  }
0xeb: {  	[sflag:s25] =	ssyncadd.s32 $0xFFFFCE00  }
0xec: {  	[tilespmem:s21], [sflag:$0x3] =	stream.indirect.gather [hbm4b:s4+s19], $0x80, s15, s19, $0xb8;
	[tilespmem:$0x1FC00] =	vst v63  }
0xed: {  	_ =	swait.ge [sflag:s17], $0x3200  }
0xee: {  	s26 =	sld [smem:$0x7F9]  }
0xef: {  	[sflag:s17] =	ssyncset.done $0x0  }
0xf0: {  	[sflag:s17] =	ssyncadd.s32 $0xFFFFCE00  }
0xf1: {  	[spmem:s2] =	stream.indirect.scatter.add.f32 [tilespmem:s14], [sflag:$0x4], $0x80, s26, s19, $0xb8;
	[tilespmem:$0x1FC00] =	vst v63  }
0xf2: {  	_ =	swait.ge [sflag:s22], $0x3200  }
0xf3: {  	s12 =	sld [smem:$0x7FA]  }
0xf4: {  	[sflag:s22] =	ssyncset.done $0x0  }
0xf5: {  	[sflag:s22] =	ssyncadd.s32 $0xFFFFCE00  }
0xf6: {  	[tilespmem:s14], [sflag:$0x1] =	stream.indirect.gather [hbm4b:s4+s19], $0x80, s12, s19, $0xb8;
	[tilespmem:$0x1FC00] =	vst v63  }
0xf7: {  	_ =	swait.ge [sflag:s18], $0x3200  }
0xf8: {  	s13 =	sld [smem:$0x7FB]  }
0xf9: {  	[sflag:s18] =	ssyncset.done $0x0  }
0xfa: {  	[sflag:s18] =	ssyncadd.s32 $0xFFFFCE00  }
0xfb: {  	[spmem:s2] =	stream.indirect.scatter.add.f32 [tilespmem:s20], [sflag:$0x5], $0x80, s13, s19, $0xb8;
	[tilespmem:$0x1FC00] =	vst v63  }
0xfc: {  	_ =	swait.ge [sflag:s23], $0x3200  }
0xfd: {  	s15 =	sld [smem:$0x7FC]  }
0xfe: {  	[sflag:s23] =	ssyncset.done $0x0  }
0xff: {  	[sflag:s23] =	ssyncadd.s32 $0xFFFFCE00  }
0x100: {  	[tilespmem:s20], [sflag:$0x2] =	stream.indirect.gather [hbm4b:s4+s19], $0x80, s15, s19, $0xb8;
	[tilespmem:$0x1FC00] =	vst v63  }
0x101: {  	_ =	swait.ge [sflag:s24], $0x3200  }
0x102: {  	[sflag:s24] =	ssyncset.done $0x0  }
0x103: {  	s26 =	simm.s32 $0x1880;
	[sflag:s24] =	ssyncadd.s32 $0xFFFFCE00  }
0x104: {  	[spmem:s2] =	stream.indirect.scatter.add.f32 [tilespmem:s21], [sflag:$0x6], $0x80, s26, s19, $0xb8;
	[tilespmem:$0x1FC00] =	vst v63  }
0x105: {  	_ =	swait.ge [sflag:s25], $0x3200  }
0x106: {  	[sflag:s25] =	ssyncset.done $0x0  }
0x107: {  	[sflag:s25] =	ssyncadd.s32 $0xFFFFCE00  }
0x108: {  	[tilespmem:s21], [sflag:$0x3] =	stream.indirect.gather [hbm4b:s4+s19], $0x80, s28, s19, $0xb8;
	[tilespmem:$0x1FC00] =	vst v63  }
0x109: {  	_ =	swait.ge [sflag:s17], $0x3200  }
0x10a: {  	[sflag:s17] =	ssyncset.done $0x0  }
0x10b: {  	[sflag:s17] =	ssyncadd.s32 $0xFFFFCE00  }
0x10c: {  	[spmem:s2] =	stream.indirect.scatter.add.f32 [tilespmem:s14], [sflag:$0x4], $0x80, s29, s19, $0xb8;
	[tilespmem:$0x1FC00] =	vst v63  }
0x10d: {  	_ =	swait.ge [sflag:s22], $0x3200  }
0x10e: {  	[sflag:s22] =	ssyncset.done $0x0  }
0x10f: {  	[sflag:s22] =	ssyncadd.s32 $0xFFFFCE00  }
0x110: {  	[tilespmem:s14], [sflag:$0x1] =	stream.indirect.gather [hbm4b:s4+s19], $0x80, s30, s19, $0xb8;
	[tilespmem:$0x1FC00] =	vst v63  }
0x111: {  	_ =	swait.ge [sflag:s18], $0x3200  }
0x112: {  	[sflag:s18] =	ssyncset.done $0x0  }
0x113: {  	[sflag:s18] =	ssyncadd.s32 $0xFFFFCE00  }
0x114: {  	[spmem:s2] =	stream.indirect.scatter.add.f32 [tilespmem:s20], [sflag:$0x5], $0x80, s31, s19, $0xb8;
	[tilespmem:$0x1FC00] =	vst v63  }
0x115: {  	_ =	swait.ge [sflag:s23], $0x3200  }
0x116: {  	[sflag:s23] =	ssyncset.done $0x0  }
0x117: {  	[sflag:s23] =	ssyncadd.s32 $0xFFFFCE00  }
0x118: {  	[tilespmem:s20], [sflag:$0x2] =	stream.indirect.gather [hbm4b:s4+s19], $0x80, s0, s19, $0xb8;
	[tilespmem:$0x1FC00] =	vst v63  }
0x119: {  	_ =	swait.ge [sflag:s24], $0x3200  }
0x11a: {  	[sflag:s24] =	ssyncset.done $0x0  }
0x11b: {  	[sflag:s24] =	ssyncadd.s32 $0xFFFFCE00  }
0x11c: {  	[spmem:s2] =	stream.indirect.scatter.add.f32 [tilespmem:s21], [sflag:$0x6], $0x80, s1, s19, $0xb8;
	[tilespmem:$0x1FC00] =	vst v63  }
0x11d: {  	_ =	swait.ge [sflag:s25], $0x3200  }
0x11e: {  	[sflag:s25] =	ssyncset.done $0x0  }
0x11f: {  	[sflag:s25] =	ssyncadd.s32 $0xFFFFCE00  }
0x120: {  	[tilespmem:s21], [sflag:$0x3] =	stream.indirect.gather [hbm4b:s4+s19], $0x80, s6, s19, $0xb8;
	[tilespmem:$0x1FC00] =	vst v63  }
0x121: {  	_ =	swait.ge [sflag:s17], $0x3200  }
0x122: {  	[sflag:s17] =	ssyncset.done $0x0  }
0x123: {  	[sflag:s17] =	ssyncadd.s32 $0xFFFFCE00  }
0x124: {  	[spmem:s2] =	stream.indirect.scatter.add.f32 [tilespmem:s14], [sflag:$0x4], $0x80, s7, s19, $0xb8;
	[tilespmem:$0x1FC00] =	vst v63  }
0x125: {  	_ =	swait.ge [sflag:s22], $0x3200  }
0x126: {  	[sflag:s22] =	ssyncset.done $0x0  }
0x127: {  	[sflag:s22] =	ssyncadd.s32 $0xFFFFCE00  }
0x128: {  	[tilespmem:s14], [sflag:$0x1] =	stream.indirect.gather [hbm4b:s4+s19], $0x80, s8, s19, $0xb8;
	[tilespmem:$0x1FC00] =	vst v63  }
0x129: {  	_ =	swait.ge [sflag:s18], $0x3200  }
0x12a: {  	[sflag:s18] =	ssyncset.done $0x0  }
0x12b: {  	[sflag:s18] =	ssyncadd.s32 $0xFFFFCE00  }
0x12c: {  	[spmem:s2] =	stream.indirect.scatter.add.f32 [tilespmem:s20], [sflag:$0x5], $0x80, s9, s19, $0xb8;
	[tilespmem:$0x1FC00] =	vst v63  }
0x12d: {  	_ =	swait.ge [sflag:s23], $0x3200  }
0x12e: {  	[sflag:s23] =	ssyncset.done $0x0  }
0x12f: {  	[sflag:s23] =	ssyncadd.s32 $0xFFFFCE00  }
0x130: {  	_ =	swait.ge [sflag:s24], $0x3200  }
0x131: {  	[sflag:s24] =	ssyncset.done $0x0  }
0x132: {  	[sflag:s24] =	ssyncadd.s32 $0xFFFFCE00  }
0x133: {  	[spmem:s2] =	stream.indirect.scatter.add.f32 [tilespmem:s21], [sflag:$0x6], $0x80, s10, s19, $0xb8;
	[tilespmem:$0x1FC00] =	vst v63  }
0x134: {  	_ =	swait.ge [sflag:s25], $0x3200  }
0x135: {  	[sflag:s25] =	ssyncset.done $0x0  }
0x136: {  	[sflag:s25] =	ssyncadd.s32 $0xFFFFCE00  }
0x137: {  	_ =	swait.ge [sflag:s17], $0x3200  }
0x138: {  	[sflag:s17] =	ssyncset.done $0x0  }
0x139: {  	[sflag:s17] =	ssyncadd.s32 $0xFFFFCE00  }
0x13a: {  	[spmem:s2] =	stream.indirect.scatter.add.f32 [tilespmem:s14], [sflag:$0x4], $0x80, s11, s19, $0xb8;
	[tilespmem:$0x1FC00] =	vst v63  }
0x13b: {  	s5 =	simm.s32 $0x400;
	_ =	swait.ge [sflag:s22], $0x3200  }
0x13c: {  	s13 =	simm.s32 $0x200;
	s12 =	rddreg [dreg:$0x4];
	[sflag:s22] =	ssyncset.done $0x0  }
.LBB2_4:
0x13d: {  	[sflag:s22] =	ssyncadd.s32 $0xFFFFCE00;
	s26 =	rddreg [dreg:$0x3];
	s12 =	sadd.s32 s13, s12  }
0x13e: {  	[tilespmem:s3], [sflag:$0x1] =	stream.linear.gather [hbm4b:s12+s3], $0xC80, $0x38;
	[tilespmem:$0x1FC00] =	vst v63  }
0x13f: {  	s26 =	sadd.s32 s13, s26  }
0x140: {  	[tilespmem:s16], [sflag:$0x2] =	stream.linear.gather [hbm4b:s26+s3], $0xC80, $0x38;
	[tilespmem:$0x1FC00] =	vst v63  }
0x141: {  	_ =	swait.ge [sflag:s17], $0xC80  }
0x142: {  	[sflag:s17] =	ssyncset.done $0x0  }
0x143: {  	[sflag:s17] =	ssyncadd.s32 $0xFFFFF380  }
0x144: {  	_ =	swait.ge [sflag:s18], $0xC80  }
0x145: {  	[sflag:s18] =	ssyncset.done $0x0  }
0x146: {  	s15 =	smov.u32 s5;
	[sflag:s18] =	ssyncadd.s32 $0xFFFFF380  }
0x147: {  	[tilespmem:s14], [sflag:$0x1] =	stream.indirect.gather [hbm4b:s4+s19], $0x80, s3, s19, $0xb8;
	[tilespmem:$0x1FC00] =	vst v63  }
0x148: {  	s13 =	smov.u32 s15;
	s15 =	rddreg [dreg:$0x5]  }
0x149: {  	[tilespmem:s20], [sflag:$0x2] =	stream.indirect.gather [hbm4b:s4+s19], $0x80, s15, s19, $0xb8;
	[tilespmem:$0x1FC00] =	vst v63  }
0x14a: {  	s26 =	rddreg [dreg:$0x6]  }
0x14b: {  	[tilespmem:s21], [sflag:$0x3] =	stream.indirect.gather [hbm4b:s4+s19], $0x80, s26, s19, $0xb8;
	[tilespmem:$0x1FC00] =	vst v63  }
0x14c: {  	_ =	swait.ge [sflag:s17], $0x3200  }
0x14d: {  	[sflag:s17] =	ssyncset.done $0x0  }
0x14e: {  	[sflag:s17] =	ssyncadd.s32 $0xFFFFCE00  }
0x14f: {  	[spmem:s2] =	stream.indirect.scatter.add.f32 [tilespmem:s14], [sflag:$0x4], $0x80, s16, s19, $0xb8;
	[tilespmem:$0x1FC00] =	vst v63  }
0x150: {  	_ =	swait.ge [sflag:s22], $0x3200  }
0x151: {  	[sflag:s22] =	ssyncset.done $0x0  }
0x152: {  	s26 =	rddreg [dreg:$0x7];
	[sflag:s22] =	ssyncadd.s32 $0xFFFFCE00  }
0x153: {  	[tilespmem:s14], [sflag:$0x1] =	stream.indirect.gather [hbm4b:s4+s19], $0x80, s26, s19, $0xb8;
	[tilespmem:$0x1FC00] =	vst v63  }
0x154: {  	_ =	swait.ge [sflag:s18], $0x3200  }
0x155: {  	[sflag:s18] =	ssyncset.done $0x0  }
0x156: {  	s26 =	rddreg [dreg:$0x8];
	[sflag:s18] =	ssyncadd.s32 $0xFFFFCE00  }
0x157: {  	[spmem:s2] =	stream.indirect.scatter.add.f32 [tilespmem:s20], [sflag:$0x5], $0x80, s26, s19, $0xb8;
	[tilespmem:$0x1FC00] =	vst v63  }
0x158: {  	_ =	swait.ge [sflag:s23], $0x3200  }
0x159: {  	[sflag:s23] =	ssyncset.done $0x0  }
0x15a: {  	s26 =	rddreg [dreg:$0x9];
	[sflag:s23] =	ssyncadd.s32 $0xFFFFCE00  }
0x15b: {  	[tilespmem:s20], [sflag:$0x2] =	stream.indirect.gather [hbm4b:s4+s19], $0x80, s26, s19, $0xb8;
	[tilespmem:$0x1FC00] =	vst v63  }
0x15c: {  	_ =	swait.ge [sflag:s24], $0x3200  }
0x15d: {  	[sflag:s24] =	ssyncset.done $0x0  }
0x15e: {  	s26 =	rddreg [dreg:$0xa];
	[sflag:s24] =	ssyncadd.s32 $0xFFFFCE00  }
0x15f: {  	[spmem:s2] =	stream.indirect.scatter.add.f32 [tilespmem:s21], [sflag:$0x6], $0x80, s26, s19, $0xb8;
	[tilespmem:$0x1FC00] =	vst v63  }
0x160: {  	_ =	swait.ge [sflag:s25], $0x3200  }
0x161: {  	[sflag:s25] =	ssyncset.done $0x0  }
0x162: {  	s26 =	rddreg [dreg:$0xb];
	[sflag:s25] =	ssyncadd.s32 $0xFFFFCE00  }
0x163: {  	[tilespmem:s21], [sflag:$0x3] =	stream.indirect.gather [hbm4b:s4+s19], $0x80, s26, s19, $0xb8;
	[tilespmem:$0x1FC00] =	vst v63  }
0x164: {  	_ =	swait.ge [sflag:s17], $0x3200  }
0x165: {  	[sflag:s17] =	ssyncset.done $0x0  }
0x166: {  	s26 =	rddreg [dreg:$0xc];
	[sflag:s17] =	ssyncadd.s32 $0xFFFFCE00  }
0x167: {  	[spmem:s2] =	stream.indirect.scatter.add.f32 [tilespmem:s14], [sflag:$0x4], $0x80, s26, s19, $0xb8;
	[tilespmem:$0x1FC00] =	vst v63  }
0x168: {  	_ =	swait.ge [sflag:s22], $0x3200  }
0x169: {  	[sflag:s22] =	ssyncset.done $0x0  }
0x16a: {  	s26 =	rddreg [dreg:$0xd];
	[sflag:s22] =	ssyncadd.s32 $0xFFFFCE00  }
0x16b: {  	[tilespmem:s14], [sflag:$0x1] =	stream.indirect.gather [hbm4b:s4+s19], $0x80, s26, s19, $0xb8;
	[tilespmem:$0x1FC00] =	vst v63  }
0x16c: {  	_ =	swait.ge [sflag:s18], $0x3200  }
0x16d: {  	[sflag:s18] =	ssyncset.done $0x0  }
0x16e: {  	s26 =	rddreg [dreg:$0xe];
	[sflag:s18] =	ssyncadd.s32 $0xFFFFCE00  }
0x16f: {  	[spmem:s2] =	stream.indirect.scatter.add.f32 [tilespmem:s20], [sflag:$0x5], $0x80, s26, s19, $0xb8;
	[tilespmem:$0x1FC00] =	vst v63  }
0x170: {  	_ =	swait.ge [sflag:s23], $0x3200  }
0x171: {  	[sflag:s23] =	ssyncset.done $0x0  }
0x172: {  	s26 =	rddreg [dreg:$0xf];
	[sflag:s23] =	ssyncadd.s32 $0xFFFFCE00  }
0x173: {  	[tilespmem:s20], [sflag:$0x2] =	stream.indirect.gather [hbm4b:s4+s19], $0x80, s26, s19, $0xb8;
	[tilespmem:$0x1FC00] =	vst v63  }
0x174: {  	_ =	swait.ge [sflag:s24], $0x3200  }
0x175: {  	[sflag:s24] =	ssyncset.done $0x0  }
0x176: {  	s26 =	rddreg [dreg:$0x10];
	[sflag:s24] =	ssyncadd.s32 $0xFFFFCE00  }
0x177: {  	[spmem:s2] =	stream.indirect.scatter.add.f32 [tilespmem:s21], [sflag:$0x6], $0x80, s26, s19, $0xb8;
	[tilespmem:$0x1FC00] =	vst v63  }
0x178: {  	_ =	swait.ge [sflag:s25], $0x3200  }
0x179: {  	[sflag:s25] =	ssyncset.done $0x0  }
0x17a: {  	s26 =	rddreg [dreg:$0x11];
	[sflag:s25] =	ssyncadd.s32 $0xFFFFCE00  }
0x17b: {  	[tilespmem:s21], [sflag:$0x3] =	stream.indirect.gather [hbm4b:s4+s19], $0x80, s26, s19, $0xb8;
	[tilespmem:$0x1FC00] =	vst v63  }
0x17c: {  	_ =	swait.ge [sflag:s17], $0x3200  }
0x17d: {  	[sflag:s17] =	ssyncset.done $0x0  }
0x17e: {  	s26 =	rddreg [dreg:$0x12];
	[sflag:s17] =	ssyncadd.s32 $0xFFFFCE00  }
0x17f: {  	[spmem:s2] =	stream.indirect.scatter.add.f32 [tilespmem:s14], [sflag:$0x4], $0x80, s26, s19, $0xb8;
	[tilespmem:$0x1FC00] =	vst v63  }
0x180: {  	_ =	swait.ge [sflag:s22], $0x3200  }
0x181: {  	[sflag:s22] =	ssyncset.done $0x0  }
0x182: {  	s26 =	rddreg [dreg:$0x13];
	[sflag:s22] =	ssyncadd.s32 $0xFFFFCE00  }
0x183: {  	[tilespmem:s14], [sflag:$0x1] =	stream.indirect.gather [hbm4b:s4+s19], $0x80, s26, s19, $0xb8;
	[tilespmem:$0x1FC00] =	vst v63  }
0x184: {  	_ =	swait.ge [sflag:s18], $0x3200  }
0x185: {  	[sflag:s18] =	ssyncset.done $0x0  }
0x186: {  	s26 =	rddreg [dreg:$0x14];
	[sflag:s18] =	ssyncadd.s32 $0xFFFFCE00  }
0x187: {  	[spmem:s2] =	stream.indirect.scatter.add.f32 [tilespmem:s20], [sflag:$0x5], $0x80, s26, s19, $0xb8;
	[tilespmem:$0x1FC00] =	vst v63  }
0x188: {  	_ =	swait.ge [sflag:s23], $0x3200  }
0x189: {  	[sflag:s23] =	ssyncset.done $0x0  }
0x18a: {  	s26 =	rddreg [dreg:$0x15];
	[sflag:s23] =	ssyncadd.s32 $0xFFFFCE00  }
0x18b: {  	[tilespmem:s20], [sflag:$0x2] =	stream.indirect.gather [hbm4b:s4+s19], $0x80, s26, s19, $0xb8;
	[tilespmem:$0x1FC00] =	vst v63  }
0x18c: {  	_ =	swait.ge [sflag:s24], $0x3200  }
0x18d: {  	[sflag:s24] =	ssyncset.done $0x0  }
0x18e: {  	s26 =	rddreg [dreg:$0x16];
	[sflag:s24] =	ssyncadd.s32 $0xFFFFCE00  }
0x18f: {  	[spmem:s2] =	stream.indirect.scatter.add.f32 [tilespmem:s21], [sflag:$0x6], $0x80, s26, s19, $0xb8;
	[tilespmem:$0x1FC00] =	vst v63  }
0x190: {  	_ =	swait.ge [sflag:s25], $0x3200  }
0x191: {  	[sflag:s25] =	ssyncset.done $0x0  }
0x192: {  	s26 =	rddreg [dreg:$0x17];
	[sflag:s25] =	ssyncadd.s32 $0xFFFFCE00  }
0x193: {  	[tilespmem:s21], [sflag:$0x3] =	stream.indirect.gather [hbm4b:s4+s19], $0x80, s26, s19, $0xb8;
	[tilespmem:$0x1FC00] =	vst v63  }
0x194: {  	_ =	swait.ge [sflag:s17], $0x3200  }
0x195: {  	[sflag:s17] =	ssyncset.done $0x0  }
0x196: {  	s26 =	rddreg [dreg:$0x18];
	[sflag:s17] =	ssyncadd.s32 $0xFFFFCE00  }
0x197: {  	[spmem:s2] =	stream.indirect.scatter.add.f32 [tilespmem:s14], [sflag:$0x4], $0x80, s26, s19, $0xb8;
	[tilespmem:$0x1FC00] =	vst v63  }
0x198: {  	_ =	swait.ge [sflag:s22], $0x3200  }
0x199: {  	[sflag:s22] =	ssyncset.done $0x0  }
0x19a: {  	s26 =	rddreg [dreg:$0x19];
	[sflag:s22] =	ssyncadd.s32 $0xFFFFCE00  }
0x19b: {  	[tilespmem:s14], [sflag:$0x1] =	stream.indirect.gather [hbm4b:s4+s19], $0x80, s26, s19, $0xb8;
	[tilespmem:$0x1FC00] =	vst v63  }
0x19c: {  	_ =	swait.ge [sflag:s18], $0x3200  }
0x19d: {  	[sflag:s18] =	ssyncset.done $0x0  }
0x19e: {  	s26 =	rddreg [dreg:$0x1a];
	[sflag:s18] =	ssyncadd.s32 $0xFFFFCE00  }
0x19f: {  	[spmem:s2] =	stream.indirect.scatter.add.f32 [tilespmem:s20], [sflag:$0x5], $0x80, s26, s19, $0xb8;
	[tilespmem:$0x1FC00] =	vst v63  }
0x1a0: {  	_ =	swait.ge [sflag:s23], $0x3200  }
0x1a1: {  	[sflag:s23] =	ssyncset.done $0x0  }
0x1a2: {  	s26 =	rddreg [dreg:$0x1b];
	[sflag:s23] =	ssyncadd.s32 $0xFFFFCE00  }
0x1a3: {  	[tilespmem:s20], [sflag:$0x2] =	stream.indirect.gather [hbm4b:s4+s19], $0x80, s26, s19, $0xb8;
	[tilespmem:$0x1FC00] =	vst v63  }
0x1a4: {  	_ =	swait.ge [sflag:s24], $0x3200  }
0x1a5: {  	[sflag:s24] =	ssyncset.done $0x0  }
0x1a6: {  	s26 =	rddreg [dreg:$0x1c];
	[sflag:s24] =	ssyncadd.s32 $0xFFFFCE00  }
0x1a7: {  	[spmem:s2] =	stream.indirect.scatter.add.f32 [tilespmem:s21], [sflag:$0x6], $0x80, s26, s19, $0xb8;
	[tilespmem:$0x1FC00] =	vst v63  }
0x1a8: {  	_ =	swait.ge [sflag:s25], $0x3200  }
0x1a9: {  	[sflag:s25] =	ssyncset.done $0x0  }
0x1aa: {  	s26 =	rddreg [dreg:$0x1d];
	[sflag:s25] =	ssyncadd.s32 $0xFFFFCE00  }
0x1ab: {  	[tilespmem:s21], [sflag:$0x3] =	stream.indirect.gather [hbm4b:s4+s19], $0x80, s26, s19, $0xb8;
	[tilespmem:$0x1FC00] =	vst v63  }
0x1ac: {  	_ =	swait.ge [sflag:s17], $0x3200  }
0x1ad: {  	[sflag:s17] =	ssyncset.done $0x0  }
0x1ae: {  	s26 =	rddreg [dreg:$0x1e];
	[sflag:s17] =	ssyncadd.s32 $0xFFFFCE00  }
0x1af: {  	[spmem:s2] =	stream.indirect.scatter.add.f32 [tilespmem:s14], [sflag:$0x4], $0x80, s26, s19, $0xb8;
	[tilespmem:$0x1FC00] =	vst v63  }
0x1b0: {  	_ =	swait.ge [sflag:s22], $0x3200  }
0x1b1: {  	[sflag:s22] =	ssyncset.done $0x0  }
0x1b2: {  	s26 =	rddreg [dreg:$0x1f];
	[sflag:s22] =	ssyncadd.s32 $0xFFFFCE00  }
0x1b3: {  	[tilespmem:s14], [sflag:$0x1] =	stream.indirect.gather [hbm4b:s4+s19], $0x80, s26, s19, $0xb8;
	[tilespmem:$0x1FC00] =	vst v63  }
0x1b4: {  	_ =	swait.ge [sflag:s18], $0x3200  }
0x1b5: {  	s26 =	sld [smem:$0x7F5]  }
0x1b6: {  	[sflag:s18] =	ssyncset.done $0x0  }
0x1b7: {  	[sflag:s18] =	ssyncadd.s32 $0xFFFFCE00  }
0x1b8: {  	[spmem:s2] =	stream.indirect.scatter.add.f32 [tilespmem:s20], [sflag:$0x5], $0x80, s26, s19, $0xb8;
	[tilespmem:$0x1FC00] =	vst v63  }
0x1b9: {  	_ =	swait.ge [sflag:s23], $0x3200  }
0x1ba: {  	s26 =	sld [smem:$0x7F6]  }
0x1bb: {  	[sflag:s23] =	ssyncset.done $0x0  }
0x1bc: {  	[sflag:s23] =	ssyncadd.s32 $0xFFFFCE00  }
0x1bd: {  	[tilespmem:s20], [sflag:$0x2] =	stream.indirect.gather [hbm4b:s4+s19], $0x80, s26, s19, $0xb8;
	[tilespmem:$0x1FC00] =	vst v63  }
0x1be: {  	_ =	swait.ge [sflag:s24], $0x3200  }
0x1bf: {  	s26 =	sld [smem:$0x7F7]  }
0x1c0: {  	[sflag:s24] =	ssyncset.done $0x0  }
0x1c1: {  	[sflag:s24] =	ssyncadd.s32 $0xFFFFCE00  }
0x1c2: {  	[spmem:s2] =	stream.indirect.scatter.add.f32 [tilespmem:s21], [sflag:$0x6], $0x80, s26, s19, $0xb8;
	[tilespmem:$0x1FC00] =	vst v63  }
0x1c3: {  	_ =	swait.ge [sflag:s25], $0x3200  }
0x1c4: {  	s26 =	sld [smem:$0x7F8]  }
0x1c5: {  	[sflag:s25] =	ssyncset.done $0x0  }
0x1c6: {  	[sflag:s25] =	ssyncadd.s32 $0xFFFFCE00  }
0x1c7: {  	[tilespmem:s21], [sflag:$0x3] =	stream.indirect.gather [hbm4b:s4+s19], $0x80, s26, s19, $0xb8;
	[tilespmem:$0x1FC00] =	vst v63  }
0x1c8: {  	_ =	swait.ge [sflag:s17], $0x3200  }
0x1c9: {  	s26 =	sld [smem:$0x7F9]  }
0x1ca: {  	[sflag:s17] =	ssyncset.done $0x0  }
0x1cb: {  	[sflag:s17] =	ssyncadd.s32 $0xFFFFCE00  }
0x1cc: {  	[spmem:s2] =	stream.indirect.scatter.add.f32 [tilespmem:s14], [sflag:$0x4], $0x80, s26, s19, $0xb8;
	[tilespmem:$0x1FC00] =	vst v63  }
0x1cd: {  	_ =	swait.ge [sflag:s22], $0x3200  }
0x1ce: {  	s26 =	sld [smem:$0x7FA]  }
0x1cf: {  	[sflag:s22] =	ssyncset.done $0x0  }
0x1d0: {  	[sflag:s22] =	ssyncadd.s32 $0xFFFFCE00  }
0x1d1: {  	[tilespmem:s14], [sflag:$0x1] =	stream.indirect.gather [hbm4b:s4+s19], $0x80, s26, s19, $0xb8;
	[tilespmem:$0x1FC00] =	vst v63  }
0x1d2: {  	_ =	swait.ge [sflag:s18], $0x3200  }
0x1d3: {  	s26 =	sld [smem:$0x7FB]  }
0x1d4: {  	[sflag:s18] =	ssyncset.done $0x0  }
0x1d5: {  	[sflag:s18] =	ssyncadd.s32 $0xFFFFCE00  }
0x1d6: {  	[spmem:s2] =	stream.indirect.scatter.add.f32 [tilespmem:s20], [sflag:$0x5], $0x80, s26, s19, $0xb8;
	[tilespmem:$0x1FC00] =	vst v63  }
0x1d7: {  	_ =	swait.ge [sflag:s23], $0x3200  }
0x1d8: {  	s26 =	sld [smem:$0x7FC]  }
0x1d9: {  	[sflag:s23] =	ssyncset.done $0x0  }
0x1da: {  	[sflag:s23] =	ssyncadd.s32 $0xFFFFCE00  }
0x1db: {  	[tilespmem:s20], [sflag:$0x2] =	stream.indirect.gather [hbm4b:s4+s19], $0x80, s26, s19, $0xb8;
	[tilespmem:$0x1FC00] =	vst v63  }
0x1dc: {  	_ =	swait.ge [sflag:s24], $0x3200  }
0x1dd: {  	[sflag:s24] =	ssyncset.done $0x0  }
0x1de: {  	s15 =	simm.s32 $0x1880;
	[sflag:s24] =	ssyncadd.s32 $0xFFFFCE00  }
0x1df: {  	[spmem:s2] =	stream.indirect.scatter.add.f32 [tilespmem:s21], [sflag:$0x6], $0x80, s15, s19, $0xb8;
	[tilespmem:$0x1FC00] =	vst v63  }
0x1e0: {  	_ =	swait.ge [sflag:s25], $0x3200  }
0x1e1: {  	[sflag:s25] =	ssyncset.done $0x0  }
0x1e2: {  	[sflag:s25] =	ssyncadd.s32 $0xFFFFCE00  }
0x1e3: {  	[tilespmem:s21], [sflag:$0x3] =	stream.indirect.gather [hbm4b:s4+s19], $0x80, s28, s19, $0xb8;
	[tilespmem:$0x1FC00] =	vst v63  }
0x1e4: {  	_ =	swait.ge [sflag:s17], $0x3200  }
0x1e5: {  	[sflag:s17] =	ssyncset.done $0x0  }
0x1e6: {  	[sflag:s17] =	ssyncadd.s32 $0xFFFFCE00  }
0x1e7: {  	[spmem:s2] =	stream.indirect.scatter.add.f32 [tilespmem:s14], [sflag:$0x4], $0x80, s29, s19, $0xb8;
	[tilespmem:$0x1FC00] =	vst v63  }
0x1e8: {  	_ =	swait.ge [sflag:s22], $0x3200  }
0x1e9: {  	[sflag:s22] =	ssyncset.done $0x0  }
0x1ea: {  	[sflag:s22] =	ssyncadd.s32 $0xFFFFCE00  }
0x1eb: {  	[tilespmem:s14], [sflag:$0x1] =	stream.indirect.gather [hbm4b:s4+s19], $0x80, s30, s19, $0xb8;
	[tilespmem:$0x1FC00] =	vst v63  }
0x1ec: {  	_ =	swait.ge [sflag:s18], $0x3200  }
0x1ed: {  	[sflag:s18] =	ssyncset.done $0x0  }
0x1ee: {  	[sflag:s18] =	ssyncadd.s32 $0xFFFFCE00  }
0x1ef: {  	[spmem:s2] =	stream.indirect.scatter.add.f32 [tilespmem:s20], [sflag:$0x5], $0x80, s31, s19, $0xb8;
	[tilespmem:$0x1FC00] =	vst v63  }
0x1f0: {  	_ =	swait.ge [sflag:s23], $0x3200  }
0x1f1: {  	[sflag:s23] =	ssyncset.done $0x0  }
0x1f2: {  	[sflag:s23] =	ssyncadd.s32 $0xFFFFCE00  }
0x1f3: {  	[tilespmem:s20], [sflag:$0x2] =	stream.indirect.gather [hbm4b:s4+s19], $0x80, s0, s19, $0xb8;
	[tilespmem:$0x1FC00] =	vst v63  }
0x1f4: {  	_ =	swait.ge [sflag:s24], $0x3200  }
0x1f5: {  	[sflag:s24] =	ssyncset.done $0x0  }
0x1f6: {  	[sflag:s24] =	ssyncadd.s32 $0xFFFFCE00  }
0x1f7: {  	[spmem:s2] =	stream.indirect.scatter.add.f32 [tilespmem:s21], [sflag:$0x6], $0x80, s1, s19, $0xb8;
	[tilespmem:$0x1FC00] =	vst v63  }
0x1f8: {  	_ =	swait.ge [sflag:s25], $0x3200  }
0x1f9: {  	[sflag:s25] =	ssyncset.done $0x0  }
0x1fa: {  	[sflag:s25] =	ssyncadd.s32 $0xFFFFCE00  }
0x1fb: {  	[tilespmem:s21], [sflag:$0x3] =	stream.indirect.gather [hbm4b:s4+s19], $0x80, s6, s19, $0xb8;
	[tilespmem:$0x1FC00] =	vst v63  }
0x1fc: {  	_ =	swait.ge [sflag:s17], $0x3200  }
0x1fd: {  	[sflag:s17] =	ssyncset.done $0x0  }
0x1fe: {  	[sflag:s17] =	ssyncadd.s32 $0xFFFFCE00  }
0x1ff: {  	[spmem:s2] =	stream.indirect.scatter.add.f32 [tilespmem:s14], [sflag:$0x4], $0x80, s7, s19, $0xb8;
	[tilespmem:$0x1FC00] =	vst v63  }
0x200: {  	_ =	swait.ge [sflag:s22], $0x3200  }
0x201: {  	[sflag:s22] =	ssyncset.done $0x0  }
0x202: {  	[sflag:s22] =	ssyncadd.s32 $0xFFFFCE00  }
0x203: {  	[tilespmem:s14], [sflag:$0x1] =	stream.indirect.gather [hbm4b:s4+s19], $0x80, s8, s19, $0xb8;
	[tilespmem:$0x1FC00] =	vst v63  }
0x204: {  	_ =	swait.ge [sflag:s18], $0x3200  }
0x205: {  	[sflag:s18] =	ssyncset.done $0x0  }
0x206: {  	[sflag:s18] =	ssyncadd.s32 $0xFFFFCE00  }
0x207: {  	[spmem:s2] =	stream.indirect.scatter.add.f32 [tilespmem:s20], [sflag:$0x5], $0x80, s9, s19, $0xb8;
	[tilespmem:$0x1FC00] =	vst v63  }
0x208: {  	_ =	swait.ge [sflag:s23], $0x3200  }
0x209: {  	[sflag:s23] =	ssyncset.done $0x0  }
0x20a: {  	[sflag:s23] =	ssyncadd.s32 $0xFFFFCE00  }
0x20b: {  	_ =	swait.ge [sflag:s24], $0x3200  }
0x20c: {  	[sflag:s24] =	ssyncset.done $0x0  }
0x20d: {  	[sflag:s24] =	ssyncadd.s32 $0xFFFFCE00  }
0x20e: {  	[spmem:s2] =	stream.indirect.scatter.add.f32 [tilespmem:s21], [sflag:$0x6], $0x80, s10, s19, $0xb8;
	[tilespmem:$0x1FC00] =	vst v63  }
0x20f: {  	_ =	swait.ge [sflag:s25], $0x3200  }
0x210: {  	[sflag:s25] =	ssyncset.done $0x0  }
0x211: {  	[sflag:s25] =	ssyncadd.s32 $0xFFFFCE00  }
0x212: {  	p0 =	sne.s32 s5, $0x600;
	_ =	swait.ge [sflag:s17], $0x3200  }
.Ltmp1:
0x213: {  	[sflag:s17] =	ssyncset.done $0x0;
	(pc) =	sbr.rel @p0 .LBB2_4-.Ltmp1, $4  }
0x214: {  	[sflag:s17] =	ssyncadd.s32 $0xFFFFCE00  }
0x215: {  	[spmem:s2] =	stream.indirect.scatter.add.f32 [tilespmem:s14], [sflag:$0x4], $0x80, s11, s19, $0xb8;
	[tilespmem:$0x1FC00] =	vst v63  }
0x216: {  	_ =	swait.ge [sflag:s22], $0x3200  }
0x217: {  	s5 =	sadd.s32 $0x200, s5;
	s12 =	rddreg [dreg:$0x4];
	[sflag:s22] =	ssyncset.done $0x0  }
0x218: {  	s5 =	rddreg [dreg:$0x3];
	[sflag:s22] =	ssyncadd.s32 $0xFFFFCE00;
	s12 =	sadd.s32 s13, s12  }
0x219: {  	[tilespmem:s3], [sflag:$0x1] =	stream.linear.gather [hbm4b:s12+s3], $0xC80, $0x38;
	[tilespmem:$0x1FC00] =	vst v63  }
0x21a: {  	s5 =	sadd.s32 s13, s5  }
0x21b: {  	[tilespmem:s16], [sflag:$0x2] =	stream.linear.gather [hbm4b:s5+s3], $0xC80, $0x38;
	[tilespmem:$0x1FC00] =	vst v63  }
0x21c: {  	_ =	swait.ge [sflag:s17], $0xC80  }
0x21d: {  	[sflag:s17] =	ssyncset.done $0x0  }
0x21e: {  	[sflag:s17] =	ssyncadd.s32 $0xFFFFF380  }
0x21f: {  	_ =	swait.ge [sflag:s18], $0xC80  }
0x220: {  	[sflag:s18] =	ssyncset.done $0x0  }
0x221: {  	[sflag:s18] =	ssyncadd.s32 $0xFFFFF380  }
0x222: {  	[tilespmem:s14], [sflag:$0x1] =	stream.indirect.gather [hbm4b:s4+s19], $0x80, s3, s19, $0xb8;
	[tilespmem:$0x1FC00] =	vst v63  }
0x223: {  	s13 =	rddreg [dreg:$0x5]  }
0x224: {  	[tilespmem:s20], [sflag:$0x2] =	stream.indirect.gather [hbm4b:s4+s19], $0x80, s13, s19, $0xb8;
	[tilespmem:$0x1FC00] =	vst v63  }
0x225: {  	s26 =	rddreg [dreg:$0x6]  }
0x226: {  	[tilespmem:s21], [sflag:$0x3] =	stream.indirect.gather [hbm4b:s4+s19], $0x80, s26, s19, $0xb8;
	[tilespmem:$0x1FC00] =	vst v63  }
0x227: {  	_ =	swait.ge [sflag:s17], $0x3200  }
0x228: {  	[sflag:s17] =	ssyncset.done $0x0  }
0x229: {  	[sflag:s17] =	ssyncadd.s32 $0xFFFFCE00  }
0x22a: {  	[spmem:s2] =	stream.indirect.scatter.add.f32 [tilespmem:s14], [sflag:$0x4], $0x80, s16, s19, $0xb8;
	[tilespmem:$0x1FC00] =	vst v63  }
0x22b: {  	_ =	swait.ge [sflag:s22], $0x3200  }
0x22c: {  	[sflag:s22] =	ssyncset.done $0x0  }
0x22d: {  	s12 =	rddreg [dreg:$0x7];
	[sflag:s22] =	ssyncadd.s32 $0xFFFFCE00  }
0x22e: {  	[tilespmem:s14], [sflag:$0x1] =	stream.indirect.gather [hbm4b:s4+s19], $0x80, s12, s19, $0xb8;
	[tilespmem:$0x1FC00] =	vst v63  }
0x22f: {  	_ =	swait.ge [sflag:s18], $0x3200  }
0x230: {  	[sflag:s18] =	ssyncset.done $0x0  }
0x231: {  	s13 =	rddreg [dreg:$0x8];
	[sflag:s18] =	ssyncadd.s32 $0xFFFFCE00  }
0x232: {  	[spmem:s2] =	stream.indirect.scatter.add.f32 [tilespmem:s20], [sflag:$0x5], $0x80, s13, s19, $0xb8;
	[tilespmem:$0x1FC00] =	vst v63  }
0x233: {  	_ =	swait.ge [sflag:s23], $0x3200  }
0x234: {  	[sflag:s23] =	ssyncset.done $0x0  }
0x235: {  	s26 =	rddreg [dreg:$0x9];
	[sflag:s23] =	ssyncadd.s32 $0xFFFFCE00  }
0x236: {  	[tilespmem:s20], [sflag:$0x2] =	stream.indirect.gather [hbm4b:s4+s19], $0x80, s26, s19, $0xb8;
	[tilespmem:$0x1FC00] =	vst v63  }
0x237: {  	_ =	swait.ge [sflag:s24], $0x3200  }
0x238: {  	[sflag:s24] =	ssyncset.done $0x0  }
0x239: {  	s12 =	rddreg [dreg:$0xa];
	[sflag:s24] =	ssyncadd.s32 $0xFFFFCE00  }
0x23a: {  	[spmem:s2] =	stream.indirect.scatter.add.f32 [tilespmem:s21], [sflag:$0x6], $0x80, s12, s19, $0xb8;
	[tilespmem:$0x1FC00] =	vst v63  }
0x23b: {  	_ =	swait.ge [sflag:s25], $0x3200  }
0x23c: {  	[sflag:s25] =	ssyncset.done $0x0  }
0x23d: {  	s13 =	rddreg [dreg:$0xb];
	[sflag:s25] =	ssyncadd.s32 $0xFFFFCE00  }
0x23e: {  	[tilespmem:s21], [sflag:$0x3] =	stream.indirect.gather [hbm4b:s4+s19], $0x80, s13, s19, $0xb8;
	[tilespmem:$0x1FC00] =	vst v63  }
0x23f: {  	_ =	swait.ge [sflag:s17], $0x3200  }
0x240: {  	[sflag:s17] =	ssyncset.done $0x0  }
0x241: {  	s26 =	rddreg [dreg:$0xc];
	[sflag:s17] =	ssyncadd.s32 $0xFFFFCE00  }
0x242: {  	[spmem:s2] =	stream.indirect.scatter.add.f32 [tilespmem:s14], [sflag:$0x4], $0x80, s26, s19, $0xb8;
	[tilespmem:$0x1FC00] =	vst v63  }
0x243: {  	_ =	swait.ge [sflag:s22], $0x3200  }
0x244: {  	[sflag:s22] =	ssyncset.done $0x0  }
0x245: {  	s12 =	rddreg [dreg:$0xd];
	[sflag:s22] =	ssyncadd.s32 $0xFFFFCE00  }
0x246: {  	[tilespmem:s14], [sflag:$0x1] =	stream.indirect.gather [hbm4b:s4+s19], $0x80, s12, s19, $0xb8;
	[tilespmem:$0x1FC00] =	vst v63  }
0x247: {  	_ =	swait.ge [sflag:s18], $0x3200  }
0x248: {  	[sflag:s18] =	ssyncset.done $0x0  }
0x249: {  	s13 =	rddreg [dreg:$0xe];
	[sflag:s18] =	ssyncadd.s32 $0xFFFFCE00  }
0x24a: {  	[spmem:s2] =	stream.indirect.scatter.add.f32 [tilespmem:s20], [sflag:$0x5], $0x80, s13, s19, $0xb8;
	[tilespmem:$0x1FC00] =	vst v63  }
0x24b: {  	_ =	swait.ge [sflag:s23], $0x3200  }
0x24c: {  	[sflag:s23] =	ssyncset.done $0x0  }
0x24d: {  	s26 =	rddreg [dreg:$0xf];
	[sflag:s23] =	ssyncadd.s32 $0xFFFFCE00  }
0x24e: {  	[tilespmem:s20], [sflag:$0x2] =	stream.indirect.gather [hbm4b:s4+s19], $0x80, s26, s19, $0xb8;
	[tilespmem:$0x1FC00] =	vst v63  }
0x24f: {  	_ =	swait.ge [sflag:s24], $0x3200  }
0x250: {  	[sflag:s24] =	ssyncset.done $0x0  }
0x251: {  	s12 =	rddreg [dreg:$0x10];
	[sflag:s24] =	ssyncadd.s32 $0xFFFFCE00  }
0x252: {  	[spmem:s2] =	stream.indirect.scatter.add.f32 [tilespmem:s21], [sflag:$0x6], $0x80, s12, s19, $0xb8;
	[tilespmem:$0x1FC00] =	vst v63  }
0x253: {  	_ =	swait.ge [sflag:s25], $0x3200  }
0x254: {  	[sflag:s25] =	ssyncset.done $0x0  }
0x255: {  	s13 =	rddreg [dreg:$0x11];
	[sflag:s25] =	ssyncadd.s32 $0xFFFFCE00  }
0x256: {  	[tilespmem:s21], [sflag:$0x3] =	stream.indirect.gather [hbm4b:s4+s19], $0x80, s13, s19, $0xb8;
	[tilespmem:$0x1FC00] =	vst v63  }
0x257: {  	_ =	swait.ge [sflag:s17], $0x3200  }
0x258: {  	[sflag:s17] =	ssyncset.done $0x0  }
0x259: {  	s26 =	rddreg [dreg:$0x12];
	[sflag:s17] =	ssyncadd.s32 $0xFFFFCE00  }
0x25a: {  	[spmem:s2] =	stream.indirect.scatter.add.f32 [tilespmem:s14], [sflag:$0x4], $0x80, s26, s19, $0xb8;
	[tilespmem:$0x1FC00] =	vst v63  }
0x25b: {  	_ =	swait.ge [sflag:s22], $0x3200  }
0x25c: {  	[sflag:s22] =	ssyncset.done $0x0  }
0x25d: {  	s12 =	rddreg [dreg:$0x13];
	[sflag:s22] =	ssyncadd.s32 $0xFFFFCE00  }
0x25e: {  	[tilespmem:s14], [sflag:$0x1] =	stream.indirect.gather [hbm4b:s4+s19], $0x80, s12, s19, $0xb8;
	[tilespmem:$0x1FC00] =	vst v63  }
0x25f: {  	_ =	swait.ge [sflag:s18], $0x3200  }
0x260: {  	[sflag:s18] =	ssyncset.done $0x0  }
0x261: {  	s13 =	rddreg [dreg:$0x14];
	[sflag:s18] =	ssyncadd.s32 $0xFFFFCE00  }
0x262: {  	[spmem:s2] =	stream.indirect.scatter.add.f32 [tilespmem:s20], [sflag:$0x5], $0x80, s13, s19, $0xb8;
	[tilespmem:$0x1FC00] =	vst v63  }
0x263: {  	_ =	swait.ge [sflag:s23], $0x3200  }
0x264: {  	[sflag:s23] =	ssyncset.done $0x0  }
0x265: {  	s26 =	rddreg [dreg:$0x15];
	[sflag:s23] =	ssyncadd.s32 $0xFFFFCE00  }
0x266: {  	[tilespmem:s20], [sflag:$0x2] =	stream.indirect.gather [hbm4b:s4+s19], $0x80, s26, s19, $0xb8;
	[tilespmem:$0x1FC00] =	vst v63  }
0x267: {  	_ =	swait.ge [sflag:s24], $0x3200  }
0x268: {  	[sflag:s24] =	ssyncset.done $0x0  }
0x269: {  	s12 =	rddreg [dreg:$0x16];
	[sflag:s24] =	ssyncadd.s32 $0xFFFFCE00  }
0x26a: {  	[spmem:s2] =	stream.indirect.scatter.add.f32 [tilespmem:s21], [sflag:$0x6], $0x80, s12, s19, $0xb8;
	[tilespmem:$0x1FC00] =	vst v63  }
0x26b: {  	_ =	swait.ge [sflag:s25], $0x3200  }
0x26c: {  	[sflag:s25] =	ssyncset.done $0x0  }
0x26d: {  	s13 =	rddreg [dreg:$0x17];
	[sflag:s25] =	ssyncadd.s32 $0xFFFFCE00  }
0x26e: {  	[tilespmem:s21], [sflag:$0x3] =	stream.indirect.gather [hbm4b:s4+s19], $0x80, s13, s19, $0xb8;
	[tilespmem:$0x1FC00] =	vst v63  }
0x26f: {  	_ =	swait.ge [sflag:s17], $0x3200  }
0x270: {  	[sflag:s17] =	ssyncset.done $0x0  }
0x271: {  	s26 =	rddreg [dreg:$0x18];
	[sflag:s17] =	ssyncadd.s32 $0xFFFFCE00  }
0x272: {  	[spmem:s2] =	stream.indirect.scatter.add.f32 [tilespmem:s14], [sflag:$0x4], $0x80, s26, s19, $0xb8;
	[tilespmem:$0x1FC00] =	vst v63  }
0x273: {  	_ =	swait.ge [sflag:s22], $0x3200  }
0x274: {  	[sflag:s22] =	ssyncset.done $0x0  }
0x275: {  	s12 =	rddreg [dreg:$0x19];
	[sflag:s22] =	ssyncadd.s32 $0xFFFFCE00  }
0x276: {  	[tilespmem:s14], [sflag:$0x1] =	stream.indirect.gather [hbm4b:s4+s19], $0x80, s12, s19, $0xb8;
	[tilespmem:$0x1FC00] =	vst v63  }
0x277: {  	_ =	swait.ge [sflag:s18], $0x3200  }
0x278: {  	[sflag:s18] =	ssyncset.done $0x0  }
0x279: {  	s13 =	rddreg [dreg:$0x1a];
	[sflag:s18] =	ssyncadd.s32 $0xFFFFCE00  }
0x27a: {  	[spmem:s2] =	stream.indirect.scatter.add.f32 [tilespmem:s20], [sflag:$0x5], $0x80, s13, s19, $0xb8;
	[tilespmem:$0x1FC00] =	vst v63  }
0x27b: {  	_ =	swait.ge [sflag:s23], $0x3200  }
0x27c: {  	[sflag:s23] =	ssyncset.done $0x0  }
0x27d: {  	s26 =	rddreg [dreg:$0x1b];
	[sflag:s23] =	ssyncadd.s32 $0xFFFFCE00  }
0x27e: {  	[tilespmem:s20], [sflag:$0x2] =	stream.indirect.gather [hbm4b:s4+s19], $0x80, s26, s19, $0xb8;
	[tilespmem:$0x1FC00] =	vst v63  }
0x27f: {  	_ =	swait.ge [sflag:s24], $0x3200  }
0x280: {  	[sflag:s24] =	ssyncset.done $0x0  }
0x281: {  	s12 =	rddreg [dreg:$0x1c];
	[sflag:s24] =	ssyncadd.s32 $0xFFFFCE00  }
0x282: {  	[spmem:s2] =	stream.indirect.scatter.add.f32 [tilespmem:s21], [sflag:$0x6], $0x80, s12, s19, $0xb8;
	[tilespmem:$0x1FC00] =	vst v63  }
0x283: {  	_ =	swait.ge [sflag:s25], $0x3200  }
0x284: {  	[sflag:s25] =	ssyncset.done $0x0  }
0x285: {  	s13 =	rddreg [dreg:$0x1d];
	[sflag:s25] =	ssyncadd.s32 $0xFFFFCE00  }
0x286: {  	[tilespmem:s21], [sflag:$0x3] =	stream.indirect.gather [hbm4b:s4+s19], $0x80, s13, s19, $0xb8;
	[tilespmem:$0x1FC00] =	vst v63  }
0x287: {  	_ =	swait.ge [sflag:s17], $0x3200  }
0x288: {  	[sflag:s17] =	ssyncset.done $0x0  }
0x289: {  	s26 =	rddreg [dreg:$0x1e];
	[sflag:s17] =	ssyncadd.s32 $0xFFFFCE00  }
0x28a: {  	[spmem:s2] =	stream.indirect.scatter.add.f32 [tilespmem:s14], [sflag:$0x4], $0x80, s26, s19, $0xb8;
	[tilespmem:$0x1FC00] =	vst v63  }
0x28b: {  	_ =	swait.ge [sflag:s22], $0x3200  }
0x28c: {  	[sflag:s22] =	ssyncset.done $0x0  }
0x28d: {  	s12 =	rddreg [dreg:$0x1f];
	[sflag:s22] =	ssyncadd.s32 $0xFFFFCE00  }
0x28e: {  	[tilespmem:s14], [sflag:$0x1] =	stream.indirect.gather [hbm4b:s4+s19], $0x80, s12, s19, $0xb8;
	[tilespmem:$0x1FC00] =	vst v63  }
0x28f: {  	_ =	swait.ge [sflag:s18], $0x3200  }
0x290: {  	s13 =	sld [smem:$0x7F5]  }
0x291: {  	[sflag:s18] =	ssyncset.done $0x0  }
0x292: {  	[sflag:s18] =	ssyncadd.s32 $0xFFFFCE00  }
0x293: {  	[spmem:s2] =	stream.indirect.scatter.add.f32 [tilespmem:s20], [sflag:$0x5], $0x80, s13, s19, $0xb8;
	[tilespmem:$0x1FC00] =	vst v63  }
0x294: {  	_ =	swait.ge [sflag:s23], $0x3200  }
0x295: {  	s26 =	sld [smem:$0x7F6]  }
0x296: {  	[sflag:s23] =	ssyncset.done $0x0  }
0x297: {  	[sflag:s23] =	ssyncadd.s32 $0xFFFFCE00  }
0x298: {  	[tilespmem:s20], [sflag:$0x2] =	stream.indirect.gather [hbm4b:s4+s19], $0x80, s26, s19, $0xb8;
	[tilespmem:$0x1FC00] =	vst v63  }
0x299: {  	_ =	swait.ge [sflag:s24], $0x3200  }
0x29a: {  	s12 =	sld [smem:$0x7F7]  }
0x29b: {  	[sflag:s24] =	ssyncset.done $0x0  }
0x29c: {  	[sflag:s24] =	ssyncadd.s32 $0xFFFFCE00  }
0x29d: {  	[spmem:s2] =	stream.indirect.scatter.add.f32 [tilespmem:s21], [sflag:$0x6], $0x80, s12, s19, $0xb8;
	[tilespmem:$0x1FC00] =	vst v63  }
0x29e: {  	_ =	swait.ge [sflag:s25], $0x3200  }
0x29f: {  	s13 =	sld [smem:$0x7F8]  }
0x2a0: {  	[sflag:s25] =	ssyncset.done $0x0  }
0x2a1: {  	[sflag:s25] =	ssyncadd.s32 $0xFFFFCE00  }
0x2a2: {  	[tilespmem:s21], [sflag:$0x3] =	stream.indirect.gather [hbm4b:s4+s19], $0x80, s13, s19, $0xb8;
	[tilespmem:$0x1FC00] =	vst v63  }
0x2a3: {  	_ =	swait.ge [sflag:s17], $0x3200  }
0x2a4: {  	s26 =	sld [smem:$0x7F9]  }
0x2a5: {  	[sflag:s17] =	ssyncset.done $0x0  }
0x2a6: {  	[sflag:s17] =	ssyncadd.s32 $0xFFFFCE00  }
0x2a7: {  	[spmem:s2] =	stream.indirect.scatter.add.f32 [tilespmem:s14], [sflag:$0x4], $0x80, s26, s19, $0xb8;
	[tilespmem:$0x1FC00] =	vst v63  }
0x2a8: {  	_ =	swait.ge [sflag:s22], $0x3200  }
0x2a9: {  	s12 =	sld [smem:$0x7FA]  }
0x2aa: {  	[sflag:s22] =	ssyncset.done $0x0  }
0x2ab: {  	[sflag:s22] =	ssyncadd.s32 $0xFFFFCE00  }
0x2ac: {  	[tilespmem:s14], [sflag:$0x1] =	stream.indirect.gather [hbm4b:s4+s19], $0x80, s12, s19, $0xb8;
	[tilespmem:$0x1FC00] =	vst v63  }
0x2ad: {  	_ =	swait.ge [sflag:s18], $0x3200  }
0x2ae: {  	s13 =	sld [smem:$0x7FB]  }
0x2af: {  	[sflag:s18] =	ssyncset.done $0x0  }
0x2b0: {  	[sflag:s18] =	ssyncadd.s32 $0xFFFFCE00  }
0x2b1: {  	[spmem:s2] =	stream.indirect.scatter.add.f32 [tilespmem:s20], [sflag:$0x5], $0x80, s13, s19, $0xb8;
	[tilespmem:$0x1FC00] =	vst v63  }
0x2b2: {  	_ =	swait.ge [sflag:s23], $0x3200  }
0x2b3: {  	s26 =	sld [smem:$0x7FC]  }
0x2b4: {  	[sflag:s23] =	ssyncset.done $0x0  }
0x2b5: {  	[sflag:s23] =	ssyncadd.s32 $0xFFFFCE00  }
0x2b6: {  	[tilespmem:s20], [sflag:$0x2] =	stream.indirect.gather [hbm4b:s4+s19], $0x80, s26, s19, $0xb8;
	[tilespmem:$0x1FC00] =	vst v63  }
0x2b7: {  	_ =	swait.ge [sflag:s24], $0x3200  }
0x2b8: {  	[sflag:s24] =	ssyncset.done $0x0  }
0x2b9: {  	[sflag:s24] =	ssyncadd.s32 $0xFFFFCE00  }
0x2ba: {  	[spmem:s2] =	stream.indirect.scatter.add.f32 [tilespmem:s21], [sflag:$0x6], $0x80, s15, s19, $0xb8;
	[tilespmem:$0x1FC00] =	vst v63  }
0x2bb: {  	_ =	swait.ge [sflag:s25], $0x3200  }
0x2bc: {  	[sflag:s25] =	ssyncset.done $0x0  }
0x2bd: {  	[sflag:s25] =	ssyncadd.s32 $0xFFFFCE00  }
0x2be: {  	[tilespmem:s21], [sflag:$0x3] =	stream.indirect.gather [hbm4b:s4+s19], $0x80, s28, s19, $0xb8;
	[tilespmem:$0x1FC00] =	vst v63  }
0x2bf: {  	_ =	swait.ge [sflag:s17], $0x3200  }
0x2c0: {  	[sflag:s17] =	ssyncset.done $0x0  }
0x2c1: {  	[sflag:s17] =	ssyncadd.s32 $0xFFFFCE00  }
0x2c2: {  	[spmem:s2] =	stream.indirect.scatter.add.f32 [tilespmem:s14], [sflag:$0x4], $0x80, s29, s19, $0xb8;
	[tilespmem:$0x1FC00] =	vst v63  }
0x2c3: {  	_ =	swait.ge [sflag:s22], $0x3200  }
0x2c4: {  	[sflag:s22] =	ssyncset.done $0x0  }
0x2c5: {  	[sflag:s22] =	ssyncadd.s32 $0xFFFFCE00  }
0x2c6: {  	[tilespmem:s14], [sflag:$0x1] =	stream.indirect.gather [hbm4b:s4+s19], $0x80, s30, s19, $0xb8;
	[tilespmem:$0x1FC00] =	vst v63  }
0x2c7: {  	_ =	swait.ge [sflag:s18], $0x3200  }
0x2c8: {  	[sflag:s18] =	ssyncset.done $0x0  }
0x2c9: {  	[sflag:s18] =	ssyncadd.s32 $0xFFFFCE00  }
0x2ca: {  	[spmem:s2] =	stream.indirect.scatter.add.f32 [tilespmem:s20], [sflag:$0x5], $0x80, s31, s19, $0xb8;
	[tilespmem:$0x1FC00] =	vst v63  }
0x2cb: {  	_ =	swait.ge [sflag:s23], $0x3200  }
0x2cc: {  	[sflag:s23] =	ssyncset.done $0x0  }
0x2cd: {  	[sflag:s23] =	ssyncadd.s32 $0xFFFFCE00  }
0x2ce: {  	[tilespmem:s20], [sflag:$0x2] =	stream.indirect.gather [hbm4b:s4+s19], $0x80, s0, s19, $0xb8;
	[tilespmem:$0x1FC00] =	vst v63  }
0x2cf: {  	_ =	swait.ge [sflag:s24], $0x3200  }
0x2d0: {  	[sflag:s24] =	ssyncset.done $0x0  }
0x2d1: {  	[sflag:s24] =	ssyncadd.s32 $0xFFFFCE00  }
0x2d2: {  	[spmem:s2] =	stream.indirect.scatter.add.f32 [tilespmem:s21], [sflag:$0x6], $0x80, s1, s19, $0xb8;
	[tilespmem:$0x1FC00] =	vst v63  }
0x2d3: {  	_ =	swait.ge [sflag:s25], $0x3200  }
0x2d4: {  	[sflag:s25] =	ssyncset.done $0x0  }
0x2d5: {  	[sflag:s25] =	ssyncadd.s32 $0xFFFFCE00  }
0x2d6: {  	[tilespmem:s21], [sflag:$0x3] =	stream.indirect.gather [hbm4b:s4+s19], $0x80, s6, s19, $0xb8;
	[tilespmem:$0x1FC00] =	vst v63  }
0x2d7: {  	_ =	swait.ge [sflag:s17], $0x3200  }
0x2d8: {  	[sflag:s17] =	ssyncset.done $0x0  }
0x2d9: {  	[sflag:s17] =	ssyncadd.s32 $0xFFFFCE00  }
0x2da: {  	[spmem:s2] =	stream.indirect.scatter.add.f32 [tilespmem:s14], [sflag:$0x4], $0x80, s7, s19, $0xb8;
	[tilespmem:$0x1FC00] =	vst v63  }
0x2db: {  	_ =	swait.ge [sflag:s22], $0x3200  }
0x2dc: {  	[sflag:s22] =	ssyncset.done $0x0  }
0x2dd: {  	[sflag:s22] =	ssyncadd.s32 $0xFFFFCE00  }
0x2de: {  	[tilespmem:s14], [sflag:$0x1] =	stream.indirect.gather [hbm4b:s4+s19], $0x80, s8, s19, $0xb8;
	[tilespmem:$0x1FC00] =	vst v63  }
0x2df: {  	_ =	swait.ge [sflag:s18], $0x3200  }
0x2e0: {  	[sflag:s18] =	ssyncset.done $0x0  }
0x2e1: {  	[sflag:s18] =	ssyncadd.s32 $0xFFFFCE00  }
0x2e2: {  	[spmem:s2] =	stream.indirect.scatter.add.f32 [tilespmem:s20], [sflag:$0x5], $0x80, s9, s19, $0xb8;
	[tilespmem:$0x1FC00] =	vst v63  }
0x2e3: {  	_ =	swait.ge [sflag:s23], $0x3200  }
0x2e4: {  	[sflag:s23] =	ssyncset.done $0x0  }
0x2e5: {  	[sflag:s23] =	ssyncadd.s32 $0xFFFFCE00  }
0x2e6: {  	_ =	swait.ge [sflag:s24], $0x3200  }
0x2e7: {  	[sflag:s24] =	ssyncset.done $0x0  }
0x2e8: {  	[sflag:s24] =	ssyncadd.s32 $0xFFFFCE00  }
0x2e9: {  	[spmem:s2] =	stream.indirect.scatter.add.f32 [tilespmem:s21], [sflag:$0x6], $0x80, s10, s19, $0xb8;
	[tilespmem:$0x1FC00] =	vst v63  }
0x2ea: {  	_ =	swait.ge [sflag:s25], $0x3200  }
0x2eb: {  	[sflag:s25] =	ssyncset.done $0x0  }
0x2ec: {  	[sflag:s25] =	ssyncadd.s32 $0xFFFFCE00  }
0x2ed: {  	_ =	swait.ge [sflag:s17], $0x3200  }
0x2ee: {  	[sflag:s17] =	ssyncset.done $0x0  }
0x2ef: {  	[sflag:s17] =	ssyncadd.s32 $0xFFFFCE00  }
0x2f0: {  	[spmem:s2] =	stream.indirect.scatter.add.f32 [tilespmem:s14], [sflag:$0x4], $0x80, s11, s19, $0xb8;
	[tilespmem:$0x1FC00] =	vst v63  }
0x2f1: {  	_ =	swait.ge [sflag:s22], $0x3200  }
0x2f2: {  	[sflag:s22] =	ssyncset.done $0x0  }
0x2f3: {  	[sflag:s22] =	ssyncadd.s32 $0xFFFFCE00  }
0x2f4: {  	[bflag:$0x0] =	sbarrier.arrive $0xFFFF  }
0x2f5: {  	s26 =	sld [smem:$0x7FD]  }
0x2f6: {  	s12 =	stileid.u32;
	s15 =	sld [smem:$0x7F3]  }
0x2f7: {  	s5 =	sshll.u32 s12, $0x6  }
0x2f8: {  	s12 =	simm.s32 $0x7;
	s5 =	sor.u32 $0x1C07, s5;
	s13 =	sshrl.u32 s26, $0x3  }
0x2f9: {  	[hbm:s15], [sflag:s5] =	dma.local [spmem:s13], $0x2800  }
0x2fa: {  	_ =	swait.ge [sflag:s12], $0x2800  }
0x2fb: {  	s5 =	sld [smem:$0x7EC]  }
0x2fc: {  	s15 =	sld [smem:$0x7F4];
	_ =	sdelay $0x1  }
0x2fd: {  	s13 =	sadd.s32 $0x1, s5  }
0x2fe: {  	p0 =	sne.s32 s13, s15  }
.Ltmp2:
0x2ff: {  	_ = 	snop;
	(pc) =	sbr.rel @p0 .LBB2_1-.Ltmp2, $3  }
0x300: {  	_ =	sdelay $0x1  }
0x301: {  	[sflag:s12] =	ssyncset.done $0x0  }
0x302: {  	[sflag:s12] =	ssyncadd.s32 $0xFFFFD800  }
0x303: {  	_ =	sfence.sel $0x180000  }
0x304: {  	[bflag:$0x0] =	sbarrier.arrive $0xFFFF  }
0x305: {  	_ =	strace $0x9000004A  }
0x306: {  	s0 =	stileid.u32;
	[bflag:$0x2] =	sbarrier.arrive $0xFFFF  }
0x307: {  	p0 =	sne.s32 s0, $0x0;
	s0 =	rddreg [dreg:$0x2]  }
0x308: {  	s0 =	sadd.s32 @!p0 $0x100000, s0  }
0x309: {  	[sflag:s0] =	ssyncadd.tile.s32 @!p0 $0x1;
	_ =	shalt  }
.Lfunc_end2:
_tile_overlayer_lowered:
.L_overlay_start_2:
0x30a: {  	(tag) =	ssettag $0x2  }
0x30b: {  	s0 =	rddreg [dreg:$0x0];
	s2 =	stileid.u32  }
0x30c: {  	s1 =	rddreg [dreg:$0x1];
	p0 =	sne.s32 s2, $0x0  }
0x30d: {  	s3 =	rddreg [dreg:$0x2];
	[bflag:$0x3] =	sbarrier.arrive $0xFFFF;
	s2 =	simm.s32 @!p0 $0x1C07  }
0x30e: {  	[timem:s3], [sflag:s2] =	dma.local @!p0 [hbm:s0], s1  }
0x30f: {  	s0 =	simm.s32 @!p0 $0x7  }
0x310: {  	_ =	swait.ge @!p0 [sflag:s0], s1  }
0x311: {  	s1 =	ssub.s32 @!p0 $0x0, s1;
	[sflag:s0] =	ssyncset.done @!p0 $0x0  }
0x312: {  	[sflag:s0] =	ssyncadd.s32 @!p0 s1  }
0x313: {  	[bflag:$0x3] =	sbarrier.arrive $0xFFFF  }
0x314: {  	_ =	shalt  }

// kernel: kernel.14.cloned.1.call-start
scs
__scs_entry_jumppad:
0x0: {  	(pc) =	sbr.rel $0x88, $3  }
0x1: {  	(tag) =	ssettag $0x0;
	lr =	simm.s32 $0x1  }
0x2: {  	[smem:$0x3F98] =	sst lr;
	_ =	strace $0xD0000000  }
0x3: {  	_ = 	snop  }
0x4: {  	_ = 	snop  }
0x5: {  	_ = 	snop  }
0x6: {  	_ = 	snop  }
0x7: {  	_ = 	snop  }
__scs_overlays_trampoline_lowered:
0x8: {  	[smem:$0x3FA7] =	sst s0  }
0x9: {  	[smem:$0x3FA8] =	sst s1  }
0xa: {  	[smem:$0x3FA9] =	sst s2  }
0xb: {  	[smem:$0x3FAA] =	sst s3  }
0xc: {  	[smem:$0x3FAB] =	sst s4  }
0xd: {  	[smem:$0x3FAC] =	sst s5  }
0xe: {  	[smem:$0x3FAD] =	sst s6  }
0xf: {  	[smem:$0x3FAE] =	sst s7  }
0x10: {  	[smem:$0x3FAF] =	sst s8  }
0x11: {  	[smem:$0x3FB0] =	sst s9;
	s0 =	simm.s32 @!p0 $0x0  }
0x12: {  	s1 =	sld [smem:$0x3F96];
	s0 =	simm.s32 @p0 $0x1  }
0x13: {  	[smem:$0x3FB1] =	sst s0;
	s0 =	simm.s32 @!p1 $0x0  }
0x14: {  	s2 =	sld [smem:$0x3F95];
	s0 =	simm.s32 @p1 $0x1  }
0x15: {  	[smem:$0x3FB2] =	sst s0;
	s0 =	simm.s32 @!p2 $0x0  }
0x16: {  	s3 =	sld [smem:$0x3FDB];
	s0 =	simm.s32 @p2 $0x1  }
0x17: {  	s4 =	simm.s32 $0x1BF5;
	[smem:$0x3FB4] =	sst s0  }
0x18: {  	s0 =	sld [smem:$0x3F97];
	_ =	swait.ge [sflag:s4], $0x0  }
0x19: {  	s7 =	sld [smem:$0x3F98]  }
0x1a: {  	s8 =	sadd.s32 $0xFFFFE003, lr  }
0x1b: {  	s9 =	sadd.s32 $0xFFFFFEF7, lr;
	s5 =	simm.s32 $0xFFFFFFFF;
	p2 =	slt.u32 s8, $0xFFFFF086  }
0x1c: {  	p1 =	slt.u32 s9, $0xF7A;
	s5 =	simm.s32 @!p2 $0x0  }
0x1d: {  	s5 =	simm.s32 @p1 $0x1;
	p0 =	seq.s32 s7, s2  }
0x1e: {  	s7 =	smul.u32 @!p0 $0xF7A, s2;
	p2 =	seq.s32 @!p0 s5, $0x0  }
0x1f: {  	s9 =	smul.u32 $0xF7A, s1;
	s8 =	simm.s32 @!p0 $0x1BF5;
	p2 =	por !p2, p0  }
0x20: {  	[sflag:s8] =	ssyncset.s32 @!p0 $0xFFFFF086;
	s6 =	sadd.s32 @!p0 s3, s7;
	s7 =	simm.s32 @!p0 $0x108  }
0x21: {  	s3 =	sadd.s32 s3, s9;
	s6 =	sadd.s32 @!p0 $0x88, s6;
	s7 =	simm.s32 @p2 $0x1082  }
0x22: {  	[simem:s7], [sflag:s8] =	dma.local @!p0 [hbm:s6], $0xF7A  }
0x23: {  	s9 =	sor.u32 $0xD0000000, s2;
	s6 =	simm.s32 $0x108;
	_ =	swait.ge @!p0 [sflag:s8], $0x0  }
0x24: {  	s3 =	sadd.s32 $0x88, s3;
	s6 =	simm.s32 @!p1 $0x1082;
	[sflag:s4] =	ssyncset.s32 $0xFFFFF086  }
0x25: {  	[simem:s6], [sflag:s4] =	dma.local [hbm:s3], $0xF7A  }
0x26: {  	[smem:$0x3F98] =	sst s1;
	(tag) =	ssettag s2;
	_ =	strace s9  }
0x27: {  	s1 =	sld [smem:$0x3FA8]  }
0x28: {  	s2 =	sld [smem:$0x3FA9]  }
0x29: {  	s4 =	sld [smem:$0x3FAB]  }
0x2a: {  	p0 =	seq.s32 s5, $0x0;
	s5 =	sld [smem:$0x3FAC]  }
0x2b: {  	s6 =	sld [smem:$0x3FAD]  }
0x2c: {  	s7 =	sld [smem:$0x3FAE]  }
0x2d: {  	s3 =	simm.s32 $0x108;
	s8 =	sld [smem:$0x3FAF]  }
0x2e: {  	s3 =	simm.s32 @!p0 $0x1082;
	s9 =	sld [smem:$0x3FB0]  }
0x2f: {  	lr =	sadd.s32 s0, s3;
	s0 =	sld [smem:$0x3FA7]  }
0x30: {  	s3 =	sld [smem:$0x3FAA]  }
0x31: {  	[smem:$0x3FB3] =	sst s10  }
0x32: {  	s10 =	sld [smem:$0x3FB1];
	_ =	sdelay $0x3  }
0x33: {  	p0 =	seq.s32 s10, $0x1;
	s10 =	sld [smem:$0x3FB3];
	_ =	sdelay $0x3  }
0x34: {  	[smem:$0x3FB3] =	sst s10  }
0x35: {  	s10 =	sld [smem:$0x3FB2];
	_ =	sdelay $0x3  }
0x36: {  	p1 =	seq.s32 s10, $0x1;
	s10 =	sld [smem:$0x3FB3];
	_ =	sdelay $0x3  }
0x37: {  	[smem:$0x3FB3] =	sst s10  }
0x38: {  	s10 =	sld [smem:$0x3FB4]  }
0x39: {  	_ = 	snop;
	(pc) =	sbr.ind lr, $3  }
0x3a: {  	_ = 	snop  }
0x3b: {  	_ = 	snop  }
0x3c: {  	p2 =	seq.s32 s10, $0x1;
	s10 =	sld [smem:$0x3FB3]  }
0x3d: {  	_ =	shalt  }
0x3e: {  	_ =	shalt  }
0x3f: {  	_ =	shalt  }
0x40: {  	_ =	shalt  }
0x41: {  	_ =	shalt  }
0x42: {  	_ =	shalt  }
0x43: {  	_ =	shalt  }
0x44: {  	_ =	shalt  }
0x45: {  	_ =	shalt  }
0x46: {  	_ =	shalt  }
0x47: {  	_ =	shalt  }
0x48: {  	_ =	shalt  }
0x49: {  	_ =	shalt  }
0x4a: {  	_ =	shalt  }
0x4b: {  	_ =	shalt  }
0x4c: {  	_ =	shalt  }
0x4d: {  	_ =	shalt  }
0x4e: {  	_ =	shalt  }
0x4f: {  	_ =	shalt  }
0x50: {  	_ =	shalt  }
0x51: {  	_ =	shalt  }
0x52: {  	_ =	shalt  }
0x53: {  	_ =	shalt  }
0x54: {  	_ =	shalt  }
0x55: {  	_ =	shalt  }
0x56: {  	_ =	shalt  }
0x57: {  	_ =	shalt  }
0x58: {  	_ =	shalt  }
0x59: {  	_ =	shalt  }
0x5a: {  	_ =	shalt  }
0x5b: {  	_ =	shalt  }
0x5c: {  	_ =	shalt  }
0x5d: {  	_ =	shalt  }
0x5e: {  	_ =	shalt  }
0x5f: {  	_ =	shalt  }
0x60: {  	_ =	shalt  }
0x61: {  	_ =	shalt  }
0x62: {  	_ =	shalt  }
0x63: {  	_ =	shalt  }
0x64: {  	_ =	shalt  }
0x65: {  	_ =	shalt  }
0x66: {  	_ =	shalt  }
0x67: {  	_ =	shalt  }
0x68: {  	_ =	shalt  }
0x69: {  	_ =	shalt  }
0x6a: {  	_ =	shalt  }
0x6b: {  	_ =	shalt  }
0x6c: {  	_ =	shalt  }
0x6d: {  	_ =	shalt  }
0x6e: {  	_ =	shalt  }
0x6f: {  	_ =	shalt  }
0x70: {  	_ =	shalt  }
0x71: {  	_ =	shalt  }
0x72: {  	_ =	shalt  }
0x73: {  	_ =	shalt  }
0x74: {  	_ =	shalt  }
0x75: {  	_ =	shalt  }
0x76: {  	_ =	shalt  }
0x77: {  	_ =	shalt  }
0x78: {  	_ =	shalt  }
0x79: {  	_ =	shalt  }
0x7a: {  	_ =	shalt  }
0x7b: {  	_ =	shalt  }
0x7c: {  	_ =	shalt  }
0x7d: {  	_ =	shalt  }
0x7e: {  	_ =	shalt  }
0x7f: {  	_ =	shalt  }
0x80: {  	_ =	shalt  }
0x81: {  	_ =	shalt  }
0x82: {  	_ =	shalt  }
0x83: {  	_ =	shalt  }
0x84: {  	_ =	shalt  }
0x85: {  	_ =	shalt  }
0x86: {  	_ =	shalt  }
0x87: {  	_ =	shalt  }
.Lfunc_end0:
.L_simem_size_0:
called_computation.2_lowered:
.L_overlay_start_0:
0x88: {  	s2 =	sld [smem:$0x3FD9]  }
0x89: {  	s3 =	sld [smem:$0x3FFE];
	_ =	sdelay $0x1  }
0x8a: {  	s1 =	srdreg.scid  }
0x8b: {  	s0 =	sand.u32 $0x1, s1  }
0x8c: {  	s16 =	sshll.u32 s0, $0xA;
	s2 =	sadd.s32 s3, s2  }
0x8d: {  	s2 =	sadd.s32 s2, s16  }
0x8e: {  	[smem:$0x3FBF] =	sst s2  }
0x8f: {  	_ = 	snop  }
0x90: {  	(tm) =	ssettm $0x1  }
0x91: {  	s17 =	sld [smem:$0x3FFB];
	_ =	sdelay $0x3  }
0x92: {  	_ =	strace s17  }
0x93: {  	s2 =	sld [smem:$0x3FFC];
	_ =	sdelay $0x3  }
0x94: {  	_ =	strace s2  }
0x95: {  	s2 =	sld [smem:$0x3FFD];
	_ =	sdelay $0x3  }
0x96: {  	_ =	strace s2  }
0x97: {  	_ =	strace $0x8FFFFFFF  }
0x98: {  	s18 =	sld [smem:$0x3FDB];
	_ =	sdelay $0x1  }
0x99: {  	s19 =	simm.s32 $_scs_section_size  }
0x9a: {  	s4 =	simm.s32 $_size__tile_overlayer_lowered;
	s5 =	simm.s32 $_tile_overlayer_lowered  }
0x9b: {  	s22 =	simm.s32 $0x1BFF;
	s21 =	sshll.u32 s5, $0x1;
	s2 =	sadd.s32 s19, s18  }
0x9c: {  	s6 =	simm.s32 $0x0;
	s20 =	sshll.u32 s4, $0x1;
	s4 =	sadd.s32 s21, s2  }
0x9d: {  	[timem:s6], [sflag:s22] =	dma.local [hbm:s4], s20  }
0x9e: {  	_ =	swait.ge [sflag:s22], s20  }
0x9f: {  	s3 =	ssub.s32 $0x0, s20;
	[sflag:s22] =	ssyncset.done $0x0  }
0xa0: {  	[sflag:s22] =	ssyncadd.s32 s3;
	_ =	sdelay $0x1  }
0xa1: {  	s23 =	simm.s32 $0x1B8B  }
0xa2: {  	_ =	swait.ge [sflag:s23], $0x1  }
0xa3: {  	[sflag:s23] =	ssyncset.done $0x0  }
0xa4: {  	s25 =	simm.s32 $0x1B8E;
	s24 =	sld [smem:$0x3FFE];
	[sflag:s23] =	ssyncadd.s32 $0xFFFFFFFF  }
0xa5: {  	s26 =	simm.s32 $execute0_lowered;
	[smem:$0x3FD2] =	sst s25  }
0xa6: {  	s4 =	sshll.u32 s26, $0x1;
	_ =	strace $0x8000004C;
	[dreg:$0x1] =	wrdreg $0xFFFFFFFF  }
0xa7: {  	s28 =	simm.s32 $_size_execute0_lowered;
	s2 =	sadd.s32 s2, s4;
	[dreg:$0x0] =	wrdreg $0x0  }
0xa8: {  	s4 =	sshll.u32 s28, $0x1;
	[dreg:$0x2] =	wrdreg s2  }
0xa9: {  	[dreg:$0x3] =	wrdreg s4  }
0xaa: {  	[dreg:$0x4] =	wrdreg $0xC0  }
0xab: {  	_ =	task [dreg:s6], $0x5FFFF  }
0xac: {  	[dreg:$0x1] =	wrdreg $0xFFFFFFFF  }
0xad: {  	[dreg:$0x0] =	wrdreg $0x60  }
0xae: {  	[dreg:$0x2] =	wrdreg s24  }
0xaf: {  	[dreg:$0x3] =	wrdreg $0xBC000  }
0xb0: {  	[dreg:$0x4] =	wrdreg $0x9  }
0xb1: {  	_ =	task.clear_ibuf [dreg:s6], $0x5FFFF;
	_ =	strace $0x9000004C  }
0xb2: {  	s29 =	simm.s32 $0x9;
	_ =	strace $0x8000004E  }
0xb3: {  	_ =	swait.ge [sflag:s29], $0x1  }
0xb4: {  	[sflag:s29] =	ssyncadd.s32 $0xFFFFFFFF  }
0xb5: {  	_ =	strace $0x9000004E  }
0xb6: {  	_ =	sfence  }
0xb7: {  	s30 =	sld [smem:$0x0];
	_ =	sdelay $0x2  }
0xb8: {  	s31 =	sshll.u32 s1, $0xD;
	s1 =	sshrl.u32 s1, $0x2  }
0xb9: {  	s3 =	sand.u32 $0x4000, s31;
	s1 =	sadd.s32 s1, s30  }
0xba: {  	s0 =	sor.u32 s3, s0;
	s1 =	sshll.u32 s1, $0x11  }
0xbb: {  	s0 =	sor.u32 s1, s0  }
0xbc: {  	s0 =	sadd.s32 $0x8F2B, s0  }
0xbd: {  	[sflag:s0] =	ssyncadd.remote.s32 $0x1  }
0xbe: {  	_ =	sfence.sel $0xFFFF  }
0xbf: {  	[dreg:$0x0] =	wrdreg $0xFFFFFFFF;
	(pc) =	sbr.abs _section_cstart, $3  }
0xc0: {  	[dreg:$0x1] =	wrdreg $0xFFFFFFFF  }
0xc1: {  	_ =	task.clear_ibuf [dreg:s6], $0x2FFFF;
	_ =	strace $0x9FFFFFFF  }
0xc2: {  	(tm) =	ssettm $0x7FFFFFFF  }
0xc3: {  	_ =	shalt  }
tec
execute0_lowered:
.L_overlay_start_1:
0x0: {  	(tag) =	ssettag $0x1  }
0x1: {  	s0 =	rddreg [dreg:$0x0]  }
0x2: {  	s2 =	rddreg [dreg:$0x1];
	s3 =	simm.s32 $0x0  }
0x3: {  	s20 =	simm.s32 $0x80;
	[smem:$0x7FF] =	sst s3  }
0x4: {  	s21 =	simm.s32 $0x100;
	_ =	strace $0x8000004D;
	[dreg:$0x5] =	wrdreg s20  }
0x5: {  	s22 =	simm.s32 $0x180;
	[dreg:$0x6] =	wrdreg s21  }
0x6: {  	s23 =	simm.s32 $0x1080;
	[dreg:$0x7] =	wrdreg s22  }
0x7: {  	s24 =	simm.s32 $0x200;
	[dreg:$0x8] =	wrdreg s23  }
0x8: {  	s25 =	simm.s32 $0x1100;
	[dreg:$0x9] =	wrdreg s24  }
0x9: {  	s9 =	simm.s32 $0x280;
	[dreg:$0xa] =	wrdreg s25  }
0xa: {  	s7 =	simm.s32 $0x1180;
	[dreg:$0xb] =	wrdreg s9  }
0xb: {  	s10 =	simm.s32 $0x300;
	[dreg:$0xc] =	wrdreg s7  }
0xc: {  	s8 =	stileid.u32;
	s11 =	simm.s32 $0x1200;
	[dreg:$0xd] =	wrdreg s10  }
0xd: {  	s1 =	srdreg.scid;
	s12 =	simm.s32 $0x380;
	[dreg:$0xe] =	wrdreg s11  }
0xe: {  	s13 =	simm.s32 $0x1280;
	s14 =	simm.s32 $0x400;
	[dreg:$0xf] =	wrdreg s12  }
0xf: {  	s16 =	simm.s32 $0x1300;
	s18 =	simm.s32 $0x480;
	[dreg:$0x10] =	wrdreg s13  }
0x10: {  	s19 =	simm.s32 $0x1380;
	s28 =	simm.s32 $0xA00;
	[dreg:$0x11] =	wrdreg s14  }
0x11: {  	s29 =	simm.s32 $0x1900;
	s30 =	simm.s32 $0xA80;
	[dreg:$0x12] =	wrdreg s16  }
0x12: {  	s4 =	sshll.u32 s8, $0xC;
	s6 =	smul.u32 $0x14000, s8;
	[dreg:$0x13] =	wrdreg s18  }
0x13: {  	s17 =	smul.u32 $0x50000, s8;
	s8 =	simm.s32 $0x600;
	[dreg:$0x14] =	wrdreg s19  }
0x14: {  	s31 =	simm.s32 $0x1980;
	s21 =	simm.s32 $0x500;
	[dreg:$0x19] =	wrdreg s8  }
0x15: {  	s1 =	sand.u32 $0x1, s1;
	s22 =	simm.s32 $0x1400;
	[dreg:$0x15] =	wrdreg s21  }
0x16: {  	s4 =	sadd.s32 s4, s0;
	s23 =	simm.s32 $0x580;
	[dreg:$0x16] =	wrdreg s22  }
0x17: {  	s5 =	sshll.u32 s1, $0xB;
	s25 =	simm.s32 $0x1480;
	[dreg:$0x17] =	wrdreg s23  }
0x18: {  	s26 =	smul.u32 $0x140000, s1;
	s10 =	simm.s32 $0x1500;
	[dreg:$0x18] =	wrdreg s25  }
0x19: {  	s1 =	ssub.s32 $0x2, s1;
	s12 =	simm.s32 $0x680;
	[dreg:$0x1a] =	wrdreg s10  }
0x1a: {  	s14 =	simm.s32 $0x1580;
	s16 =	simm.s32 $0x1600;
	[dreg:$0x1b] =	wrdreg s12  }
0x1b: {  	s18 =	simm.s32 $0x1680;
	s19 =	simm.s32 $0x800;
	[dreg:$0x1c] =	wrdreg s14  }
0x1c: {  	s8 =	simm.s32 $0xC00;
	s4 =	sadd.s32 s5, s4;
	[dreg:$0x1e] =	wrdreg s16  }
0x1d: {  	s15 =	sshrl.u32 s1, $0x1;
	s20 =	sshrl.u32 s17, $0x2;
	[smem:$0x7F5] =	sst s18  }
0x1e: {  	s14 =	simm.s32 $0x2000;
	s17 =	simm.s32 $0x780;
	[smem:$0x7F6] =	sst s19  }
0x1f: {  	s16 =	simm.s32 $0x1000;
	s21 =	simm.s32 $0x880;
	[dreg:$0x1f] =	wrdreg s17  }
0x20: {  	s18 =	simm.s32 $0x2;
	s22 =	simm.s32 $0x1780;
	[smem:$0x7F8] =	sst s21  }
0x21: {  	s19 =	simm.s32 $0x64;
	s23 =	simm.s32 $0x900;
	[smem:$0x7F9] =	sst s22  }
0x22: {  	s25 =	simm.s32 $0x980;
	s10 =	simm.s32 $0x1B80;
	[smem:$0x7FA] =	sst s23  }
0x23: {  	s5 =	sadd.s32 $0x2400, s4;
	s4 =	sadd.s32 $0x12400, s4;
	[smem:$0x7FC] =	sst s25  }
0x24: {  	s1 =	ssub.s32 s1, s15;
	s15 =	simm.s32 $0x700;
	[dreg:$0x3] =	wrdreg s5  }
0x25: {  	s17 =	simm.s32 $0x1;
	s21 =	simm.s32 $0x8800;
	[dreg:$0x4] =	wrdreg s4  }
0x26: {  	s5 =	sadd.s32 s6, s26;
	s1 =	smax.u32 s1, $0x1;
	[dreg:$0x1d] =	wrdreg s15  }
0x27: {  	s26 =	sadd.s32 s20, s2;
	s20 =	simm.s32 $0x1700;
	[smem:$0x7F4] =	sst s1  }
0x28: {  	s22 =	simm.s32 $0x4;
	s23 =	simm.s32 $0x5;
	[smem:$0x7F7] =	sst s20  }
0x29: {  	s25 =	simm.s32 $0x6;
	s6 =	sadd.s32 $0x3200, s26;
	[smem:$0x7FD] =	sst s26  }
0x2a: {  	s4 =	sadd.s32 $0x22400, s0;
	s24 =	sadd.s32 $0x6400, s26;
	[smem:$0x7ED] =	sst s6  }
0x2b: {  	s5 =	sshrl.u32 s5, $0x3;
	s7 =	sadd.s32 $0x9600, s26;
	[smem:$0x7EE] =	sst s24  }
0x2c: {  	s9 =	sadd.s32 $0xC800, s26;
	s11 =	sadd.s32 $0xFA00, s26;
	[smem:$0x7EF] =	sst s7  }
0x2d: {  	s13 =	sadd.s32 $0x12C00, s26;
	s20 =	simm.s32 $0x5400;
	[smem:$0x7F0] =	sst s9  }
0x2e: {  	s1 =	simm.s32 $0x1A00;
	s0 =	sadd.s32 s5, s0;
	[smem:$0x7F1] =	sst s11  }
0x2f: {  	[smem:$0x7F2] =	sst s13;
	s24 =	simm.s32 $0x1800;
	s6 =	simm.s32 $0xB80  }
0x30: {  	s7 =	simm.s32 $0x1A80;
	s9 =	simm.s32 $0x1B00;
	s11 =	simm.s32 $0x1C00  }
0x31: {  	s13 =	simm.s32 $0x0;
	s0 =	sadd.s32 $0x49600, s0;
	[smem:$0x7FB] =	sst s24  }
0x32: {  	v0 =	vimm.f32 $0.0e+00;
	s24 =	simm.s32 $0x3;
	[smem:$0x7F3] =	sst s0;
	s0 =	simm.s32 $0xB00  }
.LBB2_1:
0x33: {  	s5 =	sand.u32 $0xFE00, s3  }
0x34: {  	[smem:$0x7EC] =	sst s13;
	s12 =	sand.u32 $0x70, s3;
	s15 =	sshrl.u32 s5, $0x2  }
0x35: {  	s13 =	simm.s32 $0x0;
	s5 =	simm.s32 $0x40;
	s12 =	sor.u32 s12, s15  }
.LBB2_2:
0x36: {  	p0 =	sne.s32 s5, $0xC7C0  }
0x37: {  	[tilespmem:s12+$0x2000] =	vst v0;
	s13 =	sadd.s32 $0x10, s13;
	s12 =	smov.u32 s5;
	s5 =	sadd.s32 $0x40, s5  }
.Ltmp0:
0x38: {  	(pc) =	sbr.rel @p0 .LBB2_2-.Ltmp0, $4  }
0x39: {  	_ = 	snop  }
0x3a: {  	s12 =	sand.u32 $0xFE00, s12  }
0x3b: {  	s15 =	sand.u32 $0x70, s13;
	s12 =	sshrl.u32 s12, $0x2  }
0x3c: {  	s12 =	sor.u32 s15, s12  }
0x3d: {  	[tilespmem:s12+$0x2000] =	vst v0;
	s12 =	simm.s32 $0x7  }
0x3e: {  	[spmem:s26] =	stream.linear.scatter [tilespmem:s14], [sflag:$0x7], $0x3200, $0x38;
	[tilespmem:$0x1FC00] =	vst v63  }
0x3f: {  	_ =	swait.ge [sflag:s12], $0x3200  }
0x40: {  	s5 =	sld [smem:$0x7ED]  }
0x41: {  	[sflag:s12] =	ssyncset.done $0x0  }
0x42: {  	[sflag:s12] =	ssyncadd.s32 $0xFFFFCE00  }
0x43: {  	[spmem:s5] =	stream.linear.scatter [tilespmem:s14], [sflag:$0x7], $0x3200, $0x38;
	[tilespmem:$0x1FC00] =	vst v63  }
0x44: {  	_ =	swait.ge [sflag:s12], $0x3200  }
0x45: {  	s15 =	sld [smem:$0x7EE]  }
0x46: {  	[sflag:s12] =	ssyncset.done $0x0  }
0x47: {  	[sflag:s12] =	ssyncadd.s32 $0xFFFFCE00  }
0x48: {  	[spmem:s15] =	stream.linear.scatter [tilespmem:s14], [sflag:$0x7], $0x3200, $0x38;
	[tilespmem:$0x1FC00] =	vst v63  }
0x49: {  	_ =	swait.ge [sflag:s12], $0x3200  }
0x4a: {  	s26 =	sld [smem:$0x7EF]  }
0x4b: {  	[sflag:s12] =	ssyncset.done $0x0  }
0x4c: {  	[sflag:s12] =	ssyncadd.s32 $0xFFFFCE00  }
0x4d: {  	[spmem:s26] =	stream.linear.scatter [tilespmem:s14], [sflag:$0x7], $0x3200, $0x38;
	[tilespmem:$0x1FC00] =	vst v63  }
0x4e: {  	_ =	swait.ge [sflag:s12], $0x3200  }
0x4f: {  	s13 =	sld [smem:$0x7F0]  }
0x50: {  	[sflag:s12] =	ssyncset.done $0x0  }
0x51: {  	[sflag:s12] =	ssyncadd.s32 $0xFFFFCE00  }
0x52: {  	[spmem:s13] =	stream.linear.scatter [tilespmem:s14], [sflag:$0x7], $0x3200, $0x38;
	[tilespmem:$0x1FC00] =	vst v63  }
0x53: {  	_ =	swait.ge [sflag:s12], $0x3200  }
0x54: {  	s15 =	sld [smem:$0x7F1]  }
0x55: {  	[sflag:s12] =	ssyncset.done $0x0  }
0x56: {  	[sflag:s12] =	ssyncadd.s32 $0xFFFFCE00  }
0x57: {  	[spmem:s15] =	stream.linear.scatter [tilespmem:s14], [sflag:$0x7], $0x3200, $0x38;
	[tilespmem:$0x1FC00] =	vst v63  }
0x58: {  	_ =	swait.ge [sflag:s12], $0x3200  }
0x59: {  	s26 =	sld [smem:$0x7F2]  }
0x5a: {  	[sflag:s12] =	ssyncset.done $0x0  }
0x5b: {  	[sflag:s12] =	ssyncadd.s32 $0xFFFFCE00  }
0x5c: {  	[spmem:s26] =	stream.linear.scatter [tilespmem:s14], [sflag:$0x7], $0x1400, $0x38;
	[tilespmem:$0x1FC00] =	vst v63  }
0x5d: {  	_ =	swait.ge [sflag:s12], $0x1400  }
0x5e: {  	[sflag:s12] =	ssyncset.done $0x0  }
0x5f: {  	[sflag:s12] =	ssyncadd.s32 $0xFFFFEC00  }
0x60: {  	[bflag:$0x0] =	sbarrier.arrive $0xFFFF  }
0x61: {  	s13 =	rddreg [dreg:$0x4]  }
0x62: {  	s15 =	rddreg [dreg:$0x3];
	s5 =	sadd.s32 $0x0, s13  }
0x63: {  	[tilespmem:s3], [sflag:$0x1] =	stream.linear.gather [hbm4b:s5+s3], $0xC80, $0x38;
	[tilespmem:$0x1FC00] =	vst v63  }
0x64: {  	s26 =	sadd.s32 $0x0, s15  }
0x65: {  	[tilespmem:s16], [sflag:$0x2] =	stream.linear.gather [hbm4b:s26+s3], $0xC80, $0x38;
	[tilespmem:$0x1FC00] =	vst v63  }
0x66: {  	_ =	swait.ge [sflag:s17], $0xC80  }
0x67: {  	[sflag:s17] =	ssyncset.done $0x0  }
0x68: {  	[sflag:s17] =	ssyncadd.s32 $0xFFFFF380  }
0x69: {  	_ =	swait.ge [sflag:s18], $0xC80  }
0x6a: {  	[sflag:s18] =	ssyncset.done $0x0  }
0x6b: {  	[sflag:s18] =	ssyncadd.s32 $0xFFFFF380  }
0x6c: {  	[tilespmem:s14], [sflag:$0x1] =	stream.indirect.gather [hbm4b:s4+s19], $0x80, s3, s19, $0xb8;
	[tilespmem:$0x1FC00] =	vst v63  }
0x6d: {  	s12 =	rddreg [dreg:$0x5]  }
0x6e: {  	[tilespmem:s20], [sflag:$0x2] =	stream.indirect.gather [hbm4b:s4+s19], $0x80, s12, s19, $0xb8;
	[tilespmem:$0x1FC00] =	vst v63  }
0x6f: {  	s13 =	rddreg [dreg:$0x6]  }
0x70: {  	[tilespmem:s21], [sflag:$0x3] =	stream.indirect.gather [hbm4b:s4+s19], $0x80, s13, s19, $0xb8;
	[tilespmem:$0x1FC00] =	vst v63  }
0x71: {  	_ =	swait.ge [sflag:s17], $0x3200  }
0x72: {  	[sflag:s17] =	ssyncset.done $0x0  }
0x73: {  	[sflag:s17] =	ssyncadd.s32 $0xFFFFCE00  }
0x74: {  	[spmem:s2] =	stream.indirect.scatter.add.f32 [tilespmem:s14], [sflag:$0x4], $0x80, s16, s19, $0xb8;
	[tilespmem:$0x1FC00] =	vst v63  }
0x75: {  	_ =	swait.ge [sflag:s22], $0x3200  }
0x76: {  	[sflag:s22] =	ssyncset.done $0x0  }
0x77: {  	s15 =	rddreg [dreg:$0x7];
	[sflag:s22] =	ssyncadd.s32 $0xFFFFCE00  }
0x78: {  	[tilespmem:s14], [sflag:$0x1] =	stream.indirect.gather [hbm4b:s4+s19], $0x80, s15, s19, $0xb8;
	[tilespmem:$0x1FC00] =	vst v63  }
0x79: {  	_ =	swait.ge [sflag:s18], $0x3200  }
0x7a: {  	[sflag:s18] =	ssyncset.done $0x0  }
0x7b: {  	s26 =	rddreg [dreg:$0x8];
	[sflag:s18] =	ssyncadd.s32 $0xFFFFCE00  }
0x7c: {  	[spmem:s2] =	stream.indirect.scatter.add.f32 [tilespmem:s20], [sflag:$0x5], $0x80, s26, s19, $0xb8;
	[tilespmem:$0x1FC00] =	vst v63  }
0x7d: {  	_ =	swait.ge [sflag:s23], $0x3200  }
0x7e: {  	[sflag:s23] =	ssyncset.done $0x0  }
0x7f: {  	s12 =	rddreg [dreg:$0x9];
	[sflag:s23] =	ssyncadd.s32 $0xFFFFCE00  }
0x80: {  	[tilespmem:s20], [sflag:$0x2] =	stream.indirect.gather [hbm4b:s4+s19], $0x80, s12, s19, $0xb8;
	[tilespmem:$0x1FC00] =	vst v63  }
0x81: {  	_ =	swait.ge [sflag:s24], $0x3200  }
0x82: {  	[sflag:s24] =	ssyncset.done $0x0  }
0x83: {  	s13 =	rddreg [dreg:$0xa];
	[sflag:s24] =	ssyncadd.s32 $0xFFFFCE00  }
0x84: {  	[spmem:s2] =	stream.indirect.scatter.add.f32 [tilespmem:s21], [sflag:$0x6], $0x80, s13, s19, $0xb8;
	[tilespmem:$0x1FC00] =	vst v63  }
0x85: {  	_ =	swait.ge [sflag:s25], $0x3200  }
0x86: {  	[sflag:s25] =	ssyncset.done $0x0  }
0x87: {  	s15 =	rddreg [dreg:$0xb];
	[sflag:s25] =	ssyncadd.s32 $0xFFFFCE00  }
0x88: {  	[tilespmem:s21], [sflag:$0x3] =	stream.indirect.gather [hbm4b:s4+s19], $0x80, s15, s19, $0xb8;
	[tilespmem:$0x1FC00] =	vst v63  }
0x89: {  	_ =	swait.ge [sflag:s17], $0x3200  }
0x8a: {  	[sflag:s17] =	ssyncset.done $0x0  }
0x8b: {  	s26 =	rddreg [dreg:$0xc];
	[sflag:s17] =	ssyncadd.s32 $0xFFFFCE00  }
0x8c: {  	[spmem:s2] =	stream.indirect.scatter.add.f32 [tilespmem:s14], [sflag:$0x4], $0x80, s26, s19, $0xb8;
	[tilespmem:$0x1FC00] =	vst v63  }
0x8d: {  	_ =	swait.ge [sflag:s22], $0x3200  }
0x8e: {  	[sflag:s22] =	ssyncset.done $0x0  }
0x8f: {  	s12 =	rddreg [dreg:$0xd];
	[sflag:s22] =	ssyncadd.s32 $0xFFFFCE00  }
0x90: {  	[tilespmem:s14], [sflag:$0x1] =	stream.indirect.gather [hbm4b:s4+s19], $0x80, s12, s19, $0xb8;
	[tilespmem:$0x1FC00] =	vst v63  }
0x91: {  	_ =	swait.ge [sflag:s18], $0x3200  }
0x92: {  	[sflag:s18] =	ssyncset.done $0x0  }
0x93: {  	s13 =	rddreg [dreg:$0xe];
	[sflag:s18] =	ssyncadd.s32 $0xFFFFCE00  }
0x94: {  	[spmem:s2] =	stream.indirect.scatter.add.f32 [tilespmem:s20], [sflag:$0x5], $0x80, s13, s19, $0xb8;
	[tilespmem:$0x1FC00] =	vst v63  }
0x95: {  	_ =	swait.ge [sflag:s23], $0x3200  }
0x96: {  	[sflag:s23] =	ssyncset.done $0x0  }
0x97: {  	s15 =	rddreg [dreg:$0xf];
	[sflag:s23] =	ssyncadd.s32 $0xFFFFCE00  }
0x98: {  	[tilespmem:s20], [sflag:$0x2] =	stream.indirect.gather [hbm4b:s4+s19], $0x80, s15, s19, $0xb8;
	[tilespmem:$0x1FC00] =	vst v63  }
0x99: {  	_ =	swait.ge [sflag:s24], $0x3200  }
0x9a: {  	[sflag:s24] =	ssyncset.done $0x0  }
0x9b: {  	s26 =	rddreg [dreg:$0x10];
	[sflag:s24] =	ssyncadd.s32 $0xFFFFCE00  }
0x9c: {  	[spmem:s2] =	stream.indirect.scatter.add.f32 [tilespmem:s21], [sflag:$0x6], $0x80, s26, s19, $0xb8;
	[tilespmem:$0x1FC00] =	vst v63  }
0x9d: {  	_ =	swait.ge [sflag:s25], $0x3200  }
0x9e: {  	[sflag:s25] =	ssyncset.done $0x0  }
0x9f: {  	s12 =	rddreg [dreg:$0x11];
	[sflag:s25] =	ssyncadd.s32 $0xFFFFCE00  }
0xa0: {  	[tilespmem:s21], [sflag:$0x3] =	stream.indirect.gather [hbm4b:s4+s19], $0x80, s12, s19, $0xb8;
	[tilespmem:$0x1FC00] =	vst v63  }
0xa1: {  	_ =	swait.ge [sflag:s17], $0x3200  }
0xa2: {  	[sflag:s17] =	ssyncset.done $0x0  }
0xa3: {  	s13 =	rddreg [dreg:$0x12];
	[sflag:s17] =	ssyncadd.s32 $0xFFFFCE00  }
0xa4: {  	[spmem:s2] =	stream.indirect.scatter.add.f32 [tilespmem:s14], [sflag:$0x4], $0x80, s13, s19, $0xb8;
	[tilespmem:$0x1FC00] =	vst v63  }
0xa5: {  	_ =	swait.ge [sflag:s22], $0x3200  }
0xa6: {  	[sflag:s22] =	ssyncset.done $0x0  }
0xa7: {  	s15 =	rddreg [dreg:$0x13];
	[sflag:s22] =	ssyncadd.s32 $0xFFFFCE00  }
0xa8: {  	[tilespmem:s14], [sflag:$0x1] =	stream.indirect.gather [hbm4b:s4+s19], $0x80, s15, s19, $0xb8;
	[tilespmem:$0x1FC00] =	vst v63  }
0xa9: {  	_ =	swait.ge [sflag:s18], $0x3200  }
0xaa: {  	[sflag:s18] =	ssyncset.done $0x0  }
0xab: {  	s26 =	rddreg [dreg:$0x14];
	[sflag:s18] =	ssyncadd.s32 $0xFFFFCE00  }
0xac: {  	[spmem:s2] =	stream.indirect.scatter.add.f32 [tilespmem:s20], [sflag:$0x5], $0x80, s26, s19, $0xb8;
	[tilespmem:$0x1FC00] =	vst v63  }
0xad: {  	_ =	swait.ge [sflag:s23], $0x3200  }
0xae: {  	[sflag:s23] =	ssyncset.done $0x0  }
0xaf: {  	s12 =	rddreg [dreg:$0x15];
	[sflag:s23] =	ssyncadd.s32 $0xFFFFCE00  }
0xb0: {  	[tilespmem:s20], [sflag:$0x2] =	stream.indirect.gather [hbm4b:s4+s19], $0x80, s12, s19, $0xb8;
	[tilespmem:$0x1FC00] =	vst v63  }
0xb1: {  	_ =	swait.ge [sflag:s24], $0x3200  }
0xb2: {  	[sflag:s24] =	ssyncset.done $0x0  }
0xb3: {  	s13 =	rddreg [dreg:$0x16];
	[sflag:s24] =	ssyncadd.s32 $0xFFFFCE00  }
0xb4: {  	[spmem:s2] =	stream.indirect.scatter.add.f32 [tilespmem:s21], [sflag:$0x6], $0x80, s13, s19, $0xb8;
	[tilespmem:$0x1FC00] =	vst v63  }
0xb5: {  	_ =	swait.ge [sflag:s25], $0x3200  }
0xb6: {  	[sflag:s25] =	ssyncset.done $0x0  }
0xb7: {  	s15 =	rddreg [dreg:$0x17];
	[sflag:s25] =	ssyncadd.s32 $0xFFFFCE00  }
0xb8: {  	[tilespmem:s21], [sflag:$0x3] =	stream.indirect.gather [hbm4b:s4+s19], $0x80, s15, s19, $0xb8;
	[tilespmem:$0x1FC00] =	vst v63  }
0xb9: {  	_ =	swait.ge [sflag:s17], $0x3200  }
0xba: {  	[sflag:s17] =	ssyncset.done $0x0  }
0xbb: {  	s26 =	rddreg [dreg:$0x18];
	[sflag:s17] =	ssyncadd.s32 $0xFFFFCE00  }
0xbc: {  	[spmem:s2] =	stream.indirect.scatter.add.f32 [tilespmem:s14], [sflag:$0x4], $0x80, s26, s19, $0xb8;
	[tilespmem:$0x1FC00] =	vst v63  }
0xbd: {  	_ =	swait.ge [sflag:s22], $0x3200  }
0xbe: {  	[sflag:s22] =	ssyncset.done $0x0  }
0xbf: {  	s12 =	rddreg [dreg:$0x19];
	[sflag:s22] =	ssyncadd.s32 $0xFFFFCE00  }
0xc0: {  	[tilespmem:s14], [sflag:$0x1] =	stream.indirect.gather [hbm4b:s4+s19], $0x80, s12, s19, $0xb8;
	[tilespmem:$0x1FC00] =	vst v63  }
0xc1: {  	_ =	swait.ge [sflag:s18], $0x3200  }
0xc2: {  	[sflag:s18] =	ssyncset.done $0x0  }
0xc3: {  	s13 =	rddreg [dreg:$0x1a];
	[sflag:s18] =	ssyncadd.s32 $0xFFFFCE00  }
0xc4: {  	[spmem:s2] =	stream.indirect.scatter.add.f32 [tilespmem:s20], [sflag:$0x5], $0x80, s13, s19, $0xb8;
	[tilespmem:$0x1FC00] =	vst v63  }
0xc5: {  	_ =	swait.ge [sflag:s23], $0x3200  }
0xc6: {  	[sflag:s23] =	ssyncset.done $0x0  }
0xc7: {  	s15 =	rddreg [dreg:$0x1b];
	[sflag:s23] =	ssyncadd.s32 $0xFFFFCE00  }
0xc8: {  	[tilespmem:s20], [sflag:$0x2] =	stream.indirect.gather [hbm4b:s4+s19], $0x80, s15, s19, $0xb8;
	[tilespmem:$0x1FC00] =	vst v63  }
0xc9: {  	_ =	swait.ge [sflag:s24], $0x3200  }
0xca: {  	[sflag:s24] =	ssyncset.done $0x0  }
0xcb: {  	s26 =	rddreg [dreg:$0x1c];
	[sflag:s24] =	ssyncadd.s32 $0xFFFFCE00  }
0xcc: {  	[spmem:s2] =	stream.indirect.scatter.add.f32 [tilespmem:s21], [sflag:$0x6], $0x80, s26, s19, $0xb8;
	[tilespmem:$0x1FC00] =	vst v63  }
0xcd: {  	_ =	swait.ge [sflag:s25], $0x3200  }
0xce: {  	[sflag:s25] =	ssyncset.done $0x0  }
0xcf: {  	s12 =	rddreg [dreg:$0x1d];
	[sflag:s25] =	ssyncadd.s32 $0xFFFFCE00  }
0xd0: {  	[tilespmem:s21], [sflag:$0x3] =	stream.indirect.gather [hbm4b:s4+s19], $0x80, s12, s19, $0xb8;
	[tilespmem:$0x1FC00] =	vst v63  }
0xd1: {  	_ =	swait.ge [sflag:s17], $0x3200  }
0xd2: {  	[sflag:s17] =	ssyncset.done $0x0  }
0xd3: {  	s13 =	rddreg [dreg:$0x1e];
	[sflag:s17] =	ssyncadd.s32 $0xFFFFCE00  }
0xd4: {  	[spmem:s2] =	stream.indirect.scatter.add.f32 [tilespmem:s14], [sflag:$0x4], $0x80, s13, s19, $0xb8;
	[tilespmem:$0x1FC00] =	vst v63  }
0xd5: {  	_ =	swait.ge [sflag:s22], $0x3200  }
0xd6: {  	[sflag:s22] =	ssyncset.done $0x0  }
0xd7: {  	s15 =	rddreg [dreg:$0x1f];
	[sflag:s22] =	ssyncadd.s32 $0xFFFFCE00  }
0xd8: {  	[tilespmem:s14], [sflag:$0x1] =	stream.indirect.gather [hbm4b:s4+s19], $0x80, s15, s19, $0xb8;
	[tilespmem:$0x1FC00] =	vst v63  }
0xd9: {  	_ =	swait.ge [sflag:s18], $0x3200  }
0xda: {  	s26 =	sld [smem:$0x7F5]  }
0xdb: {  	[sflag:s18] =	ssyncset.done $0x0  }
0xdc: {  	[sflag:s18] =	ssyncadd.s32 $0xFFFFCE00  }
0xdd: {  	[spmem:s2] =	stream.indirect.scatter.add.f32 [tilespmem:s20], [sflag:$0x5], $0x80, s26, s19, $0xb8;
	[tilespmem:$0x1FC00] =	vst v63  }
0xde: {  	_ =	swait.ge [sflag:s23], $0x3200  }
0xdf: {  	s12 =	sld [smem:$0x7F6]  }
0xe0: {  	[sflag:s23] =	ssyncset.done $0x0  }
0xe1: {  	[sflag:s23] =	ssyncadd.s32 $0xFFFFCE00  }
0xe2: {  	[tilespmem:s20], [sflag:$0x2] =	stream.indirect.gather [hbm4b:s4+s19], $0x80, s12, s19, $0xb8;
	[tilespmem:$0x1FC00] =	vst v63  }
0xe3: {  	_ =	swait.ge [sflag:s24], $0x3200  }
0xe4: {  	s13 =	sld [smem:$0x7F7]  }
0xe5: {  	[sflag:s24] =	ssyncset.done $0x0  }
0xe6: {  	[sflag:s24] =	ssyncadd.s32 $0xFFFFCE00  }
0xe7: {  	[spmem:s2] =	stream.indirect.scatter.add.f32 [tilespmem:s21], [sflag:$0x6], $0x80, s13, s19, $0xb8;
	[tilespmem:$0x1FC00] =	vst v63  }
0xe8: {  	_ =	swait.ge [sflag:s25], $0x3200  }
0xe9: {  	s15 =	sld [smem:$0x7F8]  }
0xea: {  	[sflag:s25] =	ssyncset.done $0x0  }
0xeb: {  	[sflag:s25] =	ssyncadd.s32 $0xFFFFCE00  }
0xec: {  	[tilespmem:s21], [sflag:$0x3] =	stream.indirect.gather [hbm4b:s4+s19], $0x80, s15, s19, $0xb8;
	[tilespmem:$0x1FC00] =	vst v63  }
0xed: {  	_ =	swait.ge [sflag:s17], $0x3200  }
0xee: {  	s26 =	sld [smem:$0x7F9]  }
0xef: {  	[sflag:s17] =	ssyncset.done $0x0  }
0xf0: {  	[sflag:s17] =	ssyncadd.s32 $0xFFFFCE00  }
0xf1: {  	[spmem:s2] =	stream.indirect.scatter.add.f32 [tilespmem:s14], [sflag:$0x4], $0x80, s26, s19, $0xb8;
	[tilespmem:$0x1FC00] =	vst v63  }
0xf2: {  	_ =	swait.ge [sflag:s22], $0x3200  }
0xf3: {  	s12 =	sld [smem:$0x7FA]  }
0xf4: {  	[sflag:s22] =	ssyncset.done $0x0  }
0xf5: {  	[sflag:s22] =	ssyncadd.s32 $0xFFFFCE00  }
0xf6: {  	[tilespmem:s14], [sflag:$0x1] =	stream.indirect.gather [hbm4b:s4+s19], $0x80, s12, s19, $0xb8;
	[tilespmem:$0x1FC00] =	vst v63  }
0xf7: {  	_ =	swait.ge [sflag:s18], $0x3200  }
0xf8: {  	s13 =	sld [smem:$0x7FB]  }
0xf9: {  	[sflag:s18] =	ssyncset.done $0x0  }
0xfa: {  	[sflag:s18] =	ssyncadd.s32 $0xFFFFCE00  }
0xfb: {  	[spmem:s2] =	stream.indirect.scatter.add.f32 [tilespmem:s20], [sflag:$0x5], $0x80, s13, s19, $0xb8;
	[tilespmem:$0x1FC00] =	vst v63  }
0xfc: {  	_ =	swait.ge [sflag:s23], $0x3200  }
0xfd: {  	s15 =	sld [smem:$0x7FC]  }
0xfe: {  	[sflag:s23] =	ssyncset.done $0x0  }
0xff: {  	[sflag:s23] =	ssyncadd.s32 $0xFFFFCE00  }
0x100: {  	[tilespmem:s20], [sflag:$0x2] =	stream.indirect.gather [hbm4b:s4+s19], $0x80, s15, s19, $0xb8;
	[tilespmem:$0x1FC00] =	vst v63  }
0x101: {  	_ =	swait.ge [sflag:s24], $0x3200  }
0x102: {  	[sflag:s24] =	ssyncset.done $0x0  }
0x103: {  	s26 =	simm.s32 $0x1880;
	[sflag:s24] =	ssyncadd.s32 $0xFFFFCE00  }
0x104: {  	[spmem:s2] =	stream.indirect.scatter.add.f32 [tilespmem:s21], [sflag:$0x6], $0x80, s26, s19, $0xb8;
	[tilespmem:$0x1FC00] =	vst v63  }
0x105: {  	_ =	swait.ge [sflag:s25], $0x3200  }
0x106: {  	[sflag:s25] =	ssyncset.done $0x0  }
0x107: {  	[sflag:s25] =	ssyncadd.s32 $0xFFFFCE00  }
0x108: {  	[tilespmem:s21], [sflag:$0x3] =	stream.indirect.gather [hbm4b:s4+s19], $0x80, s28, s19, $0xb8;
	[tilespmem:$0x1FC00] =	vst v63  }
0x109: {  	_ =	swait.ge [sflag:s17], $0x3200  }
0x10a: {  	[sflag:s17] =	ssyncset.done $0x0  }
0x10b: {  	[sflag:s17] =	ssyncadd.s32 $0xFFFFCE00  }
0x10c: {  	[spmem:s2] =	stream.indirect.scatter.add.f32 [tilespmem:s14], [sflag:$0x4], $0x80, s29, s19, $0xb8;
	[tilespmem:$0x1FC00] =	vst v63  }
0x10d: {  	_ =	swait.ge [sflag:s22], $0x3200  }
0x10e: {  	[sflag:s22] =	ssyncset.done $0x0  }
0x10f: {  	[sflag:s22] =	ssyncadd.s32 $0xFFFFCE00  }
0x110: {  	[tilespmem:s14], [sflag:$0x1] =	stream.indirect.gather [hbm4b:s4+s19], $0x80, s30, s19, $0xb8;
	[tilespmem:$0x1FC00] =	vst v63  }
0x111: {  	_ =	swait.ge [sflag:s18], $0x3200  }
0x112: {  	[sflag:s18] =	ssyncset.done $0x0  }
0x113: {  	[sflag:s18] =	ssyncadd.s32 $0xFFFFCE00  }
0x114: {  	[spmem:s2] =	stream.indirect.scatter.add.f32 [tilespmem:s20], [sflag:$0x5], $0x80, s31, s19, $0xb8;
	[tilespmem:$0x1FC00] =	vst v63  }
0x115: {  	_ =	swait.ge [sflag:s23], $0x3200  }
0x116: {  	[sflag:s23] =	ssyncset.done $0x0  }
0x117: {  	[sflag:s23] =	ssyncadd.s32 $0xFFFFCE00  }
0x118: {  	[tilespmem:s20], [sflag:$0x2] =	stream.indirect.gather [hbm4b:s4+s19], $0x80, s0, s19, $0xb8;
	[tilespmem:$0x1FC00] =	vst v63  }
0x119: {  	_ =	swait.ge [sflag:s24], $0x3200  }
0x11a: {  	[sflag:s24] =	ssyncset.done $0x0  }
0x11b: {  	[sflag:s24] =	ssyncadd.s32 $0xFFFFCE00  }
0x11c: {  	[spmem:s2] =	stream.indirect.scatter.add.f32 [tilespmem:s21], [sflag:$0x6], $0x80, s1, s19, $0xb8;
	[tilespmem:$0x1FC00] =	vst v63  }
0x11d: {  	_ =	swait.ge [sflag:s25], $0x3200  }
0x11e: {  	[sflag:s25] =	ssyncset.done $0x0  }
0x11f: {  	[sflag:s25] =	ssyncadd.s32 $0xFFFFCE00  }
0x120: {  	[tilespmem:s21], [sflag:$0x3] =	stream.indirect.gather [hbm4b:s4+s19], $0x80, s6, s19, $0xb8;
	[tilespmem:$0x1FC00] =	vst v63  }
0x121: {  	_ =	swait.ge [sflag:s17], $0x3200  }
0x122: {  	[sflag:s17] =	ssyncset.done $0x0  }
0x123: {  	[sflag:s17] =	ssyncadd.s32 $0xFFFFCE00  }
0x124: {  	[spmem:s2] =	stream.indirect.scatter.add.f32 [tilespmem:s14], [sflag:$0x4], $0x80, s7, s19, $0xb8;
	[tilespmem:$0x1FC00] =	vst v63  }
0x125: {  	_ =	swait.ge [sflag:s22], $0x3200  }
0x126: {  	[sflag:s22] =	ssyncset.done $0x0  }
0x127: {  	[sflag:s22] =	ssyncadd.s32 $0xFFFFCE00  }
0x128: {  	[tilespmem:s14], [sflag:$0x1] =	stream.indirect.gather [hbm4b:s4+s19], $0x80, s8, s19, $0xb8;
	[tilespmem:$0x1FC00] =	vst v63  }
0x129: {  	_ =	swait.ge [sflag:s18], $0x3200  }
0x12a: {  	[sflag:s18] =	ssyncset.done $0x0  }
0x12b: {  	[sflag:s18] =	ssyncadd.s32 $0xFFFFCE00  }
0x12c: {  	[spmem:s2] =	stream.indirect.scatter.add.f32 [tilespmem:s20], [sflag:$0x5], $0x80, s9, s19, $0xb8;
	[tilespmem:$0x1FC00] =	vst v63  }
0x12d: {  	_ =	swait.ge [sflag:s23], $0x3200  }
0x12e: {  	[sflag:s23] =	ssyncset.done $0x0  }
0x12f: {  	[sflag:s23] =	ssyncadd.s32 $0xFFFFCE00  }
0x130: {  	_ =	swait.ge [sflag:s24], $0x3200  }
0x131: {  	[sflag:s24] =	ssyncset.done $0x0  }
0x132: {  	[sflag:s24] =	ssyncadd.s32 $0xFFFFCE00  }
0x133: {  	[spmem:s2] =	stream.indirect.scatter.add.f32 [tilespmem:s21], [sflag:$0x6], $0x80, s10, s19, $0xb8;
	[tilespmem:$0x1FC00] =	vst v63  }
0x134: {  	_ =	swait.ge [sflag:s25], $0x3200  }
0x135: {  	[sflag:s25] =	ssyncset.done $0x0  }
0x136: {  	[sflag:s25] =	ssyncadd.s32 $0xFFFFCE00  }
0x137: {  	_ =	swait.ge [sflag:s17], $0x3200  }
0x138: {  	[sflag:s17] =	ssyncset.done $0x0  }
0x139: {  	[sflag:s17] =	ssyncadd.s32 $0xFFFFCE00  }
0x13a: {  	[spmem:s2] =	stream.indirect.scatter.add.f32 [tilespmem:s14], [sflag:$0x4], $0x80, s11, s19, $0xb8;
	[tilespmem:$0x1FC00] =	vst v63  }
0x13b: {  	s5 =	simm.s32 $0x400;
	_ =	swait.ge [sflag:s22], $0x3200  }
0x13c: {  	s13 =	simm.s32 $0x200;
	s12 =	rddreg [dreg:$0x4];
	[sflag:s22] =	ssyncset.done $0x0  }
.LBB2_4:
0x13d: {  	[sflag:s22] =	ssyncadd.s32 $0xFFFFCE00;
	s26 =	rddreg [dreg:$0x3];
	s12 =	sadd.s32 s13, s12  }
0x13e: {  	[tilespmem:s3], [sflag:$0x1] =	stream.linear.gather [hbm4b:s12+s3], $0xC80, $0x38;
	[tilespmem:$0x1FC00] =	vst v63  }
0x13f: {  	s26 =	sadd.s32 s13, s26  }
0x140: {  	[tilespmem:s16], [sflag:$0x2] =	stream.linear.gather [hbm4b:s26+s3], $0xC80, $0x38;
	[tilespmem:$0x1FC00] =	vst v63  }
0x141: {  	_ =	swait.ge [sflag:s17], $0xC80  }
0x142: {  	[sflag:s17] =	ssyncset.done $0x0  }
0x143: {  	[sflag:s17] =	ssyncadd.s32 $0xFFFFF380  }
0x144: {  	_ =	swait.ge [sflag:s18], $0xC80  }
0x145: {  	[sflag:s18] =	ssyncset.done $0x0  }
0x146: {  	s15 =	smov.u32 s5;
	[sflag:s18] =	ssyncadd.s32 $0xFFFFF380  }
0x147: {  	[tilespmem:s14], [sflag:$0x1] =	stream.indirect.gather [hbm4b:s4+s19], $0x80, s3, s19, $0xb8;
	[tilespmem:$0x1FC00] =	vst v63  }
0x148: {  	s13 =	smov.u32 s15;
	s15 =	rddreg [dreg:$0x5]  }
0x149: {  	[tilespmem:s20], [sflag:$0x2] =	stream.indirect.gather [hbm4b:s4+s19], $0x80, s15, s19, $0xb8;
	[tilespmem:$0x1FC00] =	vst v63  }
0x14a: {  	s26 =	rddreg [dreg:$0x6]  }
0x14b: {  	[tilespmem:s21], [sflag:$0x3] =	stream.indirect.gather [hbm4b:s4+s19], $0x80, s26, s19, $0xb8;
	[tilespmem:$0x1FC00] =	vst v63  }
0x14c: {  	_ =	swait.ge [sflag:s17], $0x3200  }
0x14d: {  	[sflag:s17] =	ssyncset.done $0x0  }
0x14e: {  	[sflag:s17] =	ssyncadd.s32 $0xFFFFCE00  }
0x14f: {  	[spmem:s2] =	stream.indirect.scatter.add.f32 [tilespmem:s14], [sflag:$0x4], $0x80, s16, s19, $0xb8;
	[tilespmem:$0x1FC00] =	vst v63  }
0x150: {  	_ =	swait.ge [sflag:s22], $0x3200  }
0x151: {  	[sflag:s22] =	ssyncset.done $0x0  }
0x152: {  	s26 =	rddreg [dreg:$0x7];
	[sflag:s22] =	ssyncadd.s32 $0xFFFFCE00  }
0x153: {  	[tilespmem:s14], [sflag:$0x1] =	stream.indirect.gather [hbm4b:s4+s19], $0x80, s26, s19, $0xb8;
	[tilespmem:$0x1FC00] =	vst v63  }
0x154: {  	_ =	swait.ge [sflag:s18], $0x3200  }
0x155: {  	[sflag:s18] =	ssyncset.done $0x0  }
0x156: {  	s26 =	rddreg [dreg:$0x8];
	[sflag:s18] =	ssyncadd.s32 $0xFFFFCE00  }
0x157: {  	[spmem:s2] =	stream.indirect.scatter.add.f32 [tilespmem:s20], [sflag:$0x5], $0x80, s26, s19, $0xb8;
	[tilespmem:$0x1FC00] =	vst v63  }
0x158: {  	_ =	swait.ge [sflag:s23], $0x3200  }
0x159: {  	[sflag:s23] =	ssyncset.done $0x0  }
0x15a: {  	s26 =	rddreg [dreg:$0x9];
	[sflag:s23] =	ssyncadd.s32 $0xFFFFCE00  }
0x15b: {  	[tilespmem:s20], [sflag:$0x2] =	stream.indirect.gather [hbm4b:s4+s19], $0x80, s26, s19, $0xb8;
	[tilespmem:$0x1FC00] =	vst v63  }
0x15c: {  	_ =	swait.ge [sflag:s24], $0x3200  }
0x15d: {  	[sflag:s24] =	ssyncset.done $0x0  }
0x15e: {  	s26 =	rddreg [dreg:$0xa];
	[sflag:s24] =	ssyncadd.s32 $0xFFFFCE00  }
0x15f: {  	[spmem:s2] =	stream.indirect.scatter.add.f32 [tilespmem:s21], [sflag:$0x6], $0x80, s26, s19, $0xb8;
	[tilespmem:$0x1FC00] =	vst v63  }
0x160: {  	_ =	swait.ge [sflag:s25], $0x3200  }
0x161: {  	[sflag:s25] =	ssyncset.done $0x0  }
0x162: {  	s26 =	rddreg [dreg:$0xb];
	[sflag:s25] =	ssyncadd.s32 $0xFFFFCE00  }
0x163: {  	[tilespmem:s21], [sflag:$0x3] =	stream.indirect.gather [hbm4b:s4+s19], $0x80, s26, s19, $0xb8;
	[tilespmem:$0x1FC00] =	vst v63  }
0x164: {  	_ =	swait.ge [sflag:s17], $0x3200  }
0x165: {  	[sflag:s17] =	ssyncset.done $0x0  }
0x166: {  	s26 =	rddreg [dreg:$0xc];
	[sflag:s17] =	ssyncadd.s32 $0xFFFFCE00  }
0x167: {  	[spmem:s2] =	stream.indirect.scatter.add.f32 [tilespmem:s14], [sflag:$0x4], $0x80, s26, s19, $0xb8;
	[tilespmem:$0x1FC00] =	vst v63  }
0x168: {  	_ =	swait.ge [sflag:s22], $0x3200  }
0x169: {  	[sflag:s22] =	ssyncset.done $0x0  }
0x16a: {  	s26 =	rddreg [dreg:$0xd];
	[sflag:s22] =	ssyncadd.s32 $0xFFFFCE00  }
0x16b: {  	[tilespmem:s14], [sflag:$0x1] =	stream.indirect.gather [hbm4b:s4+s19], $0x80, s26, s19, $0xb8;
	[tilespmem:$0x1FC00] =	vst v63  }
0x16c: {  	_ =	swait.ge [sflag:s18], $0x3200  }
0x16d: {  	[sflag:s18] =	ssyncset.done $0x0  }
0x16e: {  	s26 =	rddreg [dreg:$0xe];
	[sflag:s18] =	ssyncadd.s32 $0xFFFFCE00  }
0x16f: {  	[spmem:s2] =	stream.indirect.scatter.add.f32 [tilespmem:s20], [sflag:$0x5], $0x80, s26, s19, $0xb8;
	[tilespmem:$0x1FC00] =	vst v63  }
0x170: {  	_ =	swait.ge [sflag:s23], $0x3200  }
0x171: {  	[sflag:s23] =	ssyncset.done $0x0  }
0x172: {  	s26 =	rddreg [dreg:$0xf];
	[sflag:s23] =	ssyncadd.s32 $0xFFFFCE00  }
0x173: {  	[tilespmem:s20], [sflag:$0x2] =	stream.indirect.gather [hbm4b:s4+s19], $0x80, s26, s19, $0xb8;
	[tilespmem:$0x1FC00] =	vst v63  }
0x174: {  	_ =	swait.ge [sflag:s24], $0x3200  }
0x175: {  	[sflag:s24] =	ssyncset.done $0x0  }
0x176: {  	s26 =	rddreg [dreg:$0x10];
	[sflag:s24] =	ssyncadd.s32 $0xFFFFCE00  }
0x177: {  	[spmem:s2] =	stream.indirect.scatter.add.f32 [tilespmem:s21], [sflag:$0x6], $0x80, s26, s19, $0xb8;
	[tilespmem:$0x1FC00] =	vst v63  }
0x178: {  	_ =	swait.ge [sflag:s25], $0x3200  }
0x179: {  	[sflag:s25] =	ssyncset.done $0x0  }
0x17a: {  	s26 =	rddreg [dreg:$0x11];
	[sflag:s25] =	ssyncadd.s32 $0xFFFFCE00  }
0x17b: {  	[tilespmem:s21], [sflag:$0x3] =	stream.indirect.gather [hbm4b:s4+s19], $0x80, s26, s19, $0xb8;
	[tilespmem:$0x1FC00] =	vst v63  }
0x17c: {  	_ =	swait.ge [sflag:s17], $0x3200  }
0x17d: {  	[sflag:s17] =	ssyncset.done $0x0  }
0x17e: {  	s26 =	rddreg [dreg:$0x12];
	[sflag:s17] =	ssyncadd.s32 $0xFFFFCE00  }
0x17f: {  	[spmem:s2] =	stream.indirect.scatter.add.f32 [tilespmem:s14], [sflag:$0x4], $0x80, s26, s19, $0xb8;
	[tilespmem:$0x1FC00] =	vst v63  }
0x180: {  	_ =	swait.ge [sflag:s22], $0x3200  }
0x181: {  	[sflag:s22] =	ssyncset.done $0x0  }
0x182: {  	s26 =	rddreg [dreg:$0x13];
	[sflag:s22] =	ssyncadd.s32 $0xFFFFCE00  }
0x183: {  	[tilespmem:s14], [sflag:$0x1] =	stream.indirect.gather [hbm4b:s4+s19], $0x80, s26, s19, $0xb8;
	[tilespmem:$0x1FC00] =	vst v63  }
0x184: {  	_ =	swait.ge [sflag:s18], $0x3200  }
0x185: {  	[sflag:s18] =	ssyncset.done $0x0  }
0x186: {  	s26 =	rddreg [dreg:$0x14];
	[sflag:s18] =	ssyncadd.s32 $0xFFFFCE00  }
0x187: {  	[spmem:s2] =	stream.indirect.scatter.add.f32 [tilespmem:s20], [sflag:$0x5], $0x80, s26, s19, $0xb8;
	[tilespmem:$0x1FC00] =	vst v63  }
0x188: {  	_ =	swait.ge [sflag:s23], $0x3200  }
0x189: {  	[sflag:s23] =	ssyncset.done $0x0  }
0x18a: {  	s26 =	rddreg [dreg:$0x15];
	[sflag:s23] =	ssyncadd.s32 $0xFFFFCE00  }
0x18b: {  	[tilespmem:s20], [sflag:$0x2] =	stream.indirect.gather [hbm4b:s4+s19], $0x80, s26, s19, $0xb8;
	[tilespmem:$0x1FC00] =	vst v63  }
0x18c: {  	_ =	swait.ge [sflag:s24], $0x3200  }
0x18d: {  	[sflag:s24] =	ssyncset.done $0x0  }
0x18e: {  	s26 =	rddreg [dreg:$0x16];
	[sflag:s24] =	ssyncadd.s32 $0xFFFFCE00  }
0x18f: {  	[spmem:s2] =	stream.indirect.scatter.add.f32 [tilespmem:s21], [sflag:$0x6], $0x80, s26, s19, $0xb8;
	[tilespmem:$0x1FC00] =	vst v63  }
0x190: {  	_ =	swait.ge [sflag:s25], $0x3200  }
0x191: {  	[sflag:s25] =	ssyncset.done $0x0  }
0x192: {  	s26 =	rddreg [dreg:$0x17];
	[sflag:s25] =	ssyncadd.s32 $0xFFFFCE00  }
0x193: {  	[tilespmem:s21], [sflag:$0x3] =	stream.indirect.gather [hbm4b:s4+s19], $0x80, s26, s19, $0xb8;
	[tilespmem:$0x1FC00] =	vst v63  }
0x194: {  	_ =	swait.ge [sflag:s17], $0x3200  }
0x195: {  	[sflag:s17] =	ssyncset.done $0x0  }
0x196: {  	s26 =	rddreg [dreg:$0x18];
	[sflag:s17] =	ssyncadd.s32 $0xFFFFCE00  }
0x197: {  	[spmem:s2] =	stream.indirect.scatter.add.f32 [tilespmem:s14], [sflag:$0x4], $0x80, s26, s19, $0xb8;
	[tilespmem:$0x1FC00] =	vst v63  }
0x198: {  	_ =	swait.ge [sflag:s22], $0x3200  }
0x199: {  	[sflag:s22] =	ssyncset.done $0x0  }
0x19a: {  	s26 =	rddreg [dreg:$0x19];
	[sflag:s22] =	ssyncadd.s32 $0xFFFFCE00  }
0x19b: {  	[tilespmem:s14], [sflag:$0x1] =	stream.indirect.gather [hbm4b:s4+s19], $0x80, s26, s19, $0xb8;
	[tilespmem:$0x1FC00] =	vst v63  }
0x19c: {  	_ =	swait.ge [sflag:s18], $0x3200  }
0x19d: {  	[sflag:s18] =	ssyncset.done $0x0  }
0x19e: {  	s26 =	rddreg [dreg:$0x1a];
	[sflag:s18] =	ssyncadd.s32 $0xFFFFCE00  }
0x19f: {  	[spmem:s2] =	stream.indirect.scatter.add.f32 [tilespmem:s20], [sflag:$0x5], $0x80, s26, s19, $0xb8;
	[tilespmem:$0x1FC00] =	vst v63  }
0x1a0: {  	_ =	swait.ge [sflag:s23], $0x3200  }
0x1a1: {  	[sflag:s23] =	ssyncset.done $0x0  }
0x1a2: {  	s26 =	rddreg [dreg:$0x1b];
	[sflag:s23] =	ssyncadd.s32 $0xFFFFCE00  }
0x1a3: {  	[tilespmem:s20], [sflag:$0x2] =	stream.indirect.gather [hbm4b:s4+s19], $0x80, s26, s19, $0xb8;
	[tilespmem:$0x1FC00] =	vst v63  }
0x1a4: {  	_ =	swait.ge [sflag:s24], $0x3200  }
0x1a5: {  	[sflag:s24] =	ssyncset.done $0x0  }
0x1a6: {  	s26 =	rddreg [dreg:$0x1c];
	[sflag:s24] =	ssyncadd.s32 $0xFFFFCE00  }
0x1a7: {  	[spmem:s2] =	stream.indirect.scatter.add.f32 [tilespmem:s21], [sflag:$0x6], $0x80, s26, s19, $0xb8;
	[tilespmem:$0x1FC00] =	vst v63  }
0x1a8: {  	_ =	swait.ge [sflag:s25], $0x3200  }
0x1a9: {  	[sflag:s25] =	ssyncset.done $0x0  }
0x1aa: {  	s26 =	rddreg [dreg:$0x1d];
	[sflag:s25] =	ssyncadd.s32 $0xFFFFCE00  }
0x1ab: {  	[tilespmem:s21], [sflag:$0x3] =	stream.indirect.gather [hbm4b:s4+s19], $0x80, s26, s19, $0xb8;
	[tilespmem:$0x1FC00] =	vst v63  }
0x1ac: {  	_ =	swait.ge [sflag:s17], $0x3200  }
0x1ad: {  	[sflag:s17] =	ssyncset.done $0x0  }
0x1ae: {  	s26 =	rddreg [dreg:$0x1e];
	[sflag:s17] =	ssyncadd.s32 $0xFFFFCE00  }
0x1af: {  	[spmem:s2] =	stream.indirect.scatter.add.f32 [tilespmem:s14], [sflag:$0x4], $0x80, s26, s19, $0xb8;
	[tilespmem:$0x1FC00] =	vst v63  }
0x1b0: {  	_ =	swait.ge [sflag:s22], $0x3200  }
0x1b1: {  	[sflag:s22] =	ssyncset.done $0x0  }
0x1b2: {  	s26 =	rddreg [dreg:$0x1f];
	[sflag:s22] =	ssyncadd.s32 $0xFFFFCE00  }
0x1b3: {  	[tilespmem:s14], [sflag:$0x1] =	stream.indirect.gather [hbm4b:s4+s19], $0x80, s26, s19, $0xb8;
	[tilespmem:$0x1FC00] =	vst v63  }
0x1b4: {  	_ =	swait.ge [sflag:s18], $0x3200  }
0x1b5: {  	s26 =	sld [smem:$0x7F5]  }
0x1b6: {  	[sflag:s18] =	ssyncset.done $0x0  }
0x1b7: {  	[sflag:s18] =	ssyncadd.s32 $0xFFFFCE00  }
0x1b8: {  	[spmem:s2] =	stream.indirect.scatter.add.f32 [tilespmem:s20], [sflag:$0x5], $0x80, s26, s19, $0xb8;
	[tilespmem:$0x1FC00] =	vst v63  }
0x1b9: {  	_ =	swait.ge [sflag:s23], $0x3200  }
0x1ba: {  	s26 =	sld [smem:$0x7F6]  }
0x1bb: {  	[sflag:s23] =	ssyncset.done $0x0  }
0x1bc: {  	[sflag:s23] =	ssyncadd.s32 $0xFFFFCE00  }
0x1bd: {  	[tilespmem:s20], [sflag:$0x2] =	stream.indirect.gather [hbm4b:s4+s19], $0x80, s26, s19, $0xb8;
	[tilespmem:$0x1FC00] =	vst v63  }
0x1be: {  	_ =	swait.ge [sflag:s24], $0x3200  }
0x1bf: {  	s26 =	sld [smem:$0x7F7]  }
0x1c0: {  	[sflag:s24] =	ssyncset.done $0x0  }
0x1c1: {  	[sflag:s24] =	ssyncadd.s32 $0xFFFFCE00  }
0x1c2: {  	[spmem:s2] =	stream.indirect.scatter.add.f32 [tilespmem:s21], [sflag:$0x6], $0x80, s26, s19, $0xb8;
	[tilespmem:$0x1FC00] =	vst v63  }
0x1c3: {  	_ =	swait.ge [sflag:s25], $0x3200  }
0x1c4: {  	s26 =	sld [smem:$0x7F8]  }
0x1c5: {  	[sflag:s25] =	ssyncset.done $0x0  }
0x1c6: {  	[sflag:s25] =	ssyncadd.s32 $0xFFFFCE00  }
0x1c7: {  	[tilespmem:s21], [sflag:$0x3] =	stream.indirect.gather [hbm4b:s4+s19], $0x80, s26, s19, $0xb8;
	[tilespmem:$0x1FC00] =	vst v63  }
0x1c8: {  	_ =	swait.ge [sflag:s17], $0x3200  }
0x1c9: {  	s26 =	sld [smem:$0x7F9]  }
0x1ca: {  	[sflag:s17] =	ssyncset.done $0x0  }
0x1cb: {  	[sflag:s17] =	ssyncadd.s32 $0xFFFFCE00  }
0x1cc: {  	[spmem:s2] =	stream.indirect.scatter.add.f32 [tilespmem:s14], [sflag:$0x4], $0x80, s26, s19, $0xb8;
	[tilespmem:$0x1FC00] =	vst v63  }
0x1cd: {  	_ =	swait.ge [sflag:s22], $0x3200  }
0x1ce: {  	s26 =	sld [smem:$0x7FA]  }
0x1cf: {  	[sflag:s22] =	ssyncset.done $0x0  }
0x1d0: {  	[sflag:s22] =	ssyncadd.s32 $0xFFFFCE00  }
0x1d1: {  	[tilespmem:s14], [sflag:$0x1] =	stream.indirect.gather [hbm4b:s4+s19], $0x80, s26, s19, $0xb8;
	[tilespmem:$0x1FC00] =	vst v63  }
0x1d2: {  	_ =	swait.ge [sflag:s18], $0x3200  }
0x1d3: {  	s26 =	sld [smem:$0x7FB]  }
0x1d4: {  	[sflag:s18] =	ssyncset.done $0x0  }
0x1d5: {  	[sflag:s18] =	ssyncadd.s32 $0xFFFFCE00  }
0x1d6: {  	[spmem:s2] =	stream.indirect.scatter.add.f32 [tilespmem:s20], [sflag:$0x5], $0x80, s26, s19, $0xb8;
	[tilespmem:$0x1FC00] =	vst v63  }
0x1d7: {  	_ =	swait.ge [sflag:s23], $0x3200  }
0x1d8: {  	s26 =	sld [smem:$0x7FC]  }
0x1d9: {  	[sflag:s23] =	ssyncset.done $0x0  }
0x1da: {  	[sflag:s23] =	ssyncadd.s32 $0xFFFFCE00  }
0x1db: {  	[tilespmem:s20], [sflag:$0x2] =	stream.indirect.gather [hbm4b:s4+s19], $0x80, s26, s19, $0xb8;
	[tilespmem:$0x1FC00] =	vst v63  }
0x1dc: {  	_ =	swait.ge [sflag:s24], $0x3200  }
0x1dd: {  	[sflag:s24] =	ssyncset.done $0x0  }
0x1de: {  	s15 =	simm.s32 $0x1880;
	[sflag:s24] =	ssyncadd.s32 $0xFFFFCE00  }
0x1df: {  	[spmem:s2] =	stream.indirect.scatter.add.f32 [tilespmem:s21], [sflag:$0x6], $0x80, s15, s19, $0xb8;
	[tilespmem:$0x1FC00] =	vst v63  }
0x1e0: {  	_ =	swait.ge [sflag:s25], $0x3200  }
0x1e1: {  	[sflag:s25] =	ssyncset.done $0x0  }
0x1e2: {  	[sflag:s25] =	ssyncadd.s32 $0xFFFFCE00  }
0x1e3: {  	[tilespmem:s21], [sflag:$0x3] =	stream.indirect.gather [hbm4b:s4+s19], $0x80, s28, s19, $0xb8;
	[tilespmem:$0x1FC00] =	vst v63  }
0x1e4: {  	_ =	swait.ge [sflag:s17], $0x3200  }
0x1e5: {  	[sflag:s17] =	ssyncset.done $0x0  }
0x1e6: {  	[sflag:s17] =	ssyncadd.s32 $0xFFFFCE00  }
0x1e7: {  	[spmem:s2] =	stream.indirect.scatter.add.f32 [tilespmem:s14], [sflag:$0x4], $0x80, s29, s19, $0xb8;
	[tilespmem:$0x1FC00] =	vst v63  }
0x1e8: {  	_ =	swait.ge [sflag:s22], $0x3200  }
0x1e9: {  	[sflag:s22] =	ssyncset.done $0x0  }
0x1ea: {  	[sflag:s22] =	ssyncadd.s32 $0xFFFFCE00  }
0x1eb: {  	[tilespmem:s14], [sflag:$0x1] =	stream.indirect.gather [hbm4b:s4+s19], $0x80, s30, s19, $0xb8;
	[tilespmem:$0x1FC00] =	vst v63  }
0x1ec: {  	_ =	swait.ge [sflag:s18], $0x3200  }
0x1ed: {  	[sflag:s18] =	ssyncset.done $0x0  }
0x1ee: {  	[sflag:s18] =	ssyncadd.s32 $0xFFFFCE00  }
0x1ef: {  	[spmem:s2] =	stream.indirect.scatter.add.f32 [tilespmem:s20], [sflag:$0x5], $0x80, s31, s19, $0xb8;
	[tilespmem:$0x1FC00] =	vst v63  }
0x1f0: {  	_ =	swait.ge [sflag:s23], $0x3200  }
0x1f1: {  	[sflag:s23] =	ssyncset.done $0x0  }
0x1f2: {  	[sflag:s23] =	ssyncadd.s32 $0xFFFFCE00  }
0x1f3: {  	[tilespmem:s20], [sflag:$0x2] =	stream.indirect.gather [hbm4b:s4+s19], $0x80, s0, s19, $0xb8;
	[tilespmem:$0x1FC00] =	vst v63  }
0x1f4: {  	_ =	swait.ge [sflag:s24], $0x3200  }
0x1f5: {  	[sflag:s24] =	ssyncset.done $0x0  }
0x1f6: {  	[sflag:s24] =	ssyncadd.s32 $0xFFFFCE00  }
0x1f7: {  	[spmem:s2] =	stream.indirect.scatter.add.f32 [tilespmem:s21], [sflag:$0x6], $0x80, s1, s19, $0xb8;
	[tilespmem:$0x1FC00] =	vst v63  }
0x1f8: {  	_ =	swait.ge [sflag:s25], $0x3200  }
0x1f9: {  	[sflag:s25] =	ssyncset.done $0x0  }
0x1fa: {  	[sflag:s25] =	ssyncadd.s32 $0xFFFFCE00  }
0x1fb: {  	[tilespmem:s21], [sflag:$0x3] =	stream.indirect.gather [hbm4b:s4+s19], $0x80, s6, s19, $0xb8;
	[tilespmem:$0x1FC00] =	vst v63  }
0x1fc: {  	_ =	swait.ge [sflag:s17], $0x3200  }
0x1fd: {  	[sflag:s17] =	ssyncset.done $0x0  }
0x1fe: {  	[sflag:s17] =	ssyncadd.s32 $0xFFFFCE00  }
0x1ff: {  	[spmem:s2] =	stream.indirect.scatter.add.f32 [tilespmem:s14], [sflag:$0x4], $0x80, s7, s19, $0xb8;
	[tilespmem:$0x1FC00] =	vst v63  }
0x200: {  	_ =	swait.ge [sflag:s22], $0x3200  }
0x201: {  	[sflag:s22] =	ssyncset.done $0x0  }
0x202: {  	[sflag:s22] =	ssyncadd.s32 $0xFFFFCE00  }
0x203: {  	[tilespmem:s14], [sflag:$0x1] =	stream.indirect.gather [hbm4b:s4+s19], $0x80, s8, s19, $0xb8;
	[tilespmem:$0x1FC00] =	vst v63  }
0x204: {  	_ =	swait.ge [sflag:s18], $0x3200  }
0x205: {  	[sflag:s18] =	ssyncset.done $0x0  }
0x206: {  	[sflag:s18] =	ssyncadd.s32 $0xFFFFCE00  }
0x207: {  	[spmem:s2] =	stream.indirect.scatter.add.f32 [tilespmem:s20], [sflag:$0x5], $0x80, s9, s19, $0xb8;
	[tilespmem:$0x1FC00] =	vst v63  }
0x208: {  	_ =	swait.ge [sflag:s23], $0x3200  }
0x209: {  	[sflag:s23] =	ssyncset.done $0x0  }
0x20a: {  	[sflag:s23] =	ssyncadd.s32 $0xFFFFCE00  }
0x20b: {  	_ =	swait.ge [sflag:s24], $0x3200  }
0x20c: {  	[sflag:s24] =	ssyncset.done $0x0  }
0x20d: {  	[sflag:s24] =	ssyncadd.s32 $0xFFFFCE00  }
0x20e: {  	[spmem:s2] =	stream.indirect.scatter.add.f32 [tilespmem:s21], [sflag:$0x6], $0x80, s10, s19, $0xb8;
	[tilespmem:$0x1FC00] =	vst v63  }
0x20f: {  	_ =	swait.ge [sflag:s25], $0x3200  }
0x210: {  	[sflag:s25] =	ssyncset.done $0x0  }
0x211: {  	[sflag:s25] =	ssyncadd.s32 $0xFFFFCE00  }
0x212: {  	p0 =	sne.s32 s5, $0x600;
	_ =	swait.ge [sflag:s17], $0x3200  }
.Ltmp1:
0x213: {  	[sflag:s17] =	ssyncset.done $0x0;
	(pc) =	sbr.rel @p0 .LBB2_4-.Ltmp1, $4  }
0x214: {  	[sflag:s17] =	ssyncadd.s32 $0xFFFFCE00  }
0x215: {  	[spmem:s2] =	stream.indirect.scatter.add.f32 [tilespmem:s14], [sflag:$0x4], $0x80, s11, s19, $0xb8;
	[tilespmem:$0x1FC00] =	vst v63  }
0x216: {  	_ =	swait.ge [sflag:s22], $0x3200  }
0x217: {  	s5 =	sadd.s32 $0x200, s5;
	s12 =	rddreg [dreg:$0x4];
	[sflag:s22] =	ssyncset.done $0x0  }
0x218: {  	s5 =	rddreg [dreg:$0x3];
	[sflag:s22] =	ssyncadd.s32 $0xFFFFCE00;
	s12 =	sadd.s32 s13, s12  }
0x219: {  	[tilespmem:s3], [sflag:$0x1] =	stream.linear.gather [hbm4b:s12+s3], $0xC80, $0x38;
	[tilespmem:$0x1FC00] =	vst v63  }
0x21a: {  	s5 =	sadd.s32 s13, s5  }
0x21b: {  	[tilespmem:s16], [sflag:$0x2] =	stream.linear.gather [hbm4b:s5+s3], $0xC80, $0x38;
	[tilespmem:$0x1FC00] =	vst v63  }
0x21c: {  	_ =	swait.ge [sflag:s17], $0xC80  }
0x21d: {  	[sflag:s17] =	ssyncset.done $0x0  }
0x21e: {  	[sflag:s17] =	ssyncadd.s32 $0xFFFFF380  }
0x21f: {  	_ =	swait.ge [sflag:s18], $0xC80  }
0x220: {  	[sflag:s18] =	ssyncset.done $0x0  }
0x221: {  	[sflag:s18] =	ssyncadd.s32 $0xFFFFF380  }
0x222: {  	[tilespmem:s14], [sflag:$0x1] =	stream.indirect.gather [hbm4b:s4+s19], $0x80, s3, s19, $0xb8;
	[tilespmem:$0x1FC00] =	vst v63  }
0x223: {  	s13 =	rddreg [dreg:$0x5]  }
0x224: {  	[tilespmem:s20], [sflag:$0x2] =	stream.indirect.gather [hbm4b:s4+s19], $0x80, s13, s19, $0xb8;
	[tilespmem:$0x1FC00] =	vst v63  }
0x225: {  	s26 =	rddreg [dreg:$0x6]  }
0x226: {  	[tilespmem:s21], [sflag:$0x3] =	stream.indirect.gather [hbm4b:s4+s19], $0x80, s26, s19, $0xb8;
	[tilespmem:$0x1FC00] =	vst v63  }
0x227: {  	_ =	swait.ge [sflag:s17], $0x3200  }
0x228: {  	[sflag:s17] =	ssyncset.done $0x0  }
0x229: {  	[sflag:s17] =	ssyncadd.s32 $0xFFFFCE00  }
0x22a: {  	[spmem:s2] =	stream.indirect.scatter.add.f32 [tilespmem:s14], [sflag:$0x4], $0x80, s16, s19, $0xb8;
	[tilespmem:$0x1FC00] =	vst v63  }
0x22b: {  	_ =	swait.ge [sflag:s22], $0x3200  }
0x22c: {  	[sflag:s22] =	ssyncset.done $0x0  }
0x22d: {  	s12 =	rddreg [dreg:$0x7];
	[sflag:s22] =	ssyncadd.s32 $0xFFFFCE00  }
0x22e: {  	[tilespmem:s14], [sflag:$0x1] =	stream.indirect.gather [hbm4b:s4+s19], $0x80, s12, s19, $0xb8;
	[tilespmem:$0x1FC00] =	vst v63  }
0x22f: {  	_ =	swait.ge [sflag:s18], $0x3200  }
0x230: {  	[sflag:s18] =	ssyncset.done $0x0  }
0x231: {  	s13 =	rddreg [dreg:$0x8];
	[sflag:s18] =	ssyncadd.s32 $0xFFFFCE00  }
0x232: {  	[spmem:s2] =	stream.indirect.scatter.add.f32 [tilespmem:s20], [sflag:$0x5], $0x80, s13, s19, $0xb8;
	[tilespmem:$0x1FC00] =	vst v63  }
0x233: {  	_ =	swait.ge [sflag:s23], $0x3200  }
0x234: {  	[sflag:s23] =	ssyncset.done $0x0  }
0x235: {  	s26 =	rddreg [dreg:$0x9];
	[sflag:s23] =	ssyncadd.s32 $0xFFFFCE00  }
0x236: {  	[tilespmem:s20], [sflag:$0x2] =	stream.indirect.gather [hbm4b:s4+s19], $0x80, s26, s19, $0xb8;
	[tilespmem:$0x1FC00] =	vst v63  }
0x237: {  	_ =	swait.ge [sflag:s24], $0x3200  }
0x238: {  	[sflag:s24] =	ssyncset.done $0x0  }
0x239: {  	s12 =	rddreg [dreg:$0xa];
	[sflag:s24] =	ssyncadd.s32 $0xFFFFCE00  }
0x23a: {  	[spmem:s2] =	stream.indirect.scatter.add.f32 [tilespmem:s21], [sflag:$0x6], $0x80, s12, s19, $0xb8;
	[tilespmem:$0x1FC00] =	vst v63  }
0x23b: {  	_ =	swait.ge [sflag:s25], $0x3200  }
0x23c: {  	[sflag:s25] =	ssyncset.done $0x0  }
0x23d: {  	s13 =	rddreg [dreg:$0xb];
	[sflag:s25] =	ssyncadd.s32 $0xFFFFCE00  }
0x23e: {  	[tilespmem:s21], [sflag:$0x3] =	stream.indirect.gather [hbm4b:s4+s19], $0x80, s13, s19, $0xb8;
	[tilespmem:$0x1FC00] =	vst v63  }
0x23f: {  	_ =	swait.ge [sflag:s17], $0x3200  }
0x240: {  	[sflag:s17] =	ssyncset.done $0x0  }
0x241: {  	s26 =	rddreg [dreg:$0xc];
	[sflag:s17] =	ssyncadd.s32 $0xFFFFCE00  }
0x242: {  	[spmem:s2] =	stream.indirect.scatter.add.f32 [tilespmem:s14], [sflag:$0x4], $0x80, s26, s19, $0xb8;
	[tilespmem:$0x1FC00] =	vst v63  }
0x243: {  	_ =	swait.ge [sflag:s22], $0x3200  }
0x244: {  	[sflag:s22] =	ssyncset.done $0x0  }
0x245: {  	s12 =	rddreg [dreg:$0xd];
	[sflag:s22] =	ssyncadd.s32 $0xFFFFCE00  }
0x246: {  	[tilespmem:s14], [sflag:$0x1] =	stream.indirect.gather [hbm4b:s4+s19], $0x80, s12, s19, $0xb8;
	[tilespmem:$0x1FC00] =	vst v63  }
0x247: {  	_ =	swait.ge [sflag:s18], $0x3200  }
0x248: {  	[sflag:s18] =	ssyncset.done $0x0  }
0x249: {  	s13 =	rddreg [dreg:$0xe];
	[sflag:s18] =	ssyncadd.s32 $0xFFFFCE00  }
0x24a: {  	[spmem:s2] =	stream.indirect.scatter.add.f32 [tilespmem:s20], [sflag:$0x5], $0x80, s13, s19, $0xb8;
	[tilespmem:$0x1FC00] =	vst v63  }
0x24b: {  	_ =	swait.ge [sflag:s23], $0x3200  }
0x24c: {  	[sflag:s23] =	ssyncset.done $0x0  }
0x24d: {  	s26 =	rddreg [dreg:$0xf];
	[sflag:s23] =	ssyncadd.s32 $0xFFFFCE00  }
0x24e: {  	[tilespmem:s20], [sflag:$0x2] =	stream.indirect.gather [hbm4b:s4+s19], $0x80, s26, s19, $0xb8;
	[tilespmem:$0x1FC00] =	vst v63  }
0x24f: {  	_ =	swait.ge [sflag:s24], $0x3200  }
0x250: {  	[sflag:s24] =	ssyncset.done $0x0  }
0x251: {  	s12 =	rddreg [dreg:$0x10];
	[sflag:s24] =	ssyncadd.s32 $0xFFFFCE00  }
0x252: {  	[spmem:s2] =	stream.indirect.scatter.add.f32 [tilespmem:s21], [sflag:$0x6], $0x80, s12, s19, $0xb8;
	[tilespmem:$0x1FC00] =	vst v63  }
0x253: {  	_ =	swait.ge [sflag:s25], $0x3200  }
0x254: {  	[sflag:s25] =	ssyncset.done $0x0  }
0x255: {  	s13 =	rddreg [dreg:$0x11];
	[sflag:s25] =	ssyncadd.s32 $0xFFFFCE00  }
0x256: {  	[tilespmem:s21], [sflag:$0x3] =	stream.indirect.gather [hbm4b:s4+s19], $0x80, s13, s19, $0xb8;
	[tilespmem:$0x1FC00] =	vst v63  }
0x257: {  	_ =	swait.ge [sflag:s17], $0x3200  }
0x258: {  	[sflag:s17] =	ssyncset.done $0x0  }
0x259: {  	s26 =	rddreg [dreg:$0x12];
	[sflag:s17] =	ssyncadd.s32 $0xFFFFCE00  }
0x25a: {  	[spmem:s2] =	stream.indirect.scatter.add.f32 [tilespmem:s14], [sflag:$0x4], $0x80, s26, s19, $0xb8;
	[tilespmem:$0x1FC00] =	vst v63  }
0x25b: {  	_ =	swait.ge [sflag:s22], $0x3200  }
0x25c: {  	[sflag:s22] =	ssyncset.done $0x0  }
0x25d: {  	s12 =	rddreg [dreg:$0x13];
	[sflag:s22] =	ssyncadd.s32 $0xFFFFCE00  }
0x25e: {  	[tilespmem:s14], [sflag:$0x1] =	stream.indirect.gather [hbm4b:s4+s19], $0x80, s12, s19, $0xb8;
	[tilespmem:$0x1FC00] =	vst v63  }
0x25f: {  	_ =	swait.ge [sflag:s18], $0x3200  }
0x260: {  	[sflag:s18] =	ssyncset.done $0x0  }
0x261: {  	s13 =	rddreg [dreg:$0x14];
	[sflag:s18] =	ssyncadd.s32 $0xFFFFCE00  }
0x262: {  	[spmem:s2] =	stream.indirect.scatter.add.f32 [tilespmem:s20], [sflag:$0x5], $0x80, s13, s19, $0xb8;
	[tilespmem:$0x1FC00] =	vst v63  }
0x263: {  	_ =	swait.ge [sflag:s23], $0x3200  }
0x264: {  	[sflag:s23] =	ssyncset.done $0x0  }
0x265: {  	s26 =	rddreg [dreg:$0x15];
	[sflag:s23] =	ssyncadd.s32 $0xFFFFCE00  }
0x266: {  	[tilespmem:s20], [sflag:$0x2] =	stream.indirect.gather [hbm4b:s4+s19], $0x80, s26, s19, $0xb8;
	[tilespmem:$0x1FC00] =	vst v63  }
0x267: {  	_ =	swait.ge [sflag:s24], $0x3200  }
0x268: {  	[sflag:s24] =	ssyncset.done $0x0  }
0x269: {  	s12 =	rddreg [dreg:$0x16];
	[sflag:s24] =	ssyncadd.s32 $0xFFFFCE00  }
0x26a: {  	[spmem:s2] =	stream.indirect.scatter.add.f32 [tilespmem:s21], [sflag:$0x6], $0x80, s12, s19, $0xb8;
	[tilespmem:$0x1FC00] =	vst v63  }
0x26b: {  	_ =	swait.ge [sflag:s25], $0x3200  }
0x26c: {  	[sflag:s25] =	ssyncset.done $0x0  }
0x26d: {  	s13 =	rddreg [dreg:$0x17];
	[sflag:s25] =	ssyncadd.s32 $0xFFFFCE00  }
0x26e: {  	[tilespmem:s21], [sflag:$0x3] =	stream.indirect.gather [hbm4b:s4+s19], $0x80, s13, s19, $0xb8;
	[tilespmem:$0x1FC00] =	vst v63  }
0x26f: {  	_ =	swait.ge [sflag:s17], $0x3200  }
0x270: {  	[sflag:s17] =	ssyncset.done $0x0  }
0x271: {  	s26 =	rddreg [dreg:$0x18];
	[sflag:s17] =	ssyncadd.s32 $0xFFFFCE00  }
0x272: {  	[spmem:s2] =	stream.indirect.scatter.add.f32 [tilespmem:s14], [sflag:$0x4], $0x80, s26, s19, $0xb8;
	[tilespmem:$0x1FC00] =	vst v63  }
0x273: {  	_ =	swait.ge [sflag:s22], $0x3200  }
0x274: {  	[sflag:s22] =	ssyncset.done $0x0  }
0x275: {  	s12 =	rddreg [dreg:$0x19];
	[sflag:s22] =	ssyncadd.s32 $0xFFFFCE00  }
0x276: {  	[tilespmem:s14], [sflag:$0x1] =	stream.indirect.gather [hbm4b:s4+s19], $0x80, s12, s19, $0xb8;
	[tilespmem:$0x1FC00] =	vst v63  }
0x277: {  	_ =	swait.ge [sflag:s18], $0x3200  }
0x278: {  	[sflag:s18] =	ssyncset.done $0x0  }
0x279: {  	s13 =	rddreg [dreg:$0x1a];
	[sflag:s18] =	ssyncadd.s32 $0xFFFFCE00  }
0x27a: {  	[spmem:s2] =	stream.indirect.scatter.add.f32 [tilespmem:s20], [sflag:$0x5], $0x80, s13, s19, $0xb8;
	[tilespmem:$0x1FC00] =	vst v63  }
0x27b: {  	_ =	swait.ge [sflag:s23], $0x3200  }
0x27c: {  	[sflag:s23] =	ssyncset.done $0x0  }
0x27d: {  	s26 =	rddreg [dreg:$0x1b];
	[sflag:s23] =	ssyncadd.s32 $0xFFFFCE00  }
0x27e: {  	[tilespmem:s20], [sflag:$0x2] =	stream.indirect.gather [hbm4b:s4+s19], $0x80, s26, s19, $0xb8;
	[tilespmem:$0x1FC00] =	vst v63  }
0x27f: {  	_ =	swait.ge [sflag:s24], $0x3200  }
0x280: {  	[sflag:s24] =	ssyncset.done $0x0  }
0x281: {  	s12 =	rddreg [dreg:$0x1c];
	[sflag:s24] =	ssyncadd.s32 $0xFFFFCE00  }
0x282: {  	[spmem:s2] =	stream.indirect.scatter.add.f32 [tilespmem:s21], [sflag:$0x6], $0x80, s12, s19, $0xb8;
	[tilespmem:$0x1FC00] =	vst v63  }
0x283: {  	_ =	swait.ge [sflag:s25], $0x3200  }
0x284: {  	[sflag:s25] =	ssyncset.done $0x0  }
0x285: {  	s13 =	rddreg [dreg:$0x1d];
	[sflag:s25] =	ssyncadd.s32 $0xFFFFCE00  }
0x286: {  	[tilespmem:s21], [sflag:$0x3] =	stream.indirect.gather [hbm4b:s4+s19], $0x80, s13, s19, $0xb8;
	[tilespmem:$0x1FC00] =	vst v63  }
0x287: {  	_ =	swait.ge [sflag:s17], $0x3200  }
0x288: {  	[sflag:s17] =	ssyncset.done $0x0  }
0x289: {  	s26 =	rddreg [dreg:$0x1e];
	[sflag:s17] =	ssyncadd.s32 $0xFFFFCE00  }
0x28a: {  	[spmem:s2] =	stream.indirect.scatter.add.f32 [tilespmem:s14], [sflag:$0x4], $0x80, s26, s19, $0xb8;
	[tilespmem:$0x1FC00] =	vst v63  }
0x28b: {  	_ =	swait.ge [sflag:s22], $0x3200  }
0x28c: {  	[sflag:s22] =	ssyncset.done $0x0  }
0x28d: {  	s12 =	rddreg [dreg:$0x1f];
	[sflag:s22] =	ssyncadd.s32 $0xFFFFCE00  }
0x28e: {  	[tilespmem:s14], [sflag:$0x1] =	stream.indirect.gather [hbm4b:s4+s19], $0x80, s12, s19, $0xb8;
	[tilespmem:$0x1FC00] =	vst v63  }
0x28f: {  	_ =	swait.ge [sflag:s18], $0x3200  }
0x290: {  	s13 =	sld [smem:$0x7F5]  }
0x291: {  	[sflag:s18] =	ssyncset.done $0x0  }
0x292: {  	[sflag:s18] =	ssyncadd.s32 $0xFFFFCE00  }
0x293: {  	[spmem:s2] =	stream.indirect.scatter.add.f32 [tilespmem:s20], [sflag:$0x5], $0x80, s13, s19, $0xb8;
	[tilespmem:$0x1FC00] =	vst v63  }
0x294: {  	_ =	swait.ge [sflag:s23], $0x3200  }
0x295: {  	s26 =	sld [smem:$0x7F6]  }
0x296: {  	[sflag:s23] =	ssyncset.done $0x0  }
0x297: {  	[sflag:s23] =	ssyncadd.s32 $0xFFFFCE00  }
0x298: {  	[tilespmem:s20], [sflag:$0x2] =	stream.indirect.gather [hbm4b:s4+s19], $0x80, s26, s19, $0xb8;
	[tilespmem:$0x1FC00] =	vst v63  }
0x299: {  	_ =	swait.ge [sflag:s24], $0x3200  }
0x29a: {  	s12 =	sld [smem:$0x7F7]  }
0x29b: {  	[sflag:s24] =	ssyncset.done $0x0  }
0x29c: {  	[sflag:s24] =	ssyncadd.s32 $0xFFFFCE00  }
0x29d: {  	[spmem:s2] =	stream.indirect.scatter.add.f32 [tilespmem:s21], [sflag:$0x6], $0x80, s12, s19, $0xb8;
	[tilespmem:$0x1FC00] =	vst v63  }
0x29e: {  	_ =	swait.ge [sflag:s25], $0x3200  }
0x29f: {  	s13 =	sld [smem:$0x7F8]  }
0x2a0: {  	[sflag:s25] =	ssyncset.done $0x0  }
0x2a1: {  	[sflag:s25] =	ssyncadd.s32 $0xFFFFCE00  }
0x2a2: {  	[tilespmem:s21], [sflag:$0x3] =	stream.indirect.gather [hbm4b:s4+s19], $0x80, s13, s19, $0xb8;
	[tilespmem:$0x1FC00] =	vst v63  }
0x2a3: {  	_ =	swait.ge [sflag:s17], $0x3200  }
0x2a4: {  	s26 =	sld [smem:$0x7F9]  }
0x2a5: {  	[sflag:s17] =	ssyncset.done $0x0  }
0x2a6: {  	[sflag:s17] =	ssyncadd.s32 $0xFFFFCE00  }
0x2a7: {  	[spmem:s2] =	stream.indirect.scatter.add.f32 [tilespmem:s14], [sflag:$0x4], $0x80, s26, s19, $0xb8;
	[tilespmem:$0x1FC00] =	vst v63  }
0x2a8: {  	_ =	swait.ge [sflag:s22], $0x3200  }
0x2a9: {  	s12 =	sld [smem:$0x7FA]  }
0x2aa: {  	[sflag:s22] =	ssyncset.done $0x0  }
0x2ab: {  	[sflag:s22] =	ssyncadd.s32 $0xFFFFCE00  }
0x2ac: {  	[tilespmem:s14], [sflag:$0x1] =	stream.indirect.gather [hbm4b:s4+s19], $0x80, s12, s19, $0xb8;
	[tilespmem:$0x1FC00] =	vst v63  }
0x2ad: {  	_ =	swait.ge [sflag:s18], $0x3200  }
0x2ae: {  	s13 =	sld [smem:$0x7FB]  }
0x2af: {  	[sflag:s18] =	ssyncset.done $0x0  }
0x2b0: {  	[sflag:s18] =	ssyncadd.s32 $0xFFFFCE00  }
0x2b1: {  	[spmem:s2] =	stream.indirect.scatter.add.f32 [tilespmem:s20], [sflag:$0x5], $0x80, s13, s19, $0xb8;
	[tilespmem:$0x1FC00] =	vst v63  }
0x2b2: {  	_ =	swait.ge [sflag:s23], $0x3200  }
0x2b3: {  	s26 =	sld [smem:$0x7FC]  }
0x2b4: {  	[sflag:s23] =	ssyncset.done $0x0  }
0x2b5: {  	[sflag:s23] =	ssyncadd.s32 $0xFFFFCE00  }
0x2b6: {  	[tilespmem:s20], [sflag:$0x2] =	stream.indirect.gather [hbm4b:s4+s19], $0x80, s26, s19, $0xb8;
	[tilespmem:$0x1FC00] =	vst v63  }
0x2b7: {  	_ =	swait.ge [sflag:s24], $0x3200  }
0x2b8: {  	[sflag:s24] =	ssyncset.done $0x0  }
0x2b9: {  	[sflag:s24] =	ssyncadd.s32 $0xFFFFCE00  }
0x2ba: {  	[spmem:s2] =	stream.indirect.scatter.add.f32 [tilespmem:s21], [sflag:$0x6], $0x80, s15, s19, $0xb8;
	[tilespmem:$0x1FC00] =	vst v63  }
0x2bb: {  	_ =	swait.ge [sflag:s25], $0x3200  }
0x2bc: {  	[sflag:s25] =	ssyncset.done $0x0  }
0x2bd: {  	[sflag:s25] =	ssyncadd.s32 $0xFFFFCE00  }
0x2be: {  	[tilespmem:s21], [sflag:$0x3] =	stream.indirect.gather [hbm4b:s4+s19], $0x80, s28, s19, $0xb8;
	[tilespmem:$0x1FC00] =	vst v63  }
0x2bf: {  	_ =	swait.ge [sflag:s17], $0x3200  }
0x2c0: {  	[sflag:s17] =	ssyncset.done $0x0  }
0x2c1: {  	[sflag:s17] =	ssyncadd.s32 $0xFFFFCE00  }
0x2c2: {  	[spmem:s2] =	stream.indirect.scatter.add.f32 [tilespmem:s14], [sflag:$0x4], $0x80, s29, s19, $0xb8;
	[tilespmem:$0x1FC00] =	vst v63  }
0x2c3: {  	_ =	swait.ge [sflag:s22], $0x3200  }
0x2c4: {  	[sflag:s22] =	ssyncset.done $0x0  }
0x2c5: {  	[sflag:s22] =	ssyncadd.s32 $0xFFFFCE00  }
0x2c6: {  	[tilespmem:s14], [sflag:$0x1] =	stream.indirect.gather [hbm4b:s4+s19], $0x80, s30, s19, $0xb8;
	[tilespmem:$0x1FC00] =	vst v63  }
0x2c7: {  	_ =	swait.ge [sflag:s18], $0x3200  }
0x2c8: {  	[sflag:s18] =	ssyncset.done $0x0  }
0x2c9: {  	[sflag:s18] =	ssyncadd.s32 $0xFFFFCE00  }
0x2ca: {  	[spmem:s2] =	stream.indirect.scatter.add.f32 [tilespmem:s20], [sflag:$0x5], $0x80, s31, s19, $0xb8;
	[tilespmem:$0x1FC00] =	vst v63  }
0x2cb: {  	_ =	swait.ge [sflag:s23], $0x3200  }
0x2cc: {  	[sflag:s23] =	ssyncset.done $0x0  }
0x2cd: {  	[sflag:s23] =	ssyncadd.s32 $0xFFFFCE00  }
0x2ce: {  	[tilespmem:s20], [sflag:$0x2] =	stream.indirect.gather [hbm4b:s4+s19], $0x80, s0, s19, $0xb8;
	[tilespmem:$0x1FC00] =	vst v63  }
0x2cf: {  	_ =	swait.ge [sflag:s24], $0x3200  }
0x2d0: {  	[sflag:s24] =	ssyncset.done $0x0  }
0x2d1: {  	[sflag:s24] =	ssyncadd.s32 $0xFFFFCE00  }
0x2d2: {  	[spmem:s2] =	stream.indirect.scatter.add.f32 [tilespmem:s21], [sflag:$0x6], $0x80, s1, s19, $0xb8;
	[tilespmem:$0x1FC00] =	vst v63  }
0x2d3: {  	_ =	swait.ge [sflag:s25], $0x3200  }
0x2d4: {  	[sflag:s25] =	ssyncset.done $0x0  }
0x2d5: {  	[sflag:s25] =	ssyncadd.s32 $0xFFFFCE00  }
0x2d6: {  	[tilespmem:s21], [sflag:$0x3] =	stream.indirect.gather [hbm4b:s4+s19], $0x80, s6, s19, $0xb8;
	[tilespmem:$0x1FC00] =	vst v63  }
0x2d7: {  	_ =	swait.ge [sflag:s17], $0x3200  }
0x2d8: {  	[sflag:s17] =	ssyncset.done $0x0  }
0x2d9: {  	[sflag:s17] =	ssyncadd.s32 $0xFFFFCE00  }
0x2da: {  	[spmem:s2] =	stream.indirect.scatter.add.f32 [tilespmem:s14], [sflag:$0x4], $0x80, s7, s19, $0xb8;
	[tilespmem:$0x1FC00] =	vst v63  }
0x2db: {  	_ =	swait.ge [sflag:s22], $0x3200  }
0x2dc: {  	[sflag:s22] =	ssyncset.done $0x0  }
0x2dd: {  	[sflag:s22] =	ssyncadd.s32 $0xFFFFCE00  }
0x2de: {  	[tilespmem:s14], [sflag:$0x1] =	stream.indirect.gather [hbm4b:s4+s19], $0x80, s8, s19, $0xb8;
	[tilespmem:$0x1FC00] =	vst v63  }
0x2df: {  	_ =	swait.ge [sflag:s18], $0x3200  }
0x2e0: {  	[sflag:s18] =	ssyncset.done $0x0  }
0x2e1: {  	[sflag:s18] =	ssyncadd.s32 $0xFFFFCE00  }
0x2e2: {  	[spmem:s2] =	stream.indirect.scatter.add.f32 [tilespmem:s20], [sflag:$0x5], $0x80, s9, s19, $0xb8;
	[tilespmem:$0x1FC00] =	vst v63  }
0x2e3: {  	_ =	swait.ge [sflag:s23], $0x3200  }
0x2e4: {  	[sflag:s23] =	ssyncset.done $0x0  }
0x2e5: {  	[sflag:s23] =	ssyncadd.s32 $0xFFFFCE00  }
0x2e6: {  	_ =	swait.ge [sflag:s24], $0x3200  }
0x2e7: {  	[sflag:s24] =	ssyncset.done $0x0  }
0x2e8: {  	[sflag:s24] =	ssyncadd.s32 $0xFFFFCE00  }
0x2e9: {  	[spmem:s2] =	stream.indirect.scatter.add.f32 [tilespmem:s21], [sflag:$0x6], $0x80, s10, s19, $0xb8;
	[tilespmem:$0x1FC00] =	vst v63  }
0x2ea: {  	_ =	swait.ge [sflag:s25], $0x3200  }
0x2eb: {  	[sflag:s25] =	ssyncset.done $0x0  }
0x2ec: {  	[sflag:s25] =	ssyncadd.s32 $0xFFFFCE00  }
0x2ed: {  	_ =	swait.ge [sflag:s17], $0x3200  }
0x2ee: {  	[sflag:s17] =	ssyncset.done $0x0  }
0x2ef: {  	[sflag:s17] =	ssyncadd.s32 $0xFFFFCE00  }
0x2f0: {  	[spmem:s2] =	stream.indirect.scatter.add.f32 [tilespmem:s14], [sflag:$0x4], $0x80, s11, s19, $0xb8;
	[tilespmem:$0x1FC00] =	vst v63  }
0x2f1: {  	_ =	swait.ge [sflag:s22], $0x3200  }
0x2f2: {  	[sflag:s22] =	ssyncset.done $0x0  }
0x2f3: {  	[sflag:s22] =	ssyncadd.s32 $0xFFFFCE00  }
0x2f4: {  	[bflag:$0x0] =	sbarrier.arrive $0xFFFF  }
0x2f5: {  	s26 =	sld [smem:$0x7FD]  }
0x2f6: {  	s12 =	stileid.u32;
	s15 =	sld [smem:$0x7F3]  }
0x2f7: {  	s5 =	sshll.u32 s12, $0x6  }
0x2f8: {  	s12 =	simm.s32 $0x7;
	s5 =	sor.u32 $0x1C07, s5;
	s13 =	sshrl.u32 s26, $0x3  }
0x2f9: {  	[hbm:s15], [sflag:s5] =	dma.local [spmem:s13], $0x2800  }
0x2fa: {  	_ =	swait.ge [sflag:s12], $0x2800  }
0x2fb: {  	s5 =	sld [smem:$0x7EC]  }
0x2fc: {  	s15 =	sld [smem:$0x7F4];
	_ =	sdelay $0x1  }
0x2fd: {  	s13 =	sadd.s32 $0x1, s5  }
0x2fe: {  	p0 =	sne.s32 s13, s15  }
.Ltmp2:
0x2ff: {  	_ = 	snop;
	(pc) =	sbr.rel @p0 .LBB2_1-.Ltmp2, $3  }
0x300: {  	_ =	sdelay $0x1  }
0x301: {  	[sflag:s12] =	ssyncset.done $0x0  }
0x302: {  	[sflag:s12] =	ssyncadd.s32 $0xFFFFD800  }
0x303: {  	_ =	sfence.sel $0x180000  }
0x304: {  	[bflag:$0x0] =	sbarrier.arrive $0xFFFF  }
0x305: {  	_ =	strace $0x9000004D  }
0x306: {  	s0 =	stileid.u32;
	[bflag:$0x2] =	sbarrier.arrive $0xFFFF  }
0x307: {  	p0 =	sne.s32 s0, $0x0;
	s0 =	rddreg [dreg:$0x2]  }
0x308: {  	s0 =	sadd.s32 @!p0 $0x100000, s0  }
0x309: {  	[sflag:s0] =	ssyncadd.tile.s32 @!p0 $0x1;
	_ =	shalt  }
.Lfunc_end2:
_tile_overlayer_lowered:
.L_overlay_start_2:
0x30a: {  	(tag) =	ssettag $0x2  }
0x30b: {  	s0 =	rddreg [dreg:$0x0];
	s2 =	stileid.u32  }
0x30c: {  	s1 =	rddreg [dreg:$0x1];
	p0 =	sne.s32 s2, $0x0  }
0x30d: {  	s3 =	rddreg [dreg:$0x2];
	[bflag:$0x3] =	sbarrier.arrive $0xFFFF;
	s2 =	simm.s32 @!p0 $0x1C07  }
0x30e: {  	[timem:s3], [sflag:s2] =	dma.local @!p0 [hbm:s0], s1  }
0x30f: {  	s0 =	simm.s32 @!p0 $0x7  }
0x310: {  	_ =	swait.ge @!p0 [sflag:s0], s1  }
0x311: {  	s1 =	ssub.s32 @!p0 $0x0, s1;
	[sflag:s0] =	ssyncset.done @!p0 $0x0  }
0x312: {  	[sflag:s0] =	ssyncadd.s32 @!p0 s1  }
0x313: {  	[bflag:$0x3] =	sbarrier.arrive $0xFFFF  }
0x314: {  	_ =	shalt  }

// kernel: kernel.8.cloned.1.call-start
scs
__scs_entry_jumppad:
0x0: {  	(pc) =	sbr.rel $0x88, $3  }
0x1: {  	(tag) =	ssettag $0x0;
	lr =	simm.s32 $0x1  }
0x2: {  	[smem:$0x3F98] =	sst lr;
	_ =	strace $0xD0000000  }
0x3: {  	_ = 	snop  }
0x4: {  	_ = 	snop  }
0x5: {  	_ = 	snop  }
0x6: {  	_ = 	snop  }
0x7: {  	_ = 	snop  }
__scs_overlays_trampoline_lowered:
0x8: {  	[smem:$0x3FA7] =	sst s0  }
0x9: {  	[smem:$0x3FA8] =	sst s1  }
0xa: {  	[smem:$0x3FA9] =	sst s2  }
0xb: {  	[smem:$0x3FAA] =	sst s3  }
0xc: {  	[smem:$0x3FAB] =	sst s4  }
0xd: {  	[smem:$0x3FAC] =	sst s5  }
0xe: {  	[smem:$0x3FAD] =	sst s6  }
0xf: {  	[smem:$0x3FAE] =	sst s7  }
0x10: {  	[smem:$0x3FAF] =	sst s8  }
0x11: {  	[smem:$0x3FB0] =	sst s9;
	s0 =	simm.s32 @!p0 $0x0  }
0x12: {  	s1 =	sld [smem:$0x3F96];
	s0 =	simm.s32 @p0 $0x1  }
0x13: {  	[smem:$0x3FB1] =	sst s0;
	s0 =	simm.s32 @!p1 $0x0  }
0x14: {  	s2 =	sld [smem:$0x3F95];
	s0 =	simm.s32 @p1 $0x1  }
0x15: {  	[smem:$0x3FB2] =	sst s0;
	s0 =	simm.s32 @!p2 $0x0  }
0x16: {  	s3 =	sld [smem:$0x3FDB];
	s0 =	simm.s32 @p2 $0x1  }
0x17: {  	s4 =	simm.s32 $0x1BF5;
	[smem:$0x3FB4] =	sst s0  }
0x18: {  	s0 =	sld [smem:$0x3F97];
	_ =	swait.ge [sflag:s4], $0x0  }
0x19: {  	s7 =	sld [smem:$0x3F98]  }
0x1a: {  	s8 =	sadd.s32 $0xFFFFE003, lr  }
0x1b: {  	s9 =	sadd.s32 $0xFFFFFEF7, lr;
	s5 =	simm.s32 $0xFFFFFFFF;
	p2 =	slt.u32 s8, $0xFFFFF086  }
0x1c: {  	p1 =	slt.u32 s9, $0xF7A;
	s5 =	simm.s32 @!p2 $0x0  }
0x1d: {  	s5 =	simm.s32 @p1 $0x1;
	p0 =	seq.s32 s7, s2  }
0x1e: {  	s7 =	smul.u32 @!p0 $0xF7A, s2;
	p2 =	seq.s32 @!p0 s5, $0x0  }
0x1f: {  	s9 =	smul.u32 $0xF7A, s1;
	s8 =	simm.s32 @!p0 $0x1BF5;
	p2 =	por !p2, p0  }
0x20: {  	[sflag:s8] =	ssyncset.s32 @!p0 $0xFFFFF086;
	s6 =	sadd.s32 @!p0 s3, s7;
	s7 =	simm.s32 @!p0 $0x108  }
0x21: {  	s3 =	sadd.s32 s3, s9;
	s6 =	sadd.s32 @!p0 $0x88, s6;
	s7 =	simm.s32 @p2 $0x1082  }
0x22: {  	[simem:s7], [sflag:s8] =	dma.local @!p0 [hbm:s6], $0xF7A  }
0x23: {  	s9 =	sor.u32 $0xD0000000, s2;
	s6 =	simm.s32 $0x108;
	_ =	swait.ge @!p0 [sflag:s8], $0x0  }
0x24: {  	s3 =	sadd.s32 $0x88, s3;
	s6 =	simm.s32 @!p1 $0x1082;
	[sflag:s4] =	ssyncset.s32 $0xFFFFF086  }
0x25: {  	[simem:s6], [sflag:s4] =	dma.local [hbm:s3], $0xF7A  }
0x26: {  	[smem:$0x3F98] =	sst s1;
	(tag) =	ssettag s2;
	_ =	strace s9  }
0x27: {  	s1 =	sld [smem:$0x3FA8]  }
0x28: {  	s2 =	sld [smem:$0x3FA9]  }
0x29: {  	s4 =	sld [smem:$0x3FAB]  }
0x2a: {  	p0 =	seq.s32 s5, $0x0;
	s5 =	sld [smem:$0x3FAC]  }
0x2b: {  	s6 =	sld [smem:$0x3FAD]  }
0x2c: {  	s7 =	sld [smem:$0x3FAE]  }
0x2d: {  	s3 =	simm.s32 $0x108;
	s8 =	sld [smem:$0x3FAF]  }
0x2e: {  	s3 =	simm.s32 @!p0 $0x1082;
	s9 =	sld [smem:$0x3FB0]  }
0x2f: {  	lr =	sadd.s32 s0, s3;
	s0 =	sld [smem:$0x3FA7]  }
0x30: {  	s3 =	sld [smem:$0x3FAA]  }
0x31: {  	[smem:$0x3FB3] =	sst s10  }
0x32: {  	s10 =	sld [smem:$0x3FB1];
	_ =	sdelay $0x3  }
0x33: {  	p0 =	seq.s32 s10, $0x1;
	s10 =	sld [smem:$0x3FB3];
	_ =	sdelay $0x3  }
0x34: {  	[smem:$0x3FB3] =	sst s10  }
0x35: {  	s10 =	sld [smem:$0x3FB2];
	_ =	sdelay $0x3  }
0x36: {  	p1 =	seq.s32 s10, $0x1;
	s10 =	sld [smem:$0x3FB3];
	_ =	sdelay $0x3  }
0x37: {  	[smem:$0x3FB3] =	sst s10  }
0x38: {  	s10 =	sld [smem:$0x3FB4]  }
0x39: {  	_ = 	snop;
	(pc) =	sbr.ind lr, $3  }
0x3a: {  	_ = 	snop  }
0x3b: {  	_ = 	snop  }
0x3c: {  	p2 =	seq.s32 s10, $0x1;
	s10 =	sld [smem:$0x3FB3]  }
0x3d: {  	_ =	shalt  }
0x3e: {  	_ =	shalt  }
0x3f: {  	_ =	shalt  }
0x40: {  	_ =	shalt  }
0x41: {  	_ =	shalt  }
0x42: {  	_ =	shalt  }
0x43: {  	_ =	shalt  }
0x44: {  	_ =	shalt  }
0x45: {  	_ =	shalt  }
0x46: {  	_ =	shalt  }
0x47: {  	_ =	shalt  }
0x48: {  	_ =	shalt  }
0x49: {  	_ =	shalt  }
0x4a: {  	_ =	shalt  }
0x4b: {  	_ =	shalt  }
0x4c: {  	_ =	shalt  }
0x4d: {  	_ =	shalt  }
0x4e: {  	_ =	shalt  }
0x4f: {  	_ =	shalt  }
0x50: {  	_ =	shalt  }
0x51: {  	_ =	shalt  }
0x52: {  	_ =	shalt  }
0x53: {  	_ =	shalt  }
0x54: {  	_ =	shalt  }
0x55: {  	_ =	shalt  }
0x56: {  	_ =	shalt  }
0x57: {  	_ =	shalt  }
0x58: {  	_ =	shalt  }
0x59: {  	_ =	shalt  }
0x5a: {  	_ =	shalt  }
0x5b: {  	_ =	shalt  }
0x5c: {  	_ =	shalt  }
0x5d: {  	_ =	shalt  }
0x5e: {  	_ =	shalt  }
0x5f: {  	_ =	shalt  }
0x60: {  	_ =	shalt  }
0x61: {  	_ =	shalt  }
0x62: {  	_ =	shalt  }
0x63: {  	_ =	shalt  }
0x64: {  	_ =	shalt  }
0x65: {  	_ =	shalt  }
0x66: {  	_ =	shalt  }
0x67: {  	_ =	shalt  }
0x68: {  	_ =	shalt  }
0x69: {  	_ =	shalt  }
0x6a: {  	_ =	shalt  }
0x6b: {  	_ =	shalt  }
0x6c: {  	_ =	shalt  }
0x6d: {  	_ =	shalt  }
0x6e: {  	_ =	shalt  }
0x6f: {  	_ =	shalt  }
0x70: {  	_ =	shalt  }
0x71: {  	_ =	shalt  }
0x72: {  	_ =	shalt  }
0x73: {  	_ =	shalt  }
0x74: {  	_ =	shalt  }
0x75: {  	_ =	shalt  }
0x76: {  	_ =	shalt  }
0x77: {  	_ =	shalt  }
0x78: {  	_ =	shalt  }
0x79: {  	_ =	shalt  }
0x7a: {  	_ =	shalt  }
0x7b: {  	_ =	shalt  }
0x7c: {  	_ =	shalt  }
0x7d: {  	_ =	shalt  }
0x7e: {  	_ =	shalt  }
0x7f: {  	_ =	shalt  }
0x80: {  	_ =	shalt  }
0x81: {  	_ =	shalt  }
0x82: {  	_ =	shalt  }
0x83: {  	_ =	shalt  }
0x84: {  	_ =	shalt  }
0x85: {  	_ =	shalt  }
0x86: {  	_ =	shalt  }
0x87: {  	_ =	shalt  }
.Lfunc_end0:
.L_simem_size_0:
called_computation_lowered:
.L_overlay_start_0:
0x88: {  	s2 =	sld [smem:$0x3FD9]  }
0x89: {  	s3 =	sld [smem:$0x3FFE];
	_ =	sdelay $0x1  }
0x8a: {  	s1 =	srdreg.scid  }
0x8b: {  	s0 =	sand.u32 $0x1, s1  }
0x8c: {  	s17 =	sshll.u32 s0, $0xA;
	s2 =	sadd.s32 s3, s2  }
0x8d: {  	s2 =	sadd.s32 s2, s17  }
0x8e: {  	[smem:$0x3FBF] =	sst s2  }
0x8f: {  	_ = 	snop  }
0x90: {  	s2 =	sld [smem:$0x3FD0];
	(tm) =	ssettm $0x1  }
0x91: {  	s18 =	sld [smem:$0x3FFB];
	_ =	sdelay $0x3  }
0x92: {  	_ =	strace s18  }
0x93: {  	s3 =	sld [smem:$0x3FFC];
	_ =	sdelay $0x3  }
0x94: {  	_ =	strace s3  }
0x95: {  	s3 =	sld [smem:$0x3FFD];
	_ =	sdelay $0x3  }
0x96: {  	_ =	strace s3  }
0x97: {  	_ =	strace $0x8FFFFFFF  }
0x98: {  	s19 =	sld [smem:$0x3FDB];
	_ =	sdelay $0x1  }
0x99: {  	s4 =	simm.s32 $_scs_section_size  }
0x9a: {  	s5 =	simm.s32 $_size__tile_overlayer_lowered;
	s6 =	simm.s32 $_tile_overlayer_lowered  }
0x9b: {  	s22 =	simm.s32 $0x1BFF;
	s21 =	sshll.u32 s6, $0x1;
	s3 =	sadd.s32 s4, s19  }
0x9c: {  	s7 =	simm.s32 $0x0;
	s20 =	sshll.u32 s5, $0x1;
	s5 =	sadd.s32 s21, s3  }
0x9d: {  	[timem:s7], [sflag:s22] =	dma.local [hbm:s5], s20  }
0x9e: {  	_ =	swait.ge [sflag:s22], s20  }
0x9f: {  	s4 =	ssub.s32 $0x0, s20;
	[sflag:s22] =	ssyncset.done $0x0  }
0xa0: {  	[sflag:s22] =	ssyncadd.s32 s4;
	_ =	sdelay $0x1  }
0xa1: {  	s23 =	simm.s32 $0x1B8B  }
0xa2: {  	_ =	swait.ge [sflag:s23], $0x1  }
0xa3: {  	[sflag:s23] =	ssyncset.done $0x0  }
0xa4: {  	s25 =	simm.s32 $0x1B8E;
	s24 =	sld [smem:$0x3FFE];
	[sflag:s23] =	ssyncadd.s32 $0xFFFFFFFF  }
0xa5: {  	s26 =	simm.s32 $execute0_lowered;
	[smem:$0x3FD2] =	sst s25  }
0xa6: {  	s5 =	sshll.u32 s26, $0x1;
	_ =	strace $0x80000046;
	[dreg:$0x1] =	wrdreg $0xFFFFFFFF  }
0xa7: {  	s28 =	simm.s32 $_size_execute0_lowered;
	s3 =	sadd.s32 s3, s5;
	[dreg:$0x0] =	wrdreg $0x0  }
0xa8: {  	s5 =	sshll.u32 s28, $0x1;
	[dreg:$0x2] =	wrdreg s3  }
0xa9: {  	[dreg:$0x3] =	wrdreg s5  }
0xaa: {  	[dreg:$0x4] =	wrdreg $0xC0  }
0xab: {  	_ =	task [dreg:s7], $0x5FFFF  }
0xac: {  	[dreg:$0x1] =	wrdreg $0xFFFFFFFF  }
0xad: {  	[dreg:$0x0] =	wrdreg $0x60  }
0xae: {  	[dreg:$0x2] =	wrdreg s2  }
0xaf: {  	[dreg:$0x3] =	wrdreg s24  }
0xb0: {  	[dreg:$0x4] =	wrdreg $0x2B000  }
0xb1: {  	[dreg:$0x5] =	wrdreg $0x9  }
0xb2: {  	_ =	task.clear_ibuf [dreg:s7], $0x6FFFF;
	_ =	strace $0x90000046  }
0xb3: {  	s29 =	simm.s32 $0x9;
	_ =	strace $0x80000048  }
0xb4: {  	_ =	swait.ge [sflag:s29], $0x1  }
0xb5: {  	[sflag:s29] =	ssyncadd.s32 $0xFFFFFFFF  }
0xb6: {  	_ =	strace $0x90000048  }
0xb7: {  	_ =	sfence  }
0xb8: {  	s30 =	sld [smem:$0x0];
	_ =	sdelay $0x2  }
0xb9: {  	s31 =	sshll.u32 s1, $0xD;
	s1 =	sshrl.u32 s1, $0x2  }
0xba: {  	s3 =	sand.u32 $0x4000, s31;
	s1 =	sadd.s32 s1, s30  }
0xbb: {  	s0 =	sor.u32 s3, s0;
	s1 =	sshll.u32 s1, $0x11  }
0xbc: {  	s0 =	sor.u32 s1, s0  }
0xbd: {  	s0 =	sadd.s32 $0x8F2B, s0  }
0xbe: {  	[sflag:s0] =	ssyncadd.remote.s32 $0x1  }
0xbf: {  	_ =	sfence.sel $0xFFFF  }
0xc0: {  	[dreg:$0x0] =	wrdreg $0xFFFFFFFF;
	(pc) =	sbr.abs _section_cstart, $3  }
0xc1: {  	[dreg:$0x1] =	wrdreg $0xFFFFFFFF  }
0xc2: {  	_ =	task.clear_ibuf [dreg:s7], $0x2FFFF;
	_ =	strace $0x9FFFFFFF  }
0xc3: {  	(tm) =	ssettm $0x7FFFFFFF  }
tec
execute0_lowered:
.L_overlay_start_1:
0x0: {  	(tag) =	ssettag $0x1  }
0x1: {  	s4 =	rddreg [dreg:$0x0]  }
0x2: {  	s5 =	rddreg [dreg:$0x1]  }
0x3: {  	s2 =	rddreg [dreg:$0x2]  }
0x4: {  	s0 =	rddreg [dreg:$0x3]  }
0x5: {  	s3 =	simm.s32 $0x0;
	s6 =	srdreg.scid;
	s1 =	stileid.u32  }
0x6: {  	s11 =	simm.s32 $0x2800;
	s14 =	simm.s32 $0x20;
	s15 =	simm.s32 $0x10  }
0x7: {  	s16 =	simm.s32 $0x0;
	[smem:$0x7FF] =	sst s3;
	s7 =	smul.u32 $0x500, s1  }
0x8: {  	s6 =	sand.u32 $0x1, s6;
	s9 =	sshll.u32 s1, $0x1;
	s30 =	smul.u32 $0xA00, s1  }
0x9: {  	s12 =	sshll.u32 s1, $0x6;
	_ =	strace $0x80000047;
	s8 =	sshll.u32 s6, $0x7  }
0xa: {  	s29 =	sor.u32 s6, s9;
	s6 =	ssub.s32 $0x2, s6;
	s12 =	sor.u32 $0x1C01, s12  }
0xb: {  	s7 =	sor.u32 s8, s7;
	s8 =	smul.u32 $0x500, s29;
	s31 =	sshrl.u32 s6, $0x1  }
0xc: {  	s9 =	sshrl.u32 s30, $0x2;
	s7 =	sshrl.u32 s7, $0x3;
	s10 =	ssub.s32 s6, s31  }
0xd: {  	s7 =	sadd.s32 s7, s5;
	s4 =	sadd.s32 s4, s8;
	s5 =	sadd.s32 s9, s2  }
0xe: {  	s8 =	simm.s32 $0x1;
	s9 =	simm.s32 $0x2880;
	s6 =	sadd.s32 $0x1A00, s7  }
0xf: {  	v0 =	vimm.f32 $1.000000000e+00;
	v1 =	vimm.f32 $0.0e+00;
	s7 =	smax.u32 s10, $0x1;
	s10 =	simm.s32 $0x7D;
	s13 =	sshrl.u32 s5, $0x3  }
.LBB2_1:
0x10: {  	[tilespmem:s3], [sflag:$0x1] =	stream.linear.gather [hbm4b:s4+s3], $0x2800, $0x38;
	[tilespmem:$0x2D80] =	vst v63  }
0x11: {  	_ =	swait.ge [sflag:s8], $0x2800  }
0x12: {  	[sflag:s8] =	ssyncset.done $0x0  }
0x13: {  	[sflag:s8] =	ssyncadd.s32 $0xFFFFD800  }
0x14: {  	[tilespmem:$0x2800] =	vst v0  }
0x15: {  	[tilespmem:$0x2810] =	vst v0  }
0x16: {  	[tilespmem:$0x2820] =	vst v0  }
0x17: {  	[tilespmem:$0x2830] =	vst v0  }
0x18: {  	[tilespmem:$0x2840] =	vst v0  }
0x19: {  	[tilespmem:$0x2850] =	vst v0  }
0x1a: {  	[tilespmem:$0x2860] =	vst v0  }
0x1b: {  	[tilespmem:$0x2880] =	vst v1  }
0x1c: {  	[tilespmem:$0x2890] =	vst v1  }
0x1d: {  	[tilespmem:$0x28A0] =	vst v1  }
0x1e: {  	[tilespmem:$0x28B0] =	vst v1  }
0x1f: {  	[tilespmem:$0x28C0] =	vst v1  }
0x20: {  	[tilespmem:$0x28D0] =	vst v1  }
0x21: {  	[tilespmem:$0x28E0] =	vst v1  }
0x22: {  	[tilespmem:$0x28F0] =	vst v1  }
0x23: {  	[tilespmem:$0x2900] =	vst v1  }
0x24: {  	[tilespmem:$0x2910] =	vst v1  }
0x25: {  	[tilespmem:$0x2920] =	vst v1  }
0x26: {  	[tilespmem:$0x2930] =	vst v1  }
0x27: {  	[tilespmem:$0x2940] =	vst v1  }
0x28: {  	[tilespmem:$0x2950] =	vst v1  }
0x29: {  	[tilespmem:$0x2960] =	vst v1  }
0x2a: {  	[tilespmem:$0x2970] =	vst v1  }
0x2b: {  	[tilespmem:$0x2980] =	vst v1  }
0x2c: {  	[tilespmem:$0x2990] =	vst v1  }
0x2d: {  	[tilespmem:$0x29A0] =	vst v1  }
0x2e: {  	[tilespmem:$0x29B0] =	vst v1  }
0x2f: {  	[tilespmem:$0x29C0] =	vst v1  }
0x30: {  	[tilespmem:$0x29D0] =	vst v1  }
0x31: {  	[tilespmem:$0x29E0] =	vst v1  }
0x32: {  	[tilespmem:$0x29F0] =	vst v1  }
0x33: {  	[tilespmem:$0x2A00] =	vst v1  }
0x34: {  	[tilespmem:$0x2A10] =	vst v1  }
0x35: {  	[tilespmem:$0x2A20] =	vst v1  }
0x36: {  	[tilespmem:$0x2A30] =	vst v1  }
0x37: {  	[tilespmem:$0x2A40] =	vst v1  }
0x38: {  	[tilespmem:$0x2A50] =	vst v1  }
0x39: {  	[tilespmem:$0x2A60] =	vst v1  }
0x3a: {  	[tilespmem:$0x2A70] =	vst v1  }
0x3b: {  	[tilespmem:$0x2A80] =	vst v1  }
0x3c: {  	[tilespmem:$0x2A90] =	vst v1  }
0x3d: {  	[tilespmem:$0x2AA0] =	vst v1  }
0x3e: {  	[tilespmem:$0x2AB0] =	vst v1  }
0x3f: {  	[tilespmem:$0x2AC0] =	vst v1  }
0x40: {  	[tilespmem:$0x2AD0] =	vst v1  }
0x41: {  	[tilespmem:$0x2AE0] =	vst v1  }
0x42: {  	[tilespmem:$0x2AF0] =	vst v1  }
0x43: {  	[tilespmem:$0x286D] =	vst v0  }
0x44: {  	[spmem:s5] =	stream.linear.scatter [tilespmem:s9], [sflag:$0x1], $0x280, $0x38;
	[tilespmem:$0x2D80] =	vst v63  }
0x45: {  	_ =	swait.ge [sflag:s8], $0x280  }
0x46: {  	[sflag:s8] =	ssyncset.done $0x0  }
0x47: {  	[sflag:s8] =	ssyncadd.s32 $0xFFFFFD80  }
0x48: {  	s17 =	simm.s32 $0x0;
	[bflag:$0x0] =	sbarrier.arrive $0xFFFF  }
0x49: {  	[spmem:s2] =	stream.indirect.scatter.add.f32 [tilespmem:s11], [sflag:$0x1], $0x1, s17, s10, $0xb8;
	[tilespmem:$0x2D80] =	vst v63  }
0x4a: {  	_ =	swait.ge [sflag:s8], $0x7D  }
0x4b: {  	s17 =	simm.s32 $0x200;
	[sflag:s8] =	ssyncset.done $0x0  }
.LBB2_2:
0x4c: {  	s18 =	sshra.s32 s17, $0x2;
	[sflag:s8] =	ssyncadd.s32 $0xFFFFFF83;
	p0 =	sne.s32 s17, $0x9E00  }
0x4d: {  	[spmem:s2] =	stream.indirect.scatter.add.f32 [tilespmem:s11], [sflag:$0x1], $0x1, s18, s10, $0xb8;
	[tilespmem:$0x2D80] =	vst v63  }
.Ltmp0:
0x4e: {  	_ = 	snop;
	(pc) =	sbr.rel @p0 .LBB2_2-.Ltmp0, $4  }
0x4f: {  	_ = 	snop  }
0x50: {  	s17 =	sadd.s32 $0x200, s17  }
0x51: {  	_ =	swait.ge [sflag:s8], $0x7D  }
0x52: {  	[sflag:s8] =	ssyncset.done $0x0  }
0x53: {  	s16 =	sadd.s32 $0x1, s16  }
0x54: {  	[sflag:s8] =	ssyncadd.s32 $0xFFFFFF83;
	p0 =	sne.s32 s16, s7  }
.Ltmp1:
0x55: {  	[bflag:$0x0] =	sbarrier.arrive $0xFFFF;
	(pc) =	sbr.rel @p0 .LBB2_1-.Ltmp1, $4  }
0x56: {  	[hbm:s6@s14], [sflag:s12] =	dma.strided [spmem:s13@s15], $0x50, s8, $0x10   }
0x57: {  	_ =	swait.ge [sflag:s8], $0x50  }
0x58: {  	[sflag:s8] =	ssyncset.done $0x0  }
0x59: {  	[sflag:s8] =	ssyncadd.s32 $0xFFFFFFB0  }
0x5a: {  	_ =	sfence.sel $0x180000  }
0x5b: {  	[bflag:$0x0] =	sbarrier.arrive $0xFFFF  }
0x5c: {  	p0 =	sne.s32 s1, $0x0;
	_ =	strace $0x90000047  }
0x5d: {  	s0 =	sadd.s32 @!p0 $0x100000, s0;
	[bflag:$0x2] =	sbarrier.arrive $0xFFFF  }
0x5e: {  	[sflag:s0] =	ssyncadd.tile.s32 @!p0 $0x1;
	_ =	shalt  }
.Lfunc_end2:
_tile_overlayer_lowered:
.L_overlay_start_2:
0x5f: {  	(tag) =	ssettag $0x2  }
0x60: {  	s0 =	rddreg [dreg:$0x0];
	s2 =	stileid.u32  }
0x61: {  	s1 =	rddreg [dreg:$0x1];
	p0 =	sne.s32 s2, $0x0  }
0x62: {  	s3 =	rddreg [dreg:$0x2];
	[bflag:$0x3] =	sbarrier.arrive $0xFFFF;
	s2 =	simm.s32 @!p0 $0x1C01  }
0x63: {  	[timem:s3], [sflag:s2] =	dma.local @!p0 [hbm:s0], s1  }
0x64: {  	s0 =	simm.s32 @!p0 $0x1  }
0x65: {  	_ =	swait.ge @!p0 [sflag:s0], s1  }
0x66: {  	s1 =	ssub.s32 @!p0 $0x0, s1;
	[sflag:s0] =	ssyncset.done @!p0 $0x0  }
0x67: {  	[sflag:s0] =	ssyncadd.s32 @!p0 s1  }
0x68: {  	[bflag:$0x3] =	sbarrier.arrive $0xFFFF  }
0x69: {  	_ =	shalt  }

</sc_bundles>
